<compile_context>
chip_gen: v7x
topology: tpu7x:2x2x1
jax: 0.10.2.dev20260603
libtpu: 0.0.44.dev20260713+nightly
codegen_flags: <defaults>
</compile_context>

<pallas_src>
import jax
import jax.numpy as jnp
from jax import lax
from jax.experimental import pallas as pl
from jax.experimental.pallas import tpu as pltpu
from jax.experimental.pallas import tpu_sc as plsc

_N = 10000
_E = 160000
_D = 128
_NT = 3
_STEPS = 6
_B = 50
_L = 200
_CC = 256

_NC = 2
_NS = 16
_NW = _NC * _NS
_CH = 128
_CHUNKS = 40
_EPT = _CH * _CHUNKS
_EPAD = _EPT * _NW
_DUMP = _N + 16
_ACC = _DUMP + _CH
_ZROWS0 = _N + 16
_RSTRIDE = 624
_ZROWS = _ZROWS0 - 15 * _RSTRIDE
_OROWS = _N - 15 * _RSTRIDE

_BN = 1000


def _sc_body(wh_hbm, gidx_hbm, dstw_hbm, samex_hbm, zero_hbm, out_hbm,
             gidx_v, dstw_v, rows_a, sx_a, acc, sem_a, sem_b):
    c = lax.axis_index("c")
    s = lax.axis_index("s")
    wid = s * _NC + c
    pltpu.sync_copy(zero_hbm, acc.at[pl.ds(s * _RSTRIDE, _ZROWS)])
    pltpu.sync_copy(gidx_hbm.at[pl.ds(wid * _CHUNKS, _CHUNKS)], gidx_v)
    pltpu.sync_copy(dstw_hbm.at[pl.ds(wid * _CHUNKS, _CHUNKS)], dstw_v)
    plsc.subcore_barrier()

    zero16 = jnp.zeros((16,), jnp.float32)
    init = tuple(zero16 for _ in range(8))

    def chunk_body(j, carry):
        dg = pltpu.async_copy(wh_hbm.at[gidx_v.at[j]], rows_a, sem_a)
        dx = pltpu.async_copy(samex_hbm.at[wid * _CHUNKS + j], sx_a, sem_b)
        dg.wait()
        dx.wait()

        def row_body(r, acc_c):
            sv = sx_a[r]
            new = []
            for v in range(8):
                cur = rows_a[r, pl.ds(16 * v, 16)]
                nv = cur + sv * acc_c[v]
                rows_a[r, pl.ds(16 * v, 16)] = nv
                new.append(nv)
            return tuple(new)

        carry = lax.fori_loop(0, _CH, row_body, carry)
        pltpu.sync_copy(rows_a, acc.at[dstw_v.at[j]])
        return carry

    lax.fori_loop(0, _CHUNKS, chunk_body, init)
    plsc.subcore_barrier()
    pltpu.sync_copy(acc.at[pl.ds(s * _RSTRIDE, _OROWS)],
                    out_hbm.at[c].at[pl.ds(s * _RSTRIDE, _OROWS)])


_sc_scatter_cache = []


def _sc_scatter(wh2, gidx2, dstw2, samex, zeros_hbm):
    if not _sc_scatter_cache:
        _sc_scatter_cache.append(pl.kernel(
            _sc_body,
            out_type=jax.ShapeDtypeStruct((_NC, _N, _D), jnp.float32),
            mesh=plsc.VectorSubcoreMesh(core_axis_name="c",
                                        subcore_axis_name="s",
                                        num_cores=_NC, num_subcores=_NS),
            scratch_types=[
                pltpu.VMEM((_CHUNKS, _CH), jnp.int32),
                pltpu.VMEM((_CHUNKS, _CH), jnp.int32),
                pltpu.VMEM((_CH, _D), jnp.float32),
                pltpu.VMEM((_CH, 16), jnp.float32),
                pltpu.VMEM_SHARED((_ACC, _D), jnp.float32),
                pltpu.SemaphoreType.DMA,
                pltpu.SemaphoreType.DMA,
            ],
        ))
    return _sc_scatter_cache[0](wh2, gidx2, dstw2, samex, zeros_hbm)


def _wh_body(h_ref, wet_ref, bet_ref, wh_ref):
    h = h_ref[...]
    for t in range(_NT):
        wh_ref[t] = (jnp.dot(h, wet_ref[t], preferred_element_type=jnp.float32)
                     + bet_ref[t])


def _wh_kernel(h, wet_t, b_et):
    return pl.pallas_call(
        _wh_body,
        grid=(_N // _BN,),
        in_specs=[
            pl.BlockSpec((_BN, _D), lambda i: (i, 0)),
            pl.BlockSpec((_NT, _D, _D), lambda i: (0, 0, 0)),
            pl.BlockSpec((_NT, _D), lambda i: (0, 0)),
        ],
        out_specs=pl.BlockSpec((_NT, _BN, _D), lambda i: (0, i, 0)),
        out_shape=jax.ShapeDtypeStruct((_NT, _N, _D), jnp.float32),
    )(h, wet_t, b_et)


def _gru_body(a_ref, h_ref, wih_ref, bih_ref, whh_ref, bhh_ref, hout_ref):
    a = a_ref[0] + a_ref[1]
    h = h_ref[...]
    gi = jnp.dot(a, wih_ref[...], preferred_element_type=jnp.float32) + bih_ref[...]
    gh = jnp.dot(h, whh_ref[...], preferred_element_type=jnp.float32) + bhh_ref[...]
    r = jax.nn.sigmoid(gi[:, :_D] + gh[:, :_D])
    z = jax.nn.sigmoid(gi[:, _D:2 * _D] + gh[:, _D:2 * _D])
    n = jnp.tanh(gi[:, 2 * _D:] + r * gh[:, 2 * _D:])
    hout_ref[...] = (1.0 - z) * n + z * h


def _gru_kernel(a2, h, wih_t, bih2, whh_t, bhh2):
    return pl.pallas_call(
        _gru_body,
        grid=(_N // _BN,),
        in_specs=[
            pl.BlockSpec((_NC, _BN, _D), lambda i: (0, i, 0)),
            pl.BlockSpec((_BN, _D), lambda i: (i, 0)),
            pl.BlockSpec((_D, 3 * _D), lambda i: (0, 0)),
            pl.BlockSpec((1, 3 * _D), lambda i: (0, 0)),
            pl.BlockSpec((_D, 3 * _D), lambda i: (0, 0)),
            pl.BlockSpec((1, 3 * _D), lambda i: (0, 0)),
        ],
        out_specs=pl.BlockSpec((_BN, _D), lambda i: (i, 0)),
        out_shape=jax.ShapeDtypeStruct((_N, _D), jnp.float32),
    )(a2, h, wih_t, bih2, whh_t, bhh2)


def _branch(v, w_ref, b_ref, w2_ref, b2_ref, ch):
    v3 = jnp.concatenate([v[0:_L - 2], v[1:_L - 1], v[2:_L]], axis=1)
    t1 = jnp.dot(v3, w_ref[...], preferred_element_type=jnp.float32)
    t1 = jnp.maximum(t1 + b_ref[...], 0.0)
    r = t1.reshape(99, 2, ch)
    even = r[:, 0, :]
    odd = r[:, 1, :]
    m1 = jnp.maximum(jnp.maximum(even[0:98], odd[0:98]), even[1:99])
    t2 = jnp.dot(m1, w2_ref[...], preferred_element_type=jnp.float32) + b2_ref[...]
    t2 = jnp.maximum(t2, 0.0)
    r2 = t2.reshape(49, 2, ch)
    return jnp.maximum(r2[:, 0, :], r2[:, 1, :])


def _readout_body(h_ref, x_ref, w1_ref, b1_ref, w2_ref, b2_ref,
                  wc1_ref, bc1_ref, wc2_ref, bc2_ref,
                  my_ref, by_ref, mz_ref, bz_ref,
                  y2_ref, z2_ref, bef_ref):
    hg = h_ref[0]
    xg = x_ref[0]
    cg = jnp.concatenate([hg, xg], axis=1)
    y2 = _branch(hg, w1_ref, b1_ref, w2_ref, b2_ref, _D)
    z2 = _branch(cg, wc1_ref, bc1_ref, wc2_ref, bc2_ref, _CC)
    y2_ref[0] = y2
    z2_ref[0] = z2
    yw = jnp.dot(y2, my_ref[...], preferred_element_type=jnp.float32) + by_ref[0, 0]
    zw = jnp.dot(z2, mz_ref[...], preferred_element_type=jnp.float32) + bz_ref[0, 0]
    bef_ref[0] = yw * zw


def _readout_kernel(h3, x3, w1t, b1, w2t, b2, wc1t, bc1, wc2t, bc2,
                    my2, by, mz2, bz):
    return pl.pallas_call(
        _readout_body,
        grid=(_B,),
        in_specs=[
            pl.BlockSpec((1, _L, _D), lambda g: (g, 0, 0)),
            pl.BlockSpec((1, _L, _D), lambda g: (g, 0, 0)),
            pl.BlockSpec((3 * _D, _D), lambda g: (0, 0)),
            pl.BlockSpec((1, _D), lambda g: (0, 0)),
            pl.BlockSpec((_D, _D), lambda g: (0, 0)),
            pl.BlockSpec((1, _D), lambda g: (0, 0)),
            pl.BlockSpec((3 * _CC, _CC), lambda g: (0, 0)),
            pl.BlockSpec((1, _CC), lambda g: (0, 0)),
            pl.BlockSpec((_CC, _CC), lambda g: (0, 0)),
            pl.BlockSpec((1, _CC), lambda g: (0, 0)),
            pl.BlockSpec((_D, 1), lambda g: (0, 0)),
            pl.BlockSpec((1, 1), lambda g: (0, 0)),
            pl.BlockSpec((_CC, 1), lambda g: (0, 0)),
            pl.BlockSpec((1, 1), lambda g: (0, 0)),
        ],
        out_specs=[
            pl.BlockSpec((1, 49, _D), lambda g: (g, 0, 0)),
            pl.BlockSpec((1, 49, _CC), lambda g: (g, 0, 0)),
            pl.BlockSpec((1, 49, 1), lambda g: (g, 0, 0)),
        ],
        out_shape=[
            jax.ShapeDtypeStruct((_B, 49, _D), jnp.float32),
            jax.ShapeDtypeStruct((_B, 49, _CC), jnp.float32),
            jax.ShapeDtypeStruct((_B, 49, 1), jnp.float32),
        ],
    )(h3, x3, w1t, b1, w2t, b2, wc1t, bc1, wc2t, bc2, my2, by, mz2, bz)


def _head_body(y2_ref, z2_ref, bef_ref, res_ref, avg_ref, temp_ref):
    y2 = y2_ref[...]
    z2 = z2_ref[...]
    avg = jnp.mean(bef_ref[...], axis=1)
    avg_ref[...] = avg
    res_ref[...] = jax.nn.sigmoid(avg)
    temp_ref[...] = jnp.concatenate(
        [jnp.sum(y2, axis=1), jnp.sum(z2, axis=1)], axis=1)


def _head_kernel(y2, z2, bef):
    return pl.pallas_call(
        _head_body,
        out_shape=[
            jax.ShapeDtypeStruct((_B, 1), jnp.float32),
            jax.ShapeDtypeStruct((_B, 1), jnp.float32),
            jax.ShapeDtypeStruct((_B, _D + _CC), jnp.float32),
        ],
    )(y2, z2, bef)


def _message_pass(wh, gidx2, dstw2, samex, zeros_hbm):
    return _sc_scatter(wh.reshape(_NT * _N, _D), gidx2, dstw2, samex, zeros_hbm)


def kernel(x, edge_index, edge_types, W_et, b_et, W_ih, W_hh, b_ih, b_hh,
           conv1_W, conv1_b, conv2_W, conv2_b, convc1_W, convc1_b,
           convc2_W, convc2_b, mlp_y_W, mlp_y_b, mlp_z_W, mlp_z_b):
    src = edge_index[0]
    dst = edge_index[1]
    gidx = edge_types * _N + src
    order = jnp.argsort(dst, stable=True)
    sd = jnp.take(dst, order)
    sg = jnp.take(gidx, order)
    p = jnp.arange(1, _NW, dtype=jnp.int32) * (_E // _NW)
    prev = jnp.take(sd, p - 1)
    seg_end = jnp.searchsorted(sd, prev, side='right').astype(jnp.int32)
    b = jnp.where(jnp.take(sd, p) == prev, seg_end, p)
    b = jnp.where(b - p <= _EPT - _E // _NW, b, p)
    b_full = jnp.concatenate([jnp.zeros((1,), jnp.int32), b,
                              jnp.full((1,), _E, jnp.int32)])
    c = b_full[1:] - b_full[:-1]
    s_idx = jnp.arange(_EPT, dtype=jnp.int32)
    pos = b_full[:-1, None] + s_idx[None, :]
    valid = s_idx[None, :] < c[:, None]
    eidx = jnp.minimum(pos, _E - 1)
    flat = jnp.arange(_NW * _EPT, dtype=jnp.int32).reshape(_NW, _EPT)
    g_slots = jnp.where(valid, jnp.take(sg, eidx), (flat * 37) % (_NT * _N))
    d_slots = jnp.where(valid, jnp.take(sd, eidx), -1)
    same = jnp.concatenate(
        [jnp.zeros((_NW, 1), bool),
         (d_slots[:, 1:] == d_slots[:, :-1]) & valid[:, 1:] & valid[:, :-1]],
        axis=1)
    nxt_diff = jnp.concatenate(
        [(d_slots[:, 1:] != d_slots[:, :-1]) | ~valid[:, 1:],
         jnp.ones((_NW, 1), bool)], axis=1)
    runend = valid & nxt_diff
    dumprow = _DUMP + (s_idx[None, :] % _CH)
    dw_slots = jnp.where(runend, d_slots, dumprow)
    gidx2 = g_slots.reshape(_NW * _CHUNKS, _CH)
    dstw2 = dw_slots.reshape(_NW * _CHUNKS, _CH).astype(jnp.int32)
    samex = jnp.broadcast_to(
        same.astype(jnp.float32).reshape(_NW * _CHUNKS, _CH)[:, :, None],
        (_NW * _CHUNKS, _CH, 16))
    zeros_hbm = jnp.zeros((_ZROWS, _D), jnp.float32)

    wet_t = W_et.transpose(0, 2, 1)
    wih_t = W_ih.T
    whh_t = W_hh.T
    bih2 = b_ih.reshape(1, 3 * _D)
    bhh2 = b_hh.reshape(1, 3 * _D)

    h = x
    for _unused_step in range(_STEPS):
        wh = _wh_kernel(h, wet_t, b_et)
        a2 = _message_pass(wh, gidx2, dstw2, samex, zeros_hbm)
        h = _gru_kernel(a2, h, wih_t, bih2, whh_t, bhh2)

    h3 = h.reshape(_B, _L, _D)
    x3 = x.reshape(_B, _L, _D)
    w1t = conv1_W.transpose(2, 1, 0).reshape(3 * _D, _D)
    w2t = conv2_W[:, :, 0].T
    wc1t = convc1_W.transpose(2, 1, 0).reshape(3 * _CC, _CC)
    wc2t = convc2_W[:, :, 0].T
    y2, z2, bef = _readout_kernel(
        h3, x3, w1t, conv1_b.reshape(1, _D), w2t, conv2_b.reshape(1, _D),
        wc1t, convc1_b.reshape(1, _CC), wc2t, convc2_b.reshape(1, _CC),
        mlp_y_W.T, mlp_y_b.reshape(1, 1), mlp_z_W.T, mlp_z_b.reshape(1, 1))
    res, avg, temp = _head_kernel(y2, z2, bef)
    return (res.reshape(_B), avg, temp)

# --- scband reference (transcript-rebuilt; emitter-appended) ---
"""Pipeline reference for scband-devign-model-22050362098313 (READ-ONLY COPY).

The authoritative reference and input builder live on the scoring server;
editing this copy changes nothing except your own understanding.
"""

import jax, jax.numpy as jnp
import numpy as np

N = 10000
E = 160000
D_IN = 128
D_OUT = 128
N_ETYPES = 3
N_STEPS = 6
B = 50
L = N // B
CONCAT = D_IN + D_OUT


def _conv1d(x, W, b):
    y = jax.lax.conv_general_dilated(x, W, (1,), 'VALID', dimension_numbers=('NCH', 'OIH', 'NCH'))
    return y + b[None, :, None]


def _maxpool1d(x, k, s):
    return jax.lax.reduce_window(x, -jnp.inf, jax.lax.max, (1, 1, k), (1, 1, s), 'VALID')


def setup_inputs(seed: int = 0):
    key = jax.random.key(seed)
    ks = jax.random.split(key, 16)
    s = 0.02
    inp = {}
    inp['x'] = jax.random.normal(ks[0], (N, D_IN), dtype=jnp.float32)
    inp['edge_index'] = jax.random.randint(ks[1], (2, E), 0, N, dtype=jnp.int32)
    inp['edge_types'] = jax.random.randint(ks[2], (E,), 0, N_ETYPES, dtype=jnp.int32)
    # GatedGraphConv params: per-etype linear + GRUCell (PyTorch convention)
    inp['W_et'] = jax.random.normal(ks[3], (N_ETYPES, D_OUT, D_OUT), dtype=jnp.float32) * s
    inp['b_et'] = jnp.zeros((N_ETYPES, D_OUT), dtype=jnp.float32)
    inp['W_ih'] = jax.random.normal(ks[4], (3 * D_OUT, D_OUT), dtype=jnp.float32) * s
    inp['W_hh'] = jax.random.normal(ks[5], (3 * D_OUT, D_OUT), dtype=jnp.float32) * s
    inp['b_ih'] = jnp.zeros((3 * D_OUT,), dtype=jnp.float32)
    inp['b_hh'] = jnp.zeros((3 * D_OUT,), dtype=jnp.float32)
    # readout convs
    inp['conv1_W'] = jax.random.normal(ks[6], (D_OUT, D_OUT, 3), dtype=jnp.float32) * s
    inp['conv1_b'] = jnp.zeros((D_OUT,), dtype=jnp.float32)
    inp['conv2_W'] = jax.random.normal(ks[7], (D_OUT, D_OUT, 1), dtype=jnp.float32) * s
    inp['conv2_b'] = jnp.zeros((D_OUT,), dtype=jnp.float32)
    inp['convc1_W'] = jax.random.normal(ks[8], (CONCAT, CONCAT, 3), dtype=jnp.float32) * s
    inp['convc1_b'] = jnp.zeros((CONCAT,), dtype=jnp.float32)
    inp['convc2_W'] = jax.random.normal(ks[9], (CONCAT, CONCAT, 1), dtype=jnp.float32) * s
    inp['convc2_b'] = jnp.zeros((CONCAT,), dtype=jnp.float32)
    inp['mlp_y_W'] = jax.random.normal(ks[10], (1, D_OUT), dtype=jnp.float32) * s
    inp['mlp_y_b'] = jnp.zeros((1,), dtype=jnp.float32)
    inp['mlp_z_W'] = jax.random.normal(ks[11], (1, CONCAT), dtype=jnp.float32) * s
    inp['mlp_z_b'] = jnp.zeros((1,), dtype=jnp.float32)
    return inp


def reference(x, edge_index, edge_types, W_et, b_et, W_ih, W_hh, b_ih, b_hh,
              conv1_W, conv1_b, conv2_W, conv2_b, convc1_W, convc1_b,
              convc2_W, convc2_b, mlp_y_W, mlp_y_b, mlp_z_W, mlp_z_b):
    src, dst = edge_index[0], edge_index[1]
    # GGNN: pad features to out_feats (no-op here since D_IN == D_OUT)
    h = jnp.concatenate([x, jnp.zeros((N, D_OUT - D_IN), dtype=x.dtype)], axis=1)
    for _ in range(N_STEPS):
        Wh = jnp.einsum('eoi,ni->eno', W_et, h) + b_et[:, None, :]  # [n_etypes, N, D_OUT]
        msgs = Wh[edge_types, src]                                   # gather per edge
        a = jnp.zeros((N, D_OUT), dtype=x.dtype).at[dst].add(msgs)    # scatter-add by dst
        gi = a @ W_ih.T + b_ih
        gh = h @ W_hh.T + b_hh
        i_r, i_z, i_n = jnp.split(gi, 3, axis=1)
        h_r, h_z, h_n = jnp.split(gh, 3, axis=1)
        r = jax.nn.sigmoid(i_r + h_r)
        z = jax.nn.sigmoid(i_z + h_z)
        n = jnp.tanh(i_n + r * h_n)
        h = (1.0 - z) * n + z * h
    # unbatch_features: uniform batch of B graphs with L nodes each
    h_i = h.reshape(B, L, D_OUT)
    x_i = x.reshape(B, L, D_IN)
    c_i = jnp.concatenate([h_i, x_i], axis=-1)
    Y1 = _maxpool1d(jax.nn.relu(_conv1d(h_i.transpose(0, 2, 1), conv1_W, conv1_b)), 3, 2)
    Y2 = _maxpool1d(jax.nn.relu(_conv1d(Y1, conv2_W, conv2_b)), 2, 2).transpose(0, 2, 1)
    Z1 = _maxpool1d(jax.nn.relu(_conv1d(c_i.transpose(0, 2, 1), convc1_W, convc1_b)), 3, 2)
    Z2 = _maxpool1d(jax.nn.relu(_conv1d(Z1, convc2_W, convc2_b)), 2, 2).transpose(0, 2, 1)
    before_avg = (Y2 @ mlp_y_W.T + mlp_y_b) * (Z2 @ mlp_z_W.T + mlp_z_b)
    avg = before_avg.mean(axis=1)
    temp = jnp.concatenate([Y2.sum(axis=1), Z2.sum(axis=1)], axis=1)
    result = jax.nn.sigmoid(avg).squeeze(-1)
    return (result, avg, temp)

if __name__ == "__main__":
    import jax
    _d = setup_inputs()
    print(jax.jit(kernel)(*tuple(_d.values())))

</pallas_src>

<mosaic_0001>
#map = affine_map<(d0, d1) -> (0, 0)>
#map1 = affine_map<(d0, d1) -> (0, 0, 0)>
module attributes {stable_mosaic.version = 14 : i64} {
  func.func @_sc_body(%arg0: i32, %arg1: i32, %arg2: memref<30000x128xf32, #tpu.memory_space<hbm>>, %arg3: memref<1280x128xi32, #tpu.memory_space<hbm>>, %arg4: memref<1280x128xi32, #tpu.memory_space<hbm>>, %arg5: memref<1280x128x16xf32, #tpu.memory_space<hbm>>, %arg6: memref<656x128xf32, #tpu.memory_space<hbm>>, %arg7: memref<2x10000x128xf32, #tpu.memory_space<hbm>>, %arg8: memref<40x128xi32, #tpu.memory_space<vmem>>, %arg9: memref<40x128xi32, #tpu.memory_space<vmem>>, %arg10: memref<128x128xf32, #tpu.memory_space<vmem>>, %arg11: memref<128x16xf32, #tpu.memory_space<vmem>>, %arg12: memref<10144x128xf32, #tpu.memory_space<vmem_shared>>, %arg13: memref<!tpu.dma_semaphore, #tpu.memory_space<semaphore_mem>>, %arg14: memref<!tpu.dma_semaphore, #tpu.memory_space<semaphore_mem>>) attributes {dimension_semantics = [#tpu.dimension_semantics<core_parallel>, #tpu.dimension_semantics<subcore_parallel>], iteration_bounds = array<i64: 2, 16>, scalar_prefetch = 0 : i64, scratch_operands = 7 : i64, tpu.core_type = #tpu.core_type<sc_vector_subcore>, window_params = [{transform_indices = #map}, {transform_indices = #map}, {transform_indices = #map}, {transform_indices = #map1}, {transform_indices = #map}, {transform_indices = #map1}]} {
    %mul3A = arith.constant 2 : i32
    %mul3A_0 = arith.muli %arg1, %mul3A : i32
    %add3A = arith.addi %mul3A_0, %arg0 : i32
    %mul3A_1 = arith.constant 624 : i32
    %mul3A_2 = arith.muli %arg1, %mul3A_1 : i32
    "tpu.region"() ({
      %run_scoped3A = tpu.sem_alloc : memref<!tpu.dma_semaphore, #tpu.memory_space<semaphore_mem>>
      %dma_start3A = arith.constant 0 : i32
      %dma_start3A_18 = tpu.memref_slice %arg12[%mul3A_2, %dma_start3A] : memref<10144x128xf32, #tpu.memory_space<vmem_shared>> -> memref<656x128xf32, #tpu.memory_space<vmem_shared>>
      tpu.enqueue_dma source(%arg6 : memref<656x128xf32, #tpu.memory_space<hbm>>) target(%dma_start3A_18 : memref<656x128xf32, #tpu.memory_space<vmem_shared>>) target_semaphore(%run_scoped3A : memref<!tpu.dma_semaphore, #tpu.memory_space<semaphore_mem>>)
      %dma_wait3A = arith.constant 0 : i32
      %dma_wait3A_19 = tpu.memref_slice %arg12[%mul3A_2, %dma_wait3A] : memref<10144x128xf32, #tpu.memory_space<vmem_shared>> -> memref<656x128xf32, #tpu.memory_space<vmem_shared>>
      tpu.wait_dma2 semaphore(%run_scoped3A : memref<!tpu.dma_semaphore, #tpu.memory_space<semaphore_mem>>) src(%arg6 : memref<656x128xf32, #tpu.memory_space<hbm>>) dst(%dma_wait3A_19 : memref<656x128xf32, #tpu.memory_space<vmem_shared>>)
      tpu.yield
    }) : () -> ()
    %mul3A_3 = arith.constant 40 : i32
    %mul3A_4 = arith.muli %add3A, %mul3A_3 : i32
    "tpu.region"() ({
      %run_scoped3A = tpu.sem_alloc : memref<!tpu.dma_semaphore, #tpu.memory_space<semaphore_mem>>
      %dma_start3A = arith.constant 0 : i32
      %dma_start3A_18 = tpu.memref_slice %arg3[%mul3A_4, %dma_start3A] : memref<1280x128xi32, #tpu.memory_space<hbm>> -> memref<40x128xi32, #tpu.memory_space<hbm>>
      %dma_start3A_19 = arith.constant 0 : i32
      %dma_start3A_20 = tpu.memref_slice %arg3[%mul3A_4, %dma_start3A_19] : memref<1280x128xi32, #tpu.memory_space<hbm>> -> memref<40x128xi32, #tpu.memory_space<hbm>>
      tpu.enqueue_dma source(%dma_start3A_20 : memref<40x128xi32, #tpu.memory_space<hbm>>) target(%arg8 : memref<40x128xi32, #tpu.memory_space<vmem>>) target_semaphore(%run_scoped3A : memref<!tpu.dma_semaphore, #tpu.memory_space<semaphore_mem>>)
      %dma_wait3A = arith.constant 0 : i32
      %dma_wait3A_21 = tpu.memref_slice %arg3[%mul3A_4, %dma_wait3A] : memref<1280x128xi32, #tpu.memory_space<hbm>> -> memref<40x128xi32, #tpu.memory_space<hbm>>
      %dma_wait3A_22 = arith.constant 0 : i32
      %dma_wait3A_23 = tpu.memref_slice %arg3[%mul3A_4, %dma_wait3A_22] : memref<1280x128xi32, #tpu.memory_space<hbm>> -> memref<40x128xi32, #tpu.memory_space<hbm>>
      tpu.wait_dma2 semaphore(%run_scoped3A : memref<!tpu.dma_semaphore, #tpu.memory_space<semaphore_mem>>) src(%dma_wait3A_23 : memref<40x128xi32, #tpu.memory_space<hbm>>) dst(%arg8 : memref<40x128xi32, #tpu.memory_space<vmem>>)
      tpu.yield
    }) : () -> ()
    %mul3A_5 = arith.constant 40 : i32
    %mul3A_6 = arith.muli %add3A, %mul3A_5 : i32
    "tpu.region"() ({
      %run_scoped3A = tpu.sem_alloc : memref<!tpu.dma_semaphore, #tpu.memory_space<semaphore_mem>>
      %dma_start3A = arith.constant 0 : i32
      %dma_start3A_18 = tpu.memref_slice %arg4[%mul3A_6, %dma_start3A] : memref<1280x128xi32, #tpu.memory_space<hbm>> -> memref<40x128xi32, #tpu.memory_space<hbm>>
      %dma_start3A_19 = arith.constant 0 : i32
      %dma_start3A_20 = tpu.memref_slice %arg4[%mul3A_6, %dma_start3A_19] : memref<1280x128xi32, #tpu.memory_space<hbm>> -> memref<40x128xi32, #tpu.memory_space<hbm>>
      tpu.enqueue_dma source(%dma_start3A_20 : memref<40x128xi32, #tpu.memory_space<hbm>>) target(%arg9 : memref<40x128xi32, #tpu.memory_space<vmem>>) target_semaphore(%run_scoped3A : memref<!tpu.dma_semaphore, #tpu.memory_space<semaphore_mem>>)
      %dma_wait3A = arith.constant 0 : i32
      %dma_wait3A_21 = tpu.memref_slice %arg4[%mul3A_6, %dma_wait3A] : memref<1280x128xi32, #tpu.memory_space<hbm>> -> memref<40x128xi32, #tpu.memory_space<hbm>>
      %dma_wait3A_22 = arith.constant 0 : i32
      %dma_wait3A_23 = tpu.memref_slice %arg4[%mul3A_6, %dma_wait3A_22] : memref<1280x128xi32, #tpu.memory_space<hbm>> -> memref<40x128xi32, #tpu.memory_space<hbm>>
      tpu.wait_dma2 semaphore(%run_scoped3A : memref<!tpu.dma_semaphore, #tpu.memory_space<semaphore_mem>>) src(%dma_wait3A_23 : memref<40x128xi32, #tpu.memory_space<hbm>>) dst(%arg9 : memref<40x128xi32, #tpu.memory_space<vmem>>)
      tpu.yield
    }) : () -> ()
    %barrier3A = arith.constant 0 : index
    tpu.barrier barrier_id(%barrier3A)
    %broadcast_in_dim3A = arith.constant 0.000000e+00 : f32
    %broadcast_in_dim3A_7 = vector.broadcast %broadcast_in_dim3A : f32 to vector<16xf32>
    %scan3A = arith.constant 0 : i32
    %scan3A_8 = arith.constant 40 : i32
    %scan3A_9 = arith.addi %scan3A, %scan3A_8 : i32
    %scan3A_10 = arith.constant 1 : i32
    %scan3A_11:8 = scf.for %scan3A_18 = %scan3A to %scan3A_9 step %scan3A_10 iter_args(%scan3A_19 = %broadcast_in_dim3A_7, %scan3A_20 = %broadcast_in_dim3A_7, %scan3A_21 = %broadcast_in_dim3A_7, %scan3A_22 = %broadcast_in_dim3A_7, %scan3A_23 = %broadcast_in_dim3A_7, %scan3A_24 = %broadcast_in_dim3A_7, %scan3A_25 = %broadcast_in_dim3A_7, %scan3A_26 = %broadcast_in_dim3A_7) -> (vector<16xf32>, vector<16xf32>, vector<16xf32>, vector<16xf32>, vector<16xf32>, vector<16xf32>, vector<16xf32>, vector<16xf32>)  : i32 {
      %dma_start3A = arith.constant 0 : i32
      %dma_start3A_27 = tpu.memref_slice %arg8[%scan3A_18, %dma_start3A] : memref<40x128xi32, #tpu.memory_space<vmem>> -> memref<1x128xi32, #tpu.memory_space<vmem>>
      %dma_start3A_28 = tpu.memref_squeeze %dma_start3A_27 : memref<1x128xi32, #tpu.memory_space<vmem>> -> memref<128xi32, #tpu.memory_space<vmem>>
      %dma_start3A_29 = arith.constant 0 : i32
      %dma_start3A_30 = arith.constant 0 : i32
      %dma_start3A_31 = tpu.memref_slice %arg2[%dma_start3A_29, %dma_start3A_30] : memref<30000x128xf32, #tpu.memory_space<hbm>> -> memref<30000x128xf32, #tpu.memory_space<hbm>>
      tpu.enqueue_indirect_dma source(%dma_start3A_31 : memref<30000x128xf32, #tpu.memory_space<hbm>>) target(%arg10 : memref<128x128xf32, #tpu.memory_space<vmem>>) offsets(%dma_start3A_28 : memref<128xi32, #tpu.memory_space<vmem>>) semaphore(%arg13 : memref<!tpu.dma_semaphore, #tpu.memory_space<semaphore_mem>>)
      %mul3A_32 = arith.constant 40 : i32
      %mul3A_33 = arith.muli %add3A, %mul3A_32 : i32
      %add3A_34 = arith.addi %mul3A_33, %scan3A_18 : i32
      %dma_start3A_35 = arith.constant 0 : i32
      %dma_start3A_36 = arith.constant 0 : i32
      %dma_start3A_37 = tpu.memref_slice %arg5[%add3A_34, %dma_start3A_35, %dma_start3A_36] : memref<1280x128x16xf32, #tpu.memory_space<hbm>> -> memref<1x128x16xf32, #tpu.memory_space<hbm>>
      %dma_start3A_38 = tpu.memref_squeeze %dma_start3A_37 : memref<1x128x16xf32, #tpu.memory_space<hbm>> -> memref<128x16xf32, #tpu.memory_space<hbm>>
      %dma_start3A_39 = arith.constant 0 : i32
      %dma_start3A_40 = arith.constant 0 : i32
      %dma_start3A_41 = tpu.memref_slice %arg5[%add3A_34, %dma_start3A_39, %dma_start3A_40] : memref<1280x128x16xf32, #tpu.memory_space<hbm>> -> memref<1x128x16xf32, #tpu.memory_space<hbm>>
      %dma_start3A_42 = tpu.memref_squeeze %dma_start3A_41 : memref<1x128x16xf32, #tpu.memory_space<hbm>> -> memref<128x16xf32, #tpu.memory_space<hbm>>
      tpu.enqueue_dma source(%dma_start3A_42 : memref<128x16xf32, #tpu.memory_space<hbm>>) target(%arg11 : memref<128x16xf32, #tpu.memory_space<vmem>>) target_semaphore(%arg14 : memref<!tpu.dma_semaphore, #tpu.memory_space<semaphore_mem>>)
      %dma_wait3A = arith.constant 0 : i32
      %dma_wait3A_43 = tpu.memref_slice %arg8[%scan3A_18, %dma_wait3A] : memref<40x128xi32, #tpu.memory_space<vmem>> -> memref<1x128xi32, #tpu.memory_space<vmem>>
      %dma_wait3A_44 = tpu.memref_squeeze %dma_wait3A_43 : memref<1x128xi32, #tpu.memory_space<vmem>> -> memref<128xi32, #tpu.memory_space<vmem>>
      %dma_wait3A_45 = arith.constant 0 : i32
      %dma_wait3A_46 = arith.constant 0 : i32
      %dma_wait3A_47 = tpu.memref_slice %arg2[%dma_wait3A_45, %dma_wait3A_46] : memref<30000x128xf32, #tpu.memory_space<hbm>> -> memref<30000x128xf32, #tpu.memory_space<hbm>>
      tpu.wait_indirect_dma semaphore(%arg13 : memref<!tpu.dma_semaphore, #tpu.memory_space<semaphore_mem>>) src(%dma_wait3A_47 : memref<30000x128xf32, #tpu.memory_space<hbm>>) dst(%arg10 : memref<128x128xf32, #tpu.memory_space<vmem>>)
      %dma_wait3A_48 = arith.constant 0 : i32
      %dma_wait3A_49 = arith.constant 0 : i32
      %dma_wait3A_50 = tpu.memref_slice %arg5[%add3A_34, %dma_wait3A_48, %dma_wait3A_49] : memref<1280x128x16xf32, #tpu.memory_space<hbm>> -> memref<1x128x16xf32, #tpu.memory_space<hbm>>
      %dma_wait3A_51 = tpu.memref_squeeze %dma_wait3A_50 : memref<1x128x16xf32, #tpu.memory_space<hbm>> -> memref<128x16xf32, #tpu.memory_space<hbm>>
      %dma_wait3A_52 = arith.constant 0 : i32
      %dma_wait3A_53 = arith.constant 0 : i32
      %dma_wait3A_54 = tpu.memref_slice %arg5[%add3A_34, %dma_wait3A_52, %dma_wait3A_53] : memref<1280x128x16xf32, #tpu.memory_space<hbm>> -> memref<1x128x16xf32, #tpu.memory_space<hbm>>
      %dma_wait3A_55 = tpu.memref_squeeze %dma_wait3A_54 : memref<1x128x16xf32, #tpu.memory_space<hbm>> -> memref<128x16xf32, #tpu.memory_space<hbm>>
      tpu.wait_dma2 semaphore(%arg14 : memref<!tpu.dma_semaphore, #tpu.memory_space<semaphore_mem>>) src(%dma_wait3A_55 : memref<128x16xf32, #tpu.memory_space<hbm>>) dst(%arg11 : memref<128x16xf32, #tpu.memory_space<vmem>>)
      %scan3A_56 = arith.constant 0 : i32
      %scan3A_57 = arith.constant 128 : i32
      %scan3A_58 = arith.addi %scan3A_56, %scan3A_57 : i32
      %scan3A_59 = arith.constant 1 : i32
      %scan3A_60:8 = scf.for %scan3A_62 = %scan3A_56 to %scan3A_58 step %scan3A_59 iter_args(%scan3A_63 = %scan3A_19, %scan3A_64 = %scan3A_20, %scan3A_65 = %scan3A_21, %scan3A_66 = %scan3A_22, %scan3A_67 = %scan3A_23, %scan3A_68 = %scan3A_24, %scan3A_69 = %scan3A_25, %scan3A_70 = %scan3A_26) -> (vector<16xf32>, vector<16xf32>, vector<16xf32>, vector<16xf32>, vector<16xf32>, vector<16xf32>, vector<16xf32>, vector<16xf32>)  : i32 {
        %get3A = arith.index_cast %scan3A_62 : i32 to index
        %get3A_71 = arith.constant 0 : index
        %get3A_72 = tpu.vector_load %arg11[%get3A, %get3A_71] {strides = array<i32>} : memref<128x16xf32, #tpu.memory_space<vmem>>, vector<1x16xf32>,
        %get3A_73 = vector.shape_cast %get3A_72 : vector<1x16xf32> to vector<16xf32>
        %get3A_74 = arith.index_cast %scan3A_62 : i32 to index
        %get3A_75 = arith.constant 0 : index
        %get3A_76 = tpu.vector_load %arg10[%get3A_74, %get3A_75] {strides = array<i32>} : memref<128x128xf32, #tpu.memory_space<vmem>>, vector<1x16xf32>,
        %get3A_77 = vector.shape_cast %get3A_76 : vector<1x16xf32> to vector<16xf32>
        %mul3A_78 = arith.mulf %get3A_73, %scan3A_63 : vector<16xf32>
        %add3A_79 = arith.addf %get3A_77, %mul3A_78 : vector<16xf32>
        %swap3A = arith.index_cast %scan3A_62 : i32 to index
        %swap3A_80 = arith.constant 0 : index
        %swap3A_81 = tpu.vector_load %arg10[%swap3A, %swap3A_80] {strides = array<i32>} : memref<128x128xf32, #tpu.memory_space<vmem>>, vector<1x16xf32>,
        %swap3A_82 = vector.shape_cast %swap3A_81 : vector<1x16xf32> to vector<16xf32>
        %swap3A_83 = vector.shape_cast %add3A_79 : vector<16xf32> to vector<1x16xf32>
        tpu.vector_store %arg10[%swap3A, %swap3A_80], %swap3A_83 {strides = array<i32>} : memref<128x128xf32, #tpu.memory_space<vmem>>, vector<1x16xf32>,
        %get3A_84 = arith.index_cast %scan3A_62 : i32 to index
        %get3A_85 = arith.constant 16 : index
        %get3A_86 = tpu.vector_load %arg10[%get3A_84, %get3A_85] {strides = array<i32>} : memref<128x128xf32, #tpu.memory_space<vmem>>, vector<1x16xf32>,
        %get3A_87 = vector.shape_cast %get3A_86 : vector<1x16xf32> to vector<16xf32>
        %mul3A_88 = arith.mulf %get3A_73, %scan3A_64 : vector<16xf32>
        %add3A_89 = arith.addf %get3A_87, %mul3A_88 : vector<16xf32>
        %swap3A_90 = arith.index_cast %scan3A_62 : i32 to index
        %swap3A_91 = arith.constant 16 : index
        %swap3A_92 = tpu.vector_load %arg10[%swap3A_90, %swap3A_91] {strides = array<i32>} : memref<128x128xf32, #tpu.memory_space<vmem>>, vector<1x16xf32>,
        %swap3A_93 = vector.shape_cast %swap3A_92 : vector<1x16xf32> to vector<16xf32>
        %swap3A_94 = vector.shape_cast %add3A_89 : vector<16xf32> to vector<1x16xf32>
        tpu.vector_store %arg10[%swap3A_90, %swap3A_91], %swap3A_94 {strides = array<i32>} : memref<128x128xf32, #tpu.memory_space<vmem>>, vector<1x16xf32>,
        %get3A_95 = arith.index_cast %scan3A_62 : i32 to index
        %get3A_96 = arith.constant 32 : index
        %get3A_97 = tpu.vector_load %arg10[%get3A_95, %get3A_96] {strides = array<i32>} : memref<128x128xf32, #tpu.memory_space<vmem>>, vector<1x16xf32>,
        %get3A_98 = vector.shape_cast %get3A_97 : vector<1x16xf32> to vector<16xf32>
        %mul3A_99 = arith.mulf %get3A_73, %scan3A_65 : vector<16xf32>
        %add3A_100 = arith.addf %get3A_98, %mul3A_99 : vector<16xf32>
        %swap3A_101 = arith.index_cast %scan3A_62 : i32 to index
        %swap3A_102 = arith.constant 32 : index
        %swap3A_103 = tpu.vector_load %arg10[%swap3A_101, %swap3A_102] {strides = array<i32>} : memref<128x128xf32, #tpu.memory_space<vmem>>, vector<1x16xf32>,
        %swap3A_104 = vector.shape_cast %swap3A_103 : vector<1x16xf32> to vector<16xf32>
        %swap3A_105 = vector.shape_cast %add3A_100 : vector<16xf32> to vector<1x16xf32>
        tpu.vector_store %arg10[%swap3A_101, %swap3A_102], %swap3A_105 {strides = array<i32>} : memref<128x128xf32, #tpu.memory_space<vmem>>, vector<1x16xf32>,
        %get3A_106 = arith.index_cast %scan3A_62 : i32 to index
        %get3A_107 = arith.constant 48 : index
        %get3A_108 = tpu.vector_load %arg10[%get3A_106, %get3A_107] {strides = array<i32>} : memref<128x128xf32, #tpu.memory_space<vmem>>, vector<1x16xf32>,
        %get3A_109 = vector.shape_cast %get3A_108 : vector<1x16xf32> to vector<16xf32>
        %mul3A_110 = arith.mulf %get3A_73, %scan3A_66 : vector<16xf32>
        %add3A_111 = arith.addf %get3A_109, %mul3A_110 : vector<16xf32>
        %swap3A_112 = arith.index_cast %scan3A_62 : i32 to index
        %swap3A_113 = arith.constant 48 : index
        %swap3A_114 = tpu.vector_load %arg10[%swap3A_112, %swap3A_113] {strides = array<i32>} : memref<128x128xf32, #tpu.memory_space<vmem>>, vector<1x16xf32>,
        %swap3A_115 = vector.shape_cast %swap3A_114 : vector<1x16xf32> to vector<16xf32>
        %swap3A_116 = vector.shape_cast %add3A_111 : vector<16xf32> to vector<1x16xf32>
        tpu.vector_store %arg10[%swap3A_112, %swap3A_113], %swap3A_116 {strides = array<i32>} : memref<128x128xf32, #tpu.memory_space<vmem>>, vector<1x16xf32>,
        %get3A_117 = arith.index_cast %scan3A_62 : i32 to index
        %get3A_118 = arith.constant 64 : index
        %get3A_119 = tpu.vector_load %arg10[%get3A_117, %get3A_118] {strides = array<i32>} : memref<128x128xf32, #tpu.memory_space<vmem>>, vector<1x16xf32>,
        %get3A_120 = vector.shape_cast %get3A_119 : vector<1x16xf32> to vector<16xf32>
        %mul3A_121 = arith.mulf %get3A_73, %scan3A_67 : vector<16xf32>
        %add3A_122 = arith.addf %get3A_120, %mul3A_121 : vector<16xf32>
        %swap3A_123 = arith.index_cast %scan3A_62 : i32 to index
        %swap3A_124 = arith.constant 64 : index
        %swap3A_125 = tpu.vector_load %arg10[%swap3A_123, %swap3A_124] {strides = array<i32>} : memref<128x128xf32, #tpu.memory_space<vmem>>, vector<1x16xf32>,
        %swap3A_126 = vector.shape_cast %swap3A_125 : vector<1x16xf32> to vector<16xf32>
        %swap3A_127 = vector.shape_cast %add3A_122 : vector<16xf32> to vector<1x16xf32>
        tpu.vector_store %arg10[%swap3A_123, %swap3A_124], %swap3A_127 {strides = array<i32>} : memref<128x128xf32, #tpu.memory_space<vmem>>, vector<1x16xf32>,
        %get3A_128 = arith.index_cast %scan3A_62 : i32 to index
        %get3A_129 = arith.constant 80 : index
        %get3A_130 = tpu.vector_load %arg10[%get3A_128, %get3A_129] {strides = array<i32>} : memref<128x128xf32, #tpu.memory_space<vmem>>, vector<1x16xf32>,
        %get3A_131 = vector.shape_cast %get3A_130 : vector<1x16xf32> to vector<16xf32>
        %mul3A_132 = arith.mulf %get3A_73, %scan3A_68 : vector<16xf32>
        %add3A_133 = arith.addf %get3A_131, %mul3A_132 : vector<16xf32>
        %swap3A_134 = arith.index_cast %scan3A_62 : i32 to index
        %swap3A_135 = arith.constant 80 : index
        %swap3A_136 = tpu.vector_load %arg10[%swap3A_134, %swap3A_135] {strides = array<i32>} : memref<128x128xf32, #tpu.memory_space<vmem>>, vector<1x16xf32>,
        %swap3A_137 = vector.shape_cast %swap3A_136 : vector<1x16xf32> to vector<16xf32>
        %swap3A_138 = vector.shape_cast %add3A_133 : vector<16xf32> to vector<1x16xf32>
        tpu.vector_store %arg10[%swap3A_134, %swap3A_135], %swap3A_138 {strides = array<i32>} : memref<128x128xf32, #tpu.memory_space<vmem>>, vector<1x16xf32>,
        %get3A_139 = arith.index_cast %scan3A_62 : i32 to index
        %get3A_140 = arith.constant 96 : index
        %get3A_141 = tpu.vector_load %arg10[%get3A_139, %get3A_140] {strides = array<i32>} : memref<128x128xf32, #tpu.memory_space<vmem>>, vector<1x16xf32>,
        %get3A_142 = vector.shape_cast %get3A_141 : vector<1x16xf32> to vector<16xf32>
        %mul3A_143 = arith.mulf %get3A_73, %scan3A_69 : vector<16xf32>
        %add3A_144 = arith.addf %get3A_142, %mul3A_143 : vector<16xf32>
        %swap3A_145 = arith.index_cast %scan3A_62 : i32 to index
        %swap3A_146 = arith.constant 96 : index
        %swap3A_147 = tpu.vector_load %arg10[%swap3A_145, %swap3A_146] {strides = array<i32>} : memref<128x128xf32, #tpu.memory_space<vmem>>, vector<1x16xf32>,
        %swap3A_148 = vector.shape_cast %swap3A_147 : vector<1x16xf32> to vector<16xf32>
        %swap3A_149 = vector.shape_cast %add3A_144 : vector<16xf32> to vector<1x16xf32>
        tpu.vector_store %arg10[%swap3A_145, %swap3A_146], %swap3A_149 {strides = array<i32>} : memref<128x128xf32, #tpu.memory_space<vmem>>, vector<1x16xf32>,
        %get3A_150 = arith.index_cast %scan3A_62 : i32 to index
        %get3A_151 = arith.constant 112 : index
        %get3A_152 = tpu.vector_load %arg10[%get3A_150, %get3A_151] {strides = array<i32>} : memref<128x128xf32, #tpu.memory_space<vmem>>, vector<1x16xf32>,
        %get3A_153 = vector.shape_cast %get3A_152 : vector<1x16xf32> to vector<16xf32>
        %mul3A_154 = arith.mulf %get3A_73, %scan3A_70 : vector<16xf32>
        %add3A_155 = arith.addf %get3A_153, %mul3A_154 : vector<16xf32>
        %swap3A_156 = arith.index_cast %scan3A_62 : i32 to index
        %swap3A_157 = arith.constant 112 : index
        %swap3A_158 = tpu.vector_load %arg10[%swap3A_156, %swap3A_157] {strides = array<i32>} : memref<128x128xf32, #tpu.memory_space<vmem>>, vector<1x16xf32>,
        %swap3A_159 = vector.shape_cast %swap3A_158 : vector<1x16xf32> to vector<16xf32>
        %swap3A_160 = vector.shape_cast %add3A_155 : vector<16xf32> to vector<1x16xf32>
        tpu.vector_store %arg10[%swap3A_156, %swap3A_157], %swap3A_160 {strides = array<i32>} : memref<128x128xf32, #tpu.memory_space<vmem>>, vector<1x16xf32>,
        scf.yield %add3A_79, %add3A_89, %add3A_100, %add3A_111, %add3A_122, %add3A_133, %add3A_144, %add3A_155 : vector<16xf32>, vector<16xf32>, vector<16xf32>, vector<16xf32>, vector<16xf32>, vector<16xf32>, vector<16xf32>, vector<16xf32>
      }
      %scan3A_61 = arith.constant 128 : i32
      "tpu.region"() ({
        %run_scoped3A = tpu.sem_alloc : memref<!tpu.dma_semaphore, #tpu.memory_space<semaphore_mem>>
        %dma_start3A_62 = arith.constant 0 : i32
        %dma_start3A_63 = tpu.memref_slice %arg9[%scan3A_18, %dma_start3A_62] : memref<40x128xi32, #tpu.memory_space<vmem>> -> memref<1x128xi32, #tpu.memory_space<vmem>>
        %dma_start3A_64 = tpu.memref_squeeze %dma_start3A_63 : memref<1x128xi32, #tpu.memory_space<vmem>> -> memref<128xi32, #tpu.memory_space<vmem>>
        %dma_start3A_65 = arith.constant 0 : i32
        %dma_start3A_66 = arith.constant 0 : i32
        %dma_start3A_67 = tpu.memref_slice %arg12[%dma_start3A_65, %dma_start3A_66] : memref<10144x128xf32, #tpu.memory_space<vmem_shared>> -> memref<10144x128xf32, #tpu.memory_space<vmem_shared>>
        tpu.enqueue_indirect_dma source(%arg10 : memref<128x128xf32, #tpu.memory_space<vmem>>) target(%dma_start3A_67 : memref<10144x128xf32, #tpu.memory_space<vmem_shared>>) offsets(%dma_start3A_64 : memref<128xi32, #tpu.memory_space<vmem>>) semaphore(%run_scoped3A : memref<!tpu.dma_semaphore, #tpu.memory_space<semaphore_mem>>)
        %dma_wait3A_68 = arith.constant 0 : i32
        %dma_wait3A_69 = tpu.memref_slice %arg9[%scan3A_18, %dma_wait3A_68] : memref<40x128xi32, #tpu.memory_space<vmem>> -> memref<1x128xi32, #tpu.memory_space<vmem>>
        %dma_wait3A_70 = tpu.memref_squeeze %dma_wait3A_69 : memref<1x128xi32, #tpu.memory_space<vmem>> -> memref<128xi32, #tpu.memory_space<vmem>>
        %dma_wait3A_71 = arith.constant 0 : i32
        %dma_wait3A_72 = arith.constant 0 : i32
        %dma_wait3A_73 = tpu.memref_slice %arg12[%dma_wait3A_71, %dma_wait3A_72] : memref<10144x128xf32, #tpu.memory_space<vmem_shared>> -> memref<10144x128xf32, #tpu.memory_space<vmem_shared>>
        tpu.wait_indirect_dma semaphore(%run_scoped3A : memref<!tpu.dma_semaphore, #tpu.memory_space<semaphore_mem>>) src(%arg10 : memref<128x128xf32, #tpu.memory_space<vmem>>) dst(%dma_wait3A_73 : memref<10144x128xf32, #tpu.memory_space<vmem_shared>>)
        tpu.yield
      }) : () -> ()
      scf.yield %scan3A_60#0, %scan3A_60#1, %scan3A_60#2, %scan3A_60#3, %scan3A_60#4, %scan3A_60#5, %scan3A_60#6, %scan3A_60#7 : vector<16xf32>, vector<16xf32>, vector<16xf32>, vector<16xf32>, vector<16xf32>, vector<16xf32>, vector<16xf32>, vector<16xf32>
    }
    %scan3A_12 = arith.constant 40 : i32
    %barrier3A_13 = arith.constant 0 : index
    tpu.barrier barrier_id(%barrier3A_13)
    %mul3A_14 = arith.constant 624 : i32
    %mul3A_15 = arith.muli %arg1, %mul3A_14 : i32
    %mul3A_16 = arith.constant 624 : i32
    %mul3A_17 = arith.muli %arg1, %mul3A_16 : i32
    "tpu.region"() ({
      %run_scoped3A = tpu.sem_alloc : memref<!tpu.dma_semaphore, #tpu.memory_space<semaphore_mem>>
      %dma_start3A = arith.constant 0 : i32
      %dma_start3A_18 = arith.constant 0 : i32
      %dma_start3A_19 = tpu.memref_slice %arg7[%arg0, %dma_start3A, %dma_start3A_18] : memref<2x10000x128xf32, #tpu.memory_space<hbm>> -> memref<1x10000x128xf32, #tpu.memory_space<hbm>>
      %dma_start3A_20 = tpu.memref_squeeze %dma_start3A_19 : memref<1x10000x128xf32, #tpu.memory_space<hbm>> -> memref<10000x128xf32, #tpu.memory_space<hbm>>
      %dma_start3A_21 = arith.constant 0 : i32
      %dma_start3A_22 = tpu.memref_slice %dma_start3A_20[%mul3A_17, %dma_start3A_21] : memref<10000x128xf32, #tpu.memory_space<hbm>> -> memref<640x128xf32, #tpu.memory_space<hbm>>
      %dma_start3A_23 = arith.constant 0 : i32
      %dma_start3A_24 = tpu.memref_slice %arg12[%mul3A_15, %dma_start3A_23] : memref<10144x128xf32, #tpu.memory_space<vmem_shared>> -> memref<640x128xf32, #tpu.memory_space<vmem_shared>>
      tpu.enqueue_dma source(%dma_start3A_24 : memref<640x128xf32, #tpu.memory_space<vmem_shared>>) target(%dma_start3A_22 : memref<640x128xf32, #tpu.memory_space<hbm>>) target_semaphore(%run_scoped3A : memref<!tpu.dma_semaphore, #tpu.memory_space<semaphore_mem>>)
      %dma_wait3A = arith.constant 0 : i32
      %dma_wait3A_25 = arith.constant 0 : i32
      %dma_wait3A_26 = tpu.memref_slice %arg7[%arg0, %dma_wait3A, %dma_wait3A_25] : memref<2x10000x128xf32, #tpu.memory_space<hbm>> -> memref<1x10000x128xf32, #tpu.memory_space<hbm>>
      %dma_wait3A_27 = tpu.memref_squeeze %dma_wait3A_26 : memref<1x10000x128xf32, #tpu.memory_space<hbm>> -> memref<10000x128xf32, #tpu.memory_space<hbm>>
      %dma_wait3A_28 = arith.constant 0 : i32
      %dma_wait3A_29 = tpu.memref_slice %dma_wait3A_27[%mul3A_17, %dma_wait3A_28] : memref<10000x128xf32, #tpu.memory_space<hbm>> -> memref<640x128xf32, #tpu.memory_space<hbm>>
      %dma_wait3A_30 = arith.constant 0 : i32
      %dma_wait3A_31 = tpu.memref_slice %arg12[%mul3A_15, %dma_wait3A_30] : memref<10144x128xf32, #tpu.memory_space<vmem_shared>> -> memref<640x128xf32, #tpu.memory_space<vmem_shared>>
      tpu.wait_dma2 semaphore(%run_scoped3A : memref<!tpu.dma_semaphore, #tpu.memory_space<semaphore_mem>>) src(%dma_wait3A_31 : memref<640x128xf32, #tpu.memory_space<vmem_shared>>) dst(%dma_wait3A_29 : memref<640x128xf32, #tpu.memory_space<hbm>>)
      tpu.yield
    }) : () -> ()
    return
  }
}

#map = affine_map<(d0, d1) -> (0, 0)>
#map1 = affine_map<(d0, d1) -> (0, 0, 0)>
module attributes {stable_mosaic.version = 14 : i64} {
  func.func @_sc_body(%arg0: i32, %arg1: i32, %arg2: memref<30000x128xf32, #tpu.memory_space<hbm>>, %arg3: memref<1280x128xi32, #tpu.memory_space<hbm>>, %arg4: memref<1280x128xi32, #tpu.memory_space<hbm>>, %arg5: memref<1280x128x16xf32, #tpu.memory_space<hbm>>, %arg6: memref<656x128xf32, #tpu.memory_space<hbm>>, %arg7: memref<2x10000x128xf32, #tpu.memory_space<hbm>>, %arg8: memref<40x128xi32, #tpu.memory_space<vmem>>, %arg9: memref<40x128xi32, #tpu.memory_space<vmem>>, %arg10: memref<128x128xf32, #tpu.memory_space<vmem>>, %arg11: memref<128x16xf32, #tpu.memory_space<vmem>>, %arg12: memref<10144x128xf32, #tpu.memory_space<vmem_shared>>, %arg13: memref<!tpu.dma_semaphore, #tpu.memory_space<semaphore_mem>>, %arg14: memref<!tpu.dma_semaphore, #tpu.memory_space<semaphore_mem>>) attributes {dimension_semantics = [#tpu.dimension_semantics<core_parallel>, #tpu.dimension_semantics<subcore_parallel>], iteration_bounds = array<i64: 2, 16>, scalar_prefetch = 0 : i64, scratch_operands = 7 : i64, tpu.core_type = #tpu.core_type<sc_vector_subcore>, window_params = [{transform_indices = #map}, {transform_indices = #map}, {transform_indices = #map}, {transform_indices = #map1}, {transform_indices = #map}, {transform_indices = #map1}]} {
    %mul3A = arith.constant 2 : i32
    %mul3A_0 = arith.muli %arg1, %mul3A : i32
    %add3A = arith.addi %mul3A_0, %arg0 : i32
    %mul3A_1 = arith.constant 624 : i32
    %mul3A_2 = arith.muli %arg1, %mul3A_1 : i32
    "tpu.region"() ({
      %run_scoped3A = tpu.sem_alloc : memref<!tpu.dma_semaphore, #tpu.memory_space<semaphore_mem>>
      %dma_start3A = arith.constant 0 : i32
      %dma_start3A_18 = tpu.memref_slice %arg12[%mul3A_2, %dma_start3A] : memref<10144x128xf32, #tpu.memory_space<vmem_shared>> -> memref<656x128xf32, #tpu.memory_space<vmem_shared>>
      tpu.enqueue_dma source(%arg6 : memref<656x128xf32, #tpu.memory_space<hbm>>) target(%dma_start3A_18 : memref<656x128xf32, #tpu.memory_space<vmem_shared>>) target_semaphore(%run_scoped3A : memref<!tpu.dma_semaphore, #tpu.memory_space<semaphore_mem>>)
      %dma_wait3A = arith.constant 0 : i32
      %dma_wait3A_19 = tpu.memref_slice %arg12[%mul3A_2, %dma_wait3A] : memref<10144x128xf32, #tpu.memory_space<vmem_shared>> -> memref<656x128xf32, #tpu.memory_space<vmem_shared>>
      tpu.wait_dma2 semaphore(%run_scoped3A : memref<!tpu.dma_semaphore, #tpu.memory_space<semaphore_mem>>) src(%arg6 : memref<656x128xf32, #tpu.memory_space<hbm>>) dst(%dma_wait3A_19 : memref<656x128xf32, #tpu.memory_space<vmem_shared>>)
      tpu.yield
    }) : () -> ()
    %mul3A_3 = arith.constant 40 : i32
    %mul3A_4 = arith.muli %add3A, %mul3A_3 : i32
    "tpu.region"() ({
      %run_scoped3A = tpu.sem_alloc : memref<!tpu.dma_semaphore, #tpu.memory_space<semaphore_mem>>
      %dma_start3A = arith.constant 0 : i32
      %dma_start3A_18 = tpu.memref_slice %arg3[%mul3A_4, %dma_start3A] : memref<1280x128xi32, #tpu.memory_space<hbm>> -> memref<40x128xi32, #tpu.memory_space<hbm>>
      %dma_start3A_19 = arith.constant 0 : i32
      %dma_start3A_20 = tpu.memref_slice %arg3[%mul3A_4, %dma_start3A_19] : memref<1280x128xi32, #tpu.memory_space<hbm>> -> memref<40x128xi32, #tpu.memory_space<hbm>>
      tpu.enqueue_dma source(%dma_start3A_20 : memref<40x128xi32, #tpu.memory_space<hbm>>) target(%arg8 : memref<40x128xi32, #tpu.memory_space<vmem>>) target_semaphore(%run_scoped3A : memref<!tpu.dma_semaphore, #tpu.memory_space<semaphore_mem>>)
      %dma_wait3A = arith.constant 0 : i32
      %dma_wait3A_21 = tpu.memref_slice %arg3[%mul3A_4, %dma_wait3A] : memref<1280x128xi32, #tpu.memory_space<hbm>> -> memref<40x128xi32, #tpu.memory_space<hbm>>
      %dma_wait3A_22 = arith.constant 0 : i32
      %dma_wait3A_23 = tpu.memref_slice %arg3[%mul3A_4, %dma_wait3A_22] : memref<1280x128xi32, #tpu.memory_space<hbm>> -> memref<40x128xi32, #tpu.memory_space<hbm>>
      tpu.wait_dma2 semaphore(%run_scoped3A : memref<!tpu.dma_semaphore, #tpu.memory_space<semaphore_mem>>) src(%dma_wait3A_23 : memref<40x128xi32, #tpu.memory_space<hbm>>) dst(%arg8 : memref<40x128xi32, #tpu.memory_space<vmem>>)
      tpu.yield
    }) : () -> ()
    %mul3A_5 = arith.constant 40 : i32
    %mul3A_6 = arith.muli %add3A, %mul3A_5 : i32
    "tpu.region"() ({
      %run_scoped3A = tpu.sem_alloc : memref<!tpu.dma_semaphore, #tpu.memory_space<semaphore_mem>>
      %dma_start3A = arith.constant 0 : i32
      %dma_start3A_18 = tpu.memref_slice %arg4[%mul3A_6, %dma_start3A] : memref<1280x128xi32, #tpu.memory_space<hbm>> -> memref<40x128xi32, #tpu.memory_space<hbm>>
      %dma_start3A_19 = arith.constant 0 : i32
      %dma_start3A_20 = tpu.memref_slice %arg4[%mul3A_6, %dma_start3A_19] : memref<1280x128xi32, #tpu.memory_space<hbm>> -> memref<40x128xi32, #tpu.memory_space<hbm>>
      tpu.enqueue_dma source(%dma_start3A_20 : memref<40x128xi32, #tpu.memory_space<hbm>>) target(%arg9 : memref<40x128xi32, #tpu.memory_space<vmem>>) target_semaphore(%run_scoped3A : memref<!tpu.dma_semaphore, #tpu.memory_space<semaphore_mem>>)
      %dma_wait3A = arith.constant 0 : i32
      %dma_wait3A_21 = tpu.memref_slice %arg4[%mul3A_6, %dma_wait3A] : memref<1280x128xi32, #tpu.memory_space<hbm>> -> memref<40x128xi32, #tpu.memory_space<hbm>>
      %dma_wait3A_22 = arith.constant 0 : i32
      %dma_wait3A_23 = tpu.memref_slice %arg4[%mul3A_6, %dma_wait3A_22] : memref<1280x128xi32, #tpu.memory_space<hbm>> -> memref<40x128xi32, #tpu.memory_space<hbm>>
      tpu.wait_dma2 semaphore(%run_scoped3A : memref<!tpu.dma_semaphore, #tpu.memory_space<semaphore_mem>>) src(%dma_wait3A_23 : memref<40x128xi32, #tpu.memory_space<hbm>>) dst(%arg9 : memref<40x128xi32, #tpu.memory_space<vmem>>)
      tpu.yield
    }) : () -> ()
    %barrier3A = arith.constant 0 : index
    tpu.barrier barrier_id(%barrier3A)
    %broadcast_in_dim3A = arith.constant 0.000000e+00 : f32
    %broadcast_in_dim3A_7 = vector.broadcast %broadcast_in_dim3A : f32 to vector<16xf32>
    %scan3A = arith.constant 0 : i32
    %scan3A_8 = arith.constant 40 : i32
    %scan3A_9 = arith.addi %scan3A, %scan3A_8 : i32
    %scan3A_10 = arith.constant 1 : i32
    %scan3A_11:8 = scf.for %scan3A_18 = %scan3A to %scan3A_9 step %scan3A_10 iter_args(%scan3A_19 = %broadcast_in_dim3A_7, %scan3A_20 = %broadcast_in_dim3A_7, %scan3A_21 = %broadcast_in_dim3A_7, %scan3A_22 = %broadcast_in_dim3A_7, %scan3A_23 = %broadcast_in_dim3A_7, %scan3A_24 = %broadcast_in_dim3A_7, %scan3A_25 = %broadcast_in_dim3A_7, %scan3A_26 = %broadcast_in_dim3A_7) -> (vector<16xf32>, vector<16xf32>, vector<16xf32>, vector<16xf32>, vector<16xf32>, vector<16xf32>, vector<16xf32>, vector<16xf32>)  : i32 {
      %dma_start3A = arith.constant 0 : i32
      %dma_start3A_27 = tpu.memref_slice %arg8[%scan3A_18, %dma_start3A] : memref<40x128xi32, #tpu.memory_space<vmem>> -> memref<1x128xi32, #tpu.memory_space<vmem>>
      %dma_start3A_28 = tpu.memref_squeeze %dma_start3A_27 : memref<1x128xi32, #tpu.memory_space<vmem>> -> memref<128xi32, #tpu.memory_space<vmem>>
      %dma_start3A_29 = arith.constant 0 : i32
      %dma_start3A_30 = arith.constant 0 : i32
      %dma_start3A_31 = tpu.memref_slice %arg2[%dma_start3A_29, %dma_start3A_30] : memref<30000x128xf32, #tpu.memory_space<hbm>> -> memref<30000x128xf32, #tpu.memory_space<hbm>>
      tpu.enqueue_indirect_dma source(%dma_start3A_31 : memref<30000x128xf32, #tpu.memory_space<hbm>>) target(%arg10 : memref<128x128xf32, #tpu.memory_space<vmem>>) offsets(%dma_start3A_28 : memref<128xi32, #tpu.memory_space<vmem>>) semaphore(%arg13 : memref<!tpu.dma_semaphore, #tpu.memory_space<semaphore_mem>>)
      %mul3A_32 = arith.constant 40 : i32
      %mul3A_33 = arith.muli %add3A, %mul3A_32 : i32
      %add3A_34 = arith.addi %mul3A_33, %scan3A_18 : i32
      %dma_start3A_35 = arith.constant 0 : i32
      %dma_start3A_36 = arith.constant 0 : i32
      %dma_start3A_37 = tpu.memref_slice %arg5[%add3A_34, %dma_start3A_35, %dma_start3A_36] : memref<1280x128x16xf32, #tpu.memory_space<hbm>> -> memref<1x128x16xf32, #tpu.memory_space<hbm>>
      %dma_start3A_38 = tpu.memref_squeeze %dma_start3A_37 : memref<1x128x16xf32, #tpu.memory_space<hbm>> -> memref<128x16xf32, #tpu.memory_space<hbm>>
      %dma_start3A_39 = arith.constant 0 : i32
      %dma_start3A_40 = arith.constant 0 : i32
      %dma_start3A_41 = tpu.memref_slice %arg5[%add3A_34, %dma_start3A_39, %dma_start3A_40] : memref<1280x128x16xf32, #tpu.memory_space<hbm>> -> memref<1x128x16xf32, #tpu.memory_space<hbm>>
      %dma_start3A_42 = tpu.memref_squeeze %dma_start3A_41 : memref<1x128x16xf32, #tpu.memory_space<hbm>> -> memref<128x16xf32, #tpu.memory_space<hbm>>
      tpu.enqueue_dma source(%dma_start3A_42 : memref<128x16xf32, #tpu.memory_space<hbm>>) target(%arg11 : memref<128x16xf32, #tpu.memory_space<vmem>>) target_semaphore(%arg14 : memref<!tpu.dma_semaphore, #tpu.memory_space<semaphore_mem>>)
      %dma_wait3A = arith.constant 0 : i32
      %dma_wait3A_43 = tpu.memref_slice %arg8[%scan3A_18, %dma_wait3A] : memref<40x128xi32, #tpu.memory_space<vmem>> -> memref<1x128xi32, #tpu.memory_space<vmem>>
      %dma_wait3A_44 = tpu.memref_squeeze %dma_wait3A_43 : memref<1x128xi32, #tpu.memory_space<vmem>> -> memref<128xi32, #tpu.memory_space<vmem>>
      %dma_wait3A_45 = arith.constant 0 : i32
      %dma_wait3A_46 = arith.constant 0 : i32
      %dma_wait3A_47 = tpu.memref_slice %arg2[%dma_wait3A_45, %dma_wait3A_46] : memref<30000x128xf32, #tpu.memory_space<hbm>> -> memref<30000x128xf32, #tpu.memory_space<hbm>>
      tpu.wait_indirect_dma semaphore(%arg13 : memref<!tpu.dma_semaphore, #tpu.memory_space<semaphore_mem>>) src(%dma_wait3A_47 : memref<30000x128xf32, #tpu.memory_space<hbm>>) dst(%arg10 : memref<128x128xf32, #tpu.memory_space<vmem>>)
      %dma_wait3A_48 = arith.constant 0 : i32
      %dma_wait3A_49 = arith.constant 0 : i32
      %dma_wait3A_50 = tpu.memref_slice %arg5[%add3A_34, %dma_wait3A_48, %dma_wait3A_49] : memref<1280x128x16xf32, #tpu.memory_space<hbm>> -> memref<1x128x16xf32, #tpu.memory_space<hbm>>
      %dma_wait3A_51 = tpu.memref_squeeze %dma_wait3A_50 : memref<1x128x16xf32, #tpu.memory_space<hbm>> -> memref<128x16xf32, #tpu.memory_space<hbm>>
      %dma_wait3A_52 = arith.constant 0 : i32
      %dma_wait3A_53 = arith.constant 0 : i32
      %dma_wait3A_54 = tpu.memref_slice %arg5[%add3A_34, %dma_wait3A_52, %dma_wait3A_53] : memref<1280x128x16xf32, #tpu.memory_space<hbm>> -> memref<1x128x16xf32, #tpu.memory_space<hbm>>
      %dma_wait3A_55 = tpu.memref_squeeze %dma_wait3A_54 : memref<1x128x16xf32, #tpu.memory_space<hbm>> -> memref<128x16xf32, #tpu.memory_space<hbm>>
      tpu.wait_dma2 semaphore(%arg14 : memref<!tpu.dma_semaphore, #tpu.memory_space<semaphore_mem>>) src(%dma_wait3A_55 : memref<128x16xf32, #tpu.memory_space<hbm>>) dst(%arg11 : memref<128x16xf32, #tpu.memory_space<vmem>>)
      %scan3A_56 = arith.constant 0 : i32
      %scan3A_57 = arith.constant 128 : i32
      %scan3A_58 = arith.addi %scan3A_56, %scan3A_57 : i32
      %scan3A_59 = arith.constant 1 : i32
      %scan3A_60:8 = scf.for %scan3A_62 = %scan3A_56 to %scan3A_58 step %scan3A_59 iter_args(%scan3A_63 = %scan3A_19, %scan3A_64 = %scan3A_20, %scan3A_65 = %scan3A_21, %scan3A_66 = %scan3A_22, %scan3A_67 = %scan3A_23, %scan3A_68 = %scan3A_24, %scan3A_69 = %scan3A_25, %scan3A_70 = %scan3A_26) -> (vector<16xf32>, vector<16xf32>, vector<16xf32>, vector<16xf32>, vector<16xf32>, vector<16xf32>, vector<16xf32>, vector<16xf32>)  : i32 {
        %get3A = arith.index_cast %scan3A_62 : i32 to index
        %get3A_71 = arith.constant 0 : index
        %get3A_72 = tpu.vector_load %arg11[%get3A, %get3A_71] {strides = array<i32>} : memref<128x16xf32, #tpu.memory_space<vmem>>, vector<1x16xf32>,
        %get3A_73 = vector.shape_cast %get3A_72 : vector<1x16xf32> to vector<16xf32>
        %get3A_74 = arith.index_cast %scan3A_62 : i32 to index
        %get3A_75 = arith.constant 0 : index
        %get3A_76 = tpu.vector_load %arg10[%get3A_74, %get3A_75] {strides = array<i32>} : memref<128x128xf32, #tpu.memory_space<vmem>>, vector<1x16xf32>,
        %get3A_77 = vector.shape_cast %get3A_76 : vector<1x16xf32> to vector<16xf32>
        %mul3A_78 = arith.mulf %get3A_73, %scan3A_63 : vector<16xf32>
        %add3A_79 = arith.addf %get3A_77, %mul3A_78 : vector<16xf32>
        %swap3A = arith.index_cast %scan3A_62 : i32 to index
        %swap3A_80 = arith.constant 0 : index
        %swap3A_81 = tpu.vector_load %arg10[%swap3A, %swap3A_80] {strides = array<i32>} : memref<128x128xf32, #tpu.memory_space<vmem>>, vector<1x16xf32>,
        %swap3A_82 = vector.shape_cast %swap3A_81 : vector<1x16xf32> to vector<16xf32>
        %swap3A_83 = vector.shape_cast %add3A_79 : vector<16xf32> to vector<1x16xf32>
        tpu.vector_store %arg10[%swap3A, %swap3A_80], %swap3A_83 {strides = array<i32>} : memref<128x128xf32, #tpu.memory_space<vmem>>, vector<1x16xf32>,
        %get3A_84 = arith.index_cast %scan3A_62 : i32 to index
        %get3A_85 = arith.constant 16 : index
        %get3A_86 = tpu.vector_load %arg10[%get3A_84, %get3A_85] {strides = array<i32>} : memref<128x128xf32, #tpu.memory_space<vmem>>, vector<1x16xf32>,
        %get3A_87 = vector.shape_cast %get3A_86 : vector<1x16xf32> to vector<16xf32>
        %mul3A_88 = arith.mulf %get3A_73, %scan3A_64 : vector<16xf32>
        %add3A_89 = arith.addf %get3A_87, %mul3A_88 : vector<16xf32>
        %swap3A_90 = arith.index_cast %scan3A_62 : i32 to index
        %swap3A_91 = arith.constant 16 : index
        %swap3A_92 = tpu.vector_load %arg10[%swap3A_90, %swap3A_91] {strides = array<i32>} : memref<128x128xf32, #tpu.memory_space<vmem>>, vector<1x16xf32>,
        %swap3A_93 = vector.shape_cast %swap3A_92 : vector<1x16xf32> to vector<16xf32>
        %swap3A_94 = vector.shape_cast %add3A_89 : vector<16xf32> to vector<1x16xf32>
        tpu.vector_store %arg10[%swap3A_90, %swap3A_91], %swap3A_94 {strides = array<i32>} : memref<128x128xf32, #tpu.memory_space<vmem>>, vector<1x16xf32>,
        %get3A_95 = arith.index_cast %scan3A_62 : i32 to index
        %get3A_96 = arith.constant 32 : index
        %get3A_97 = tpu.vector_load %arg10[%get3A_95, %get3A_96] {strides = array<i32>} : memref<128x128xf32, #tpu.memory_space<vmem>>, vector<1x16xf32>,
        %get3A_98 = vector.shape_cast %get3A_97 : vector<1x16xf32> to vector<16xf32>
        %mul3A_99 = arith.mulf %get3A_73, %scan3A_65 : vector<16xf32>
        %add3A_100 = arith.addf %get3A_98, %mul3A_99 : vector<16xf32>
        %swap3A_101 = arith.index_cast %scan3A_62 : i32 to index
        %swap3A_102 = arith.constant 32 : index
        %swap3A_103 = tpu.vector_load %arg10[%swap3A_101, %swap3A_102] {strides = array<i32>} : memref<128x128xf32, #tpu.memory_space<vmem>>, vector<1x16xf32>,
        %swap3A_104 = vector.shape_cast %swap3A_103 : vector<1x16xf32> to vector<16xf32>
        %swap3A_105 = vector.shape_cast %add3A_100 : vector<16xf32> to vector<1x16xf32>
        tpu.vector_store %arg10[%swap3A_101, %swap3A_102], %swap3A_105 {strides = array<i32>} : memref<128x128xf32, #tpu.memory_space<vmem>>, vector<1x16xf32>,
        %get3A_106 = arith.index_cast %scan3A_62 : i32 to index
        %get3A_107 = arith.constant 48 : index
        %get3A_108 = tpu.vector_load %arg10[%get3A_106, %get3A_107] {strides = array<i32>} : memref<128x128xf32, #tpu.memory_space<vmem>>, vector<1x16xf32>,
        %get3A_109 = vector.shape_cast %get3A_108 : vector<1x16xf32> to vector<16xf32>
        %mul3A_110 = arith.mulf %get3A_73, %scan3A_66 : vector<16xf32>
        %add3A_111 = arith.addf %get3A_109, %mul3A_110 : vector<16xf32>
        %swap3A_112 = arith.index_cast %scan3A_62 : i32 to index
        %swap3A_113 = arith.constant 48 : index
        %swap3A_114 = tpu.vector_load %arg10[%swap3A_112, %swap3A_113] {strides = array<i32>} : memref<128x128xf32, #tpu.memory_space<vmem>>, vector<1x16xf32>,
        %swap3A_115 = vector.shape_cast %swap3A_114 : vector<1x16xf32> to vector<16xf32>
        %swap3A_116 = vector.shape_cast %add3A_111 : vector<16xf32> to vector<1x16xf32>
        tpu.vector_store %arg10[%swap3A_112, %swap3A_113], %swap3A_116 {strides = array<i32>} : memref<128x128xf32, #tpu.memory_space<vmem>>, vector<1x16xf32>,
        %get3A_117 = arith.index_cast %scan3A_62 : i32 to index
        %get3A_118 = arith.constant 64 : index
        %get3A_119 = tpu.vector_load %arg10[%get3A_117, %get3A_118] {strides = array<i32>} : memref<128x128xf32, #tpu.memory_space<vmem>>, vector<1x16xf32>,
        %get3A_120 = vector.shape_cast %get3A_119 : vector<1x16xf32> to vector<16xf32>
        %mul3A_121 = arith.mulf %get3A_73, %scan3A_67 : vector<16xf32>
        %add3A_122 = arith.addf %get3A_120, %mul3A_121 : vector<16xf32>
        %swap3A_123 = arith.index_cast %scan3A_62 : i32 to index
        %swap3A_124 = arith.constant 64 : index
        %swap3A_125 = tpu.vector_load %arg10[%swap3A_123, %swap3A_124] {strides = array<i32>} : memref<128x128xf32, #tpu.memory_space<vmem>>, vector<1x16xf32>,
        %swap3A_126 = vector.shape_cast %swap3A_125 : vector<1x16xf32> to vector<16xf32>
        %swap3A_127 = vector.shape_cast %add3A_122 : vector<16xf32> to vector<1x16xf32>
        tpu.vector_store %arg10[%swap3A_123, %swap3A_124], %swap3A_127 {strides = array<i32>} : memref<128x128xf32, #tpu.memory_space<vmem>>, vector<1x16xf32>,
        %get3A_128 = arith.index_cast %scan3A_62 : i32 to index
        %get3A_129 = arith.constant 80 : index
        %get3A_130 = tpu.vector_load %arg10[%get3A_128, %get3A_129] {strides = array<i32>} : memref<128x128xf32, #tpu.memory_space<vmem>>, vector<1x16xf32>,
        %get3A_131 = vector.shape_cast %get3A_130 : vector<1x16xf32> to vector<16xf32>
        %mul3A_132 = arith.mulf %get3A_73, %scan3A_68 : vector<16xf32>
        %add3A_133 = arith.addf %get3A_131, %mul3A_132 : vector<16xf32>
        %swap3A_134 = arith.index_cast %scan3A_62 : i32 to index
        %swap3A_135 = arith.constant 80 : index
        %swap3A_136 = tpu.vector_load %arg10[%swap3A_134, %swap3A_135] {strides = array<i32>} : memref<128x128xf32, #tpu.memory_space<vmem>>, vector<1x16xf32>,
        %swap3A_137 = vector.shape_cast %swap3A_136 : vector<1x16xf32> to vector<16xf32>
        %swap3A_138 = vector.shape_cast %add3A_133 : vector<16xf32> to vector<1x16xf32>
        tpu.vector_store %arg10[%swap3A_134, %swap3A_135], %swap3A_138 {strides = array<i32>} : memref<128x128xf32, #tpu.memory_space<vmem>>, vector<1x16xf32>,
        %get3A_139 = arith.index_cast %scan3A_62 : i32 to index
        %get3A_140 = arith.constant 96 : index
        %get3A_141 = tpu.vector_load %arg10[%get3A_139, %get3A_140] {strides = array<i32>} : memref<128x128xf32, #tpu.memory_space<vmem>>, vector<1x16xf32>,
        %get3A_142 = vector.shape_cast %get3A_141 : vector<1x16xf32> to vector<16xf32>
        %mul3A_143 = arith.mulf %get3A_73, %scan3A_69 : vector<16xf32>
        %add3A_144 = arith.addf %get3A_142, %mul3A_143 : vector<16xf32>
        %swap3A_145 = arith.index_cast %scan3A_62 : i32 to index
        %swap3A_146 = arith.constant 96 : index
        %swap3A_147 = tpu.vector_load %arg10[%swap3A_145, %swap3A_146] {strides = array<i32>} : memref<128x128xf32, #tpu.memory_space<vmem>>, vector<1x16xf32>,
        %swap3A_148 = vector.shape_cast %swap3A_147 : vector<1x16xf32> to vector<16xf32>
        %swap3A_149 = vector.shape_cast %add3A_144 : vector<16xf32> to vector<1x16xf32>
        tpu.vector_store %arg10[%swap3A_145, %swap3A_146], %swap3A_149 {strides = array<i32>} : memref<128x128xf32, #tpu.memory_space<vmem>>, vector<1x16xf32>,
        %get3A_150 = arith.index_cast %scan3A_62 : i32 to index
        %get3A_151 = arith.constant 112 : index
        %get3A_152 = tpu.vector_load %arg10[%get3A_150, %get3A_151] {strides = array<i32>} : memref<128x128xf32, #tpu.memory_space<vmem>>, vector<1x16xf32>,
        %get3A_153 = vector.shape_cast %get3A_152 : vector<1x16xf32> to vector<16xf32>
        %mul3A_154 = arith.mulf %get3A_73, %scan3A_70 : vector<16xf32>
        %add3A_155 = arith.addf %get3A_153, %mul3A_154 : vector<16xf32>
        %swap3A_156 = arith.index_cast %scan3A_62 : i32 to index
        %swap3A_157 = arith.constant 112 : index
        %swap3A_158 = tpu.vector_load %arg10[%swap3A_156, %swap3A_157] {strides = array<i32>} : memref<128x128xf32, #tpu.memory_space<vmem>>, vector<1x16xf32>,
        %swap3A_159 = vector.shape_cast %swap3A_158 : vector<1x16xf32> to vector<16xf32>
        %swap3A_160 = vector.shape_cast %add3A_155 : vector<16xf32> to vector<1x16xf32>
        tpu.vector_store %arg10[%swap3A_156, %swap3A_157], %swap3A_160 {strides = array<i32>} : memref<128x128xf32, #tpu.memory_space<vmem>>, vector<1x16xf32>,
        scf.yield %add3A_79, %add3A_89, %add3A_100, %add3A_111, %add3A_122, %add3A_133, %add3A_144, %add3A_155 : vector<16xf32>, vector<16xf32>, vector<16xf32>, vector<16xf32>, vector<16xf32>, vector<16xf32>, vector<16xf32>, vector<16xf32>
      }
      %scan3A_61 = arith.constant 128 : i32
      "tpu.region"() ({
        %run_scoped3A = tpu.sem_alloc : memref<!tpu.dma_semaphore, #tpu.memory_space<semaphore_mem>>
        %dma_start3A_62 = arith.constant 0 : i32
        %dma_start3A_63 = tpu.memref_slice %arg9[%scan3A_18, %dma_start3A_62] : memref<40x128xi32, #tpu.memory_space<vmem>> -> memref<1x128xi32, #tpu.memory_space<vmem>>
        %dma_start3A_64 = tpu.memref_squeeze %dma_start3A_63 : memref<1x128xi32, #tpu.memory_space<vmem>> -> memref<128xi32, #tpu.memory_space<vmem>>
        %dma_start3A_65 = arith.constant 0 : i32
        %dma_start3A_66 = arith.constant 0 : i32
        %dma_start3A_67 = tpu.memref_slice %arg12[%dma_start3A_65, %dma_start3A_66] : memref<10144x128xf32, #tpu.memory_space<vmem_shared>> -> memref<10144x128xf32, #tpu.memory_space<vmem_shared>>
        tpu.enqueue_indirect_dma source(%arg10 : memref<128x128xf32, #tpu.memory_space<vmem>>) target(%dma_start3A_67 : memref<10144x128xf32, #tpu.memory_space<vmem_shared>>) offsets(%dma_start3A_64 : memref<128xi32, #tpu.memory_space<vmem>>) semaphore(%run_scoped3A : memref<!tpu.dma_semaphore, #tpu.memory_space<semaphore_mem>>)
        %dma_wait3A_68 = arith.constant 0 : i32
        %dma_wait3A_69 = tpu.memref_slice %arg9[%scan3A_18, %dma_wait3A_68] : memref<40x128xi32, #tpu.memory_space<vmem>> -> memref<1x128xi32, #tpu.memory_space<vmem>>
        %dma_wait3A_70 = tpu.memref_squeeze %dma_wait3A_69 : memref<1x128xi32, #tpu.memory_space<vmem>> -> memref<128xi32, #tpu.memory_space<vmem>>
        %dma_wait3A_71 = arith.constant 0 : i32
        %dma_wait3A_72 = arith.constant 0 : i32
        %dma_wait3A_73 = tpu.memref_slice %arg12[%dma_wait3A_71, %dma_wait3A_72] : memref<10144x128xf32, #tpu.memory_space<vmem_shared>> -> memref<10144x128xf32, #tpu.memory_space<vmem_shared>>
        tpu.wait_indirect_dma semaphore(%run_scoped3A : memref<!tpu.dma_semaphore, #tpu.memory_space<semaphore_mem>>) src(%arg10 : memref<128x128xf32, #tpu.memory_space<vmem>>) dst(%dma_wait3A_73 : memref<10144x128xf32, #tpu.memory_space<vmem_shared>>)
        tpu.yield
      }) : () -> ()
      scf.yield %scan3A_60#0, %scan3A_60#1, %scan3A_60#2, %scan3A_60#3, %scan3A_60#4, %scan3A_60#5, %scan3A_60#6, %scan3A_60#7 : vector<16xf32>, vector<16xf32>, vector<16xf32>, vector<16xf32>, vector<16xf32>, vector<16xf32>, vector<16xf32>, vector<16xf32>
    }
    %scan3A_12 = arith.constant 40 : i32
    %barrier3A_13 = arith.constant 0 : index
    tpu.barrier barrier_id(%barrier3A_13)
    %mul3A_14 = arith.constant 624 : i32
    %mul3A_15 = arith.muli %arg1, %mul3A_14 : i32
    %mul3A_16 = arith.constant 624 : i32
    %mul3A_17 = arith.muli %arg1, %mul3A_16 : i32
    "tpu.region"() ({
      %run_scoped3A = tpu.sem_alloc : memref<!tpu.dma_semaphore, #tpu.memory_space<semaphore_mem>>
      %dma_start3A = arith.constant 0 : i32
      %dma_start3A_18 = arith.constant 0 : i32
      %dma_start3A_19 = tpu.memref_slice %arg7[%arg0, %dma_start3A, %dma_start3A_18] : memref<2x10000x128xf32, #tpu.memory_space<hbm>> -> memref<1x10000x128xf32, #tpu.memory_space<hbm>>
      %dma_start3A_20 = tpu.memref_squeeze %dma_start3A_19 : memref<1x10000x128xf32, #tpu.memory_space<hbm>> -> memref<10000x128xf32, #tpu.memory_space<hbm>>
      %dma_start3A_21 = arith.constant 0 : i32
      %dma_start3A_22 = tpu.memref_slice %dma_start3A_20[%mul3A_17, %dma_start3A_21] : memref<10000x128xf32, #tpu.memory_space<hbm>> -> memref<640x128xf32, #tpu.memory_space<hbm>>
      %dma_start3A_23 = arith.constant 0 : i32
      %dma_start3A_24 = tpu.memref_slice %arg12[%mul3A_15, %dma_start3A_23] : memref<10144x128xf32, #tpu.memory_space<vmem_shared>> -> memref<640x128xf32, #tpu.memory_space<vmem_shared>>
      tpu.enqueue_dma source(%dma_start3A_24 : memref<640x128xf32, #tpu.memory_space<vmem_shared>>) target(%dma_start3A_22 : memref<640x128xf32, #tpu.memory_space<hbm>>) target_semaphore(%run_scoped3A : memref<!tpu.dma_semaphore, #tpu.memory_space<semaphore_mem>>)
      %dma_wait3A = arith.constant 0 : i32
      %dma_wait3A_25 = arith.constant 0 : i32
      %dma_wait3A_26 = tpu.memref_slice %arg7[%arg0, %dma_wait3A, %dma_wait3A_25] : memref<2x10000x128xf32, #tpu.memory_space<hbm>> -> memref<1x10000x128xf32, #tpu.memory_space<hbm>>
      %dma_wait3A_27 = tpu.memref_squeeze %dma_wait3A_26 : memref<1x10000x128xf32, #tpu.memory_space<hbm>> -> memref<10000x128xf32, #tpu.memory_space<hbm>>
      %dma_wait3A_28 = arith.constant 0 : i32
      %dma_wait3A_29 = tpu.memref_slice %dma_wait3A_27[%mul3A_17, %dma_wait3A_28] : memref<10000x128xf32, #tpu.memory_space<hbm>> -> memref<640x128xf32, #tpu.memory_space<hbm>>
      %dma_wait3A_30 = arith.constant 0 : i32
      %dma_wait3A_31 = tpu.memref_slice %arg12[%mul3A_15, %dma_wait3A_30] : memref<10144x128xf32, #tpu.memory_space<vmem_shared>> -> memref<640x128xf32, #tpu.memory_space<vmem_shared>>
      tpu.wait_dma2 semaphore(%run_scoped3A : memref<!tpu.dma_semaphore, #tpu.memory_space<semaphore_mem>>) src(%dma_wait3A_31 : memref<640x128xf32, #tpu.memory_space<vmem_shared>>) dst(%dma_wait3A_29 : memref<640x128xf32, #tpu.memory_space<hbm>>)
      tpu.yield
    }) : () -> ()
    return
  }
}

#map = affine_map<(d0, d1) -> (0, 0)>
#map1 = affine_map<(d0, d1) -> (0, 0, 0)>
module attributes {stable_mosaic.version = 14 : i64} {
  func.func @_sc_body(%arg0: i32, %arg1: i32, %arg2: memref<30000x128xf32, #tpu.memory_space<hbm>>, %arg3: memref<1280x128xi32, #tpu.memory_space<hbm>>, %arg4: memref<1280x128xi32, #tpu.memory_space<hbm>>, %arg5: memref<1280x128x16xf32, #tpu.memory_space<hbm>>, %arg6: memref<656x128xf32, #tpu.memory_space<hbm>>, %arg7: memref<2x10000x128xf32, #tpu.memory_space<hbm>>, %arg8: memref<40x128xi32, #tpu.memory_space<vmem>>, %arg9: memref<40x128xi32, #tpu.memory_space<vmem>>, %arg10: memref<128x128xf32, #tpu.memory_space<vmem>>, %arg11: memref<128x16xf32, #tpu.memory_space<vmem>>, %arg12: memref<10144x128xf32, #tpu.memory_space<vmem_shared>>, %arg13: memref<!tpu.dma_semaphore, #tpu.memory_space<semaphore_mem>>, %arg14: memref<!tpu.dma_semaphore, #tpu.memory_space<semaphore_mem>>) attributes {dimension_semantics = [#tpu.dimension_semantics<core_parallel>, #tpu.dimension_semantics<subcore_parallel>], iteration_bounds = array<i64: 2, 16>, scalar_prefetch = 0 : i64, scratch_operands = 7 : i64, tpu.core_type = #tpu.core_type<sc_vector_subcore>, window_params = [{transform_indices = #map}, {transform_indices = #map}, {transform_indices = #map}, {transform_indices = #map1}, {transform_indices = #map}, {transform_indices = #map1}]} {
    %mul3A = arith.constant 2 : i32
    %mul3A_0 = arith.muli %arg1, %mul3A : i32
    %add3A = arith.addi %mul3A_0, %arg0 : i32
    %mul3A_1 = arith.constant 624 : i32
    %mul3A_2 = arith.muli %arg1, %mul3A_1 : i32
    "tpu.region"() ({
      %run_scoped3A = tpu.sem_alloc : memref<!tpu.dma_semaphore, #tpu.memory_space<semaphore_mem>>
      %dma_start3A = arith.constant 0 : i32
      %dma_start3A_18 = tpu.memref_slice %arg12[%mul3A_2, %dma_start3A] : memref<10144x128xf32, #tpu.memory_space<vmem_shared>> -> memref<656x128xf32, #tpu.memory_space<vmem_shared>>
      tpu.enqueue_dma source(%arg6 : memref<656x128xf32, #tpu.memory_space<hbm>>) target(%dma_start3A_18 : memref<656x128xf32, #tpu.memory_space<vmem_shared>>) target_semaphore(%run_scoped3A : memref<!tpu.dma_semaphore, #tpu.memory_space<semaphore_mem>>)
      %dma_wait3A = arith.constant 0 : i32
      %dma_wait3A_19 = tpu.memref_slice %arg12[%mul3A_2, %dma_wait3A] : memref<10144x128xf32, #tpu.memory_space<vmem_shared>> -> memref<656x128xf32, #tpu.memory_space<vmem_shared>>
      tpu.wait_dma2 semaphore(%run_scoped3A : memref<!tpu.dma_semaphore, #tpu.memory_space<semaphore_mem>>) src(%arg6 : memref<656x128xf32, #tpu.memory_space<hbm>>) dst(%dma_wait3A_19 : memref<656x128xf32, #tpu.memory_space<vmem_shared>>)
      tpu.yield
    }) : () -> ()
    %mul3A_3 = arith.constant 40 : i32
    %mul3A_4 = arith.muli %add3A, %mul3A_3 : i32
    "tpu.region"() ({
      %run_scoped3A = tpu.sem_alloc : memref<!tpu.dma_semaphore, #tpu.memory_space<semaphore_mem>>
      %dma_start3A = arith.constant 0 : i32
      %dma_start3A_18 = tpu.memref_slice %arg3[%mul3A_4, %dma_start3A] : memref<1280x128xi32, #tpu.memory_space<hbm>> -> memref<40x128xi32, #tpu.memory_space<hbm>>
      %dma_start3A_19 = arith.constant 0 : i32
      %dma_start3A_20 = tpu.memref_slice %arg3[%mul3A_4, %dma_start3A_19] : memref<1280x128xi32, #tpu.memory_space<hbm>> -> memref<40x128xi32, #tpu.memory_space<hbm>>
      tpu.enqueue_dma source(%dma_start3A_20 : memref<40x128xi32, #tpu.memory_space<hbm>>) target(%arg8 : memref<40x128xi32, #tpu.memory_space<vmem>>) target_semaphore(%run_scoped3A : memref<!tpu.dma_semaphore, #tpu.memory_space<semaphore_mem>>)
      %dma_wait3A = arith.constant 0 : i32
      %dma_wait3A_21 = tpu.memref_slice %arg3[%mul3A_4, %dma_wait3A] : memref<1280x128xi32, #tpu.memory_space<hbm>> -> memref<40x128xi32, #tpu.memory_space<hbm>>
      %dma_wait3A_22 = arith.constant 0 : i32
      %dma_wait3A_23 = tpu.memref_slice %arg3[%mul3A_4, %dma_wait3A_22] : memref<1280x128xi32, #tpu.memory_space<hbm>> -> memref<40x128xi32, #tpu.memory_space<hbm>>
      tpu.wait_dma2 semaphore(%run_scoped3A : memref<!tpu.dma_semaphore, #tpu.memory_space<semaphore_mem>>) src(%dma_wait3A_23 : memref<40x128xi32, #tpu.memory_space<hbm>>) dst(%arg8 : memref<40x128xi32, #tpu.memory_space<vmem>>)
      tpu.yield
    }) : () -> ()
    %mul3A_5 = arith.constant 40 : i32
    %mul3A_6 = arith.muli %add3A, %mul3A_5 : i32
    "tpu.region"() ({
      %run_scoped3A = tpu.sem_alloc : memref<!tpu.dma_semaphore, #tpu.memory_space<semaphore_mem>>
      %dma_start3A = arith.constant 0 : i32
      %dma_start3A_18 = tpu.memref_slice %arg4[%mul3A_6, %dma_start3A] : memref<1280x128xi32, #tpu.memory_space<hbm>> -> memref<40x128xi32, #tpu.memory_space<hbm>>
      %dma_start3A_19 = arith.constant 0 : i32
      %dma_start3A_20 = tpu.memref_slice %arg4[%mul3A_6, %dma_start3A_19] : memref<1280x128xi32, #tpu.memory_space<hbm>> -> memref<40x128xi32, #tpu.memory_space<hbm>>
      tpu.enqueue_dma source(%dma_start3A_20 : memref<40x128xi32, #tpu.memory_space<hbm>>) target(%arg9 : memref<40x128xi32, #tpu.memory_space<vmem>>) target_semaphore(%run_scoped3A : memref<!tpu.dma_semaphore, #tpu.memory_space<semaphore_mem>>)
      %dma_wait3A = arith.constant 0 : i32
      %dma_wait3A_21 = tpu.memref_slice %arg4[%mul3A_6, %dma_wait3A] : memref<1280x128xi32, #tpu.memory_space<hbm>> -> memref<40x128xi32, #tpu.memory_space<hbm>>
      %dma_wait3A_22 = arith.constant 0 : i32
      %dma_wait3A_23 = tpu.memref_slice %arg4[%mul3A_6, %dma_wait3A_22] : memref<1280x128xi32, #tpu.memory_space<hbm>> -> memref<40x128xi32, #tpu.memory_space<hbm>>
      tpu.wait_dma2 semaphore(%run_scoped3A : memref<!tpu.dma_semaphore, #tpu.memory_space<semaphore_mem>>) src(%dma_wait3A_23 : memref<40x128xi32, #tpu.memory_space<hbm>>) dst(%arg9 : memref<40x128xi32, #tpu.memory_space<vmem>>)
      tpu.yield
    }) : () -> ()
    %barrier3A = arith.constant 0 : index
    tpu.barrier barrier_id(%barrier3A)
    %broadcast_in_dim3A = arith.constant 0.000000e+00 : f32
    %broadcast_in_dim3A_7 = vector.broadcast %broadcast_in_dim3A : f32 to vector<16xf32>
    %scan3A = arith.constant 0 : i32
    %scan3A_8 = arith.constant 40 : i32
    %scan3A_9 = arith.addi %scan3A, %scan3A_8 : i32
    %scan3A_10 = arith.constant 1 : i32
    %scan3A_11:8 = scf.for %scan3A_18 = %scan3A to %scan3A_9 step %scan3A_10 iter_args(%scan3A_19 = %broadcast_in_dim3A_7, %scan3A_20 = %broadcast_in_dim3A_7, %scan3A_21 = %broadcast_in_dim3A_7, %scan3A_22 = %broadcast_in_dim3A_7, %scan3A_23 = %broadcast_in_dim3A_7, %scan3A_24 = %broadcast_in_dim3A_7, %scan3A_25 = %broadcast_in_dim3A_7, %scan3A_26 = %broadcast_in_dim3A_7) -> (vector<16xf32>, vector<16xf32>, vector<16xf32>, vector<16xf32>, vector<16xf32>, vector<16xf32>, vector<16xf32>, vector<16xf32>)  : i32 {
      %dma_start3A = arith.constant 0 : i32
      %dma_start3A_27 = tpu.memref_slice %arg8[%scan3A_18, %dma_start3A] : memref<40x128xi32, #tpu.memory_space<vmem>> -> memref<1x128xi32, #tpu.memory_space<vmem>>
      %dma_start3A_28 = tpu.memref_squeeze %dma_start3A_27 : memref<1x128xi32, #tpu.memory_space<vmem>> -> memref<128xi32, #tpu.memory_space<vmem>>
      %dma_start3A_29 = arith.constant 0 : i32
      %dma_start3A_30 = arith.constant 0 : i32
      %dma_start3A_31 = tpu.memref_slice %arg2[%dma_start3A_29, %dma_start3A_30] : memref<30000x128xf32, #tpu.memory_space<hbm>> -> memref<30000x128xf32, #tpu.memory_space<hbm>>
      tpu.enqueue_indirect_dma source(%dma_start3A_31 : memref<30000x128xf32, #tpu.memory_space<hbm>>) target(%arg10 : memref<128x128xf32, #tpu.memory_space<vmem>>) offsets(%dma_start3A_28 : memref<128xi32, #tpu.memory_space<vmem>>) semaphore(%arg13 : memref<!tpu.dma_semaphore, #tpu.memory_space<semaphore_mem>>)
      %mul3A_32 = arith.constant 40 : i32
      %mul3A_33 = arith.muli %add3A, %mul3A_32 : i32
      %add3A_34 = arith.addi %mul3A_33, %scan3A_18 : i32
      %dma_start3A_35 = arith.constant 0 : i32
      %dma_start3A_36 = arith.constant 0 : i32
      %dma_start3A_37 = tpu.memref_slice %arg5[%add3A_34, %dma_start3A_35, %dma_start3A_36] : memref<1280x128x16xf32, #tpu.memory_space<hbm>> -> memref<1x128x16xf32, #tpu.memory_space<hbm>>
      %dma_start3A_38 = tpu.memref_squeeze %dma_start3A_37 : memref<1x128x16xf32, #tpu.memory_space<hbm>> -> memref<128x16xf32, #tpu.memory_space<hbm>>
      %dma_start3A_39 = arith.constant 0 : i32
      %dma_start3A_40 = arith.constant 0 : i32
      %dma_start3A_41 = tpu.memref_slice %arg5[%add3A_34, %dma_start3A_39, %dma_start3A_40] : memref<1280x128x16xf32, #tpu.memory_space<hbm>> -> memref<1x128x16xf32, #tpu.memory_space<hbm>>
      %dma_start3A_42 = tpu.memref_squeeze %dma_start3A_41 : memref<1x128x16xf32, #tpu.memory_space<hbm>> -> memref<128x16xf32, #tpu.memory_space<hbm>>
      tpu.enqueue_dma source(%dma_start3A_42 : memref<128x16xf32, #tpu.memory_space<hbm>>) target(%arg11 : memref<128x16xf32, #tpu.memory_space<vmem>>) target_semaphore(%arg14 : memref<!tpu.dma_semaphore, #tpu.memory_space<semaphore_mem>>)
      %dma_wait3A = arith.constant 0 : i32
      %dma_wait3A_43 = tpu.memref_slice %arg8[%scan3A_18, %dma_wait3A] : memref<40x128xi32, #tpu.memory_space<vmem>> -> memref<1x128xi32, #tpu.memory_space<vmem>>
      %dma_wait3A_44 = tpu.memref_squeeze %dma_wait3A_43 : memref<1x128xi32, #tpu.memory_space<vmem>> -> memref<128xi32, #tpu.memory_space<vmem>>
      %dma_wait3A_45 = arith.constant 0 : i32
      %dma_wait3A_46 = arith.constant 0 : i32
      %dma_wait3A_47 = tpu.memref_slice %arg2[%dma_wait3A_45, %dma_wait3A_46] : memref<30000x128xf32, #tpu.memory_space<hbm>> -> memref<30000x128xf32, #tpu.memory_space<hbm>>
      tpu.wait_indirect_dma semaphore(%arg13 : memref<!tpu.dma_semaphore, #tpu.memory_space<semaphore_mem>>) src(%dma_wait3A_47 : memref<30000x128xf32, #tpu.memory_space<hbm>>) dst(%arg10 : memref<128x128xf32, #tpu.memory_space<vmem>>)
      %dma_wait3A_48 = arith.constant 0 : i32
      %dma_wait3A_49 = arith.constant 0 : i32
      %dma_wait3A_50 = tpu.memref_slice %arg5[%add3A_34, %dma_wait3A_48, %dma_wait3A_49] : memref<1280x128x16xf32, #tpu.memory_space<hbm>> -> memref<1x128x16xf32, #tpu.memory_space<hbm>>
      %dma_wait3A_51 = tpu.memref_squeeze %dma_wait3A_50 : memref<1x128x16xf32, #tpu.memory_space<hbm>> -> memref<128x16xf32, #tpu.memory_space<hbm>>
      %dma_wait3A_52 = arith.constant 0 : i32
      %dma_wait3A_53 = arith.constant 0 : i32
      %dma_wait3A_54 = tpu.memref_slice %arg5[%add3A_34, %dma_wait3A_52, %dma_wait3A_53] : memref<1280x128x16xf32, #tpu.memory_space<hbm>> -> memref<1x128x16xf32, #tpu.memory_space<hbm>>
      %dma_wait3A_55 = tpu.memref_squeeze %dma_wait3A_54 : memref<1x128x16xf32, #tpu.memory_space<hbm>> -> memref<128x16xf32, #tpu.memory_space<hbm>>
      tpu.wait_dma2 semaphore(%arg14 : memref<!tpu.dma_semaphore, #tpu.memory_space<semaphore_mem>>) src(%dma_wait3A_55 : memref<128x16xf32, #tpu.memory_space<hbm>>) dst(%arg11 : memref<128x16xf32, #tpu.memory_space<vmem>>)
      %scan3A_56 = arith.constant 0 : i32
      %scan3A_57 = arith.constant 128 : i32
      %scan3A_58 = arith.addi %scan3A_56, %scan3A_57 : i32
      %scan3A_59 = arith.constant 1 : i32
      %scan3A_60:8 = scf.for %scan3A_62 = %scan3A_56 to %scan3A_58 step %scan3A_59 iter_args(%scan3A_63 = %scan3A_19, %scan3A_64 = %scan3A_20, %scan3A_65 = %scan3A_21, %scan3A_66 = %scan3A_22, %scan3A_67 = %scan3A_23, %scan3A_68 = %scan3A_24, %scan3A_69 = %scan3A_25, %scan3A_70 = %scan3A_26) -> (vector<16xf32>, vector<16xf32>, vector<16xf32>, vector<16xf32>, vector<16xf32>, vector<16xf32>, vector<16xf32>, vector<16xf32>)  : i32 {
        %get3A = arith.index_cast %scan3A_62 : i32 to index
        %get3A_71 = arith.constant 0 : index
        %get3A_72 = tpu.vector_load %arg11[%get3A, %get3A_71] {strides = array<i32>} : memref<128x16xf32, #tpu.memory_space<vmem>>, vector<1x16xf32>,
        %get3A_73 = vector.shape_cast %get3A_72 : vector<1x16xf32> to vector<16xf32>
        %get3A_74 = arith.index_cast %scan3A_62 : i32 to index
        %get3A_75 = arith.constant 0 : index
        %get3A_76 = tpu.vector_load %arg10[%get3A_74, %get3A_75] {strides = array<i32>} : memref<128x128xf32, #tpu.memory_space<vmem>>, vector<1x16xf32>,
        %get3A_77 = vector.shape_cast %get3A_76 : vector<1x16xf32> to vector<16xf32>
        %mul3A_78 = arith.mulf %get3A_73, %scan3A_63 : vector<16xf32>
        %add3A_79 = arith.addf %get3A_77, %mul3A_78 : vector<16xf32>
        %swap3A = arith.index_cast %scan3A_62 : i32 to index
        %swap3A_80 = arith.constant 0 : index
        %swap3A_81 = tpu.vector_load %arg10[%swap3A, %swap3A_80] {strides = array<i32>} : memref<128x128xf32, #tpu.memory_space<vmem>>, vector<1x16xf32>,
        %swap3A_82 = vector.shape_cast %swap3A_81 : vector<1x16xf32> to vector<16xf32>
        %swap3A_83 = vector.shape_cast %add3A_79 : vector<16xf32> to vector<1x16xf32>
        tpu.vector_store %arg10[%swap3A, %swap3A_80], %swap3A_83 {strides = array<i32>} : memref<128x128xf32, #tpu.memory_space<vmem>>, vector<1x16xf32>,
        %get3A_84 = arith.index_cast %scan3A_62 : i32 to index
        %get3A_85 = arith.constant 16 : index
        %get3A_86 = tpu.vector_load %arg10[%get3A_84, %get3A_85] {strides = array<i32>} : memref<128x128xf32, #tpu.memory_space<vmem>>, vector<1x16xf32>,
        %get3A_87 = vector.shape_cast %get3A_86 : vector<1x16xf32> to vector<16xf32>
        %mul3A_88 = arith.mulf %get3A_73, %scan3A_64 : vector<16xf32>
        %add3A_89 = arith.addf %get3A_87, %mul3A_88 : vector<16xf32>
        %swap3A_90 = arith.index_cast %scan3A_62 : i32 to index
        %swap3A_91 = arith.constant 16 : index
        %swap3A_92 = tpu.vector_load %arg10[%swap3A_90, %swap3A_91] {strides = array<i32>} : memref<128x128xf32, #tpu.memory_space<vmem>>, vector<1x16xf32>,
        %swap3A_93 = vector.shape_cast %swap3A_92 : vector<1x16xf32> to vector<16xf32>
        %swap3A_94 = vector.shape_cast %add3A_89 : vector<16xf32> to vector<1x16xf32>
        tpu.vector_store %arg10[%swap3A_90, %swap3A_91], %swap3A_94 {strides = array<i32>} : memref<128x128xf32, #tpu.memory_space<vmem>>, vector<1x16xf32>,
        %get3A_95 = arith.index_cast %scan3A_62 : i32 to index
        %get3A_96 = arith.constant 32 : index
        %get3A_97 = tpu.vector_load %arg10[%get3A_95, %get3A_96] {strides = array<i32>} : memref<128x128xf32, #tpu.memory_space<vmem>>, vector<1x16xf32>,
        %get3A_98 = vector.shape_cast %get3A_97 : vector<1x16xf32> to vector<16xf32>
        %mul3A_99 = arith.mulf %get3A_73, %scan3A_65 : vector<16xf32>
        %add3A_100 = arith.addf %get3A_98, %mul3A_99 : vector<16xf32>
        %swap3A_101 = arith.index_cast %scan3A_62 : i32 to index
        %swap3A_102 = arith.constant 32 : index
        %swap3A_103 = tpu.vector_load %arg10[%swap3A_101, %swap3A_102] {strides = array<i32>} : memref<128x128xf32, #tpu.memory_space<vmem>>, vector<1x16xf32>,
        %swap3A_104 = vector.shape_cast %swap3A_103 : vector<1x16xf32> to vector<16xf32>
        %swap3A_105 = vector.shape_cast %add3A_100 : vector<16xf32> to vector<1x16xf32>
        tpu.vector_store %arg10[%swap3A_101, %swap3A_102], %swap3A_105 {strides = array<i32>} : memref<128x128xf32, #tpu.memory_space<vmem>>, vector<1x16xf32>,
        %get3A_106 = arith.index_cast %scan3A_62 : i32 to index
        %get3A_107 = arith.constant 48 : index
        %get3A_108 = tpu.vector_load %arg10[%get3A_106, %get3A_107] {strides = array<i32>} : memref<128x128xf32, #tpu.memory_space<vmem>>, vector<1x16xf32>,
        %get3A_109 = vector.shape_cast %get3A_108 : vector<1x16xf32> to vector<16xf32>
        %mul3A_110 = arith.mulf %get3A_73, %scan3A_66 : vector<16xf32>
        %add3A_111 = arith.addf %get3A_109, %mul3A_110 : vector<16xf32>
        %swap3A_112 = arith.index_cast %scan3A_62 : i32 to index
        %swap3A_113 = arith.constant 48 : index
        %swap3A_114 = tpu.vector_load %arg10[%swap3A_112, %swap3A_113] {strides = array<i32>} : memref<128x128xf32, #tpu.memory_space<vmem>>, vector<1x16xf32>,
        %swap3A_115 = vector.shape_cast %swap3A_114 : vector<1x16xf32> to vector<16xf32>
        %swap3A_116 = vector.shape_cast %add3A_111 : vector<16xf32> to vector<1x16xf32>
        tpu.vector_store %arg10[%swap3A_112, %swap3A_113], %swap3A_116 {strides = array<i32>} : memref<128x128xf32, #tpu.memory_space<vmem>>, vector<1x16xf32>,
        %get3A_117 = arith.index_cast %scan3A_62 : i32 to index
        %get3A_118 = arith.constant 64 : index
        %get3A_119 = tpu.vector_load %arg10[%get3A_117, %get3A_118] {strides = array<i32>} : memref<128x128xf32, #tpu.memory_space<vmem>>, vector<1x16xf32>,
        %get3A_120 = vector.shape_cast %get3A_119 : vector<1x16xf32> to vector<16xf32>
        %mul3A_121 = arith.mulf %get3A_73, %scan3A_67 : vector<16xf32>
        %add3A_122 = arith.addf %get3A_120, %mul3A_121 : vector<16xf32>
        %swap3A_123 = arith.index_cast %scan3A_62 : i32 to index
        %swap3A_124 = arith.constant 64 : index
        %swap3A_125 = tpu.vector_load %arg10[%swap3A_123, %swap3A_124] {strides = array<i32>} : memref<128x128xf32, #tpu.memory_space<vmem>>, vector<1x16xf32>,
        %swap3A_126 = vector.shape_cast %swap3A_125 : vector<1x16xf32> to vector<16xf32>
        %swap3A_127 = vector.shape_cast %add3A_122 : vector<16xf32> to vector<1x16xf32>
        tpu.vector_store %arg10[%swap3A_123, %swap3A_124], %swap3A_127 {strides = array<i32>} : memref<128x128xf32, #tpu.memory_space<vmem>>, vector<1x16xf32>,
        %get3A_128 = arith.index_cast %scan3A_62 : i32 to index
        %get3A_129 = arith.constant 80 : index
        %get3A_130 = tpu.vector_load %arg10[%get3A_128, %get3A_129] {strides = array<i32>} : memref<128x128xf32, #tpu.memory_space<vmem>>, vector<1x16xf32>,
        %get3A_131 = vector.shape_cast %get3A_130 : vector<1x16xf32> to vector<16xf32>
        %mul3A_132 = arith.mulf %get3A_73, %scan3A_68 : vector<16xf32>
        %add3A_133 = arith.addf %get3A_131, %mul3A_132 : vector<16xf32>
        %swap3A_134 = arith.index_cast %scan3A_62 : i32 to index
        %swap3A_135 = arith.constant 80 : index
        %swap3A_136 = tpu.vector_load %arg10[%swap3A_134, %swap3A_135] {strides = array<i32>} : memref<128x128xf32, #tpu.memory_space<vmem>>, vector<1x16xf32>,
        %swap3A_137 = vector.shape_cast %swap3A_136 : vector<1x16xf32> to vector<16xf32>
        %swap3A_138 = vector.shape_cast %add3A_133 : vector<16xf32> to vector<1x16xf32>
        tpu.vector_store %arg10[%swap3A_134, %swap3A_135], %swap3A_138 {strides = array<i32>} : memref<128x128xf32, #tpu.memory_space<vmem>>, vector<1x16xf32>,
        %get3A_139 = arith.index_cast %scan3A_62 : i32 to index
        %get3A_140 = arith.constant 96 : index
        %get3A_141 = tpu.vector_load %arg10[%get3A_139, %get3A_140] {strides = array<i32>} : memref<128x128xf32, #tpu.memory_space<vmem>>, vector<1x16xf32>,
        %get3A_142 = vector.shape_cast %get3A_141 : vector<1x16xf32> to vector<16xf32>
        %mul3A_143 = arith.mulf %get3A_73, %scan3A_69 : vector<16xf32>
        %add3A_144 = arith.addf %get3A_142, %mul3A_143 : vector<16xf32>
        %swap3A_145 = arith.index_cast %scan3A_62 : i32 to index
        %swap3A_146 = arith.constant 96 : index
        %swap3A_147 = tpu.vector_load %arg10[%swap3A_145, %swap3A_146] {strides = array<i32>} : memref<128x128xf32, #tpu.memory_space<vmem>>, vector<1x16xf32>,
        %swap3A_148 = vector.shape_cast %swap3A_147 : vector<1x16xf32> to vector<16xf32>
        %swap3A_149 = vector.shape_cast %add3A_144 : vector<16xf32> to vector<1x16xf32>
        tpu.vector_store %arg10[%swap3A_145, %swap3A_146], %swap3A_149 {strides = array<i32>} : memref<128x128xf32, #tpu.memory_space<vmem>>, vector<1x16xf32>,
        %get3A_150 = arith.index_cast %scan3A_62 : i32 to index
        %get3A_151 = arith.constant 112 : index
        %get3A_152 = tpu.vector_load %arg10[%get3A_150, %get3A_151] {strides = array<i32>} : memref<128x128xf32, #tpu.memory_space<vmem>>, vector<1x16xf32>,
        %get3A_153 = vector.shape_cast %get3A_152 : vector<1x16xf32> to vector<16xf32>
        %mul3A_154 = arith.mulf %get3A_73, %scan3A_70 : vector<16xf32>
        %add3A_155 = arith.addf %get3A_153, %mul3A_154 : vector<16xf32>
        %swap3A_156 = arith.index_cast %scan3A_62 : i32 to index
        %swap3A_157 = arith.constant 112 : index
        %swap3A_158 = tpu.vector_load %arg10[%swap3A_156, %swap3A_157] {strides = array<i32>} : memref<128x128xf32, #tpu.memory_space<vmem>>, vector<1x16xf32>,
        %swap3A_159 = vector.shape_cast %swap3A_158 : vector<1x16xf32> to vector<16xf32>
        %swap3A_160 = vector.shape_cast %add3A_155 : vector<16xf32> to vector<1x16xf32>
        tpu.vector_store %arg10[%swap3A_156, %swap3A_157], %swap3A_160 {strides = array<i32>} : memref<128x128xf32, #tpu.memory_space<vmem>>, vector<1x16xf32>,
        scf.yield %add3A_79, %add3A_89, %add3A_100, %add3A_111, %add3A_122, %add3A_133, %add3A_144, %add3A_155 : vector<16xf32>, vector<16xf32>, vector<16xf32>, vector<16xf32>, vector<16xf32>, vector<16xf32>, vector<16xf32>, vector<16xf32>
      }
      %scan3A_61 = arith.constant 128 : i32
      "tpu.region"() ({
        %run_scoped3A = tpu.sem_alloc : memref<!tpu.dma_semaphore, #tpu.memory_space<semaphore_mem>>
        %dma_start3A_62 = arith.constant 0 : i32
        %dma_start3A_63 = tpu.memref_slice %arg9[%scan3A_18, %dma_start3A_62] : memref<40x128xi32, #tpu.memory_space<vmem>> -> memref<1x128xi32, #tpu.memory_space<vmem>>
        %dma_start3A_64 = tpu.memref_squeeze %dma_start3A_63 : memref<1x128xi32, #tpu.memory_space<vmem>> -> memref<128xi32, #tpu.memory_space<vmem>>
        %dma_start3A_65 = arith.constant 0 : i32
        %dma_start3A_66 = arith.constant 0 : i32
        %dma_start3A_67 = tpu.memref_slice %arg12[%dma_start3A_65, %dma_start3A_66] : memref<10144x128xf32, #tpu.memory_space<vmem_shared>> -> memref<10144x128xf32, #tpu.memory_space<vmem_shared>>
        tpu.enqueue_indirect_dma source(%arg10 : memref<128x128xf32, #tpu.memory_space<vmem>>) target(%dma_start3A_67 : memref<10144x128xf32, #tpu.memory_space<vmem_shared>>) offsets(%dma_start3A_64 : memref<128xi32, #tpu.memory_space<vmem>>) semaphore(%run_scoped3A : memref<!tpu.dma_semaphore, #tpu.memory_space<semaphore_mem>>)
        %dma_wait3A_68 = arith.constant 0 : i32
        %dma_wait3A_69 = tpu.memref_slice %arg9[%scan3A_18, %dma_wait3A_68] : memref<40x128xi32, #tpu.memory_space<vmem>> -> memref<1x128xi32, #tpu.memory_space<vmem>>
        %dma_wait3A_70 = tpu.memref_squeeze %dma_wait3A_69 : memref<1x128xi32, #tpu.memory_space<vmem>> -> memref<128xi32, #tpu.memory_space<vmem>>
        %dma_wait3A_71 = arith.constant 0 : i32
        %dma_wait3A_72 = arith.constant 0 : i32
        %dma_wait3A_73 = tpu.memref_slice %arg12[%dma_wait3A_71, %dma_wait3A_72] : memref<10144x128xf32, #tpu.memory_space<vmem_shared>> -> memref<10144x128xf32, #tpu.memory_space<vmem_shared>>
        tpu.wait_indirect_dma semaphore(%run_scoped3A : memref<!tpu.dma_semaphore, #tpu.memory_space<semaphore_mem>>) src(%arg10 : memref<128x128xf32, #tpu.memory_space<vmem>>) dst(%dma_wait3A_73 : memref<10144x128xf32, #tpu.memory_space<vmem_shared>>)
        tpu.yield
      }) : () -> ()
      scf.yield %scan3A_60#0, %scan3A_60#1, %scan3A_60#2, %scan3A_60#3, %scan3A_60#4, %scan3A_60#5, %scan3A_60#6, %scan3A_60#7 : vector<16xf32>, vector<16xf32>, vector<16xf32>, vector<16xf32>, vector<16xf32>, vector<16xf32>, vector<16xf32>, vector<16xf32>
    }
    %scan3A_12 = arith.constant 40 : i32
    %barrier3A_13 = arith.constant 0 : index
    tpu.barrier barrier_id(%barrier3A_13)
    %mul3A_14 = arith.constant 624 : i32
    %mul3A_15 = arith.muli %arg1, %mul3A_14 : i32
    %mul3A_16 = arith.constant 624 : i32
    %mul3A_17 = arith.muli %arg1, %mul3A_16 : i32
    "tpu.region"() ({
      %run_scoped3A = tpu.sem_alloc : memref<!tpu.dma_semaphore, #tpu.memory_space<semaphore_mem>>
      %dma_start3A = arith.constant 0 : i32
      %dma_start3A_18 = arith.constant 0 : i32
      %dma_start3A_19 = tpu.memref_slice %arg7[%arg0, %dma_start3A, %dma_start3A_18] : memref<2x10000x128xf32, #tpu.memory_space<hbm>> -> memref<1x10000x128xf32, #tpu.memory_space<hbm>>
      %dma_start3A_20 = tpu.memref_squeeze %dma_start3A_19 : memref<1x10000x128xf32, #tpu.memory_space<hbm>> -> memref<10000x128xf32, #tpu.memory_space<hbm>>
      %dma_start3A_21 = arith.constant 0 : i32
      %dma_start3A_22 = tpu.memref_slice %dma_start3A_20[%mul3A_17, %dma_start3A_21] : memref<10000x128xf32, #tpu.memory_space<hbm>> -> memref<640x128xf32, #tpu.memory_space<hbm>>
      %dma_start3A_23 = arith.constant 0 : i32
      %dma_start3A_24 = tpu.memref_slice %arg12[%mul3A_15, %dma_start3A_23] : memref<10144x128xf32, #tpu.memory_space<vmem_shared>> -> memref<640x128xf32, #tpu.memory_space<vmem_shared>>
      tpu.enqueue_dma source(%dma_start3A_24 : memref<640x128xf32, #tpu.memory_space<vmem_shared>>) target(%dma_start3A_22 : memref<640x128xf32, #tpu.memory_space<hbm>>) target_semaphore(%run_scoped3A : memref<!tpu.dma_semaphore, #tpu.memory_space<semaphore_mem>>)
      %dma_wait3A = arith.constant 0 : i32
      %dma_wait3A_25 = arith.constant 0 : i32
      %dma_wait3A_26 = tpu.memref_slice %arg7[%arg0, %dma_wait3A, %dma_wait3A_25] : memref<2x10000x128xf32, #tpu.memory_space<hbm>> -> memref<1x10000x128xf32, #tpu.memory_space<hbm>>
      %dma_wait3A_27 = tpu.memref_squeeze %dma_wait3A_26 : memref<1x10000x128xf32, #tpu.memory_space<hbm>> -> memref<10000x128xf32, #tpu.memory_space<hbm>>
      %dma_wait3A_28 = arith.constant 0 : i32
      %dma_wait3A_29 = tpu.memref_slice %dma_wait3A_27[%mul3A_17, %dma_wait3A_28] : memref<10000x128xf32, #tpu.memory_space<hbm>> -> memref<640x128xf32, #tpu.memory_space<hbm>>
      %dma_wait3A_30 = arith.constant 0 : i32
      %dma_wait3A_31 = tpu.memref_slice %arg12[%mul3A_15, %dma_wait3A_30] : memref<10144x128xf32, #tpu.memory_space<vmem_shared>> -> memref<640x128xf32, #tpu.memory_space<vmem_shared>>
      tpu.wait_dma2 semaphore(%run_scoped3A : memref<!tpu.dma_semaphore, #tpu.memory_space<semaphore_mem>>) src(%dma_wait3A_31 : memref<640x128xf32, #tpu.memory_space<vmem_shared>>) dst(%dma_wait3A_29 : memref<640x128xf32, #tpu.memory_space<hbm>>)
      tpu.yield
    }) : () -> ()
    return
  }
}

#map = affine_map<(d0, d1) -> (0, 0)>
#map1 = affine_map<(d0, d1) -> (0, 0, 0)>
module attributes {stable_mosaic.version = 14 : i64} {
  func.func @_sc_body(%arg0: i32, %arg1: i32, %arg2: memref<30000x128xf32, #tpu.memory_space<hbm>>, %arg3: memref<1280x128xi32, #tpu.memory_space<hbm>>, %arg4: memref<1280x128xi32, #tpu.memory_space<hbm>>, %arg5: memref<1280x128x16xf32, #tpu.memory_space<hbm>>, %arg6: memref<656x128xf32, #tpu.memory_space<hbm>>, %arg7: memref<2x10000x128xf32, #tpu.memory_space<hbm>>, %arg8: memref<40x128xi32, #tpu.memory_space<vmem>>, %arg9: memref<40x128xi32, #tpu.memory_space<vmem>>, %arg10: memref<128x128xf32, #tpu.memory_space<vmem>>, %arg11: memref<128x16xf32, #tpu.memory_space<vmem>>, %arg12: memref<10144x128xf32, #tpu.memory_space<vmem_shared>>, %arg13: memref<!tpu.dma_semaphore, #tpu.memory_space<semaphore_mem>>, %arg14: memref<!tpu.dma_semaphore, #tpu.memory_space<semaphore_mem>>) attributes {dimension_semantics = [#tpu.dimension_semantics<core_parallel>, #tpu.dimension_semantics<subcore_parallel>], iteration_bounds = array<i64: 2, 16>, scalar_prefetch = 0 : i64, scratch_operands = 7 : i64, tpu.core_type = #tpu.core_type<sc_vector_subcore>, window_params = [{transform_indices = #map}, {transform_indices = #map}, {transform_indices = #map}, {transform_indices = #map1}, {transform_indices = #map}, {transform_indices = #map1}]} {
    %mul3A = arith.constant 2 : i32
    %mul3A_0 = arith.muli %arg1, %mul3A : i32
    %add3A = arith.addi %mul3A_0, %arg0 : i32
    %mul3A_1 = arith.constant 624 : i32
    %mul3A_2 = arith.muli %arg1, %mul3A_1 : i32
    "tpu.region"() ({
      %run_scoped3A = tpu.sem_alloc : memref<!tpu.dma_semaphore, #tpu.memory_space<semaphore_mem>>
      %dma_start3A = arith.constant 0 : i32
      %dma_start3A_18 = tpu.memref_slice %arg12[%mul3A_2, %dma_start3A] : memref<10144x128xf32, #tpu.memory_space<vmem_shared>> -> memref<656x128xf32, #tpu.memory_space<vmem_shared>>
      tpu.enqueue_dma source(%arg6 : memref<656x128xf32, #tpu.memory_space<hbm>>) target(%dma_start3A_18 : memref<656x128xf32, #tpu.memory_space<vmem_shared>>) target_semaphore(%run_scoped3A : memref<!tpu.dma_semaphore, #tpu.memory_space<semaphore_mem>>)
      %dma_wait3A = arith.constant 0 : i32
      %dma_wait3A_19 = tpu.memref_slice %arg12[%mul3A_2, %dma_wait3A] : memref<10144x128xf32, #tpu.memory_space<vmem_shared>> -> memref<656x128xf32, #tpu.memory_space<vmem_shared>>
      tpu.wait_dma2 semaphore(%run_scoped3A : memref<!tpu.dma_semaphore, #tpu.memory_space<semaphore_mem>>) src(%arg6 : memref<656x128xf32, #tpu.memory_space<hbm>>) dst(%dma_wait3A_19 : memref<656x128xf32, #tpu.memory_space<vmem_shared>>)
      tpu.yield
    }) : () -> ()
    %mul3A_3 = arith.constant 40 : i32
    %mul3A_4 = arith.muli %add3A, %mul3A_3 : i32
    "tpu.region"() ({
      %run_scoped3A = tpu.sem_alloc : memref<!tpu.dma_semaphore, #tpu.memory_space<semaphore_mem>>
      %dma_start3A = arith.constant 0 : i32
      %dma_start3A_18 = tpu.memref_slice %arg3[%mul3A_4, %dma_start3A] : memref<1280x128xi32, #tpu.memory_space<hbm>> -> memref<40x128xi32, #tpu.memory_space<hbm>>
      %dma_start3A_19 = arith.constant 0 : i32
      %dma_start3A_20 = tpu.memref_slice %arg3[%mul3A_4, %dma_start3A_19] : memref<1280x128xi32, #tpu.memory_space<hbm>> -> memref<40x128xi32, #tpu.memory_space<hbm>>
      tpu.enqueue_dma source(%dma_start3A_20 : memref<40x128xi32, #tpu.memory_space<hbm>>) target(%arg8 : memref<40x128xi32, #tpu.memory_space<vmem>>) target_semaphore(%run_scoped3A : memref<!tpu.dma_semaphore, #tpu.memory_space<semaphore_mem>>)
      %dma_wait3A = arith.constant 0 : i32
      %dma_wait3A_21 = tpu.memref_slice %arg3[%mul3A_4, %dma_wait3A] : memref<1280x128xi32, #tpu.memory_space<hbm>> -> memref<40x128xi32, #tpu.memory_space<hbm>>
      %dma_wait3A_22 = arith.constant 0 : i32
      %dma_wait3A_23 = tpu.memref_slice %arg3[%mul3A_4, %dma_wait3A_22] : memref<1280x128xi32, #tpu.memory_space<hbm>> -> memref<40x128xi32, #tpu.memory_space<hbm>>
      tpu.wait_dma2 semaphore(%run_scoped3A : memref<!tpu.dma_semaphore, #tpu.memory_space<semaphore_mem>>) src(%dma_wait3A_23 : memref<40x128xi32, #tpu.memory_space<hbm>>) dst(%arg8 : memref<40x128xi32, #tpu.memory_space<vmem>>)
      tpu.yield
    }) : () -> ()
    %mul3A_5 = arith.constant 40 : i32
    %mul3A_6 = arith.muli %add3A, %mul3A_5 : i32
    "tpu.region"() ({
      %run_scoped3A = tpu.sem_alloc : memref<!tpu.dma_semaphore, #tpu.memory_space<semaphore_mem>>
      %dma_start3A = arith.constant 0 : i32
      %dma_start3A_18 = tpu.memref_slice %arg4[%mul3A_6, %dma_start3A] : memref<1280x128xi32, #tpu.memory_space<hbm>> -> memref<40x128xi32, #tpu.memory_space<hbm>>
      %dma_start3A_19 = arith.constant 0 : i32
      %dma_start3A_20 = tpu.memref_slice %arg4[%mul3A_6, %dma_start3A_19] : memref<1280x128xi32, #tpu.memory_space<hbm>> -> memref<40x128xi32, #tpu.memory_space<hbm>>
      tpu.enqueue_dma source(%dma_start3A_20 : memref<40x128xi32, #tpu.memory_space<hbm>>) target(%arg9 : memref<40x128xi32, #tpu.memory_space<vmem>>) target_semaphore(%run_scoped3A : memref<!tpu.dma_semaphore, #tpu.memory_space<semaphore_mem>>)
      %dma_wait3A = arith.constant 0 : i32
      %dma_wait3A_21 = tpu.memref_slice %arg4[%mul3A_6, %dma_wait3A] : memref<1280x128xi32, #tpu.memory_space<hbm>> -> memref<40x128xi32, #tpu.memory_space<hbm>>
      %dma_wait3A_22 = arith.constant 0 : i32
      %dma_wait3A_23 = tpu.memref_slice %arg4[%mul3A_6, %dma_wait3A_22] : memref<1280x128xi32, #tpu.memory_space<hbm>> -> memref<40x128xi32, #tpu.memory_space<hbm>>
      tpu.wait_dma2 semaphore(%run_scoped3A : memref<!tpu.dma_semaphore, #tpu.memory_space<semaphore_mem>>) src(%dma_wait3A_23 : memref<40x128xi32, #tpu.memory_space<hbm>>) dst(%arg9 : memref<40x128xi32, #tpu.memory_space<vmem>>)
      tpu.yield
    }) : () -> ()
    %barrier3A = arith.constant 0 : index
    tpu.barrier barrier_id(%barrier3A)
    %broadcast_in_dim3A = arith.constant 0.000000e+00 : f32
    %broadcast_in_dim3A_7 = vector.broadcast %broadcast_in_dim3A : f32 to vector<16xf32>
    %scan3A = arith.constant 0 : i32
    %scan3A_8 = arith.constant 40 : i32
    %scan3A_9 = arith.addi %scan3A, %scan3A_8 : i32
    %scan3A_10 = arith.constant 1 : i32
    %scan3A_11:8 = scf.for %scan3A_18 = %scan3A to %scan3A_9 step %scan3A_10 iter_args(%scan3A_19 = %broadcast_in_dim3A_7, %scan3A_20 = %broadcast_in_dim3A_7, %scan3A_21 = %broadcast_in_dim3A_7, %scan3A_22 = %broadcast_in_dim3A_7, %scan3A_23 = %broadcast_in_dim3A_7, %scan3A_24 = %broadcast_in_dim3A_7, %scan3A_25 = %broadcast_in_dim3A_7, %scan3A_26 = %broadcast_in_dim3A_7) -> (vector<16xf32>, vector<16xf32>, vector<16xf32>, vector<16xf32>, vector<16xf32>, vector<16xf32>, vector<16xf32>, vector<16xf32>)  : i32 {
      %dma_start3A = arith.constant 0 : i32
      %dma_start3A_27 = tpu.memref_slice %arg8[%scan3A_18, %dma_start3A] : memref<40x128xi32, #tpu.memory_space<vmem>> -> memref<1x128xi32, #tpu.memory_space<vmem>>
      %dma_start3A_28 = tpu.memref_squeeze %dma_start3A_27 : memref<1x128xi32, #tpu.memory_space<vmem>> -> memref<128xi32, #tpu.memory_space<vmem>>
      %dma_start3A_29 = arith.constant 0 : i32
      %dma_start3A_30 = arith.constant 0 : i32
      %dma_start3A_31 = tpu.memref_slice %arg2[%dma_start3A_29, %dma_start3A_30] : memref<30000x128xf32, #tpu.memory_space<hbm>> -> memref<30000x128xf32, #tpu.memory_space<hbm>>
      tpu.enqueue_indirect_dma source(%dma_start3A_31 : memref<30000x128xf32, #tpu.memory_space<hbm>>) target(%arg10 : memref<128x128xf32, #tpu.memory_space<vmem>>) offsets(%dma_start3A_28 : memref<128xi32, #tpu.memory_space<vmem>>) semaphore(%arg13 : memref<!tpu.dma_semaphore, #tpu.memory_space<semaphore_mem>>)
      %mul3A_32 = arith.constant 40 : i32
      %mul3A_33 = arith.muli %add3A, %mul3A_32 : i32
      %add3A_34 = arith.addi %mul3A_33, %scan3A_18 : i32
      %dma_start3A_35 = arith.constant 0 : i32
      %dma_start3A_36 = arith.constant 0 : i32
      %dma_start3A_37 = tpu.memref_slice %arg5[%add3A_34, %dma_start3A_35, %dma_start3A_36] : memref<1280x128x16xf32, #tpu.memory_space<hbm>> -> memref<1x128x16xf32, #tpu.memory_space<hbm>>
      %dma_start3A_38 = tpu.memref_squeeze %dma_start3A_37 : memref<1x128x16xf32, #tpu.memory_space<hbm>> -> memref<128x16xf32, #tpu.memory_space<hbm>>
      %dma_start3A_39 = arith.constant 0 : i32
      %dma_start3A_40 = arith.constant 0 : i32
      %dma_start3A_41 = tpu.memref_slice %arg5[%add3A_34, %dma_start3A_39, %dma_start3A_40] : memref<1280x128x16xf32, #tpu.memory_space<hbm>> -> memref<1x128x16xf32, #tpu.memory_space<hbm>>
      %dma_start3A_42 = tpu.memref_squeeze %dma_start3A_41 : memref<1x128x16xf32, #tpu.memory_space<hbm>> -> memref<128x16xf32, #tpu.memory_space<hbm>>
      tpu.enqueue_dma source(%dma_start3A_42 : memref<128x16xf32, #tpu.memory_space<hbm>>) target(%arg11 : memref<128x16xf32, #tpu.memory_space<vmem>>) target_semaphore(%arg14 : memref<!tpu.dma_semaphore, #tpu.memory_space<semaphore_mem>>)
      %dma_wait3A = arith.constant 0 : i32
      %dma_wait3A_43 = tpu.memref_slice %arg8[%scan3A_18, %dma_wait3A] : memref<40x128xi32, #tpu.memory_space<vmem>> -> memref<1x128xi32, #tpu.memory_space<vmem>>
      %dma_wait3A_44 = tpu.memref_squeeze %dma_wait3A_43 : memref<1x128xi32, #tpu.memory_space<vmem>> -> memref<128xi32, #tpu.memory_space<vmem>>
      %dma_wait3A_45 = arith.constant 0 : i32
      %dma_wait3A_46 = arith.constant 0 : i32
      %dma_wait3A_47 = tpu.memref_slice %arg2[%dma_wait3A_45, %dma_wait3A_46] : memref<30000x128xf32, #tpu.memory_space<hbm>> -> memref<30000x128xf32, #tpu.memory_space<hbm>>
      tpu.wait_indirect_dma semaphore(%arg13 : memref<!tpu.dma_semaphore, #tpu.memory_space<semaphore_mem>>) src(%dma_wait3A_47 : memref<30000x128xf32, #tpu.memory_space<hbm>>) dst(%arg10 : memref<128x128xf32, #tpu.memory_space<vmem>>)
      %dma_wait3A_48 = arith.constant 0 : i32
      %dma_wait3A_49 = arith.constant 0 : i32
      %dma_wait3A_50 = tpu.memref_slice %arg5[%add3A_34, %dma_wait3A_48, %dma_wait3A_49] : memref<1280x128x16xf32, #tpu.memory_space<hbm>> -> memref<1x128x16xf32, #tpu.memory_space<hbm>>
      %dma_wait3A_51 = tpu.memref_squeeze %dma_wait3A_50 : memref<1x128x16xf32, #tpu.memory_space<hbm>> -> memref<128x16xf32, #tpu.memory_space<hbm>>
      %dma_wait3A_52 = arith.constant 0 : i32
      %dma_wait3A_53 = arith.constant 0 : i32
      %dma_wait3A_54 = tpu.memref_slice %arg5[%add3A_34, %dma_wait3A_52, %dma_wait3A_53] : memref<1280x128x16xf32, #tpu.memory_space<hbm>> -> memref<1x128x16xf32, #tpu.memory_space<hbm>>
      %dma_wait3A_55 = tpu.memref_squeeze %dma_wait3A_54 : memref<1x128x16xf32, #tpu.memory_space<hbm>> -> memref<128x16xf32, #tpu.memory_space<hbm>>
      tpu.wait_dma2 semaphore(%arg14 : memref<!tpu.dma_semaphore, #tpu.memory_space<semaphore_mem>>) src(%dma_wait3A_55 : memref<128x16xf32, #tpu.memory_space<hbm>>) dst(%arg11 : memref<128x16xf32, #tpu.memory_space<vmem>>)
      %scan3A_56 = arith.constant 0 : i32
      %scan3A_57 = arith.constant 128 : i32
      %scan3A_58 = arith.addi %scan3A_56, %scan3A_57 : i32
      %scan3A_59 = arith.constant 1 : i32
      %scan3A_60:8 = scf.for %scan3A_62 = %scan3A_56 to %scan3A_58 step %scan3A_59 iter_args(%scan3A_63 = %scan3A_19, %scan3A_64 = %scan3A_20, %scan3A_65 = %scan3A_21, %scan3A_66 = %scan3A_22, %scan3A_67 = %scan3A_23, %scan3A_68 = %scan3A_24, %scan3A_69 = %scan3A_25, %scan3A_70 = %scan3A_26) -> (vector<16xf32>, vector<16xf32>, vector<16xf32>, vector<16xf32>, vector<16xf32>, vector<16xf32>, vector<16xf32>, vector<16xf32>)  : i32 {
        %get3A = arith.index_cast %scan3A_62 : i32 to index
        %get3A_71 = arith.constant 0 : index
        %get3A_72 = tpu.vector_load %arg11[%get3A, %get3A_71] {strides = array<i32>} : memref<128x16xf32, #tpu.memory_space<vmem>>, vector<1x16xf32>,
        %get3A_73 = vector.shape_cast %get3A_72 : vector<1x16xf32> to vector<16xf32>
        %get3A_74 = arith.index_cast %scan3A_62 : i32 to index
        %get3A_75 = arith.constant 0 : index
        %get3A_76 = tpu.vector_load %arg10[%get3A_74, %get3A_75] {strides = array<i32>} : memref<128x128xf32, #tpu.memory_space<vmem>>, vector<1x16xf32>,
        %get3A_77 = vector.shape_cast %get3A_76 : vector<1x16xf32> to vector<16xf32>
        %mul3A_78 = arith.mulf %get3A_73, %scan3A_63 : vector<16xf32>
        %add3A_79 = arith.addf %get3A_77, %mul3A_78 : vector<16xf32>
        %swap3A = arith.index_cast %scan3A_62 : i32 to index
        %swap3A_80 = arith.constant 0 : index
        %swap3A_81 = tpu.vector_load %arg10[%swap3A, %swap3A_80] {strides = array<i32>} : memref<128x128xf32, #tpu.memory_space<vmem>>, vector<1x16xf32>,
        %swap3A_82 = vector.shape_cast %swap3A_81 : vector<1x16xf32> to vector<16xf32>
        %swap3A_83 = vector.shape_cast %add3A_79 : vector<16xf32> to vector<1x16xf32>
        tpu.vector_store %arg10[%swap3A, %swap3A_80], %swap3A_83 {strides = array<i32>} : memref<128x128xf32, #tpu.memory_space<vmem>>, vector<1x16xf32>,
        %get3A_84 = arith.index_cast %scan3A_62 : i32 to index
        %get3A_85 = arith.constant 16 : index
        %get3A_86 = tpu.vector_load %arg10[%get3A_84, %get3A_85] {strides = array<i32>} : memref<128x128xf32, #tpu.memory_space<vmem>>, vector<1x16xf32>,
        %get3A_87 = vector.shape_cast %get3A_86 : vector<1x16xf32> to vector<16xf32>
        %mul3A_88 = arith.mulf %get3A_73, %scan3A_64 : vector<16xf32>
        %add3A_89 = arith.addf %get3A_87, %mul3A_88 : vector<16xf32>
        %swap3A_90 = arith.index_cast %scan3A_62 : i32 to index
        %swap3A_91 = arith.constant 16 : index
        %swap3A_92 = tpu.vector_load %arg10[%swap3A_90, %swap3A_91] {strides = array<i32>} : memref<128x128xf32, #tpu.memory_space<vmem>>, vector<1x16xf32>,
        %swap3A_93 = vector.shape_cast %swap3A_92 : vector<1x16xf32> to vector<16xf32>
        %swap3A_94 = vector.shape_cast %add3A_89 : vector<16xf32> to vector<1x16xf32>
        tpu.vector_store %arg10[%swap3A_90, %swap3A_91], %swap3A_94 {strides = array<i32>} : memref<128x128xf32, #tpu.memory_space<vmem>>, vector<1x16xf32>,
        %get3A_95 = arith.index_cast %scan3A_62 : i32 to index
        %get3A_96 = arith.constant 32 : index
        %get3A_97 = tpu.vector_load %arg10[%get3A_95, %get3A_96] {strides = array<i32>} : memref<128x128xf32, #tpu.memory_space<vmem>>, vector<1x16xf32>,
        %get3A_98 = vector.shape_cast %get3A_97 : vector<1x16xf32> to vector<16xf32>
        %mul3A_99 = arith.mulf %get3A_73, %scan3A_65 : vector<16xf32>
        %add3A_100 = arith.addf %get3A_98, %mul3A_99 : vector<16xf32>
        %swap3A_101 = arith.index_cast %scan3A_62 : i32 to index
        %swap3A_102 = arith.constant 32 : index
        %swap3A_103 = tpu.vector_load %arg10[%swap3A_101, %swap3A_102] {strides = array<i32>} : memref<128x128xf32, #tpu.memory_space<vmem>>, vector<1x16xf32>,
        %swap3A_104 = vector.shape_cast %swap3A_103 : vector<1x16xf32> to vector<16xf32>
        %swap3A_105 = vector.shape_cast %add3A_100 : vector<16xf32> to vector<1x16xf32>
        tpu.vector_store %arg10[%swap3A_101, %swap3A_102], %swap3A_105 {strides = array<i32>} : memref<128x128xf32, #tpu.memory_space<vmem>>, vector<1x16xf32>,
        %get3A_106 = arith.index_cast %scan3A_62 : i32 to index
        %get3A_107 = arith.constant 48 : index
        %get3A_108 = tpu.vector_load %arg10[%get3A_106, %get3A_107] {strides = array<i32>} : memref<128x128xf32, #tpu.memory_space<vmem>>, vector<1x16xf32>,
        %get3A_109 = vector.shape_cast %get3A_108 : vector<1x16xf32> to vector<16xf32>
        %mul3A_110 = arith.mulf %get3A_73, %scan3A_66 : vector<16xf32>
        %add3A_111 = arith.addf %get3A_109, %mul3A_110 : vector<16xf32>
        %swap3A_112 = arith.index_cast %scan3A_62 : i32 to index
        %swap3A_113 = arith.constant 48 : index
        %swap3A_114 = tpu.vector_load %arg10[%swap3A_112, %swap3A_113] {strides = array<i32>} : memref<128x128xf32, #tpu.memory_space<vmem>>, vector<1x16xf32>,
        %swap3A_115 = vector.shape_cast %swap3A_114 : vector<1x16xf32> to vector<16xf32>
        %swap3A_116 = vector.shape_cast %add3A_111 : vector<16xf32> to vector<1x16xf32>
        tpu.vector_store %arg10[%swap3A_112, %swap3A_113], %swap3A_116 {strides = array<i32>} : memref<128x128xf32, #tpu.memory_space<vmem>>, vector<1x16xf32>,
        %get3A_117 = arith.index_cast %scan3A_62 : i32 to index
        %get3A_118 = arith.constant 64 : index
        %get3A_119 = tpu.vector_load %arg10[%get3A_117, %get3A_118] {strides = array<i32>} : memref<128x128xf32, #tpu.memory_space<vmem>>, vector<1x16xf32>,
        %get3A_120 = vector.shape_cast %get3A_119 : vector<1x16xf32> to vector<16xf32>
        %mul3A_121 = arith.mulf %get3A_73, %scan3A_67 : vector<16xf32>
        %add3A_122 = arith.addf %get3A_120, %mul3A_121 : vector<16xf32>
        %swap3A_123 = arith.index_cast %scan3A_62 : i32 to index
        %swap3A_124 = arith.constant 64 : index
        %swap3A_125 = tpu.vector_load %arg10[%swap3A_123, %swap3A_124] {strides = array<i32>} : memref<128x128xf32, #tpu.memory_space<vmem>>, vector<1x16xf32>,
        %swap3A_126 = vector.shape_cast %swap3A_125 : vector<1x16xf32> to vector<16xf32>
        %swap3A_127 = vector.shape_cast %add3A_122 : vector<16xf32> to vector<1x16xf32>
        tpu.vector_store %arg10[%swap3A_123, %swap3A_124], %swap3A_127 {strides = array<i32>} : memref<128x128xf32, #tpu.memory_space<vmem>>, vector<1x16xf32>,
        %get3A_128 = arith.index_cast %scan3A_62 : i32 to index
        %get3A_129 = arith.constant 80 : index
        %get3A_130 = tpu.vector_load %arg10[%get3A_128, %get3A_129] {strides = array<i32>} : memref<128x128xf32, #tpu.memory_space<vmem>>, vector<1x16xf32>,
        %get3A_131 = vector.shape_cast %get3A_130 : vector<1x16xf32> to vector<16xf32>
        %mul3A_132 = arith.mulf %get3A_73, %scan3A_68 : vector<16xf32>
        %add3A_133 = arith.addf %get3A_131, %mul3A_132 : vector<16xf32>
        %swap3A_134 = arith.index_cast %scan3A_62 : i32 to index
        %swap3A_135 = arith.constant 80 : index
        %swap3A_136 = tpu.vector_load %arg10[%swap3A_134, %swap3A_135] {strides = array<i32>} : memref<128x128xf32, #tpu.memory_space<vmem>>, vector<1x16xf32>,
        %swap3A_137 = vector.shape_cast %swap3A_136 : vector<1x16xf32> to vector<16xf32>
        %swap3A_138 = vector.shape_cast %add3A_133 : vector<16xf32> to vector<1x16xf32>
        tpu.vector_store %arg10[%swap3A_134, %swap3A_135], %swap3A_138 {strides = array<i32>} : memref<128x128xf32, #tpu.memory_space<vmem>>, vector<1x16xf32>,
        %get3A_139 = arith.index_cast %scan3A_62 : i32 to index
        %get3A_140 = arith.constant 96 : index
        %get3A_141 = tpu.vector_load %arg10[%get3A_139, %get3A_140] {strides = array<i32>} : memref<128x128xf32, #tpu.memory_space<vmem>>, vector<1x16xf32>,
        %get3A_142 = vector.shape_cast %get3A_141 : vector<1x16xf32> to vector<16xf32>
        %mul3A_143 = arith.mulf %get3A_73, %scan3A_69 : vector<16xf32>
        %add3A_144 = arith.addf %get3A_142, %mul3A_143 : vector<16xf32>
        %swap3A_145 = arith.index_cast %scan3A_62 : i32 to index
        %swap3A_146 = arith.constant 96 : index
        %swap3A_147 = tpu.vector_load %arg10[%swap3A_145, %swap3A_146] {strides = array<i32>} : memref<128x128xf32, #tpu.memory_space<vmem>>, vector<1x16xf32>,
        %swap3A_148 = vector.shape_cast %swap3A_147 : vector<1x16xf32> to vector<16xf32>
        %swap3A_149 = vector.shape_cast %add3A_144 : vector<16xf32> to vector<1x16xf32>
        tpu.vector_store %arg10[%swap3A_145, %swap3A_146], %swap3A_149 {strides = array<i32>} : memref<128x128xf32, #tpu.memory_space<vmem>>, vector<1x16xf32>,
        %get3A_150 = arith.index_cast %scan3A_62 : i32 to index
        %get3A_151 = arith.constant 112 : index
        %get3A_152 = tpu.vector_load %arg10[%get3A_150, %get3A_151] {strides = array<i32>} : memref<128x128xf32, #tpu.memory_space<vmem>>, vector<1x16xf32>,
        %get3A_153 = vector.shape_cast %get3A_152 : vector<1x16xf32> to vector<16xf32>
        %mul3A_154 = arith.mulf %get3A_73, %scan3A_70 : vector<16xf32>
        %add3A_155 = arith.addf %get3A_153, %mul3A_154 : vector<16xf32>
        %swap3A_156 = arith.index_cast %scan3A_62 : i32 to index
        %swap3A_157 = arith.constant 112 : index
        %swap3A_158 = tpu.vector_load %arg10[%swap3A_156, %swap3A_157] {strides = array<i32>} : memref<128x128xf32, #tpu.memory_space<vmem>>, vector<1x16xf32>,
        %swap3A_159 = vector.shape_cast %swap3A_158 : vector<1x16xf32> to vector<16xf32>
        %swap3A_160 = vector.shape_cast %add3A_155 : vector<16xf32> to vector<1x16xf32>
        tpu.vector_store %arg10[%swap3A_156, %swap3A_157], %swap3A_160 {strides = array<i32>} : memref<128x128xf32, #tpu.memory_space<vmem>>, vector<1x16xf32>,
        scf.yield %add3A_79, %add3A_89, %add3A_100, %add3A_111, %add3A_122, %add3A_133, %add3A_144, %add3A_155 : vector<16xf32>, vector<16xf32>, vector<16xf32>, vector<16xf32>, vector<16xf32>, vector<16xf32>, vector<16xf32>, vector<16xf32>
      }
      %scan3A_61 = arith.constant 128 : i32
      "tpu.region"() ({
        %run_scoped3A = tpu.sem_alloc : memref<!tpu.dma_semaphore, #tpu.memory_space<semaphore_mem>>
        %dma_start3A_62 = arith.constant 0 : i32
        %dma_start3A_63 = tpu.memref_slice %arg9[%scan3A_18, %dma_start3A_62] : memref<40x128xi32, #tpu.memory_space<vmem>> -> memref<1x128xi32, #tpu.memory_space<vmem>>
        %dma_start3A_64 = tpu.memref_squeeze %dma_start3A_63 : memref<1x128xi32, #tpu.memory_space<vmem>> -> memref<128xi32, #tpu.memory_space<vmem>>
        %dma_start3A_65 = arith.constant 0 : i32
        %dma_start3A_66 = arith.constant 0 : i32
        %dma_start3A_67 = tpu.memref_slice %arg12[%dma_start3A_65, %dma_start3A_66] : memref<10144x128xf32, #tpu.memory_space<vmem_shared>> -> memref<10144x128xf32, #tpu.memory_space<vmem_shared>>
        tpu.enqueue_indirect_dma source(%arg10 : memref<128x128xf32, #tpu.memory_space<vmem>>) target(%dma_start3A_67 : memref<10144x128xf32, #tpu.memory_space<vmem_shared>>) offsets(%dma_start3A_64 : memref<128xi32, #tpu.memory_space<vmem>>) semaphore(%run_scoped3A : memref<!tpu.dma_semaphore, #tpu.memory_space<semaphore_mem>>)
        %dma_wait3A_68 = arith.constant 0 : i32
        %dma_wait3A_69 = tpu.memref_slice %arg9[%scan3A_18, %dma_wait3A_68] : memref<40x128xi32, #tpu.memory_space<vmem>> -> memref<1x128xi32, #tpu.memory_space<vmem>>
        %dma_wait3A_70 = tpu.memref_squeeze %dma_wait3A_69 : memref<1x128xi32, #tpu.memory_space<vmem>> -> memref<128xi32, #tpu.memory_space<vmem>>
        %dma_wait3A_71 = arith.constant 0 : i32
        %dma_wait3A_72 = arith.constant 0 : i32
        %dma_wait3A_73 = tpu.memref_slice %arg12[%dma_wait3A_71, %dma_wait3A_72] : memref<10144x128xf32, #tpu.memory_space<vmem_shared>> -> memref<10144x128xf32, #tpu.memory_space<vmem_shared>>
        tpu.wait_indirect_dma semaphore(%run_scoped3A : memref<!tpu.dma_semaphore, #tpu.memory_space<semaphore_mem>>) src(%arg10 : memref<128x128xf32, #tpu.memory_space<vmem>>) dst(%dma_wait3A_73 : memref<10144x128xf32, #tpu.memory_space<vmem_shared>>)
        tpu.yield
      }) : () -> ()
      scf.yield %scan3A_60#0, %scan3A_60#1, %scan3A_60#2, %scan3A_60#3, %scan3A_60#4, %scan3A_60#5, %scan3A_60#6, %scan3A_60#7 : vector<16xf32>, vector<16xf32>, vector<16xf32>, vector<16xf32>, vector<16xf32>, vector<16xf32>, vector<16xf32>, vector<16xf32>
    }
    %scan3A_12 = arith.constant 40 : i32
    %barrier3A_13 = arith.constant 0 : index
    tpu.barrier barrier_id(%barrier3A_13)
    %mul3A_14 = arith.constant 624 : i32
    %mul3A_15 = arith.muli %arg1, %mul3A_14 : i32
    %mul3A_16 = arith.constant 624 : i32
    %mul3A_17 = arith.muli %arg1, %mul3A_16 : i32
    "tpu.region"() ({
      %run_scoped3A = tpu.sem_alloc : memref<!tpu.dma_semaphore, #tpu.memory_space<semaphore_mem>>
      %dma_start3A = arith.constant 0 : i32
      %dma_start3A_18 = arith.constant 0 : i32
      %dma_start3A_19 = tpu.memref_slice %arg7[%arg0, %dma_start3A, %dma_start3A_18] : memref<2x10000x128xf32, #tpu.memory_space<hbm>> -> memref<1x10000x128xf32, #tpu.memory_space<hbm>>
      %dma_start3A_20 = tpu.memref_squeeze %dma_start3A_19 : memref<1x10000x128xf32, #tpu.memory_space<hbm>> -> memref<10000x128xf32, #tpu.memory_space<hbm>>
      %dma_start3A_21 = arith.constant 0 : i32
      %dma_start3A_22 = tpu.memref_slice %dma_start3A_20[%mul3A_17, %dma_start3A_21] : memref<10000x128xf32, #tpu.memory_space<hbm>> -> memref<640x128xf32, #tpu.memory_space<hbm>>
      %dma_start3A_23 = arith.constant 0 : i32
      %dma_start3A_24 = tpu.memref_slice %arg12[%mul3A_15, %dma_start3A_23] : memref<10144x128xf32, #tpu.memory_space<vmem_shared>> -> memref<640x128xf32, #tpu.memory_space<vmem_shared>>
      tpu.enqueue_dma source(%dma_start3A_24 : memref<640x128xf32, #tpu.memory_space<vmem_shared>>) target(%dma_start3A_22 : memref<640x128xf32, #tpu.memory_space<hbm>>) target_semaphore(%run_scoped3A : memref<!tpu.dma_semaphore, #tpu.memory_space<semaphore_mem>>)
      %dma_wait3A = arith.constant 0 : i32
      %dma_wait3A_25 = arith.constant 0 : i32
      %dma_wait3A_26 = tpu.memref_slice %arg7[%arg0, %dma_wait3A, %dma_wait3A_25] : memref<2x10000x128xf32, #tpu.memory_space<hbm>> -> memref<1x10000x128xf32, #tpu.memory_space<hbm>>
      %dma_wait3A_27 = tpu.memref_squeeze %dma_wait3A_26 : memref<1x10000x128xf32, #tpu.memory_space<hbm>> -> memref<10000x128xf32, #tpu.memory_space<hbm>>
      %dma_wait3A_28 = arith.constant 0 : i32
      %dma_wait3A_29 = tpu.memref_slice %dma_wait3A_27[%mul3A_17, %dma_wait3A_28] : memref<10000x128xf32, #tpu.memory_space<hbm>> -> memref<640x128xf32, #tpu.memory_space<hbm>>
      %dma_wait3A_30 = arith.constant 0 : i32
      %dma_wait3A_31 = tpu.memref_slice %arg12[%mul3A_15, %dma_wait3A_30] : memref<10144x128xf32, #tpu.memory_space<vmem_shared>> -> memref<640x128xf32, #tpu.memory_space<vmem_shared>>
      tpu.wait_dma2 semaphore(%run_scoped3A : memref<!tpu.dma_semaphore, #tpu.memory_space<semaphore_mem>>) src(%dma_wait3A_31 : memref<640x128xf32, #tpu.memory_space<vmem_shared>>) dst(%dma_wait3A_29 : memref<640x128xf32, #tpu.memory_space<hbm>>)
      tpu.yield
    }) : () -> ()
    return
  }
}

#map = affine_map<(d0, d1) -> (0, 0)>
#map1 = affine_map<(d0, d1) -> (0, 0, 0)>
module attributes {stable_mosaic.version = 14 : i64} {
  func.func @_sc_body(%arg0: i32, %arg1: i32, %arg2: memref<30000x128xf32, #tpu.memory_space<hbm>>, %arg3: memref<1280x128xi32, #tpu.memory_space<hbm>>, %arg4: memref<1280x128xi32, #tpu.memory_space<hbm>>, %arg5: memref<1280x128x16xf32, #tpu.memory_space<hbm>>, %arg6: memref<656x128xf32, #tpu.memory_space<hbm>>, %arg7: memref<2x10000x128xf32, #tpu.memory_space<hbm>>, %arg8: memref<40x128xi32, #tpu.memory_space<vmem>>, %arg9: memref<40x128xi32, #tpu.memory_space<vmem>>, %arg10: memref<128x128xf32, #tpu.memory_space<vmem>>, %arg11: memref<128x16xf32, #tpu.memory_space<vmem>>, %arg12: memref<10144x128xf32, #tpu.memory_space<vmem_shared>>, %arg13: memref<!tpu.dma_semaphore, #tpu.memory_space<semaphore_mem>>, %arg14: memref<!tpu.dma_semaphore, #tpu.memory_space<semaphore_mem>>) attributes {dimension_semantics = [#tpu.dimension_semantics<core_parallel>, #tpu.dimension_semantics<subcore_parallel>], iteration_bounds = array<i64: 2, 16>, scalar_prefetch = 0 : i64, scratch_operands = 7 : i64, tpu.core_type = #tpu.core_type<sc_vector_subcore>, window_params = [{transform_indices = #map}, {transform_indices = #map}, {transform_indices = #map}, {transform_indices = #map1}, {transform_indices = #map}, {transform_indices = #map1}]} {
    %mul3A = arith.constant 2 : i32
    %mul3A_0 = arith.muli %arg1, %mul3A : i32
    %add3A = arith.addi %mul3A_0, %arg0 : i32
    %mul3A_1 = arith.constant 624 : i32
    %mul3A_2 = arith.muli %arg1, %mul3A_1 : i32
    "tpu.region"() ({
      %run_scoped3A = tpu.sem_alloc : memref<!tpu.dma_semaphore, #tpu.memory_space<semaphore_mem>>
      %dma_start3A = arith.constant 0 : i32
      %dma_start3A_18 = tpu.memref_slice %arg12[%mul3A_2, %dma_start3A] : memref<10144x128xf32, #tpu.memory_space<vmem_shared>> -> memref<656x128xf32, #tpu.memory_space<vmem_shared>>
      tpu.enqueue_dma source(%arg6 : memref<656x128xf32, #tpu.memory_space<hbm>>) target(%dma_start3A_18 : memref<656x128xf32, #tpu.memory_space<vmem_shared>>) target_semaphore(%run_scoped3A : memref<!tpu.dma_semaphore, #tpu.memory_space<semaphore_mem>>)
      %dma_wait3A = arith.constant 0 : i32
      %dma_wait3A_19 = tpu.memref_slice %arg12[%mul3A_2, %dma_wait3A] : memref<10144x128xf32, #tpu.memory_space<vmem_shared>> -> memref<656x128xf32, #tpu.memory_space<vmem_shared>>
      tpu.wait_dma2 semaphore(%run_scoped3A : memref<!tpu.dma_semaphore, #tpu.memory_space<semaphore_mem>>) src(%arg6 : memref<656x128xf32, #tpu.memory_space<hbm>>) dst(%dma_wait3A_19 : memref<656x128xf32, #tpu.memory_space<vmem_shared>>)
      tpu.yield
    }) : () -> ()
    %mul3A_3 = arith.constant 40 : i32
    %mul3A_4 = arith.muli %add3A, %mul3A_3 : i32
    "tpu.region"() ({
      %run_scoped3A = tpu.sem_alloc : memref<!tpu.dma_semaphore, #tpu.memory_space<semaphore_mem>>
      %dma_start3A = arith.constant 0 : i32
      %dma_start3A_18 = tpu.memref_slice %arg3[%mul3A_4, %dma_start3A] : memref<1280x128xi32, #tpu.memory_space<hbm>> -> memref<40x128xi32, #tpu.memory_space<hbm>>
      %dma_start3A_19 = arith.constant 0 : i32
      %dma_start3A_20 = tpu.memref_slice %arg3[%mul3A_4, %dma_start3A_19] : memref<1280x128xi32, #tpu.memory_space<hbm>> -> memref<40x128xi32, #tpu.memory_space<hbm>>
      tpu.enqueue_dma source(%dma_start3A_20 : memref<40x128xi32, #tpu.memory_space<hbm>>) target(%arg8 : memref<40x128xi32, #tpu.memory_space<vmem>>) target_semaphore(%run_scoped3A : memref<!tpu.dma_semaphore, #tpu.memory_space<semaphore_mem>>)
      %dma_wait3A = arith.constant 0 : i32
      %dma_wait3A_21 = tpu.memref_slice %arg3[%mul3A_4, %dma_wait3A] : memref<1280x128xi32, #tpu.memory_space<hbm>> -> memref<40x128xi32, #tpu.memory_space<hbm>>
      %dma_wait3A_22 = arith.constant 0 : i32
      %dma_wait3A_23 = tpu.memref_slice %arg3[%mul3A_4, %dma_wait3A_22] : memref<1280x128xi32, #tpu.memory_space<hbm>> -> memref<40x128xi32, #tpu.memory_space<hbm>>
      tpu.wait_dma2 semaphore(%run_scoped3A : memref<!tpu.dma_semaphore, #tpu.memory_space<semaphore_mem>>) src(%dma_wait3A_23 : memref<40x128xi32, #tpu.memory_space<hbm>>) dst(%arg8 : memref<40x128xi32, #tpu.memory_space<vmem>>)
      tpu.yield
    }) : () -> ()
    %mul3A_5 = arith.constant 40 : i32
    %mul3A_6 = arith.muli %add3A, %mul3A_5 : i32
    "tpu.region"() ({
      %run_scoped3A = tpu.sem_alloc : memref<!tpu.dma_semaphore, #tpu.memory_space<semaphore_mem>>
      %dma_start3A = arith.constant 0 : i32
      %dma_start3A_18 = tpu.memref_slice %arg4[%mul3A_6, %dma_start3A] : memref<1280x128xi32, #tpu.memory_space<hbm>> -> memref<40x128xi32, #tpu.memory_space<hbm>>
      %dma_start3A_19 = arith.constant 0 : i32
      %dma_start3A_20 = tpu.memref_slice %arg4[%mul3A_6, %dma_start3A_19] : memref<1280x128xi32, #tpu.memory_space<hbm>> -> memref<40x128xi32, #tpu.memory_space<hbm>>
      tpu.enqueue_dma source(%dma_start3A_20 : memref<40x128xi32, #tpu.memory_space<hbm>>) target(%arg9 : memref<40x128xi32, #tpu.memory_space<vmem>>) target_semaphore(%run_scoped3A : memref<!tpu.dma_semaphore, #tpu.memory_space<semaphore_mem>>)
      %dma_wait3A = arith.constant 0 : i32
      %dma_wait3A_21 = tpu.memref_slice %arg4[%mul3A_6, %dma_wait3A] : memref<1280x128xi32, #tpu.memory_space<hbm>> -> memref<40x128xi32, #tpu.memory_space<hbm>>
      %dma_wait3A_22 = arith.constant 0 : i32
      %dma_wait3A_23 = tpu.memref_slice %arg4[%mul3A_6, %dma_wait3A_22] : memref<1280x128xi32, #tpu.memory_space<hbm>> -> memref<40x128xi32, #tpu.memory_space<hbm>>
      tpu.wait_dma2 semaphore(%run_scoped3A : memref<!tpu.dma_semaphore, #tpu.memory_space<semaphore_mem>>) src(%dma_wait3A_23 : memref<40x128xi32, #tpu.memory_space<hbm>>) dst(%arg9 : memref<40x128xi32, #tpu.memory_space<vmem>>)
      tpu.yield
    }) : () -> ()
    %barrier3A = arith.constant 0 : index
    tpu.barrier barrier_id(%barrier3A)
    %broadcast_in_dim3A = arith.constant 0.000000e+00 : f32
    %broadcast_in_dim3A_7 = vector.broadcast %broadcast_in_dim3A : f32 to vector<16xf32>
    %scan3A = arith.constant 0 : i32
    %scan3A_8 = arith.constant 40 : i32
    %scan3A_9 = arith.addi %scan3A, %scan3A_8 : i32
    %scan3A_10 = arith.constant 1 : i32
    %scan3A_11:8 = scf.for %scan3A_18 = %scan3A to %scan3A_9 step %scan3A_10 iter_args(%scan3A_19 = %broadcast_in_dim3A_7, %scan3A_20 = %broadcast_in_dim3A_7, %scan3A_21 = %broadcast_in_dim3A_7, %scan3A_22 = %broadcast_in_dim3A_7, %scan3A_23 = %broadcast_in_dim3A_7, %scan3A_24 = %broadcast_in_dim3A_7, %scan3A_25 = %broadcast_in_dim3A_7, %scan3A_26 = %broadcast_in_dim3A_7) -> (vector<16xf32>, vector<16xf32>, vector<16xf32>, vector<16xf32>, vector<16xf32>, vector<16xf32>, vector<16xf32>, vector<16xf32>)  : i32 {
      %dma_start3A = arith.constant 0 : i32
      %dma_start3A_27 = tpu.memref_slice %arg8[%scan3A_18, %dma_start3A] : memref<40x128xi32, #tpu.memory_space<vmem>> -> memref<1x128xi32, #tpu.memory_space<vmem>>
      %dma_start3A_28 = tpu.memref_squeeze %dma_start3A_27 : memref<1x128xi32, #tpu.memory_space<vmem>> -> memref<128xi32, #tpu.memory_space<vmem>>
      %dma_start3A_29 = arith.constant 0 : i32
      %dma_start3A_30 = arith.constant 0 : i32
      %dma_start3A_31 = tpu.memref_slice %arg2[%dma_start3A_29, %dma_start3A_30] : memref<30000x128xf32, #tpu.memory_space<hbm>> -> memref<30000x128xf32, #tpu.memory_space<hbm>>
      tpu.enqueue_indirect_dma source(%dma_start3A_31 : memref<30000x128xf32, #tpu.memory_space<hbm>>) target(%arg10 : memref<128x128xf32, #tpu.memory_space<vmem>>) offsets(%dma_start3A_28 : memref<128xi32, #tpu.memory_space<vmem>>) semaphore(%arg13 : memref<!tpu.dma_semaphore, #tpu.memory_space<semaphore_mem>>)
      %mul3A_32 = arith.constant 40 : i32
      %mul3A_33 = arith.muli %add3A, %mul3A_32 : i32
      %add3A_34 = arith.addi %mul3A_33, %scan3A_18 : i32
      %dma_start3A_35 = arith.constant 0 : i32
      %dma_start3A_36 = arith.constant 0 : i32
      %dma_start3A_37 = tpu.memref_slice %arg5[%add3A_34, %dma_start3A_35, %dma_start3A_36] : memref<1280x128x16xf32, #tpu.memory_space<hbm>> -> memref<1x128x16xf32, #tpu.memory_space<hbm>>
      %dma_start3A_38 = tpu.memref_squeeze %dma_start3A_37 : memref<1x128x16xf32, #tpu.memory_space<hbm>> -> memref<128x16xf32, #tpu.memory_space<hbm>>
      %dma_start3A_39 = arith.constant 0 : i32
      %dma_start3A_40 = arith.constant 0 : i32
      %dma_start3A_41 = tpu.memref_slice %arg5[%add3A_34, %dma_start3A_39, %dma_start3A_40] : memref<1280x128x16xf32, #tpu.memory_space<hbm>> -> memref<1x128x16xf32, #tpu.memory_space<hbm>>
      %dma_start3A_42 = tpu.memref_squeeze %dma_start3A_41 : memref<1x128x16xf32, #tpu.memory_space<hbm>> -> memref<128x16xf32, #tpu.memory_space<hbm>>
      tpu.enqueue_dma source(%dma_start3A_42 : memref<128x16xf32, #tpu.memory_space<hbm>>) target(%arg11 : memref<128x16xf32, #tpu.memory_space<vmem>>) target_semaphore(%arg14 : memref<!tpu.dma_semaphore, #tpu.memory_space<semaphore_mem>>)
      %dma_wait3A = arith.constant 0 : i32
      %dma_wait3A_43 = tpu.memref_slice %arg8[%scan3A_18, %dma_wait3A] : memref<40x128xi32, #tpu.memory_space<vmem>> -> memref<1x128xi32, #tpu.memory_space<vmem>>
      %dma_wait3A_44 = tpu.memref_squeeze %dma_wait3A_43 : memref<1x128xi32, #tpu.memory_space<vmem>> -> memref<128xi32, #tpu.memory_space<vmem>>
      %dma_wait3A_45 = arith.constant 0 : i32
      %dma_wait3A_46 = arith.constant 0 : i32
      %dma_wait3A_47 = tpu.memref_slice %arg2[%dma_wait3A_45, %dma_wait3A_46] : memref<30000x128xf32, #tpu.memory_space<hbm>> -> memref<30000x128xf32, #tpu.memory_space<hbm>>
      tpu.wait_indirect_dma semaphore(%arg13 : memref<!tpu.dma_semaphore, #tpu.memory_space<semaphore_mem>>) src(%dma_wait3A_47 : memref<30000x128xf32, #tpu.memory_space<hbm>>) dst(%arg10 : memref<128x128xf32, #tpu.memory_space<vmem>>)
      %dma_wait3A_48 = arith.constant 0 : i32
      %dma_wait3A_49 = arith.constant 0 : i32
      %dma_wait3A_50 = tpu.memref_slice %arg5[%add3A_34, %dma_wait3A_48, %dma_wait3A_49] : memref<1280x128x16xf32, #tpu.memory_space<hbm>> -> memref<1x128x16xf32, #tpu.memory_space<hbm>>
      %dma_wait3A_51 = tpu.memref_squeeze %dma_wait3A_50 : memref<1x128x16xf32, #tpu.memory_space<hbm>> -> memref<128x16xf32, #tpu.memory_space<hbm>>
      %dma_wait3A_52 = arith.constant 0 : i32
      %dma_wait3A_53 = arith.constant 0 : i32
      %dma_wait3A_54 = tpu.memref_slice %arg5[%add3A_34, %dma_wait3A_52, %dma_wait3A_53] : memref<1280x128x16xf32, #tpu.memory_space<hbm>> -> memref<1x128x16xf32, #tpu.memory_space<hbm>>
      %dma_wait3A_55 = tpu.memref_squeeze %dma_wait3A_54 : memref<1x128x16xf32, #tpu.memory_space<hbm>> -> memref<128x16xf32, #tpu.memory_space<hbm>>
      tpu.wait_dma2 semaphore(%arg14 : memref<!tpu.dma_semaphore, #tpu.memory_space<semaphore_mem>>) src(%dma_wait3A_55 : memref<128x16xf32, #tpu.memory_space<hbm>>) dst(%arg11 : memref<128x16xf32, #tpu.memory_space<vmem>>)
      %scan3A_56 = arith.constant 0 : i32
      %scan3A_57 = arith.constant 128 : i32
      %scan3A_58 = arith.addi %scan3A_56, %scan3A_57 : i32
      %scan3A_59 = arith.constant 1 : i32
      %scan3A_60:8 = scf.for %scan3A_62 = %scan3A_56 to %scan3A_58 step %scan3A_59 iter_args(%scan3A_63 = %scan3A_19, %scan3A_64 = %scan3A_20, %scan3A_65 = %scan3A_21, %scan3A_66 = %scan3A_22, %scan3A_67 = %scan3A_23, %scan3A_68 = %scan3A_24, %scan3A_69 = %scan3A_25, %scan3A_70 = %scan3A_26) -> (vector<16xf32>, vector<16xf32>, vector<16xf32>, vector<16xf32>, vector<16xf32>, vector<16xf32>, vector<16xf32>, vector<16xf32>)  : i32 {
        %get3A = arith.index_cast %scan3A_62 : i32 to index
        %get3A_71 = arith.constant 0 : index
        %get3A_72 = tpu.vector_load %arg11[%get3A, %get3A_71] {strides = array<i32>} : memref<128x16xf32, #tpu.memory_space<vmem>>, vector<1x16xf32>,
        %get3A_73 = vector.shape_cast %get3A_72 : vector<1x16xf32> to vector<16xf32>
        %get3A_74 = arith.index_cast %scan3A_62 : i32 to index
        %get3A_75 = arith.constant 0 : index
        %get3A_76 = tpu.vector_load %arg10[%get3A_74, %get3A_75] {strides = array<i32>} : memref<128x128xf32, #tpu.memory_space<vmem>>, vector<1x16xf32>,
        %get3A_77 = vector.shape_cast %get3A_76 : vector<1x16xf32> to vector<16xf32>
        %mul3A_78 = arith.mulf %get3A_73, %scan3A_63 : vector<16xf32>
        %add3A_79 = arith.addf %get3A_77, %mul3A_78 : vector<16xf32>
        %swap3A = arith.index_cast %scan3A_62 : i32 to index
        %swap3A_80 = arith.constant 0 : index
        %swap3A_81 = tpu.vector_load %arg10[%swap3A, %swap3A_80] {strides = array<i32>} : memref<128x128xf32, #tpu.memory_space<vmem>>, vector<1x16xf32>,
        %swap3A_82 = vector.shape_cast %swap3A_81 : vector<1x16xf32> to vector<16xf32>
        %swap3A_83 = vector.shape_cast %add3A_79 : vector<16xf32> to vector<1x16xf32>
        tpu.vector_store %arg10[%swap3A, %swap3A_80], %swap3A_83 {strides = array<i32>} : memref<128x128xf32, #tpu.memory_space<vmem>>, vector<1x16xf32>,
        %get3A_84 = arith.index_cast %scan3A_62 : i32 to index
        %get3A_85 = arith.constant 16 : index
        %get3A_86 = tpu.vector_load %arg10[%get3A_84, %get3A_85] {strides = array<i32>} : memref<128x128xf32, #tpu.memory_space<vmem>>, vector<1x16xf32>,
        %get3A_87 = vector.shape_cast %get3A_86 : vector<1x16xf32> to vector<16xf32>
        %mul3A_88 = arith.mulf %get3A_73, %scan3A_64 : vector<16xf32>
        %add3A_89 = arith.addf %get3A_87, %mul3A_88 : vector<16xf32>
        %swap3A_90 = arith.index_cast %scan3A_62 : i32 to index
        %swap3A_91 = arith.constant 16 : index
        %swap3A_92 = tpu.vector_load %arg10[%swap3A_90, %swap3A_91] {strides = array<i32>} : memref<128x128xf32, #tpu.memory_space<vmem>>, vector<1x16xf32>,
        %swap3A_93 = vector.shape_cast %swap3A_92 : vector<1x16xf32> to vector<16xf32>
        %swap3A_94 = vector.shape_cast %add3A_89 : vector<16xf32> to vector<1x16xf32>
        tpu.vector_store %arg10[%swap3A_90, %swap3A_91], %swap3A_94 {strides = array<i32>} : memref<128x128xf32, #tpu.memory_space<vmem>>, vector<1x16xf32>,
        %get3A_95 = arith.index_cast %scan3A_62 : i32 to index
        %get3A_96 = arith.constant 32 : index
        %get3A_97 = tpu.vector_load %arg10[%get3A_95, %get3A_96] {strides = array<i32>} : memref<128x128xf32, #tpu.memory_space<vmem>>, vector<1x16xf32>,
        %get3A_98 = vector.shape_cast %get3A_97 : vector<1x16xf32> to vector<16xf32>
        %mul3A_99 = arith.mulf %get3A_73, %scan3A_65 : vector<16xf32>
        %add3A_100 = arith.addf %get3A_98, %mul3A_99 : vector<16xf32>
        %swap3A_101 = arith.index_cast %scan3A_62 : i32 to index
        %swap3A_102 = arith.constant 32 : index
        %swap3A_103 = tpu.vector_load %arg10[%swap3A_101, %swap3A_102] {strides = array<i32>} : memref<128x128xf32, #tpu.memory_space<vmem>>, vector<1x16xf32>,
        %swap3A_104 = vector.shape_cast %swap3A_103 : vector<1x16xf32> to vector<16xf32>
        %swap3A_105 = vector.shape_cast %add3A_100 : vector<16xf32> to vector<1x16xf32>
        tpu.vector_store %arg10[%swap3A_101, %swap3A_102], %swap3A_105 {strides = array<i32>} : memref<128x128xf32, #tpu.memory_space<vmem>>, vector<1x16xf32>,
        %get3A_106 = arith.index_cast %scan3A_62 : i32 to index
        %get3A_107 = arith.constant 48 : index
        %get3A_108 = tpu.vector_load %arg10[%get3A_106, %get3A_107] {strides = array<i32>} : memref<128x128xf32, #tpu.memory_space<vmem>>, vector<1x16xf32>,
        %get3A_109 = vector.shape_cast %get3A_108 : vector<1x16xf32> to vector<16xf32>
        %mul3A_110 = arith.mulf %get3A_73, %scan3A_66 : vector<16xf32>
        %add3A_111 = arith.addf %get3A_109, %mul3A_110 : vector<16xf32>
        %swap3A_112 = arith.index_cast %scan3A_62 : i32 to index
        %swap3A_113 = arith.constant 48 : index
        %swap3A_114 = tpu.vector_load %arg10[%swap3A_112, %swap3A_113] {strides = array<i32>} : memref<128x128xf32, #tpu.memory_space<vmem>>, vector<1x16xf32>,
        %swap3A_115 = vector.shape_cast %swap3A_114 : vector<1x16xf32> to vector<16xf32>
        %swap3A_116 = vector.shape_cast %add3A_111 : vector<16xf32> to vector<1x16xf32>
        tpu.vector_store %arg10[%swap3A_112, %swap3A_113], %swap3A_116 {strides = array<i32>} : memref<128x128xf32, #tpu.memory_space<vmem>>, vector<1x16xf32>,
        %get3A_117 = arith.index_cast %scan3A_62 : i32 to index
        %get3A_118 = arith.constant 64 : index
        %get3A_119 = tpu.vector_load %arg10[%get3A_117, %get3A_118] {strides = array<i32>} : memref<128x128xf32, #tpu.memory_space<vmem>>, vector<1x16xf32>,
        %get3A_120 = vector.shape_cast %get3A_119 : vector<1x16xf32> to vector<16xf32>
        %mul3A_121 = arith.mulf %get3A_73, %scan3A_67 : vector<16xf32>
        %add3A_122 = arith.addf %get3A_120, %mul3A_121 : vector<16xf32>
        %swap3A_123 = arith.index_cast %scan3A_62 : i32 to index
        %swap3A_124 = arith.constant 64 : index
        %swap3A_125 = tpu.vector_load %arg10[%swap3A_123, %swap3A_124] {strides = array<i32>} : memref<128x128xf32, #tpu.memory_space<vmem>>, vector<1x16xf32>,
        %swap3A_126 = vector.shape_cast %swap3A_125 : vector<1x16xf32> to vector<16xf32>
        %swap3A_127 = vector.shape_cast %add3A_122 : vector<16xf32> to vector<1x16xf32>
        tpu.vector_store %arg10[%swap3A_123, %swap3A_124], %swap3A_127 {strides = array<i32>} : memref<128x128xf32, #tpu.memory_space<vmem>>, vector<1x16xf32>,
        %get3A_128 = arith.index_cast %scan3A_62 : i32 to index
        %get3A_129 = arith.constant 80 : index
        %get3A_130 = tpu.vector_load %arg10[%get3A_128, %get3A_129] {strides = array<i32>} : memref<128x128xf32, #tpu.memory_space<vmem>>, vector<1x16xf32>,
        %get3A_131 = vector.shape_cast %get3A_130 : vector<1x16xf32> to vector<16xf32>
        %mul3A_132 = arith.mulf %get3A_73, %scan3A_68 : vector<16xf32>
        %add3A_133 = arith.addf %get3A_131, %mul3A_132 : vector<16xf32>
        %swap3A_134 = arith.index_cast %scan3A_62 : i32 to index
        %swap3A_135 = arith.constant 80 : index
        %swap3A_136 = tpu.vector_load %arg10[%swap3A_134, %swap3A_135] {strides = array<i32>} : memref<128x128xf32, #tpu.memory_space<vmem>>, vector<1x16xf32>,
        %swap3A_137 = vector.shape_cast %swap3A_136 : vector<1x16xf32> to vector<16xf32>
        %swap3A_138 = vector.shape_cast %add3A_133 : vector<16xf32> to vector<1x16xf32>
        tpu.vector_store %arg10[%swap3A_134, %swap3A_135], %swap3A_138 {strides = array<i32>} : memref<128x128xf32, #tpu.memory_space<vmem>>, vector<1x16xf32>,
        %get3A_139 = arith.index_cast %scan3A_62 : i32 to index
        %get3A_140 = arith.constant 96 : index
        %get3A_141 = tpu.vector_load %arg10[%get3A_139, %get3A_140] {strides = array<i32>} : memref<128x128xf32, #tpu.memory_space<vmem>>, vector<1x16xf32>,
        %get3A_142 = vector.shape_cast %get3A_141 : vector<1x16xf32> to vector<16xf32>
        %mul3A_143 = arith.mulf %get3A_73, %scan3A_69 : vector<16xf32>
        %add3A_144 = arith.addf %get3A_142, %mul3A_143 : vector<16xf32>
        %swap3A_145 = arith.index_cast %scan3A_62 : i32 to index
        %swap3A_146 = arith.constant 96 : index
        %swap3A_147 = tpu.vector_load %arg10[%swap3A_145, %swap3A_146] {strides = array<i32>} : memref<128x128xf32, #tpu.memory_space<vmem>>, vector<1x16xf32>,
        %swap3A_148 = vector.shape_cast %swap3A_147 : vector<1x16xf32> to vector<16xf32>
        %swap3A_149 = vector.shape_cast %add3A_144 : vector<16xf32> to vector<1x16xf32>
        tpu.vector_store %arg10[%swap3A_145, %swap3A_146], %swap3A_149 {strides = array<i32>} : memref<128x128xf32, #tpu.memory_space<vmem>>, vector<1x16xf32>,
        %get3A_150 = arith.index_cast %scan3A_62 : i32 to index
        %get3A_151 = arith.constant 112 : index
        %get3A_152 = tpu.vector_load %arg10[%get3A_150, %get3A_151] {strides = array<i32>} : memref<128x128xf32, #tpu.memory_space<vmem>>, vector<1x16xf32>,
        %get3A_153 = vector.shape_cast %get3A_152 : vector<1x16xf32> to vector<16xf32>
        %mul3A_154 = arith.mulf %get3A_73, %scan3A_70 : vector<16xf32>
        %add3A_155 = arith.addf %get3A_153, %mul3A_154 : vector<16xf32>
        %swap3A_156 = arith.index_cast %scan3A_62 : i32 to index
        %swap3A_157 = arith.constant 112 : index
        %swap3A_158 = tpu.vector_load %arg10[%swap3A_156, %swap3A_157] {strides = array<i32>} : memref<128x128xf32, #tpu.memory_space<vmem>>, vector<1x16xf32>,
        %swap3A_159 = vector.shape_cast %swap3A_158 : vector<1x16xf32> to vector<16xf32>
        %swap3A_160 = vector.shape_cast %add3A_155 : vector<16xf32> to vector<1x16xf32>
        tpu.vector_store %arg10[%swap3A_156, %swap3A_157], %swap3A_160 {strides = array<i32>} : memref<128x128xf32, #tpu.memory_space<vmem>>, vector<1x16xf32>,
        scf.yield %add3A_79, %add3A_89, %add3A_100, %add3A_111, %add3A_122, %add3A_133, %add3A_144, %add3A_155 : vector<16xf32>, vector<16xf32>, vector<16xf32>, vector<16xf32>, vector<16xf32>, vector<16xf32>, vector<16xf32>, vector<16xf32>
      }
      %scan3A_61 = arith.constant 128 : i32
      "tpu.region"() ({
        %run_scoped3A = tpu.sem_alloc : memref<!tpu.dma_semaphore, #tpu.memory_space<semaphore_mem>>
        %dma_start3A_62 = arith.constant 0 : i32
        %dma_start3A_63 = tpu.memref_slice %arg9[%scan3A_18, %dma_start3A_62] : memref<40x128xi32, #tpu.memory_space<vmem>> -> memref<1x128xi32, #tpu.memory_space<vmem>>
        %dma_start3A_64 = tpu.memref_squeeze %dma_start3A_63 : memref<1x128xi32, #tpu.memory_space<vmem>> -> memref<128xi32, #tpu.memory_space<vmem>>
        %dma_start3A_65 = arith.constant 0 : i32
        %dma_start3A_66 = arith.constant 0 : i32
        %dma_start3A_67 = tpu.memref_slice %arg12[%dma_start3A_65, %dma_start3A_66] : memref<10144x128xf32, #tpu.memory_space<vmem_shared>> -> memref<10144x128xf32, #tpu.memory_space<vmem_shared>>
        tpu.enqueue_indirect_dma source(%arg10 : memref<128x128xf32, #tpu.memory_space<vmem>>) target(%dma_start3A_67 : memref<10144x128xf32, #tpu.memory_space<vmem_shared>>) offsets(%dma_start3A_64 : memref<128xi32, #tpu.memory_space<vmem>>) semaphore(%run_scoped3A : memref<!tpu.dma_semaphore, #tpu.memory_space<semaphore_mem>>)
        %dma_wait3A_68 = arith.constant 0 : i32
        %dma_wait3A_69 = tpu.memref_slice %arg9[%scan3A_18, %dma_wait3A_68] : memref<40x128xi32, #tpu.memory_space<vmem>> -> memref<1x128xi32, #tpu.memory_space<vmem>>
        %dma_wait3A_70 = tpu.memref_squeeze %dma_wait3A_69 : memref<1x128xi32, #tpu.memory_space<vmem>> -> memref<128xi32, #tpu.memory_space<vmem>>
        %dma_wait3A_71 = arith.constant 0 : i32
        %dma_wait3A_72 = arith.constant 0 : i32
        %dma_wait3A_73 = tpu.memref_slice %arg12[%dma_wait3A_71, %dma_wait3A_72] : memref<10144x128xf32, #tpu.memory_space<vmem_shared>> -> memref<10144x128xf32, #tpu.memory_space<vmem_shared>>
        tpu.wait_indirect_dma semaphore(%run_scoped3A : memref<!tpu.dma_semaphore, #tpu.memory_space<semaphore_mem>>) src(%arg10 : memref<128x128xf32, #tpu.memory_space<vmem>>) dst(%dma_wait3A_73 : memref<10144x128xf32, #tpu.memory_space<vmem_shared>>)
        tpu.yield
      }) : () -> ()
      scf.yield %scan3A_60#0, %scan3A_60#1, %scan3A_60#2, %scan3A_60#3, %scan3A_60#4, %scan3A_60#5, %scan3A_60#6, %scan3A_60#7 : vector<16xf32>, vector<16xf32>, vector<16xf32>, vector<16xf32>, vector<16xf32>, vector<16xf32>, vector<16xf32>, vector<16xf32>
    }
    %scan3A_12 = arith.constant 40 : i32
    %barrier3A_13 = arith.constant 0 : index
    tpu.barrier barrier_id(%barrier3A_13)
    %mul3A_14 = arith.constant 624 : i32
    %mul3A_15 = arith.muli %arg1, %mul3A_14 : i32
    %mul3A_16 = arith.constant 624 : i32
    %mul3A_17 = arith.muli %arg1, %mul3A_16 : i32
    "tpu.region"() ({
      %run_scoped3A = tpu.sem_alloc : memref<!tpu.dma_semaphore, #tpu.memory_space<semaphore_mem>>
      %dma_start3A = arith.constant 0 : i32
      %dma_start3A_18 = arith.constant 0 : i32
      %dma_start3A_19 = tpu.memref_slice %arg7[%arg0, %dma_start3A, %dma_start3A_18] : memref<2x10000x128xf32, #tpu.memory_space<hbm>> -> memref<1x10000x128xf32, #tpu.memory_space<hbm>>
      %dma_start3A_20 = tpu.memref_squeeze %dma_start3A_19 : memref<1x10000x128xf32, #tpu.memory_space<hbm>> -> memref<10000x128xf32, #tpu.memory_space<hbm>>
      %dma_start3A_21 = arith.constant 0 : i32
      %dma_start3A_22 = tpu.memref_slice %dma_start3A_20[%mul3A_17, %dma_start3A_21] : memref<10000x128xf32, #tpu.memory_space<hbm>> -> memref<640x128xf32, #tpu.memory_space<hbm>>
      %dma_start3A_23 = arith.constant 0 : i32
      %dma_start3A_24 = tpu.memref_slice %arg12[%mul3A_15, %dma_start3A_23] : memref<10144x128xf32, #tpu.memory_space<vmem_shared>> -> memref<640x128xf32, #tpu.memory_space<vmem_shared>>
      tpu.enqueue_dma source(%dma_start3A_24 : memref<640x128xf32, #tpu.memory_space<vmem_shared>>) target(%dma_start3A_22 : memref<640x128xf32, #tpu.memory_space<hbm>>) target_semaphore(%run_scoped3A : memref<!tpu.dma_semaphore, #tpu.memory_space<semaphore_mem>>)
      %dma_wait3A = arith.constant 0 : i32
      %dma_wait3A_25 = arith.constant 0 : i32
      %dma_wait3A_26 = tpu.memref_slice %arg7[%arg0, %dma_wait3A, %dma_wait3A_25] : memref<2x10000x128xf32, #tpu.memory_space<hbm>> -> memref<1x10000x128xf32, #tpu.memory_space<hbm>>
      %dma_wait3A_27 = tpu.memref_squeeze %dma_wait3A_26 : memref<1x10000x128xf32, #tpu.memory_space<hbm>> -> memref<10000x128xf32, #tpu.memory_space<hbm>>
      %dma_wait3A_28 = arith.constant 0 : i32
      %dma_wait3A_29 = tpu.memref_slice %dma_wait3A_27[%mul3A_17, %dma_wait3A_28] : memref<10000x128xf32, #tpu.memory_space<hbm>> -> memref<640x128xf32, #tpu.memory_space<hbm>>
      %dma_wait3A_30 = arith.constant 0 : i32
      %dma_wait3A_31 = tpu.memref_slice %arg12[%mul3A_15, %dma_wait3A_30] : memref<10144x128xf32, #tpu.memory_space<vmem_shared>> -> memref<640x128xf32, #tpu.memory_space<vmem_shared>>
      tpu.wait_dma2 semaphore(%run_scoped3A : memref<!tpu.dma_semaphore, #tpu.memory_space<semaphore_mem>>) src(%dma_wait3A_31 : memref<640x128xf32, #tpu.memory_space<vmem_shared>>) dst(%dma_wait3A_29 : memref<640x128xf32, #tpu.memory_space<hbm>>)
      tpu.yield
    }) : () -> ()
    return
  }
}

#map = affine_map<(d0, d1) -> (0, 0)>
#map1 = affine_map<(d0, d1) -> (0, 0, 0)>
module attributes {stable_mosaic.version = 14 : i64} {
  func.func @_sc_body(%arg0: i32, %arg1: i32, %arg2: memref<30000x128xf32, #tpu.memory_space<hbm>>, %arg3: memref<1280x128xi32, #tpu.memory_space<hbm>>, %arg4: memref<1280x128xi32, #tpu.memory_space<hbm>>, %arg5: memref<1280x128x16xf32, #tpu.memory_space<hbm>>, %arg6: memref<656x128xf32, #tpu.memory_space<hbm>>, %arg7: memref<2x10000x128xf32, #tpu.memory_space<hbm>>, %arg8: memref<40x128xi32, #tpu.memory_space<vmem>>, %arg9: memref<40x128xi32, #tpu.memory_space<vmem>>, %arg10: memref<128x128xf32, #tpu.memory_space<vmem>>, %arg11: memref<128x16xf32, #tpu.memory_space<vmem>>, %arg12: memref<10144x128xf32, #tpu.memory_space<vmem_shared>>, %arg13: memref<!tpu.dma_semaphore, #tpu.memory_space<semaphore_mem>>, %arg14: memref<!tpu.dma_semaphore, #tpu.memory_space<semaphore_mem>>) attributes {dimension_semantics = [#tpu.dimension_semantics<core_parallel>, #tpu.dimension_semantics<subcore_parallel>], iteration_bounds = array<i64: 2, 16>, scalar_prefetch = 0 : i64, scratch_operands = 7 : i64, tpu.core_type = #tpu.core_type<sc_vector_subcore>, window_params = [{transform_indices = #map}, {transform_indices = #map}, {transform_indices = #map}, {transform_indices = #map1}, {transform_indices = #map}, {transform_indices = #map1}]} {
    %mul3A = arith.constant 2 : i32
    %mul3A_0 = arith.muli %arg1, %mul3A : i32
    %add3A = arith.addi %mul3A_0, %arg0 : i32
    %mul3A_1 = arith.constant 624 : i32
    %mul3A_2 = arith.muli %arg1, %mul3A_1 : i32
    "tpu.region"() ({
      %run_scoped3A = tpu.sem_alloc : memref<!tpu.dma_semaphore, #tpu.memory_space<semaphore_mem>>
      %dma_start3A = arith.constant 0 : i32
      %dma_start3A_18 = tpu.memref_slice %arg12[%mul3A_2, %dma_start3A] : memref<10144x128xf32, #tpu.memory_space<vmem_shared>> -> memref<656x128xf32, #tpu.memory_space<vmem_shared>>
      tpu.enqueue_dma source(%arg6 : memref<656x128xf32, #tpu.memory_space<hbm>>) target(%dma_start3A_18 : memref<656x128xf32, #tpu.memory_space<vmem_shared>>) target_semaphore(%run_scoped3A : memref<!tpu.dma_semaphore, #tpu.memory_space<semaphore_mem>>)
      %dma_wait3A = arith.constant 0 : i32
      %dma_wait3A_19 = tpu.memref_slice %arg12[%mul3A_2, %dma_wait3A] : memref<10144x128xf32, #tpu.memory_space<vmem_shared>> -> memref<656x128xf32, #tpu.memory_space<vmem_shared>>
      tpu.wait_dma2 semaphore(%run_scoped3A : memref<!tpu.dma_semaphore, #tpu.memory_space<semaphore_mem>>) src(%arg6 : memref<656x128xf32, #tpu.memory_space<hbm>>) dst(%dma_wait3A_19 : memref<656x128xf32, #tpu.memory_space<vmem_shared>>)
      tpu.yield
    }) : () -> ()
    %mul3A_3 = arith.constant 40 : i32
    %mul3A_4 = arith.muli %add3A, %mul3A_3 : i32
    "tpu.region"() ({
      %run_scoped3A = tpu.sem_alloc : memref<!tpu.dma_semaphore, #tpu.memory_space<semaphore_mem>>
      %dma_start3A = arith.constant 0 : i32
      %dma_start3A_18 = tpu.memref_slice %arg3[%mul3A_4, %dma_start3A] : memref<1280x128xi32, #tpu.memory_space<hbm>> -> memref<40x128xi32, #tpu.memory_space<hbm>>
      %dma_start3A_19 = arith.constant 0 : i32
      %dma_start3A_20 = tpu.memref_slice %arg3[%mul3A_4, %dma_start3A_19] : memref<1280x128xi32, #tpu.memory_space<hbm>> -> memref<40x128xi32, #tpu.memory_space<hbm>>
      tpu.enqueue_dma source(%dma_start3A_20 : memref<40x128xi32, #tpu.memory_space<hbm>>) target(%arg8 : memref<40x128xi32, #tpu.memory_space<vmem>>) target_semaphore(%run_scoped3A : memref<!tpu.dma_semaphore, #tpu.memory_space<semaphore_mem>>)
      %dma_wait3A = arith.constant 0 : i32
      %dma_wait3A_21 = tpu.memref_slice %arg3[%mul3A_4, %dma_wait3A] : memref<1280x128xi32, #tpu.memory_space<hbm>> -> memref<40x128xi32, #tpu.memory_space<hbm>>
      %dma_wait3A_22 = arith.constant 0 : i32
      %dma_wait3A_23 = tpu.memref_slice %arg3[%mul3A_4, %dma_wait3A_22] : memref<1280x128xi32, #tpu.memory_space<hbm>> -> memref<40x128xi32, #tpu.memory_space<hbm>>
      tpu.wait_dma2 semaphore(%run_scoped3A : memref<!tpu.dma_semaphore, #tpu.memory_space<semaphore_mem>>) src(%dma_wait3A_23 : memref<40x128xi32, #tpu.memory_space<hbm>>) dst(%arg8 : memref<40x128xi32, #tpu.memory_space<vmem>>)
      tpu.yield
    }) : () -> ()
    %mul3A_5 = arith.constant 40 : i32
    %mul3A_6 = arith.muli %add3A, %mul3A_5 : i32
    "tpu.region"() ({
      %run_scoped3A = tpu.sem_alloc : memref<!tpu.dma_semaphore, #tpu.memory_space<semaphore_mem>>
      %dma_start3A = arith.constant 0 : i32
      %dma_start3A_18 = tpu.memref_slice %arg4[%mul3A_6, %dma_start3A] : memref<1280x128xi32, #tpu.memory_space<hbm>> -> memref<40x128xi32, #tpu.memory_space<hbm>>
      %dma_start3A_19 = arith.constant 0 : i32
      %dma_start3A_20 = tpu.memref_slice %arg4[%mul3A_6, %dma_start3A_19] : memref<1280x128xi32, #tpu.memory_space<hbm>> -> memref<40x128xi32, #tpu.memory_space<hbm>>
      tpu.enqueue_dma source(%dma_start3A_20 : memref<40x128xi32, #tpu.memory_space<hbm>>) target(%arg9 : memref<40x128xi32, #tpu.memory_space<vmem>>) target_semaphore(%run_scoped3A : memref<!tpu.dma_semaphore, #tpu.memory_space<semaphore_mem>>)
      %dma_wait3A = arith.constant 0 : i32
      %dma_wait3A_21 = tpu.memref_slice %arg4[%mul3A_6, %dma_wait3A] : memref<1280x128xi32, #tpu.memory_space<hbm>> -> memref<40x128xi32, #tpu.memory_space<hbm>>
      %dma_wait3A_22 = arith.constant 0 : i32
      %dma_wait3A_23 = tpu.memref_slice %arg4[%mul3A_6, %dma_wait3A_22] : memref<1280x128xi32, #tpu.memory_space<hbm>> -> memref<40x128xi32, #tpu.memory_space<hbm>>
      tpu.wait_dma2 semaphore(%run_scoped3A : memref<!tpu.dma_semaphore, #tpu.memory_space<semaphore_mem>>) src(%dma_wait3A_23 : memref<40x128xi32, #tpu.memory_space<hbm>>) dst(%arg9 : memref<40x128xi32, #tpu.memory_space<vmem>>)
      tpu.yield
    }) : () -> ()
    %barrier3A = arith.constant 0 : index
    tpu.barrier barrier_id(%barrier3A)
    %broadcast_in_dim3A = arith.constant 0.000000e+00 : f32
    %broadcast_in_dim3A_7 = vector.broadcast %broadcast_in_dim3A : f32 to vector<16xf32>
    %scan3A = arith.constant 0 : i32
    %scan3A_8 = arith.constant 40 : i32
    %scan3A_9 = arith.addi %scan3A, %scan3A_8 : i32
    %scan3A_10 = arith.constant 1 : i32
    %scan3A_11:8 = scf.for %scan3A_18 = %scan3A to %scan3A_9 step %scan3A_10 iter_args(%scan3A_19 = %broadcast_in_dim3A_7, %scan3A_20 = %broadcast_in_dim3A_7, %scan3A_21 = %broadcast_in_dim3A_7, %scan3A_22 = %broadcast_in_dim3A_7, %scan3A_23 = %broadcast_in_dim3A_7, %scan3A_24 = %broadcast_in_dim3A_7, %scan3A_25 = %broadcast_in_dim3A_7, %scan3A_26 = %broadcast_in_dim3A_7) -> (vector<16xf32>, vector<16xf32>, vector<16xf32>, vector<16xf32>, vector<16xf32>, vector<16xf32>, vector<16xf32>, vector<16xf32>)  : i32 {
      %dma_start3A = arith.constant 0 : i32
      %dma_start3A_27 = tpu.memref_slice %arg8[%scan3A_18, %dma_start3A] : memref<40x128xi32, #tpu.memory_space<vmem>> -> memref<1x128xi32, #tpu.memory_space<vmem>>
      %dma_start3A_28 = tpu.memref_squeeze %dma_start3A_27 : memref<1x128xi32, #tpu.memory_space<vmem>> -> memref<128xi32, #tpu.memory_space<vmem>>
      %dma_start3A_29 = arith.constant 0 : i32
      %dma_start3A_30 = arith.constant 0 : i32
      %dma_start3A_31 = tpu.memref_slice %arg2[%dma_start3A_29, %dma_start3A_30] : memref<30000x128xf32, #tpu.memory_space<hbm>> -> memref<30000x128xf32, #tpu.memory_space<hbm>>
      tpu.enqueue_indirect_dma source(%dma_start3A_31 : memref<30000x128xf32, #tpu.memory_space<hbm>>) target(%arg10 : memref<128x128xf32, #tpu.memory_space<vmem>>) offsets(%dma_start3A_28 : memref<128xi32, #tpu.memory_space<vmem>>) semaphore(%arg13 : memref<!tpu.dma_semaphore, #tpu.memory_space<semaphore_mem>>)
      %mul3A_32 = arith.constant 40 : i32
      %mul3A_33 = arith.muli %add3A, %mul3A_32 : i32
      %add3A_34 = arith.addi %mul3A_33, %scan3A_18 : i32
      %dma_start3A_35 = arith.constant 0 : i32
      %dma_start3A_36 = arith.constant 0 : i32
      %dma_start3A_37 = tpu.memref_slice %arg5[%add3A_34, %dma_start3A_35, %dma_start3A_36] : memref<1280x128x16xf32, #tpu.memory_space<hbm>> -> memref<1x128x16xf32, #tpu.memory_space<hbm>>
      %dma_start3A_38 = tpu.memref_squeeze %dma_start3A_37 : memref<1x128x16xf32, #tpu.memory_space<hbm>> -> memref<128x16xf32, #tpu.memory_space<hbm>>
      %dma_start3A_39 = arith.constant 0 : i32
      %dma_start3A_40 = arith.constant 0 : i32
      %dma_start3A_41 = tpu.memref_slice %arg5[%add3A_34, %dma_start3A_39, %dma_start3A_40] : memref<1280x128x16xf32, #tpu.memory_space<hbm>> -> memref<1x128x16xf32, #tpu.memory_space<hbm>>
      %dma_start3A_42 = tpu.memref_squeeze %dma_start3A_41 : memref<1x128x16xf32, #tpu.memory_space<hbm>> -> memref<128x16xf32, #tpu.memory_space<hbm>>
      tpu.enqueue_dma source(%dma_start3A_42 : memref<128x16xf32, #tpu.memory_space<hbm>>) target(%arg11 : memref<128x16xf32, #tpu.memory_space<vmem>>) target_semaphore(%arg14 : memref<!tpu.dma_semaphore, #tpu.memory_space<semaphore_mem>>)
      %dma_wait3A = arith.constant 0 : i32
      %dma_wait3A_43 = tpu.memref_slice %arg8[%scan3A_18, %dma_wait3A] : memref<40x128xi32, #tpu.memory_space<vmem>> -> memref<1x128xi32, #tpu.memory_space<vmem>>
      %dma_wait3A_44 = tpu.memref_squeeze %dma_wait3A_43 : memref<1x128xi32, #tpu.memory_space<vmem>> -> memref<128xi32, #tpu.memory_space<vmem>>
      %dma_wait3A_45 = arith.constant 0 : i32
      %dma_wait3A_46 = arith.constant 0 : i32
      %dma_wait3A_47 = tpu.memref_slice %arg2[%dma_wait3A_45, %dma_wait3A_46] : memref<30000x128xf32, #tpu.memory_space<hbm>> -> memref<30000x128xf32, #tpu.memory_space<hbm>>
      tpu.wait_indirect_dma semaphore(%arg13 : memref<!tpu.dma_semaphore, #tpu.memory_space<semaphore_mem>>) src(%dma_wait3A_47 : memref<30000x128xf32, #tpu.memory_space<hbm>>) dst(%arg10 : memref<128x128xf32, #tpu.memory_space<vmem>>)
      %dma_wait3A_48 = arith.constant 0 : i32
      %dma_wait3A_49 = arith.constant 0 : i32
      %dma_wait3A_50 = tpu.memref_slice %arg5[%add3A_34, %dma_wait3A_48, %dma_wait3A_49] : memref<1280x128x16xf32, #tpu.memory_space<hbm>> -> memref<1x128x16xf32, #tpu.memory_space<hbm>>
      %dma_wait3A_51 = tpu.memref_squeeze %dma_wait3A_50 : memref<1x128x16xf32, #tpu.memory_space<hbm>> -> memref<128x16xf32, #tpu.memory_space<hbm>>
      %dma_wait3A_52 = arith.constant 0 : i32
      %dma_wait3A_53 = arith.constant 0 : i32
      %dma_wait3A_54 = tpu.memref_slice %arg5[%add3A_34, %dma_wait3A_52, %dma_wait3A_53] : memref<1280x128x16xf32, #tpu.memory_space<hbm>> -> memref<1x128x16xf32, #tpu.memory_space<hbm>>
      %dma_wait3A_55 = tpu.memref_squeeze %dma_wait3A_54 : memref<1x128x16xf32, #tpu.memory_space<hbm>> -> memref<128x16xf32, #tpu.memory_space<hbm>>
      tpu.wait_dma2 semaphore(%arg14 : memref<!tpu.dma_semaphore, #tpu.memory_space<semaphore_mem>>) src(%dma_wait3A_55 : memref<128x16xf32, #tpu.memory_space<hbm>>) dst(%arg11 : memref<128x16xf32, #tpu.memory_space<vmem>>)
      %scan3A_56 = arith.constant 0 : i32
      %scan3A_57 = arith.constant 128 : i32
      %scan3A_58 = arith.addi %scan3A_56, %scan3A_57 : i32
      %scan3A_59 = arith.constant 1 : i32
      %scan3A_60:8 = scf.for %scan3A_62 = %scan3A_56 to %scan3A_58 step %scan3A_59 iter_args(%scan3A_63 = %scan3A_19, %scan3A_64 = %scan3A_20, %scan3A_65 = %scan3A_21, %scan3A_66 = %scan3A_22, %scan3A_67 = %scan3A_23, %scan3A_68 = %scan3A_24, %scan3A_69 = %scan3A_25, %scan3A_70 = %scan3A_26) -> (vector<16xf32>, vector<16xf32>, vector<16xf32>, vector<16xf32>, vector<16xf32>, vector<16xf32>, vector<16xf32>, vector<16xf32>)  : i32 {
        %get3A = arith.index_cast %scan3A_62 : i32 to index
        %get3A_71 = arith.constant 0 : index
        %get3A_72 = tpu.vector_load %arg11[%get3A, %get3A_71] {strides = array<i32>} : memref<128x16xf32, #tpu.memory_space<vmem>>, vector<1x16xf32>,
        %get3A_73 = vector.shape_cast %get3A_72 : vector<1x16xf32> to vector<16xf32>
        %get3A_74 = arith.index_cast %scan3A_62 : i32 to index
        %get3A_75 = arith.constant 0 : index
        %get3A_76 = tpu.vector_load %arg10[%get3A_74, %get3A_75] {strides = array<i32>} : memref<128x128xf32, #tpu.memory_space<vmem>>, vector<1x16xf32>,
        %get3A_77 = vector.shape_cast %get3A_76 : vector<1x16xf32> to vector<16xf32>
        %mul3A_78 = arith.mulf %get3A_73, %scan3A_63 : vector<16xf32>
        %add3A_79 = arith.addf %get3A_77, %mul3A_78 : vector<16xf32>
        %swap3A = arith.index_cast %scan3A_62 : i32 to index
        %swap3A_80 = arith.constant 0 : index
        %swap3A_81 = tpu.vector_load %arg10[%swap3A, %swap3A_80] {strides = array<i32>} : memref<128x128xf32, #tpu.memory_space<vmem>>, vector<1x16xf32>,
        %swap3A_82 = vector.shape_cast %swap3A_81 : vector<1x16xf32> to vector<16xf32>
        %swap3A_83 = vector.shape_cast %add3A_79 : vector<16xf32> to vector<1x16xf32>
        tpu.vector_store %arg10[%swap3A, %swap3A_80], %swap3A_83 {strides = array<i32>} : memref<128x128xf32, #tpu.memory_space<vmem>>, vector<1x16xf32>,
        %get3A_84 = arith.index_cast %scan3A_62 : i32 to index
        %get3A_85 = arith.constant 16 : index
        %get3A_86 = tpu.vector_load %arg10[%get3A_84, %get3A_85] {strides = array<i32>} : memref<128x128xf32, #tpu.memory_space<vmem>>, vector<1x16xf32>,
        %get3A_87 = vector.shape_cast %get3A_86 : vector<1x16xf32> to vector<16xf32>
        %mul3A_88 = arith.mulf %get3A_73, %scan3A_64 : vector<16xf32>
        %add3A_89 = arith.addf %get3A_87, %mul3A_88 : vector<16xf32>
        %swap3A_90 = arith.index_cast %scan3A_62 : i32 to index
        %swap3A_91 = arith.constant 16 : index
        %swap3A_92 = tpu.vector_load %arg10[%swap3A_90, %swap3A_91] {strides = array<i32>} : memref<128x128xf32, #tpu.memory_space<vmem>>, vector<1x16xf32>,
        %swap3A_93 = vector.shape_cast %swap3A_92 : vector<1x16xf32> to vector<16xf32>
        %swap3A_94 = vector.shape_cast %add3A_89 : vector<16xf32> to vector<1x16xf32>
        tpu.vector_store %arg10[%swap3A_90, %swap3A_91], %swap3A_94 {strides = array<i32>} : memref<128x128xf32, #tpu.memory_space<vmem>>, vector<1x16xf32>,
        %get3A_95 = arith.index_cast %scan3A_62 : i32 to index
        %get3A_96 = arith.constant 32 : index
        %get3A_97 = tpu.vector_load %arg10[%get3A_95, %get3A_96] {strides = array<i32>} : memref<128x128xf32, #tpu.memory_space<vmem>>, vector<1x16xf32>,
        %get3A_98 = vector.shape_cast %get3A_97 : vector<1x16xf32> to vector<16xf32>
        %mul3A_99 = arith.mulf %get3A_73, %scan3A_65 : vector<16xf32>
        %add3A_100 = arith.addf %get3A_98, %mul3A_99 : vector<16xf32>
        %swap3A_101 = arith.index_cast %scan3A_62 : i32 to index
        %swap3A_102 = arith.constant 32 : index
        %swap3A_103 = tpu.vector_load %arg10[%swap3A_101, %swap3A_102] {strides = array<i32>} : memref<128x128xf32, #tpu.memory_space<vmem>>, vector<1x16xf32>,
        %swap3A_104 = vector.shape_cast %swap3A_103 : vector<1x16xf32> to vector<16xf32>
        %swap3A_105 = vector.shape_cast %add3A_100 : vector<16xf32> to vector<1x16xf32>
        tpu.vector_store %arg10[%swap3A_101, %swap3A_102], %swap3A_105 {strides = array<i32>} : memref<128x128xf32, #tpu.memory_space<vmem>>, vector<1x16xf32>,
        %get3A_106 = arith.index_cast %scan3A_62 : i32 to index
        %get3A_107 = arith.constant 48 : index
        %get3A_108 = tpu.vector_load %arg10[%get3A_106, %get3A_107] {strides = array<i32>} : memref<128x128xf32, #tpu.memory_space<vmem>>, vector<1x16xf32>,
        %get3A_109 = vector.shape_cast %get3A_108 : vector<1x16xf32> to vector<16xf32>
        %mul3A_110 = arith.mulf %get3A_73, %scan3A_66 : vector<16xf32>
        %add3A_111 = arith.addf %get3A_109, %mul3A_110 : vector<16xf32>
        %swap3A_112 = arith.index_cast %scan3A_62 : i32 to index
        %swap3A_113 = arith.constant 48 : index
        %swap3A_114 = tpu.vector_load %arg10[%swap3A_112, %swap3A_113] {strides = array<i32>} : memref<128x128xf32, #tpu.memory_space<vmem>>, vector<1x16xf32>,
        %swap3A_115 = vector.shape_cast %swap3A_114 : vector<1x16xf32> to vector<16xf32>
        %swap3A_116 = vector.shape_cast %add3A_111 : vector<16xf32> to vector<1x16xf32>
        tpu.vector_store %arg10[%swap3A_112, %swap3A_113], %swap3A_116 {strides = array<i32>} : memref<128x128xf32, #tpu.memory_space<vmem>>, vector<1x16xf32>,
        %get3A_117 = arith.index_cast %scan3A_62 : i32 to index
        %get3A_118 = arith.constant 64 : index
        %get3A_119 = tpu.vector_load %arg10[%get3A_117, %get3A_118] {strides = array<i32>} : memref<128x128xf32, #tpu.memory_space<vmem>>, vector<1x16xf32>,
        %get3A_120 = vector.shape_cast %get3A_119 : vector<1x16xf32> to vector<16xf32>
        %mul3A_121 = arith.mulf %get3A_73, %scan3A_67 : vector<16xf32>
        %add3A_122 = arith.addf %get3A_120, %mul3A_121 : vector<16xf32>
        %swap3A_123 = arith.index_cast %scan3A_62 : i32 to index
        %swap3A_124 = arith.constant 64 : index
        %swap3A_125 = tpu.vector_load %arg10[%swap3A_123, %swap3A_124] {strides = array<i32>} : memref<128x128xf32, #tpu.memory_space<vmem>>, vector<1x16xf32>,
        %swap3A_126 = vector.shape_cast %swap3A_125 : vector<1x16xf32> to vector<16xf32>
        %swap3A_127 = vector.shape_cast %add3A_122 : vector<16xf32> to vector<1x16xf32>
        tpu.vector_store %arg10[%swap3A_123, %swap3A_124], %swap3A_127 {strides = array<i32>} : memref<128x128xf32, #tpu.memory_space<vmem>>, vector<1x16xf32>,
        %get3A_128 = arith.index_cast %scan3A_62 : i32 to index
        %get3A_129 = arith.constant 80 : index
        %get3A_130 = tpu.vector_load %arg10[%get3A_128, %get3A_129] {strides = array<i32>} : memref<128x128xf32, #tpu.memory_space<vmem>>, vector<1x16xf32>,
        %get3A_131 = vector.shape_cast %get3A_130 : vector<1x16xf32> to vector<16xf32>
        %mul3A_132 = arith.mulf %get3A_73, %scan3A_68 : vector<16xf32>
        %add3A_133 = arith.addf %get3A_131, %mul3A_132 : vector<16xf32>
        %swap3A_134 = arith.index_cast %scan3A_62 : i32 to index
        %swap3A_135 = arith.constant 80 : index
        %swap3A_136 = tpu.vector_load %arg10[%swap3A_134, %swap3A_135] {strides = array<i32>} : memref<128x128xf32, #tpu.memory_space<vmem>>, vector<1x16xf32>,
        %swap3A_137 = vector.shape_cast %swap3A_136 : vector<1x16xf32> to vector<16xf32>
        %swap3A_138 = vector.shape_cast %add3A_133 : vector<16xf32> to vector<1x16xf32>
        tpu.vector_store %arg10[%swap3A_134, %swap3A_135], %swap3A_138 {strides = array<i32>} : memref<128x128xf32, #tpu.memory_space<vmem>>, vector<1x16xf32>,
        %get3A_139 = arith.index_cast %scan3A_62 : i32 to index
        %get3A_140 = arith.constant 96 : index
        %get3A_141 = tpu.vector_load %arg10[%get3A_139, %get3A_140] {strides = array<i32>} : memref<128x128xf32, #tpu.memory_space<vmem>>, vector<1x16xf32>,
        %get3A_142 = vector.shape_cast %get3A_141 : vector<1x16xf32> to vector<16xf32>
        %mul3A_143 = arith.mulf %get3A_73, %scan3A_69 : vector<16xf32>
        %add3A_144 = arith.addf %get3A_142, %mul3A_143 : vector<16xf32>
        %swap3A_145 = arith.index_cast %scan3A_62 : i32 to index
        %swap3A_146 = arith.constant 96 : index
        %swap3A_147 = tpu.vector_load %arg10[%swap3A_145, %swap3A_146] {strides = array<i32>} : memref<128x128xf32, #tpu.memory_space<vmem>>, vector<1x16xf32>,
        %swap3A_148 = vector.shape_cast %swap3A_147 : vector<1x16xf32> to vector<16xf32>
        %swap3A_149 = vector.shape_cast %add3A_144 : vector<16xf32> to vector<1x16xf32>
        tpu.vector_store %arg10[%swap3A_145, %swap3A_146], %swap3A_149 {strides = array<i32>} : memref<128x128xf32, #tpu.memory_space<vmem>>, vector<1x16xf32>,
        %get3A_150 = arith.index_cast %scan3A_62 : i32 to index
        %get3A_151 = arith.constant 112 : index
        %get3A_152 = tpu.vector_load %arg10[%get3A_150, %get3A_151] {strides = array<i32>} : memref<128x128xf32, #tpu.memory_space<vmem>>, vector<1x16xf32>,
        %get3A_153 = vector.shape_cast %get3A_152 : vector<1x16xf32> to vector<16xf32>
        %mul3A_154 = arith.mulf %get3A_73, %scan3A_70 : vector<16xf32>
        %add3A_155 = arith.addf %get3A_153, %mul3A_154 : vector<16xf32>
        %swap3A_156 = arith.index_cast %scan3A_62 : i32 to index
        %swap3A_157 = arith.constant 112 : index
        %swap3A_158 = tpu.vector_load %arg10[%swap3A_156, %swap3A_157] {strides = array<i32>} : memref<128x128xf32, #tpu.memory_space<vmem>>, vector<1x16xf32>,
        %swap3A_159 = vector.shape_cast %swap3A_158 : vector<1x16xf32> to vector<16xf32>
        %swap3A_160 = vector.shape_cast %add3A_155 : vector<16xf32> to vector<1x16xf32>
        tpu.vector_store %arg10[%swap3A_156, %swap3A_157], %swap3A_160 {strides = array<i32>} : memref<128x128xf32, #tpu.memory_space<vmem>>, vector<1x16xf32>,
        scf.yield %add3A_79, %add3A_89, %add3A_100, %add3A_111, %add3A_122, %add3A_133, %add3A_144, %add3A_155 : vector<16xf32>, vector<16xf32>, vector<16xf32>, vector<16xf32>, vector<16xf32>, vector<16xf32>, vector<16xf32>, vector<16xf32>
      }
      %scan3A_61 = arith.constant 128 : i32
      "tpu.region"() ({
        %run_scoped3A = tpu.sem_alloc : memref<!tpu.dma_semaphore, #tpu.memory_space<semaphore_mem>>
        %dma_start3A_62 = arith.constant 0 : i32
        %dma_start3A_63 = tpu.memref_slice %arg9[%scan3A_18, %dma_start3A_62] : memref<40x128xi32, #tpu.memory_space<vmem>> -> memref<1x128xi32, #tpu.memory_space<vmem>>
        %dma_start3A_64 = tpu.memref_squeeze %dma_start3A_63 : memref<1x128xi32, #tpu.memory_space<vmem>> -> memref<128xi32, #tpu.memory_space<vmem>>
        %dma_start3A_65 = arith.constant 0 : i32
        %dma_start3A_66 = arith.constant 0 : i32
        %dma_start3A_67 = tpu.memref_slice %arg12[%dma_start3A_65, %dma_start3A_66] : memref<10144x128xf32, #tpu.memory_space<vmem_shared>> -> memref<10144x128xf32, #tpu.memory_space<vmem_shared>>
        tpu.enqueue_indirect_dma source(%arg10 : memref<128x128xf32, #tpu.memory_space<vmem>>) target(%dma_start3A_67 : memref<10144x128xf32, #tpu.memory_space<vmem_shared>>) offsets(%dma_start3A_64 : memref<128xi32, #tpu.memory_space<vmem>>) semaphore(%run_scoped3A : memref<!tpu.dma_semaphore, #tpu.memory_space<semaphore_mem>>)
        %dma_wait3A_68 = arith.constant 0 : i32
        %dma_wait3A_69 = tpu.memref_slice %arg9[%scan3A_18, %dma_wait3A_68] : memref<40x128xi32, #tpu.memory_space<vmem>> -> memref<1x128xi32, #tpu.memory_space<vmem>>
        %dma_wait3A_70 = tpu.memref_squeeze %dma_wait3A_69 : memref<1x128xi32, #tpu.memory_space<vmem>> -> memref<128xi32, #tpu.memory_space<vmem>>
        %dma_wait3A_71 = arith.constant 0 : i32
        %dma_wait3A_72 = arith.constant 0 : i32
        %dma_wait3A_73 = tpu.memref_slice %arg12[%dma_wait3A_71, %dma_wait3A_72] : memref<10144x128xf32, #tpu.memory_space<vmem_shared>> -> memref<10144x128xf32, #tpu.memory_space<vmem_shared>>
        tpu.wait_indirect_dma semaphore(%run_scoped3A : memref<!tpu.dma_semaphore, #tpu.memory_space<semaphore_mem>>) src(%arg10 : memref<128x128xf32, #tpu.memory_space<vmem>>) dst(%dma_wait3A_73 : memref<10144x128xf32, #tpu.memory_space<vmem_shared>>)
        tpu.yield
      }) : () -> ()
      scf.yield %scan3A_60#0, %scan3A_60#1, %scan3A_60#2, %scan3A_60#3, %scan3A_60#4, %scan3A_60#5, %scan3A_60#6, %scan3A_60#7 : vector<16xf32>, vector<16xf32>, vector<16xf32>, vector<16xf32>, vector<16xf32>, vector<16xf32>, vector<16xf32>, vector<16xf32>
    }
    %scan3A_12 = arith.constant 40 : i32
    %barrier3A_13 = arith.constant 0 : index
    tpu.barrier barrier_id(%barrier3A_13)
    %mul3A_14 = arith.constant 624 : i32
    %mul3A_15 = arith.muli %arg1, %mul3A_14 : i32
    %mul3A_16 = arith.constant 624 : i32
    %mul3A_17 = arith.muli %arg1, %mul3A_16 : i32
    "tpu.region"() ({
      %run_scoped3A = tpu.sem_alloc : memref<!tpu.dma_semaphore, #tpu.memory_space<semaphore_mem>>
      %dma_start3A = arith.constant 0 : i32
      %dma_start3A_18 = arith.constant 0 : i32
      %dma_start3A_19 = tpu.memref_slice %arg7[%arg0, %dma_start3A, %dma_start3A_18] : memref<2x10000x128xf32, #tpu.memory_space<hbm>> -> memref<1x10000x128xf32, #tpu.memory_space<hbm>>
      %dma_start3A_20 = tpu.memref_squeeze %dma_start3A_19 : memref<1x10000x128xf32, #tpu.memory_space<hbm>> -> memref<10000x128xf32, #tpu.memory_space<hbm>>
      %dma_start3A_21 = arith.constant 0 : i32
      %dma_start3A_22 = tpu.memref_slice %dma_start3A_20[%mul3A_17, %dma_start3A_21] : memref<10000x128xf32, #tpu.memory_space<hbm>> -> memref<640x128xf32, #tpu.memory_space<hbm>>
      %dma_start3A_23 = arith.constant 0 : i32
      %dma_start3A_24 = tpu.memref_slice %arg12[%mul3A_15, %dma_start3A_23] : memref<10144x128xf32, #tpu.memory_space<vmem_shared>> -> memref<640x128xf32, #tpu.memory_space<vmem_shared>>
      tpu.enqueue_dma source(%dma_start3A_24 : memref<640x128xf32, #tpu.memory_space<vmem_shared>>) target(%dma_start3A_22 : memref<640x128xf32, #tpu.memory_space<hbm>>) target_semaphore(%run_scoped3A : memref<!tpu.dma_semaphore, #tpu.memory_space<semaphore_mem>>)
      %dma_wait3A = arith.constant 0 : i32
      %dma_wait3A_25 = arith.constant 0 : i32
      %dma_wait3A_26 = tpu.memref_slice %arg7[%arg0, %dma_wait3A, %dma_wait3A_25] : memref<2x10000x128xf32, #tpu.memory_space<hbm>> -> memref<1x10000x128xf32, #tpu.memory_space<hbm>>
      %dma_wait3A_27 = tpu.memref_squeeze %dma_wait3A_26 : memref<1x10000x128xf32, #tpu.memory_space<hbm>> -> memref<10000x128xf32, #tpu.memory_space<hbm>>
      %dma_wait3A_28 = arith.constant 0 : i32
      %dma_wait3A_29 = tpu.memref_slice %dma_wait3A_27[%mul3A_17, %dma_wait3A_28] : memref<10000x128xf32, #tpu.memory_space<hbm>> -> memref<640x128xf32, #tpu.memory_space<hbm>>
      %dma_wait3A_30 = arith.constant 0 : i32
      %dma_wait3A_31 = tpu.memref_slice %arg12[%mul3A_15, %dma_wait3A_30] : memref<10144x128xf32, #tpu.memory_space<vmem_shared>> -> memref<640x128xf32, #tpu.memory_space<vmem_shared>>
      tpu.wait_dma2 semaphore(%run_scoped3A : memref<!tpu.dma_semaphore, #tpu.memory_space<semaphore_mem>>) src(%dma_wait3A_31 : memref<640x128xf32, #tpu.memory_space<vmem_shared>>) dst(%dma_wait3A_29 : memref<640x128xf32, #tpu.memory_space<hbm>>)
      tpu.yield
    }) : () -> ()
    return
  }
}

module attributes {stable_mosaic.version = 14 : i64} {
  func.func @_wh_body(%arg0: i32, %arg1: memref<1000x128xf32, #tpu.memory_space<vmem>>, %arg2: memref<3x128x128xf32, #tpu.memory_space<vmem>>, %arg3: memref<3x128xf32, #tpu.memory_space<vmem>>, %arg4: memref<3x1000x128xf32, #tpu.memory_space<vmem>>) attributes {dimension_semantics = [#tpu.dimension_semantics<arbitrary>], iteration_bounds = array<i64: 10>, scalar_prefetch = 0 : i64, scratch_operands = 0 : i64, tpu.core_type = #tpu.core_type<tc>, window_params = [{transform_indices = @transform_0, window_bounds = array<i64: 1000, 128>}, {pipeline_mode = #tpu.pipeline_mode<synchronous>, transform_indices = @transform_1, window_bounds = array<i64: 3, 128, 128>}, {pipeline_mode = #tpu.pipeline_mode<synchronous>, transform_indices = @transform_2, window_bounds = array<i64: 3, 128>}, {transform_indices = @transform_3, window_bounds = array<i64: 3, 1000, 128>}]} {
    %get3A = arith.constant 0 : index
    %get3A_0 = arith.constant 0 : index
    %get3A_1 = vector.load %arg1[%get3A, %get3A_0] : memref<1000x128xf32, #tpu.memory_space<vmem>>, vector<1000x128xf32>
    %get3A_2 = arith.constant 0 : index
    %get3A_3 = arith.constant 0 : index
    %get3A_4 = arith.constant 0 : index
    %get3A_5 = vector.load %arg2[%get3A_2, %get3A_3, %get3A_4] : memref<3x128x128xf32, #tpu.memory_space<vmem>>, vector<1x128x128xf32>
    %get3A_6 = vector.shape_cast %get3A_5 : vector<1x128x128xf32> to vector<128x128xf32>
    %dot_general3A = arith.constant dense<0.000000e+00> : vector<1000x128xf32>
    %dot_general3A_7 = tpu.matmul %get3A_1, %get3A_6, %dot_general3A {dimension_numbers = #tpu.dot_dimension_numbers<[1], [0], [0], [1], [0, 0, 1, 1], [], []>, transpose_lhs_hint = false} : vector<1000x128xf32>, vector<128x128xf32>, vector<1000x128xf32> -> vector<1000x128xf32>
    %get3A_8 = arith.constant 0 : index
    %get3A_9 = arith.constant 0 : index
    %get3A_10 = vector.load %arg3[%get3A_8, %get3A_9] : memref<3x128xf32, #tpu.memory_space<vmem>>, vector<1x128xf32>
    %get3A_11 = vector.shape_cast %get3A_10 : vector<1x128xf32> to vector<128xf32>
    %broadcast_in_dim3A = vector.shape_cast %get3A_11 : vector<128xf32> to vector<1x128xf32>
    %add3A = vector.broadcast %broadcast_in_dim3A : vector<1x128xf32> to vector<1000x128xf32>
    %add3A_12 = arith.addf %dot_general3A_7, %add3A : vector<1000x128xf32>
    %swap3A = arith.constant 0 : index
    %swap3A_13 = arith.constant 0 : index
    %swap3A_14 = arith.constant 0 : index
    %swap3A_15 = vector.load %arg4[%swap3A, %swap3A_13, %swap3A_14] : memref<3x1000x128xf32, #tpu.memory_space<vmem>>, vector<1x1000x128xf32>
    %swap3A_16 = vector.shape_cast %swap3A_15 : vector<1x1000x128xf32> to vector<1000x128xf32>
    %swap3A_17 = vector.shape_cast %add3A_12 : vector<1000x128xf32> to vector<1x1000x128xf32>
    tpu.vector_store %arg4[%swap3A, %swap3A_13, %swap3A_14], %swap3A_17 {strides = array<i32>} : memref<3x1000x128xf32, #tpu.memory_space<vmem>>, vector<1x1000x128xf32>,
    %get3A_18 = arith.constant 1 : index
    %get3A_19 = arith.constant 0 : index
    %get3A_20 = arith.constant 0 : index
    %get3A_21 = vector.load %arg2[%get3A_18, %get3A_19, %get3A_20] : memref<3x128x128xf32, #tpu.memory_space<vmem>>, vector<1x128x128xf32>
    %get3A_22 = vector.shape_cast %get3A_21 : vector<1x128x128xf32> to vector<128x128xf32>
    %dot_general3A_23 = arith.constant dense<0.000000e+00> : vector<1000x128xf32>
    %dot_general3A_24 = tpu.matmul %get3A_1, %get3A_22, %dot_general3A_23 {dimension_numbers = #tpu.dot_dimension_numbers<[1], [0], [0], [1], [0, 0, 1, 1], [], []>, transpose_lhs_hint = false} : vector<1000x128xf32>, vector<128x128xf32>, vector<1000x128xf32> -> vector<1000x128xf32>
    %get3A_25 = arith.constant 1 : index
    %get3A_26 = arith.constant 0 : index
    %get3A_27 = vector.load %arg3[%get3A_25, %get3A_26] : memref<3x128xf32, #tpu.memory_space<vmem>>, vector<1x128xf32>
    %get3A_28 = vector.shape_cast %get3A_27 : vector<1x128xf32> to vector<128xf32>
    %broadcast_in_dim3A_29 = vector.shape_cast %get3A_28 : vector<128xf32> to vector<1x128xf32>
    %add3A_30 = vector.broadcast %broadcast_in_dim3A_29 : vector<1x128xf32> to vector<1000x128xf32>
    %add3A_31 = arith.addf %dot_general3A_24, %add3A_30 : vector<1000x128xf32>
    %swap3A_32 = arith.constant 1 : index
    %swap3A_33 = arith.constant 0 : index
    %swap3A_34 = arith.constant 0 : index
    %swap3A_35 = vector.load %arg4[%swap3A_32, %swap3A_33, %swap3A_34] : memref<3x1000x128xf32, #tpu.memory_space<vmem>>, vector<1x1000x128xf32>
    %swap3A_36 = vector.shape_cast %swap3A_35 : vector<1x1000x128xf32> to vector<1000x128xf32>
    %swap3A_37 = vector.shape_cast %add3A_31 : vector<1000x128xf32> to vector<1x1000x128xf32>
    tpu.vector_store %arg4[%swap3A_32, %swap3A_33, %swap3A_34], %swap3A_37 {strides = array<i32>} : memref<3x1000x128xf32, #tpu.memory_space<vmem>>, vector<1x1000x128xf32>,
    %get3A_38 = arith.constant 2 : index
    %get3A_39 = arith.constant 0 : index
    %get3A_40 = arith.constant 0 : index
    %get3A_41 = vector.load %arg2[%get3A_38, %get3A_39, %get3A_40] : memref<3x128x128xf32, #tpu.memory_space<vmem>>, vector<1x128x128xf32>
    %get3A_42 = vector.shape_cast %get3A_41 : vector<1x128x128xf32> to vector<128x128xf32>
    %dot_general3A_43 = arith.constant dense<0.000000e+00> : vector<1000x128xf32>
    %dot_general3A_44 = tpu.matmul %get3A_1, %get3A_42, %dot_general3A_43 {dimension_numbers = #tpu.dot_dimension_numbers<[1], [0], [0], [1], [0, 0, 1, 1], [], []>, transpose_lhs_hint = false} : vector<1000x128xf32>, vector<128x128xf32>, vector<1000x128xf32> -> vector<1000x128xf32>
    %get3A_45 = arith.constant 2 : index
    %get3A_46 = arith.constant 0 : index
    %get3A_47 = vector.load %arg3[%get3A_45, %get3A_46] : memref<3x128xf32, #tpu.memory_space<vmem>>, vector<1x128xf32>
    %get3A_48 = vector.shape_cast %get3A_47 : vector<1x128xf32> to vector<128xf32>
    %broadcast_in_dim3A_49 = vector.shape_cast %get3A_48 : vector<128xf32> to vector<1x128xf32>
    %add3A_50 = vector.broadcast %broadcast_in_dim3A_49 : vector<1x128xf32> to vector<1000x128xf32>
    %add3A_51 = arith.addf %dot_general3A_44, %add3A_50 : vector<1000x128xf32>
    %swap3A_52 = arith.constant 2 : index
    %swap3A_53 = arith.constant 0 : index
    %swap3A_54 = arith.constant 0 : index
    %swap3A_55 = vector.load %arg4[%swap3A_52, %swap3A_53, %swap3A_54] : memref<3x1000x128xf32, #tpu.memory_space<vmem>>, vector<1x1000x128xf32>
    %swap3A_56 = vector.shape_cast %swap3A_55 : vector<1x1000x128xf32> to vector<1000x128xf32>
    %swap3A_57 = vector.shape_cast %add3A_51 : vector<1000x128xf32> to vector<1x1000x128xf32>
    tpu.vector_store %arg4[%swap3A_52, %swap3A_53, %swap3A_54], %swap3A_57 {strides = array<i32>} : memref<3x1000x128xf32, #tpu.memory_space<vmem>>, vector<1x1000x128xf32>,
    return
  }
  func.func @transform_0(%arg0: i32) -> (i32, i32) {
    %c0_i32 = arith.constant 0 : i32
    %c0_i32_0 = arith.constant 0 : i32
    return %arg0, %c0_i32 : i32, i32
  }
  func.func @transform_1(%arg0: i32) -> (i32, i32, i32) {
    %c0_i32 = arith.constant 0 : i32
    %c0_i32_0 = arith.constant 0 : i32
    %c0_i32_1 = arith.constant 0 : i32
    %c0_i32_2 = arith.constant 0 : i32
    return %c0_i32, %c0_i32_0, %c0_i32_1 : i32, i32, i32
  }
  func.func @transform_2(%arg0: i32) -> (i32, i32) {
    %c0_i32 = arith.constant 0 : i32
    %c0_i32_0 = arith.constant 0 : i32
    %c0_i32_1 = arith.constant 0 : i32
    return %c0_i32, %c0_i32_0 : i32, i32
  }
  func.func @transform_3(%arg0: i32) -> (i32, i32, i32) {
    %c0_i32 = arith.constant 0 : i32
    %c0_i32_0 = arith.constant 0 : i32
    %c0_i32_1 = arith.constant 0 : i32
    return %c0_i32, %arg0, %c0_i32_0 : i32, i32, i32
  }
}

module attributes {stable_mosaic.version = 14 : i64} {
  func.func @_gru_body(%arg0: i32, %arg1: memref<2x1000x128xf32, #tpu.memory_space<vmem>>, %arg2: memref<1000x128xf32, #tpu.memory_space<vmem>>, %arg3: memref<128x384xf32, #tpu.memory_space<vmem>>, %arg4: memref<1x384xf32, #tpu.memory_space<vmem>>, %arg5: memref<128x384xf32, #tpu.memory_space<vmem>>, %arg6: memref<1x384xf32, #tpu.memory_space<vmem>>, %arg7: memref<1000x128xf32, #tpu.memory_space<vmem>>) attributes {dimension_semantics = [#tpu.dimension_semantics<arbitrary>], iteration_bounds = array<i64: 10>, scalar_prefetch = 0 : i64, scratch_operands = 0 : i64, tpu.core_type = #tpu.core_type<tc>, window_params = [{transform_indices = @transform_0, window_bounds = array<i64: 2, 1000, 128>}, {transform_indices = @transform_1, window_bounds = array<i64: 1000, 128>}, {pipeline_mode = #tpu.pipeline_mode<synchronous>, transform_indices = @transform_2, window_bounds = array<i64: 128, 384>}, {pipeline_mode = #tpu.pipeline_mode<synchronous>, transform_indices = @transform_3, window_bounds = array<i64: 1, 384>}, {pipeline_mode = #tpu.pipeline_mode<synchronous>, transform_indices = @transform_4, window_bounds = array<i64: 128, 384>}, {pipeline_mode = #tpu.pipeline_mode<synchronous>, transform_indices = @transform_5, window_bounds = array<i64: 1, 384>}, {transform_indices = @transform_6, window_bounds = array<i64: 1000, 128>}]} {
    %get3A = arith.constant 0 : index
    %get3A_0 = arith.constant 0 : index
    %get3A_1 = arith.constant 0 : index
    %get3A_2 = vector.load %arg1[%get3A, %get3A_0, %get3A_1] : memref<2x1000x128xf32, #tpu.memory_space<vmem>>, vector<1x1000x128xf32>
    %get3A_3 = vector.shape_cast %get3A_2 : vector<1x1000x128xf32> to vector<1000x128xf32>
    %get3A_4 = arith.constant 1 : index
    %get3A_5 = arith.constant 0 : index
    %get3A_6 = arith.constant 0 : index
    %get3A_7 = vector.load %arg1[%get3A_4, %get3A_5, %get3A_6] : memref<2x1000x128xf32, #tpu.memory_space<vmem>>, vector<1x1000x128xf32>
    %get3A_8 = vector.shape_cast %get3A_7 : vector<1x1000x128xf32> to vector<1000x128xf32>
    %add3A = arith.addf %get3A_3, %get3A_8 : vector<1000x128xf32>
    %get3A_9 = arith.constant 0 : index
    %get3A_10 = arith.constant 0 : index
    %get3A_11 = vector.load %arg2[%get3A_9, %get3A_10] : memref<1000x128xf32, #tpu.memory_space<vmem>>, vector<1000x128xf32>
    %get3A_12 = arith.constant 0 : index
    %get3A_13 = arith.constant 0 : index
    %get3A_14 = vector.load %arg3[%get3A_12, %get3A_13] : memref<128x384xf32, #tpu.memory_space<vmem>>, vector<128x384xf32>
    %dot_general3A = arith.constant dense<0.000000e+00> : vector<1000x384xf32>
    %dot_general3A_15 = tpu.matmul %add3A, %get3A_14, %dot_general3A {dimension_numbers = #tpu.dot_dimension_numbers<[1], [0], [0], [1], [0, 0, 1, 1], [], []>, transpose_lhs_hint = false} : vector<1000x128xf32>, vector<128x384xf32>, vector<1000x384xf32> -> vector<1000x384xf32>
    %get3A_16 = arith.constant 0 : index
    %get3A_17 = arith.constant 0 : index
    %get3A_18 = vector.load %arg4[%get3A_16, %get3A_17] : memref<1x384xf32, #tpu.memory_space<vmem>>, vector<1x384xf32>
    %add3A_19 = vector.broadcast %get3A_18 : vector<1x384xf32> to vector<1000x384xf32>
    %add3A_20 = arith.addf %dot_general3A_15, %add3A_19 : vector<1000x384xf32>
    %get3A_21 = arith.constant 0 : index
    %get3A_22 = arith.constant 0 : index
    %get3A_23 = vector.load %arg5[%get3A_21, %get3A_22] : memref<128x384xf32, #tpu.memory_space<vmem>>, vector<128x384xf32>
    %dot_general3A_24 = arith.constant dense<0.000000e+00> : vector<1000x384xf32>
    %dot_general3A_25 = tpu.matmul %get3A_11, %get3A_23, %dot_general3A_24 {dimension_numbers = #tpu.dot_dimension_numbers<[1], [0], [0], [1], [0, 0, 1, 1], [], []>, transpose_lhs_hint = false} : vector<1000x128xf32>, vector<128x384xf32>, vector<1000x384xf32> -> vector<1000x384xf32>
    %get3A_26 = arith.constant 0 : index
    %get3A_27 = arith.constant 0 : index
    %get3A_28 = vector.load %arg6[%get3A_26, %get3A_27] : memref<1x384xf32, #tpu.memory_space<vmem>>, vector<1x384xf32>
    %add3A_29 = vector.broadcast %get3A_28 : vector<1x384xf32> to vector<1000x384xf32>
    %add3A_30 = arith.addf %dot_general3A_25, %add3A_29 : vector<1000x384xf32>
    %slice3A = vector.extract_strided_slice %add3A_20 {offsets = [0, 0], sizes = [1000, 128], strides = [1, 1]} : vector<1000x384xf32> to vector<1000x128xf32>
    %slice3A_31 = vector.extract_strided_slice %add3A_30 {offsets = [0, 0], sizes = [1000, 128], strides = [1, 1]} : vector<1000x384xf32> to vector<1000x128xf32>
    %add3A_32 = arith.addf %slice3A, %slice3A_31 : vector<1000x128xf32>
    %logistic3A = arith.negf %add3A_32 : vector<1000x128xf32>
    %logistic3A_33 = math.exp %logistic3A : vector<1000x128xf32>
    %logistic3A_34 = arith.constant 1.000000e+00 : f32
    %logistic3A_35 = vector.broadcast %logistic3A_34 : f32 to vector<1000x128xf32>
    %logistic3A_36 = arith.addf %logistic3A_35, %logistic3A_33 : vector<1000x128xf32>
    %logistic3A_37 = arith.divf %logistic3A_35, %logistic3A_36 : vector<1000x128xf32>
    %slice3A_38 = vector.extract_strided_slice %add3A_20 {offsets = [0, 128], sizes = [1000, 128], strides = [1, 1]} : vector<1000x384xf32> to vector<1000x128xf32>
    %slice3A_39 = vector.extract_strided_slice %add3A_30 {offsets = [0, 128], sizes = [1000, 128], strides = [1, 1]} : vector<1000x384xf32> to vector<1000x128xf32>
    %add3A_40 = arith.addf %slice3A_38, %slice3A_39 : vector<1000x128xf32>
    %logistic3A_41 = arith.negf %add3A_40 : vector<1000x128xf32>
    %logistic3A_42 = math.exp %logistic3A_41 : vector<1000x128xf32>
    %logistic3A_43 = arith.constant 1.000000e+00 : f32
    %logistic3A_44 = vector.broadcast %logistic3A_43 : f32 to vector<1000x128xf32>
    %logistic3A_45 = arith.addf %logistic3A_44, %logistic3A_42 : vector<1000x128xf32>
    %logistic3A_46 = arith.divf %logistic3A_44, %logistic3A_45 : vector<1000x128xf32>
    %slice3A_47 = vector.extract_strided_slice %add3A_20 {offsets = [0, 256], sizes = [1000, 128], strides = [1, 1]} : vector<1000x384xf32> to vector<1000x128xf32>
    %slice3A_48 = vector.extract_strided_slice %add3A_30 {offsets = [0, 256], sizes = [1000, 128], strides = [1, 1]} : vector<1000x384xf32> to vector<1000x128xf32>
    %mul3A = arith.mulf %logistic3A_37, %slice3A_48 : vector<1000x128xf32>
    %add3A_49 = arith.addf %slice3A_47, %mul3A : vector<1000x128xf32>
    %tanh3A = math.tanh %add3A_49 : vector<1000x128xf32>
    %sub3A = arith.constant 1.000000e+00 : f32
    %sub3A_50 = vector.broadcast %sub3A : f32 to vector<1000x128xf32>
    %sub3A_51 = arith.subf %sub3A_50, %logistic3A_46 : vector<1000x128xf32>
    %mul3A_52 = arith.mulf %sub3A_51, %tanh3A : vector<1000x128xf32>
    %mul3A_53 = arith.mulf %logistic3A_46, %get3A_11 : vector<1000x128xf32>
    %add3A_54 = arith.addf %mul3A_52, %mul3A_53 : vector<1000x128xf32>
    %swap3A = arith.constant 0 : index
    %swap3A_55 = arith.constant 0 : index
    %swap3A_56 = vector.load %arg7[%swap3A, %swap3A_55] : memref<1000x128xf32, #tpu.memory_space<vmem>>, vector<1000x128xf32>
    tpu.vector_store %arg7[%swap3A, %swap3A_55], %add3A_54 {strides = array<i32>} : memref<1000x128xf32, #tpu.memory_space<vmem>>, vector<1000x128xf32>,
    return
  }
  func.func @transform_0(%arg0: i32) -> (i32, i32, i32) {
    %c0_i32 = arith.constant 0 : i32
    %c0_i32_0 = arith.constant 0 : i32
    %c0_i32_1 = arith.constant 0 : i32
    return %c0_i32, %arg0, %c0_i32_0 : i32, i32, i32
  }
  func.func @transform_1(%arg0: i32) -> (i32, i32) {
    %c0_i32 = arith.constant 0 : i32
    %c0_i32_0 = arith.constant 0 : i32
    return %arg0, %c0_i32 : i32, i32
  }
  func.func @transform_2(%arg0: i32) -> (i32, i32) {
    %c0_i32 = arith.constant 0 : i32
    %c0_i32_0 = arith.constant 0 : i32
    %c0_i32_1 = arith.constant 0 : i32
    return %c0_i32, %c0_i32_0 : i32, i32
  }
  func.func @transform_3(%arg0: i32) -> (i32, i32) {
    %c0_i32 = arith.constant 0 : i32
    %c0_i32_0 = arith.constant 0 : i32
    %c0_i32_1 = arith.constant 0 : i32
    return %c0_i32, %c0_i32_0 : i32, i32
  }
  func.func @transform_4(%arg0: i32) -> (i32, i32) {
    %c0_i32 = arith.constant 0 : i32
    %c0_i32_0 = arith.constant 0 : i32
    %c0_i32_1 = arith.constant 0 : i32
    return %c0_i32, %c0_i32_0 : i32, i32
  }
  func.func @transform_5(%arg0: i32) -> (i32, i32) {
    %c0_i32 = arith.constant 0 : i32
    %c0_i32_0 = arith.constant 0 : i32
    %c0_i32_1 = arith.constant 0 : i32
    return %c0_i32, %c0_i32_0 : i32, i32
  }
  func.func @transform_6(%arg0: i32) -> (i32, i32) {
    %c0_i32 = arith.constant 0 : i32
    %c0_i32_0 = arith.constant 0 : i32
    return %arg0, %c0_i32 : i32, i32
  }
}

module attributes {stable_mosaic.version = 14 : i64} {
  func.func @_readout_body(%arg0: i32, %arg1: memref<1x200x128xf32, #tpu.memory_space<vmem>>, %arg2: memref<1x200x128xf32, #tpu.memory_space<vmem>>, %arg3: memref<384x128xf32, #tpu.memory_space<vmem>>, %arg4: memref<1x128xf32, #tpu.memory_space<vmem>>, %arg5: memref<128x128xf32, #tpu.memory_space<vmem>>, %arg6: memref<1x128xf32, #tpu.memory_space<vmem>>, %arg7: memref<768x256xf32, #tpu.memory_space<vmem>>, %arg8: memref<1x256xf32, #tpu.memory_space<vmem>>, %arg9: memref<256x256xf32, #tpu.memory_space<vmem>>, %arg10: memref<1x256xf32, #tpu.memory_space<vmem>>, %arg11: memref<128x1xf32, #tpu.memory_space<vmem>>, %arg12: memref<1x1xf32, #tpu.memory_space<vmem>>, %arg13: memref<256x1xf32, #tpu.memory_space<vmem>>, %arg14: memref<1x1xf32, #tpu.memory_space<vmem>>, %arg15: memref<1x49x128xf32, #tpu.memory_space<vmem>>, %arg16: memref<1x49x256xf32, #tpu.memory_space<vmem>>, %arg17: memref<1x49x1xf32, #tpu.memory_space<vmem>>) attributes {dimension_semantics = [#tpu.dimension_semantics<arbitrary>], iteration_bounds = array<i64: 50>, scalar_prefetch = 0 : i64, scratch_operands = 0 : i64, tpu.core_type = #tpu.core_type<tc>, window_params = [{transform_indices = @transform_0, window_bounds = array<i64: 1, 200, 128>}, {transform_indices = @transform_1, window_bounds = array<i64: 1, 200, 128>}, {pipeline_mode = #tpu.pipeline_mode<synchronous>, transform_indices = @transform_2, window_bounds = array<i64: 384, 128>}, {pipeline_mode = #tpu.pipeline_mode<synchronous>, transform_indices = @transform_3, window_bounds = array<i64: 1, 128>}, {pipeline_mode = #tpu.pipeline_mode<synchronous>, transform_indices = @transform_4, window_bounds = array<i64: 128, 128>}, {pipeline_mode = #tpu.pipeline_mode<synchronous>, transform_indices = @transform_5, window_bounds = array<i64: 1, 128>}, {pipeline_mode = #tpu.pipeline_mode<synchronous>, transform_indices = @transform_6, window_bounds = array<i64: 768, 256>}, {pipeline_mode = #tpu.pipeline_mode<synchronous>, transform_indices = @transform_7, window_bounds = array<i64: 1, 256>}, {pipeline_mode = #tpu.pipeline_mode<synchronous>, transform_indices = @transform_8, window_bounds = array<i64: 256, 256>}, {pipeline_mode = #tpu.pipeline_mode<synchronous>, transform_indices = @transform_9, window_bounds = array<i64: 1, 256>}, {pipeline_mode = #tpu.pipeline_mode<synchronous>, transform_indices = @transform_10, window_bounds = array<i64: 128, 1>}, {pipeline_mode = #tpu.pipeline_mode<synchronous>, transform_indices = @transform_11, window_bounds = array<i64: 1, 1>}, {pipeline_mode = #tpu.pipeline_mode<synchronous>, transform_indices = @transform_12, window_bounds = array<i64: 256, 1>}, {pipeline_mode = #tpu.pipeline_mode<synchronous>, transform_indices = @transform_13, window_bounds = array<i64: 1, 1>}, {transform_indices = @transform_14, window_bounds = array<i64: 1, 49, 128>}, {transform_indices = @transform_15, window_bounds = array<i64: 1, 49, 256>}, {transform_indices = @transform_16, window_bounds = array<i64: 1, 49, 1>}]} {
    %get3A = arith.constant 0 : index
    %get3A_0 = arith.constant 0 : index
    %get3A_1 = arith.constant 0 : index
    %get3A_2 = vector.load %arg1[%get3A, %get3A_0, %get3A_1] : memref<1x200x128xf32, #tpu.memory_space<vmem>>, vector<1x200x128xf32>
    %get3A_3 = vector.shape_cast %get3A_2 : vector<1x200x128xf32> to vector<200x128xf32>
    %get3A_4 = arith.constant 0 : index
    %get3A_5 = arith.constant 0 : index
    %get3A_6 = arith.constant 0 : index
    %get3A_7 = vector.load %arg2[%get3A_4, %get3A_5, %get3A_6] : memref<1x200x128xf32, #tpu.memory_space<vmem>>, vector<1x200x128xf32>
    %get3A_8 = vector.shape_cast %get3A_7 : vector<1x200x128xf32> to vector<200x128xf32>
    %concatenate3A = tpu.concatenate %get3A_3, %get3A_8 in 1 : vector<200x128xf32>, vector<200x128xf32> -> vector<200x256xf32>
    %slice3A = vector.extract_strided_slice %get3A_3 {offsets = [0, 0], sizes = [198, 128], strides = [1, 1]} : vector<200x128xf32> to vector<198x128xf32>
    %slice3A_9 = vector.extract_strided_slice %get3A_3 {offsets = [1, 0], sizes = [198, 128], strides = [1, 1]} : vector<200x128xf32> to vector<198x128xf32>
    %slice3A_10 = vector.extract_strided_slice %get3A_3 {offsets = [2, 0], sizes = [198, 128], strides = [1, 1]} : vector<200x128xf32> to vector<198x128xf32>
    %concatenate3A_11 = tpu.concatenate %slice3A, %slice3A_9, %slice3A_10 in 1 : vector<198x128xf32>, vector<198x128xf32>, vector<198x128xf32> -> vector<198x384xf32>
    %get3A_12 = arith.constant 0 : index
    %get3A_13 = arith.constant 0 : index
    %get3A_14 = vector.load %arg3[%get3A_12, %get3A_13] : memref<384x128xf32, #tpu.memory_space<vmem>>, vector<384x128xf32>
    %dot_general3A = arith.constant dense<0.000000e+00> : vector<198x128xf32>
    %dot_general3A_15 = tpu.matmul %concatenate3A_11, %get3A_14, %dot_general3A {dimension_numbers = #tpu.dot_dimension_numbers<[1], [0], [0], [1], [0, 0, 1, 1], [], []>, transpose_lhs_hint = false} : vector<198x384xf32>, vector<384x128xf32>, vector<198x128xf32> -> vector<198x128xf32>
    %get3A_16 = arith.constant 0 : index
    %get3A_17 = arith.constant 0 : index
    %get3A_18 = vector.load %arg4[%get3A_16, %get3A_17] : memref<1x128xf32, #tpu.memory_space<vmem>>, vector<1x128xf32>
    %add3A = vector.broadcast %get3A_18 : vector<1x128xf32> to vector<198x128xf32>
    %add3A_19 = arith.addf %dot_general3A_15, %add3A : vector<198x128xf32>
    %max3A = arith.constant 0.000000e+00 : f32
    %max3A_20 = vector.broadcast %max3A : f32 to vector<198x128xf32>
    %max3A_21 = arith.maximumf %add3A_19, %max3A_20 : vector<198x128xf32>
    %reshape3A = vector.shape_cast %max3A_21 : vector<198x128xf32> to vector<99x2x128xf32>
    %slice3A_22 = vector.extract_strided_slice %reshape3A {offsets = [0, 0, 0], sizes = [99, 1, 128], strides = [1, 1, 1]} : vector<99x2x128xf32> to vector<99x1x128xf32>
    %squeeze3A = vector.shape_cast %slice3A_22 : vector<99x1x128xf32> to vector<99x128xf32>
    %slice3A_23 = vector.extract_strided_slice %reshape3A {offsets = [0, 1, 0], sizes = [99, 1, 128], strides = [1, 1, 1]} : vector<99x2x128xf32> to vector<99x1x128xf32>
    %squeeze3A_24 = vector.shape_cast %slice3A_23 : vector<99x1x128xf32> to vector<99x128xf32>
    %slice3A_25 = vector.extract_strided_slice %squeeze3A {offsets = [0, 0], sizes = [98, 128], strides = [1, 1]} : vector<99x128xf32> to vector<98x128xf32>
    %slice3A_26 = vector.extract_strided_slice %squeeze3A_24 {offsets = [0, 0], sizes = [98, 128], strides = [1, 1]} : vector<99x128xf32> to vector<98x128xf32>
    %max3A_27 = arith.maximumf %slice3A_25, %slice3A_26 : vector<98x128xf32>
    %slice3A_28 = vector.extract_strided_slice %squeeze3A {offsets = [1, 0], sizes = [98, 128], strides = [1, 1]} : vector<99x128xf32> to vector<98x128xf32>
    %max3A_29 = arith.maximumf %max3A_27, %slice3A_28 : vector<98x128xf32>
    %get3A_30 = arith.constant 0 : index
    %get3A_31 = arith.constant 0 : index
    %get3A_32 = vector.load %arg5[%get3A_30, %get3A_31] : memref<128x128xf32, #tpu.memory_space<vmem>>, vector<128x128xf32>
    %dot_general3A_33 = arith.constant dense<0.000000e+00> : vector<98x128xf32>
    %dot_general3A_34 = tpu.matmul %max3A_29, %get3A_32, %dot_general3A_33 {dimension_numbers = #tpu.dot_dimension_numbers<[1], [0], [0], [1], [0, 0, 1, 1], [], []>, transpose_lhs_hint = false} : vector<98x128xf32>, vector<128x128xf32>, vector<98x128xf32> -> vector<98x128xf32>
    %get3A_35 = arith.constant 0 : index
    %get3A_36 = arith.constant 0 : index
    %get3A_37 = vector.load %arg6[%get3A_35, %get3A_36] : memref<1x128xf32, #tpu.memory_space<vmem>>, vector<1x128xf32>
    %add3A_38 = vector.broadcast %get3A_37 : vector<1x128xf32> to vector<98x128xf32>
    %add3A_39 = arith.addf %dot_general3A_34, %add3A_38 : vector<98x128xf32>
    %max3A_40 = arith.constant 0.000000e+00 : f32
    %max3A_41 = vector.broadcast %max3A_40 : f32 to vector<98x128xf32>
    %max3A_42 = arith.maximumf %add3A_39, %max3A_41 : vector<98x128xf32>
    %reshape3A_43 = vector.shape_cast %max3A_42 : vector<98x128xf32> to vector<49x2x128xf32>
    %slice3A_44 = vector.extract_strided_slice %reshape3A_43 {offsets = [0, 0, 0], sizes = [49, 1, 128], strides = [1, 1, 1]} : vector<49x2x128xf32> to vector<49x1x128xf32>
    %squeeze3A_45 = vector.shape_cast %slice3A_44 : vector<49x1x128xf32> to vector<49x128xf32>
    %slice3A_46 = vector.extract_strided_slice %reshape3A_43 {offsets = [0, 1, 0], sizes = [49, 1, 128], strides = [1, 1, 1]} : vector<49x2x128xf32> to vector<49x1x128xf32>
    %squeeze3A_47 = vector.shape_cast %slice3A_46 : vector<49x1x128xf32> to vector<49x128xf32>
    %max3A_48 = arith.maximumf %squeeze3A_45, %squeeze3A_47 : vector<49x128xf32>
    %slice3A_49 = vector.extract_strided_slice %concatenate3A {offsets = [0, 0], sizes = [198, 256], strides = [1, 1]} : vector<200x256xf32> to vector<198x256xf32>
    %slice3A_50 = vector.extract_strided_slice %concatenate3A {offsets = [1, 0], sizes = [198, 256], strides = [1, 1]} : vector<200x256xf32> to vector<198x256xf32>
    %slice3A_51 = vector.extract_strided_slice %concatenate3A {offsets = [2, 0], sizes = [198, 256], strides = [1, 1]} : vector<200x256xf32> to vector<198x256xf32>
    %concatenate3A_52 = tpu.concatenate %slice3A_49, %slice3A_50, %slice3A_51 in 1 : vector<198x256xf32>, vector<198x256xf32>, vector<198x256xf32> -> vector<198x768xf32>
    %get3A_53 = arith.constant 0 : index
    %get3A_54 = arith.constant 0 : index
    %get3A_55 = vector.load %arg7[%get3A_53, %get3A_54] : memref<768x256xf32, #tpu.memory_space<vmem>>, vector<768x256xf32>
    %dot_general3A_56 = arith.constant dense<0.000000e+00> : vector<198x256xf32>
    %dot_general3A_57 = tpu.matmul %concatenate3A_52, %get3A_55, %dot_general3A_56 {dimension_numbers = #tpu.dot_dimension_numbers<[1], [0], [0], [1], [0, 0, 1, 1], [], []>, transpose_lhs_hint = false} : vector<198x768xf32>, vector<768x256xf32>, vector<198x256xf32> -> vector<198x256xf32>
    %get3A_58 = arith.constant 0 : index
    %get3A_59 = arith.constant 0 : index
    %get3A_60 = vector.load %arg8[%get3A_58, %get3A_59] : memref<1x256xf32, #tpu.memory_space<vmem>>, vector<1x256xf32>
    %add3A_61 = vector.broadcast %get3A_60 : vector<1x256xf32> to vector<198x256xf32>
    %add3A_62 = arith.addf %dot_general3A_57, %add3A_61 : vector<198x256xf32>
    %max3A_63 = arith.constant 0.000000e+00 : f32
    %max3A_64 = vector.broadcast %max3A_63 : f32 to vector<198x256xf32>
    %max3A_65 = arith.maximumf %add3A_62, %max3A_64 : vector<198x256xf32>
    %reshape3A_66 = vector.shape_cast %max3A_65 : vector<198x256xf32> to vector<99x2x256xf32>
    %slice3A_67 = vector.extract_strided_slice %reshape3A_66 {offsets = [0, 0, 0], sizes = [99, 1, 256], strides = [1, 1, 1]} : vector<99x2x256xf32> to vector<99x1x256xf32>
    %squeeze3A_68 = vector.shape_cast %slice3A_67 : vector<99x1x256xf32> to vector<99x256xf32>
    %slice3A_69 = vector.extract_strided_slice %reshape3A_66 {offsets = [0, 1, 0], sizes = [99, 1, 256], strides = [1, 1, 1]} : vector<99x2x256xf32> to vector<99x1x256xf32>
    %squeeze3A_70 = vector.shape_cast %slice3A_69 : vector<99x1x256xf32> to vector<99x256xf32>
    %slice3A_71 = vector.extract_strided_slice %squeeze3A_68 {offsets = [0, 0], sizes = [98, 256], strides = [1, 1]} : vector<99x256xf32> to vector<98x256xf32>
    %slice3A_72 = vector.extract_strided_slice %squeeze3A_70 {offsets = [0, 0], sizes = [98, 256], strides = [1, 1]} : vector<99x256xf32> to vector<98x256xf32>
    %max3A_73 = arith.maximumf %slice3A_71, %slice3A_72 : vector<98x256xf32>
    %slice3A_74 = vector.extract_strided_slice %squeeze3A_68 {offsets = [1, 0], sizes = [98, 256], strides = [1, 1]} : vector<99x256xf32> to vector<98x256xf32>
    %max3A_75 = arith.maximumf %max3A_73, %slice3A_74 : vector<98x256xf32>
    %get3A_76 = arith.constant 0 : index
    %get3A_77 = arith.constant 0 : index
    %get3A_78 = vector.load %arg9[%get3A_76, %get3A_77] : memref<256x256xf32, #tpu.memory_space<vmem>>, vector<256x256xf32>
    %dot_general3A_79 = arith.constant dense<0.000000e+00> : vector<98x256xf32>
    %dot_general3A_80 = tpu.matmul %max3A_75, %get3A_78, %dot_general3A_79 {dimension_numbers = #tpu.dot_dimension_numbers<[1], [0], [0], [1], [0, 0, 1, 1], [], []>, transpose_lhs_hint = false} : vector<98x256xf32>, vector<256x256xf32>, vector<98x256xf32> -> vector<98x256xf32>
    %get3A_81 = arith.constant 0 : index
    %get3A_82 = arith.constant 0 : index
    %get3A_83 = vector.load %arg10[%get3A_81, %get3A_82] : memref<1x256xf32, #tpu.memory_space<vmem>>, vector<1x256xf32>
    %add3A_84 = vector.broadcast %get3A_83 : vector<1x256xf32> to vector<98x256xf32>
    %add3A_85 = arith.addf %dot_general3A_80, %add3A_84 : vector<98x256xf32>
    %max3A_86 = arith.constant 0.000000e+00 : f32
    %max3A_87 = vector.broadcast %max3A_86 : f32 to vector<98x256xf32>
    %max3A_88 = arith.maximumf %add3A_85, %max3A_87 : vector<98x256xf32>
    %reshape3A_89 = vector.shape_cast %max3A_88 : vector<98x256xf32> to vector<49x2x256xf32>
    %slice3A_90 = vector.extract_strided_slice %reshape3A_89 {offsets = [0, 0, 0], sizes = [49, 1, 256], strides = [1, 1, 1]} : vector<49x2x256xf32> to vector<49x1x256xf32>
    %squeeze3A_91 = vector.shape_cast %slice3A_90 : vector<49x1x256xf32> to vector<49x256xf32>
    %slice3A_92 = vector.extract_strided_slice %reshape3A_89 {offsets = [0, 1, 0], sizes = [49, 1, 256], strides = [1, 1, 1]} : vector<49x2x256xf32> to vector<49x1x256xf32>
    %squeeze3A_93 = vector.shape_cast %slice3A_92 : vector<49x1x256xf32> to vector<49x256xf32>
    %max3A_94 = arith.maximumf %squeeze3A_91, %squeeze3A_93 : vector<49x256xf32>
    %swap3A = arith.constant 0 : index
    %swap3A_95 = arith.constant 0 : index
    %swap3A_96 = arith.constant 0 : index
    %swap3A_97 = vector.load %arg15[%swap3A, %swap3A_95, %swap3A_96] : memref<1x49x128xf32, #tpu.memory_space<vmem>>, vector<1x49x128xf32>
    %swap3A_98 = vector.shape_cast %swap3A_97 : vector<1x49x128xf32> to vector<49x128xf32>
    %swap3A_99 = vector.shape_cast %max3A_48 : vector<49x128xf32> to vector<1x49x128xf32>
    tpu.vector_store %arg15[%swap3A, %swap3A_95, %swap3A_96], %swap3A_99 {strides = array<i32>} : memref<1x49x128xf32, #tpu.memory_space<vmem>>, vector<1x49x128xf32>,
    %swap3A_100 = arith.constant 0 : index
    %swap3A_101 = arith.constant 0 : index
    %swap3A_102 = arith.constant 0 : index
    %swap3A_103 = vector.load %arg16[%swap3A_100, %swap3A_101, %swap3A_102] : memref<1x49x256xf32, #tpu.memory_space<vmem>>, vector<1x49x256xf32>
    %swap3A_104 = vector.shape_cast %swap3A_103 : vector<1x49x256xf32> to vector<49x256xf32>
    %swap3A_105 = vector.shape_cast %max3A_94 : vector<49x256xf32> to vector<1x49x256xf32>
    tpu.vector_store %arg16[%swap3A_100, %swap3A_101, %swap3A_102], %swap3A_105 {strides = array<i32>} : memref<1x49x256xf32, #tpu.memory_space<vmem>>, vector<1x49x256xf32>,
    %get3A_106 = arith.constant 0 : index
    %get3A_107 = arith.constant 0 : index
    %get3A_108 = vector.load %arg11[%get3A_106, %get3A_107] : memref<128x1xf32, #tpu.memory_space<vmem>>, vector<128x1xf32>
    %dot_general3A_109 = arith.constant dense<0.000000e+00> : vector<49x1xf32>
    %dot_general3A_110 = tpu.matmul %max3A_48, %get3A_108, %dot_general3A_109 {dimension_numbers = #tpu.dot_dimension_numbers<[1], [0], [0], [1], [0, 0, 1, 1], [], []>, transpose_lhs_hint = false} : vector<49x128xf32>, vector<128x1xf32>, vector<49x1xf32> -> vector<49x1xf32>
    %get3A_111 = arith.constant 0 : index
    %get3A_112 = arith.constant 0 : index
    %get3A_113 = vector.load %arg12[%get3A_111, %get3A_112] : memref<1x1xf32, #tpu.memory_space<vmem>>, vector<1x1xf32>
    %get3A_114 = vector.extract %get3A_113[0, 0] : f32 from vector<1x1xf32>
    %add3A_115 = vector.broadcast %get3A_114 : f32 to vector<49x1xf32>
    %add3A_116 = arith.addf %dot_general3A_110, %add3A_115 : vector<49x1xf32>
    %get3A_117 = arith.constant 0 : index
    %get3A_118 = arith.constant 0 : index
    %get3A_119 = vector.load %arg13[%get3A_117, %get3A_118] : memref<256x1xf32, #tpu.memory_space<vmem>>, vector<256x1xf32>
    %dot_general3A_120 = arith.constant dense<0.000000e+00> : vector<49x1xf32>
    %dot_general3A_121 = tpu.matmul %max3A_94, %get3A_119, %dot_general3A_120 {dimension_numbers = #tpu.dot_dimension_numbers<[1], [0], [0], [1], [0, 0, 1, 1], [], []>, transpose_lhs_hint = false} : vector<49x256xf32>, vector<256x1xf32>, vector<49x1xf32> -> vector<49x1xf32>
    %get3A_122 = arith.constant 0 : index
    %get3A_123 = arith.constant 0 : index
    %get3A_124 = vector.load %arg14[%get3A_122, %get3A_123] : memref<1x1xf32, #tpu.memory_space<vmem>>, vector<1x1xf32>
    %get3A_125 = vector.extract %get3A_124[0, 0] : f32 from vector<1x1xf32>
    %add3A_126 = vector.broadcast %get3A_125 : f32 to vector<49x1xf32>
    %add3A_127 = arith.addf %dot_general3A_121, %add3A_126 : vector<49x1xf32>
    %mul3A = arith.mulf %add3A_116, %add3A_127 : vector<49x1xf32>
    %swap3A_128 = arith.constant 0 : index
    %swap3A_129 = arith.constant 0 : index
    %swap3A_130 = arith.constant 0 : index
    %swap3A_131 = vector.load %arg17[%swap3A_128, %swap3A_129, %swap3A_130] : memref<1x49x1xf32, #tpu.memory_space<vmem>>, vector<1x49x1xf32>
    %swap3A_132 = vector.shape_cast %swap3A_131 : vector<1x49x1xf32> to vector<49x1xf32>
    %swap3A_133 = vector.shape_cast %mul3A : vector<49x1xf32> to vector<1x49x1xf32>
    tpu.vector_store %arg17[%swap3A_128, %swap3A_129, %swap3A_130], %swap3A_133 {strides = array<i32>} : memref<1x49x1xf32, #tpu.memory_space<vmem>>, vector<1x49x1xf32>,
    return
  }
  func.func @transform_0(%arg0: i32) -> (i32, i32, i32) {
    %c0_i32 = arith.constant 0 : i32
    %c0_i32_0 = arith.constant 0 : i32
    %c0_i32_1 = arith.constant 0 : i32
    return %arg0, %c0_i32, %c0_i32_0 : i32, i32, i32
  }
  func.func @transform_1(%arg0: i32) -> (i32, i32, i32) {
    %c0_i32 = arith.constant 0 : i32
    %c0_i32_0 = arith.constant 0 : i32
    %c0_i32_1 = arith.constant 0 : i32
    return %arg0, %c0_i32, %c0_i32_0 : i32, i32, i32
  }
  func.func @transform_2(%arg0: i32) -> (i32, i32) {
    %c0_i32 = arith.constant 0 : i32
    %c0_i32_0 = arith.constant 0 : i32
    %c0_i32_1 = arith.constant 0 : i32
    return %c0_i32, %c0_i32_0 : i32, i32
  }
  func.func @transform_3(%arg0: i32) -> (i32, i32) {
    %c0_i32 = arith.constant 0 : i32
    %c0_i32_0 = arith.constant 0 : i32
    %c0_i32_1 = arith.constant 0 : i32
    return %c0_i32, %c0_i32_0 : i32, i32
  }
  func.func @transform_4(%arg0: i32) -> (i32, i32) {
    %c0_i32 = arith.constant 0 : i32
    %c0_i32_0 = arith.constant 0 : i32
    %c0_i32_1 = arith.constant 0 : i32
    return %c0_i32, %c0_i32_0 : i32, i32
  }
  func.func @transform_5(%arg0: i32) -> (i32, i32) {
    %c0_i32 = arith.constant 0 : i32
    %c0_i32_0 = arith.constant 0 : i32
    %c0_i32_1 = arith.constant 0 : i32
    return %c0_i32, %c0_i32_0 : i32, i32
  }
  func.func @transform_6(%arg0: i32) -> (i32, i32) {
    %c0_i32 = arith.constant 0 : i32
    %c0_i32_0 = arith.constant 0 : i32
    %c0_i32_1 = arith.constant 0 : i32
    return %c0_i32, %c0_i32_0 : i32, i32
  }
  func.func @transform_7(%arg0: i32) -> (i32, i32) {
    %c0_i32 = arith.constant 0 : i32
    %c0_i32_0 = arith.constant 0 : i32
    %c0_i32_1 = arith.constant 0 : i32
    return %c0_i32, %c0_i32_0 : i32, i32
  }
  func.func @transform_8(%arg0: i32) -> (i32, i32) {
    %c0_i32 = arith.constant 0 : i32
    %c0_i32_0 = arith.constant 0 : i32
    %c0_i32_1 = arith.constant 0 : i32
    return %c0_i32, %c0_i32_0 : i32, i32
  }
  func.func @transform_9(%arg0: i32) -> (i32, i32) {
    %c0_i32 = arith.constant 0 : i32
    %c0_i32_0 = arith.constant 0 : i32
    %c0_i32_1 = arith.constant 0 : i32
    return %c0_i32, %c0_i32_0 : i32, i32
  }
  func.func @transform_10(%arg0: i32) -> (i32, i32) {
    %c0_i32 = arith.constant 0 : i32
    %c0_i32_0 = arith.constant 0 : i32
    %c0_i32_1 = arith.constant 0 : i32
    return %c0_i32, %c0_i32_0 : i32, i32
  }
  func.func @transform_11(%arg0: i32) -> (i32, i32) {
    %c0_i32 = arith.constant 0 : i32
    %c0_i32_0 = arith.constant 0 : i32
    %c0_i32_1 = arith.constant 0 : i32
    return %c0_i32, %c0_i32_0 : i32, i32
  }
  func.func @transform_12(%arg0: i32) -> (i32, i32) {
    %c0_i32 = arith.constant 0 : i32
    %c0_i32_0 = arith.constant 0 : i32
    %c0_i32_1 = arith.constant 0 : i32
    return %c0_i32, %c0_i32_0 : i32, i32
  }
  func.func @transform_13(%arg0: i32) -> (i32, i32) {
    %c0_i32 = arith.constant 0 : i32
    %c0_i32_0 = arith.constant 0 : i32
    %c0_i32_1 = arith.constant 0 : i32
    return %c0_i32, %c0_i32_0 : i32, i32
  }
  func.func @transform_14(%arg0: i32) -> (i32, i32, i32) {
    %c0_i32 = arith.constant 0 : i32
    %c0_i32_0 = arith.constant 0 : i32
    %c0_i32_1 = arith.constant 0 : i32
    return %arg0, %c0_i32, %c0_i32_0 : i32, i32, i32
  }
  func.func @transform_15(%arg0: i32) -> (i32, i32, i32) {
    %c0_i32 = arith.constant 0 : i32
    %c0_i32_0 = arith.constant 0 : i32
    %c0_i32_1 = arith.constant 0 : i32
    return %arg0, %c0_i32, %c0_i32_0 : i32, i32, i32
  }
  func.func @transform_16(%arg0: i32) -> (i32, i32, i32) {
    %c0_i32 = arith.constant 0 : i32
    %c0_i32_0 = arith.constant 0 : i32
    %c0_i32_1 = arith.constant 0 : i32
    return %arg0, %c0_i32, %c0_i32_0 : i32, i32, i32
  }
}

module attributes {stable_mosaic.version = 14 : i64} {
  func.func @_head_body(%arg0: memref<50x49x128xf32, #tpu.memory_space<vmem>>, %arg1: memref<50x49x256xf32, #tpu.memory_space<vmem>>, %arg2: memref<50x49x1xf32, #tpu.memory_space<vmem>>, %arg3: memref<50x1xf32, #tpu.memory_space<vmem>>, %arg4: memref<50x1xf32, #tpu.memory_space<vmem>>, %arg5: memref<50x384xf32, #tpu.memory_space<vmem>>) attributes {dimension_semantics = [], scalar_prefetch = 0 : i64, scratch_operands = 0 : i64, tpu.core_type = #tpu.core_type<tc>} {
    %get3A = arith.constant 0 : index
    %get3A_0 = arith.constant 0 : index
    %get3A_1 = arith.constant 0 : index
    %get3A_2 = vector.load %arg0[%get3A, %get3A_0, %get3A_1] : memref<50x49x128xf32, #tpu.memory_space<vmem>>, vector<50x49x128xf32>
    %get3A_3 = arith.constant 0 : index
    %get3A_4 = arith.constant 0 : index
    %get3A_5 = arith.constant 0 : index
    %get3A_6 = vector.load %arg1[%get3A_3, %get3A_4, %get3A_5] : memref<50x49x256xf32, #tpu.memory_space<vmem>>, vector<50x49x256xf32>
    %get3A_7 = arith.constant 0 : index
    %get3A_8 = arith.constant 0 : index
    %get3A_9 = arith.constant 0 : index
    %get3A_10 = vector.load %arg2[%get3A_7, %get3A_8, %get3A_9] : memref<50x49x1xf32, #tpu.memory_space<vmem>>, vector<50x49x1xf32>
    %reduce_sum3A = arith.constant dense<0.000000e+00> : vector<50x1xf32>
    %reduce_sum3A_11 = vector.multi_reduction <add>, %get3A_10, %reduce_sum3A [1] : vector<50x49x1xf32> to vector<50x1xf32>
    %div3A = arith.constant 4.900000e+01 : f32
    %div3A_12 = vector.broadcast %div3A : f32 to vector<50x1xf32>
    %div3A_13 = arith.divf %reduce_sum3A_11, %div3A_12 : vector<50x1xf32>
    %swap3A = arith.constant 0 : index
    %swap3A_14 = arith.constant 0 : index
    %swap3A_15 = vector.load %arg4[%swap3A, %swap3A_14] : memref<50x1xf32, #tpu.memory_space<vmem>>, vector<50x1xf32>
    tpu.vector_store %arg4[%swap3A, %swap3A_14], %div3A_13 {strides = array<i32>} : memref<50x1xf32, #tpu.memory_space<vmem>>, vector<50x1xf32>,
    %logistic3A = arith.negf %div3A_13 : vector<50x1xf32>
    %logistic3A_16 = math.exp %logistic3A : vector<50x1xf32>
    %logistic3A_17 = arith.constant 1.000000e+00 : f32
    %logistic3A_18 = vector.broadcast %logistic3A_17 : f32 to vector<50x1xf32>
    %logistic3A_19 = arith.addf %logistic3A_18, %logistic3A_16 : vector<50x1xf32>
    %logistic3A_20 = arith.divf %logistic3A_18, %logistic3A_19 : vector<50x1xf32>
    %swap3A_21 = arith.constant 0 : index
    %swap3A_22 = arith.constant 0 : index
    %swap3A_23 = vector.load %arg3[%swap3A_21, %swap3A_22] : memref<50x1xf32, #tpu.memory_space<vmem>>, vector<50x1xf32>
    tpu.vector_store %arg3[%swap3A_21, %swap3A_22], %logistic3A_20 {strides = array<i32>} : memref<50x1xf32, #tpu.memory_space<vmem>>, vector<50x1xf32>,
    %reduce_sum3A_24 = arith.constant dense<0.000000e+00> : vector<50x128xf32>
    %reduce_sum3A_25 = vector.multi_reduction <add>, %get3A_2, %reduce_sum3A_24 [1] : vector<50x49x128xf32> to vector<50x128xf32>
    %reduce_sum3A_26 = arith.constant dense<0.000000e+00> : vector<50x256xf32>
    %reduce_sum3A_27 = vector.multi_reduction <add>, %get3A_6, %reduce_sum3A_26 [1] : vector<50x49x256xf32> to vector<50x256xf32>
    %concatenate3A = tpu.concatenate %reduce_sum3A_25, %reduce_sum3A_27 in 1 : vector<50x128xf32>, vector<50x256xf32> -> vector<50x384xf32>
    %swap3A_28 = arith.constant 0 : index
    %swap3A_29 = arith.constant 0 : index
    %swap3A_30 = vector.load %arg5[%swap3A_28, %swap3A_29] : memref<50x384xf32, #tpu.memory_space<vmem>>, vector<50x384xf32>
    tpu.vector_store %arg5[%swap3A_28, %swap3A_29], %concatenate3A {strides = array<i32>} : memref<50x384xf32, #tpu.memory_space<vmem>>, vector<50x384xf32>,
    return
  }
}

</mosaic_0001>

<sc_bundles>
// kernel: gather_offload_async_start.1
scs
__scs_entry_jumppad:
0x0: {  	(pc) =	sbr.rel $0x88, $3  }
0x1: {  	(tag) =	ssettag $0x0;
	lr =	simm.s32 $0x1  }
0x2: {  	[smem:$0x3F8C] =	sst lr;
	_ =	strace $0xD0000000  }
0x3: {  	_ = 	snop  }
0x4: {  	_ = 	snop  }
0x5: {  	_ = 	snop  }
0x6: {  	_ = 	snop  }
0x7: {  	_ = 	snop  }
__scs_overlays_trampoline_lowered:
0x8: {  	[smem:$0x3F9B] =	sst s0  }
0x9: {  	[smem:$0x3F9C] =	sst s1  }
0xa: {  	[smem:$0x3F9D] =	sst s2  }
0xb: {  	[smem:$0x3F9E] =	sst s3  }
0xc: {  	[smem:$0x3F9F] =	sst s4  }
0xd: {  	[smem:$0x3FA0] =	sst s5  }
0xe: {  	[smem:$0x3FA1] =	sst s6  }
0xf: {  	[smem:$0x3FA2] =	sst s7  }
0x10: {  	[smem:$0x3FA3] =	sst s8  }
0x11: {  	[smem:$0x3FA4] =	sst s9;
	s0 =	simm.s32 @!p0 $0x0  }
0x12: {  	s1 =	sld [smem:$0x3F8A];
	s0 =	simm.s32 @p0 $0x1  }
0x13: {  	[smem:$0x3FA5] =	sst s0;
	s0 =	simm.s32 @!p1 $0x0  }
0x14: {  	s2 =	sld [smem:$0x3F89];
	s0 =	simm.s32 @p1 $0x1  }
0x15: {  	[smem:$0x3FA6] =	sst s0;
	s0 =	simm.s32 @!p2 $0x0  }
0x16: {  	s3 =	sld [smem:$0x3FDB];
	s0 =	simm.s32 @p2 $0x1  }
0x17: {  	s4 =	simm.s32 $0x1BF5;
	[smem:$0x3FA8] =	sst s0  }
0x18: {  	s0 =	sld [smem:$0x3F8B];
	_ =	swait.ge [sflag:s4], $0x0  }
0x19: {  	s7 =	sld [smem:$0x3F8C]  }
0x1a: {  	s8 =	sadd.s32 $0xFFFFE003, lr  }
0x1b: {  	s9 =	sadd.s32 $0xFFFFFEF7, lr;
	s5 =	simm.s32 $0xFFFFFFFF;
	p2 =	slt.u32 s8, $0xFFFFF086  }
0x1c: {  	p1 =	slt.u32 s9, $0xF7A;
	s5 =	simm.s32 @!p2 $0x0  }
0x1d: {  	s5 =	simm.s32 @p1 $0x1;
	p0 =	seq.s32 s7, s2  }
0x1e: {  	s7 =	smul.u32 @!p0 $0xF7A, s2;
	p2 =	seq.s32 @!p0 s5, $0x0  }
0x1f: {  	s9 =	smul.u32 $0xF7A, s1;
	s8 =	simm.s32 @!p0 $0x1BF5;
	p2 =	por !p2, p0  }
0x20: {  	[sflag:s8] =	ssyncset.s32 @!p0 $0xFFFFF086;
	s6 =	sadd.s32 @!p0 s3, s7;
	s7 =	simm.s32 @!p0 $0x108  }
0x21: {  	s3 =	sadd.s32 s3, s9;
	s6 =	sadd.s32 @!p0 $0x88, s6;
	s7 =	simm.s32 @p2 $0x1082  }
0x22: {  	[simem:s7], [sflag:s8] =	dma.local @!p0 [hbm:s6], $0xF7A  }
0x23: {  	s9 =	sor.u32 $0xD0000000, s2;
	s6 =	simm.s32 $0x108;
	_ =	swait.ge @!p0 [sflag:s8], $0x0  }
0x24: {  	s3 =	sadd.s32 $0x88, s3;
	s6 =	simm.s32 @!p1 $0x1082;
	[sflag:s4] =	ssyncset.s32 $0xFFFFF086  }
0x25: {  	[simem:s6], [sflag:s4] =	dma.local [hbm:s3], $0xF7A  }
0x26: {  	[smem:$0x3F8C] =	sst s1;
	(tag) =	ssettag s2;
	_ =	strace s9  }
0x27: {  	s1 =	sld [smem:$0x3F9C]  }
0x28: {  	s2 =	sld [smem:$0x3F9D]  }
0x29: {  	s4 =	sld [smem:$0x3F9F]  }
0x2a: {  	p0 =	seq.s32 s5, $0x0;
	s5 =	sld [smem:$0x3FA0]  }
0x2b: {  	s6 =	sld [smem:$0x3FA1]  }
0x2c: {  	s7 =	sld [smem:$0x3FA2]  }
0x2d: {  	s3 =	simm.s32 $0x108;
	s8 =	sld [smem:$0x3FA3]  }
0x2e: {  	s3 =	simm.s32 @!p0 $0x1082;
	s9 =	sld [smem:$0x3FA4]  }
0x2f: {  	lr =	sadd.s32 s0, s3;
	s0 =	sld [smem:$0x3F9B]  }
0x30: {  	s3 =	sld [smem:$0x3F9E]  }
0x31: {  	[smem:$0x3FA7] =	sst s10  }
0x32: {  	s10 =	sld [smem:$0x3FA5];
	_ =	sdelay $0x3  }
0x33: {  	p0 =	seq.s32 s10, $0x1;
	s10 =	sld [smem:$0x3FA7];
	_ =	sdelay $0x3  }
0x34: {  	[smem:$0x3FA7] =	sst s10  }
0x35: {  	s10 =	sld [smem:$0x3FA6];
	_ =	sdelay $0x3  }
0x36: {  	p1 =	seq.s32 s10, $0x1;
	s10 =	sld [smem:$0x3FA7];
	_ =	sdelay $0x3  }
0x37: {  	[smem:$0x3FA7] =	sst s10  }
0x38: {  	s10 =	sld [smem:$0x3FA8]  }
0x39: {  	_ = 	snop;
	(pc) =	sbr.ind lr, $3  }
0x3a: {  	_ = 	snop  }
0x3b: {  	_ = 	snop  }
0x3c: {  	p2 =	seq.s32 s10, $0x1;
	s10 =	sld [smem:$0x3FA7]  }
0x3d: {  	_ =	shalt  }
0x3e: {  	_ =	shalt  }
0x3f: {  	_ =	shalt  }
0x40: {  	_ =	shalt  }
0x41: {  	_ =	shalt  }
0x42: {  	_ =	shalt  }
0x43: {  	_ =	shalt  }
0x44: {  	_ =	shalt  }
0x45: {  	_ =	shalt  }
0x46: {  	_ =	shalt  }
0x47: {  	_ =	shalt  }
0x48: {  	_ =	shalt  }
0x49: {  	_ =	shalt  }
0x4a: {  	_ =	shalt  }
0x4b: {  	_ =	shalt  }
0x4c: {  	_ =	shalt  }
0x4d: {  	_ =	shalt  }
0x4e: {  	_ =	shalt  }
0x4f: {  	_ =	shalt  }
0x50: {  	_ =	shalt  }
0x51: {  	_ =	shalt  }
0x52: {  	_ =	shalt  }
0x53: {  	_ =	shalt  }
0x54: {  	_ =	shalt  }
0x55: {  	_ =	shalt  }
0x56: {  	_ =	shalt  }
0x57: {  	_ =	shalt  }
0x58: {  	_ =	shalt  }
0x59: {  	_ =	shalt  }
0x5a: {  	_ =	shalt  }
0x5b: {  	_ =	shalt  }
0x5c: {  	_ =	shalt  }
0x5d: {  	_ =	shalt  }
0x5e: {  	_ =	shalt  }
0x5f: {  	_ =	shalt  }
0x60: {  	_ =	shalt  }
0x61: {  	_ =	shalt  }
0x62: {  	_ =	shalt  }
0x63: {  	_ =	shalt  }
0x64: {  	_ =	shalt  }
0x65: {  	_ =	shalt  }
0x66: {  	_ =	shalt  }
0x67: {  	_ =	shalt  }
0x68: {  	_ =	shalt  }
0x69: {  	_ =	shalt  }
0x6a: {  	_ =	shalt  }
0x6b: {  	_ =	shalt  }
0x6c: {  	_ =	shalt  }
0x6d: {  	_ =	shalt  }
0x6e: {  	_ =	shalt  }
0x6f: {  	_ =	shalt  }
0x70: {  	_ =	shalt  }
0x71: {  	_ =	shalt  }
0x72: {  	_ =	shalt  }
0x73: {  	_ =	shalt  }
0x74: {  	_ =	shalt  }
0x75: {  	_ =	shalt  }
0x76: {  	_ =	shalt  }
0x77: {  	_ =	shalt  }
0x78: {  	_ =	shalt  }
0x79: {  	_ =	shalt  }
0x7a: {  	_ =	shalt  }
0x7b: {  	_ =	shalt  }
0x7c: {  	_ =	shalt  }
0x7d: {  	_ =	shalt  }
0x7e: {  	_ =	shalt  }
0x7f: {  	_ =	shalt  }
0x80: {  	_ =	shalt  }
0x81: {  	_ =	shalt  }
0x82: {  	_ =	shalt  }
0x83: {  	_ =	shalt  }
0x84: {  	_ =	shalt  }
0x85: {  	_ =	shalt  }
0x86: {  	_ =	shalt  }
0x87: {  	_ =	shalt  }
.Lfunc_end0:
.L_simem_size_0:
called_computation.1_lowered:
.L_overlay_start_0:
0x88: {  	s2 =	sld [smem:$0x3FD9]  }
0x89: {  	s3 =	sld [smem:$0x3FFE];
	_ =	sdelay $0x1  }
0x8a: {  	s1 =	srdreg.scid  }
0x8b: {  	s0 =	sand.u32 $0x1, s1  }
0x8c: {  	s16 =	sshll.u32 s0, $0xA;
	s2 =	sadd.s32 s3, s2  }
0x8d: {  	s2 =	sadd.s32 s2, s16  }
0x8e: {  	[smem:$0x3FB3] =	sst s2  }
0x8f: {  	_ = 	snop  }
0x90: {  	(tm) =	ssettm $0x1  }
0x91: {  	s17 =	sld [smem:$0x3FFB];
	_ =	sdelay $0x3  }
0x92: {  	_ =	strace s17  }
0x93: {  	s2 =	sld [smem:$0x3FFC];
	_ =	sdelay $0x3  }
0x94: {  	_ =	strace s2  }
0x95: {  	s2 =	sld [smem:$0x3FFD];
	_ =	sdelay $0x3  }
0x96: {  	_ =	strace s2  }
0x97: {  	_ =	strace $0x8FFFFFFF  }
0x98: {  	s18 =	sld [smem:$0x3FDB];
	_ =	sdelay $0x1  }
0x99: {  	s19 =	simm.s32 $_scs_section_size  }
0x9a: {  	s4 =	simm.s32 $_size__tile_overlayer_lowered;
	s5 =	simm.s32 $_tile_overlayer_lowered  }
0x9b: {  	s22 =	simm.s32 $0x1BFF;
	s21 =	sshll.u32 s5, $0x1;
	s2 =	sadd.s32 s19, s18  }
0x9c: {  	s6 =	simm.s32 $0x0;
	s20 =	sshll.u32 s4, $0x1;
	s4 =	sadd.s32 s21, s2  }
0x9d: {  	[timem:s6], [sflag:s22] =	dma.local [hbm:s4], s20  }
0x9e: {  	_ =	swait.ge [sflag:s22], s20  }
0x9f: {  	s3 =	ssub.s32 $0x0, s20;
	[sflag:s22] =	ssyncset.done $0x0  }
0xa0: {  	[sflag:s22] =	ssyncadd.s32 s3;
	_ =	sdelay $0x1  }
0xa1: {  	s23 =	simm.s32 $0x1B8B  }
0xa2: {  	_ =	swait.ge [sflag:s23], $0x1  }
0xa3: {  	[sflag:s23] =	ssyncset.done $0x0  }
0xa4: {  	s25 =	simm.s32 $0x1B8E;
	s24 =	sld [smem:$0x3FFE];
	[sflag:s23] =	ssyncadd.s32 $0xFFFFFFFF  }
0xa5: {  	s26 =	simm.s32 $execute0_lowered;
	[smem:$0x3FD2] =	sst s25  }
0xa6: {  	s4 =	sshll.u32 s26, $0x1;
	_ =	strace $0x80000049;
	[dreg:$0x1] =	wrdreg $0xFFFFFFFF  }
0xa7: {  	s28 =	simm.s32 $_size_execute0_lowered;
	s2 =	sadd.s32 s2, s4;
	[dreg:$0x0] =	wrdreg $0x0  }
0xa8: {  	s4 =	sshll.u32 s28, $0x1;
	[dreg:$0x2] =	wrdreg s2  }
0xa9: {  	[dreg:$0x3] =	wrdreg s4  }
0xaa: {  	[dreg:$0x4] =	wrdreg $0xC0  }
0xab: {  	_ =	task [dreg:s6], $0x5FFFF  }
0xac: {  	[dreg:$0x1] =	wrdreg $0xFFFFFFFF  }
0xad: {  	[dreg:$0x0] =	wrdreg $0x60  }
0xae: {  	[dreg:$0x2] =	wrdreg s24  }
0xaf: {  	[dreg:$0x3] =	wrdreg $0x9  }
0xb0: {  	_ =	task.clear_ibuf [dreg:s6], $0x4FFFF;
	_ =	strace $0x90000049  }
0xb1: {  	s29 =	simm.s32 $0x9;
	_ =	strace $0x8000004B  }
0xb2: {  	_ =	swait.ge [sflag:s29], $0x1  }
0xb3: {  	[sflag:s29] =	ssyncadd.s32 $0xFFFFFFFF  }
0xb4: {  	_ =	strace $0x9000004B  }
0xb5: {  	_ =	sfence  }
0xb6: {  	s30 =	sld [smem:$0x0];
	_ =	sdelay $0x2  }
0xb7: {  	s31 =	sshll.u32 s1, $0xD;
	s1 =	sshrl.u32 s1, $0x2  }
0xb8: {  	s3 =	sand.u32 $0x4000, s31;
	s1 =	sadd.s32 s1, s30  }
0xb9: {  	s0 =	sor.u32 s3, s0;
	s1 =	sshll.u32 s1, $0x11  }
0xba: {  	s0 =	sor.u32 s1, s0  }
0xbb: {  	s0 =	sadd.s32 $0x8F2B, s0  }
0xbc: {  	[sflag:s0] =	ssyncadd.remote.s32 $0x1  }
0xbd: {  	_ =	sfence.sel $0xFFFF  }
0xbe: {  	[dreg:$0x0] =	wrdreg $0xFFFFFFFF;
	(pc) =	sbr.abs _section_cstart, $3  }
0xbf: {  	[dreg:$0x1] =	wrdreg $0xFFFFFFFF  }
0xc0: {  	_ =	task.clear_ibuf [dreg:s6], $0x2FFFF;
	_ =	strace $0x9FFFFFFF  }
0xc1: {  	(tm) =	ssettm $0x7FFFFFFF  }
tec
execute0_lowered:
.L_overlay_start_1:
0x0: {  	(tag) =	ssettag $0x1  }
0x1: {  	s8 =	rddreg [dreg:$0x0]  }
0x2: {  	s0 =	rddreg [dreg:$0x1];
	_ =	strace $0x8000004A;
	s1 =	stileid.u32  }
0x3: {  	s3 =	srdreg.scid;
	s4 =	simm.s32 $0x1;
	s7 =	simm.s32 $0x1  }
0x4: {  	s9 =	simm.s32 $0x1;
	s10 =	simm.s32 $0x3;
	s13 =	simm.s32 $0x0  }
0x5: {  	s12 =	simm.s32 $0x0;
	s5 =	sand.u32 $0x1, s3;
	s6 =	sshll.u32 s1, $0x1  }
0x6: {  	s2 =	sadd.s32 $0x19400, s8;
	s3 =	sadd.s32 $0x12800, s8;
	s5 =	sor.u32 s6, s5  }
.Ltmp0:
0x7: {  	[sflag:s4] =	ssyncpa.u1 $0x0;
	p0 =	slt.u32 s5, $0x9;
	(pc) =	sbr.rel .LBB2_1-.Ltmp0, $4  }
0x8: {  	s6 =	simm.s32 $0x2;
	s7 =	simm.s32 @!p0 $0x0;
	p0 =	sne.s32 s5, $0x8  }
0x9: {  	[sflag:s6] =	ssyncpa.u1 $0x0;
	s5 =	smul.u32 $0xFA0, s5;
	s9 =	simm.s32 @!p0 $0x0  }
0xa: {  	s8 =	sadd.s32 $0x98800, s8;
	[sflag:s10] =	ssyncpa.u1 $0x0;
	s7 =	sadd.s32 s9, s7  }
0xb: {  	vm0 =	vmmov $0xffff;
	s10 =	simm.s32 $0x0;
	s11 =	smov.u32 s5;
	s9 =	sadd.s32 $0x1, s7  }
.LBB2_4:
0xc: {  	v2 =	vnsel vm1, $0x0, v2  }
0xd: {  	vm1 =	vgt.s32 v0, $0x0;
	v2 =	vmin.u32 v2, $0x270FF  }
0xe: {  	v0 =	vnsel vm1, $0x0, v0  }
0xf: {  	v0 =	vmin.u32 v0, $0x270FF  }
0x10: {  	[tilespmem:s18], [sflag:$0x1] =	stream.indirect_vreg.gather [hbm4b:s2+s10], $0x1, v1, vm0, $0x4038;
	[tilespmem:$0x3E80] =	vst v63  }
0x11: {  	(ifvalue) =	ssetifvalue $0x7FFFFFFF  }
0x12: {  	[tilespmem:s15], [sflag:$0x1] =	stream.indirect_vreg.gather [hbm4b:s2+s10], $0x1, v2, vm0, $0x4038;
	[tilespmem:$0x3E80] =	vst v63  }
0x13: {  	s29 =	sadd.s32 $0x10, s15;
	(ifvalue) =	ssetifvalue $0x7FFFFFFF  }
0x14: {  	[tilespmem:s29], [sflag:$0x1] =	stream.indirect_vreg.gather [hbm4b:s2+s10], $0x1, v0, vm0, $0x4038;
	[tilespmem:$0x3E80] =	vst v63  }
0x15: {  	_ =	swait.ge [sflag:s4], $0xFA0  }
0x16: {  	s30 =	sshrl.u32 s13, $0x3;
	[sflag:s4] =	ssyncset.done $0x0  }
0x17: {  	s31 =	sand.u32 $0x7, s13;
	s15 =	sadd.s32 s8, s30;
	[sflag:s4] =	ssyncadd.s32 $0xFFFFF060  }
0x18: {  	[hbm4b:s15+s31] =	stream.linear.scatter [tilespmem:s14], [sflag:$0x3], $0xFA0, $0x38;
	[tilespmem:$0x3E80] =	vst v63  }
.LBB2_5:
0x19: {  	s15 =	sadd.s32 $0x1F400, s11  }
0x1a: {  	p1 =	sgt.s32 s15, $0x270FF  }
0x1b: {  	s15 =	smov.u32 @p1 s5;
	p1 =	sne.s32 s12, s9  }
.Ltmp1:
0x1c: {  	p0 =	slt.u32 s12, $0x2;
	(pc) =	sbr.rel @!p1 .LBB2_6-.Ltmp1, $4  }
0x1d: {  	s14 =	simm.s32 @!p0 $0x3  }
0x1e: {  	_ =	swait.ge @!p0 [sflag:s14], $0xFA0  }
0x1f: {  	s16 =	sadd.s32 $0x1, s12;
	s13 =	smov.u32 s11;
	[sflag:s14] =	ssyncset.done @!p0 $0x0  }
0x20: {  	s12 =	smov.u32 s16;
	s11 =	smov.u32 s15;
	[sflag:s14] =	ssyncadd.s32 @!p0 $0xFFFFF060  }
.LBB2_1:
0x21: {  	p0 =	sge.u32 s12, s7  }
0x22: {  	s14 =	sxor.u32 @!p0 $0x1, s12  }
0x23: {  	s14 =	smul.u32 @!p0 $0x3E80, s14  }
0x24: {  	s31 =	sadd.s32 $0xFFFFFFFF, s12;
	s15 =	sshrl.u32 @!p0 s11, $0x3  }
0x25: {  	s16 =	sand.u32 @!p0 $0x7, s11;
	s15 =	sadd.s32 @!p0 s3, s15;
	s14 =	sshra.s32 @!p0 s14, $0x2  }
0x26: {  	[tilespmem:s14], [sflag:$0x2] =	stream.linear.gather @!p0 [hbm4b:s15+s16], $0xFA0, $0x38;
	[tilespmem:$0x3E80] =	vst v63  }
0x27: {  	p0 =	sge.u32 s31, s7  }
.Ltmp2:
0x28: {  	_ = 	snop;
	(pc) =	sbr.rel @p0 .LBB2_5-.Ltmp2, $1  }
0x29: {  	_ =	sdelay $0x3  }
0x2a: {  	s14 =	sand.u32 $0x1, s12  }
0x2b: {  	_ =	swait.ge [sflag:s6], $0xFA0;
	p0 =	seq.s32 s14, $0x1;
	s14 =	simm.s32 $0xFA0  }
0x2c: {  	[sflag:s6] =	ssyncset.done $0x0;
	s14 =	simm.s32 @!p0 $0x0  }
0x2d: {  	[sflag:s6] =	ssyncadd.s32 $0xFFFFF060;
	(ifvalue) =	ssetifvalue $0x7FFFFFFF;
	v0 =	vld.msk [tilespmem:s14+$0x0 ss:$0x1], $0xffff;
	_ =	sdelay $0x4  }
0x2e: {  	s15 =	sadd.s32 $0x10, s14;
	vm1 =	vgt.s32 v0, $0x0  }
0x2f: {  	v2 =	vld.msk [tilespmem:s15+$0x0 ss:$0x1], $0xffff;
	v1 =	vnsel vm1, $0x0, v0  }
0x30: {  	v1 =	vmin.u32 v1, $0x270FF;
	_ =	sdelay $0x2  }
0x31: {  	s17 =	simm.s32 $0x20;
	s14 =	sadd.s32 $0x1F40, s14;
	s16 =	sadd.s32 $0x10, s15  }
0x32: {  	s15 =	sadd.s32 $0x10, s14;
	s18 =	smov.u32 s14;
	v0 =	vld.msk [tilespmem:s16+$0x0 ss:$0x1], $0xffff;
	vm1 =	vgt.s32 v2, $0x0;
	(ifvalue) =	ssetifvalue $0x7FFFFFFF  }
.LBB2_3:
0x33: {  	[tilespmem:s18], [sflag:$0x1] =	stream.indirect_vreg.gather [hbm4b:s2+s10], $0x1, v1, vm0, $0x4038;
	[tilespmem:$0x3E80] =	vst v63  }
0x34: {  	s17 =	sadd.s32 $0x10, s17  }
0x35: {  	v2 =	vnsel vm1, $0x0, v2;
	p0 =	slt.u32 s17, $0xF90  }
.Ltmp3:
0x36: {  	s18 =	smov.u32 s15;
	v1 =	vmin.u32 v2, $0x270FF;
	(pc) =	sbr.rel @p0 .LBB2_3-.Ltmp3, $3  }
0x37: {  	_ =	sdelay $0x1  }
0x38: {  	s16 =	sadd.s32 $0x10, s16  }
0x39: {  	vm1 =	vgt.s32 v0, $0x0;
	s15 =	sadd.s32 $0x10, s15;
	v2 =	vmov v0;
	(ifvalue) =	ssetifvalue $0x7FFFFFFF;
	v0 =	vld.msk [tilespmem:s16+$0x0 ss:$0x1], $0xffff  }
.Ltmp4:
0x3a: {  	_ = 	snop;
	(pc) =	sbr.rel .LBB2_4-.Ltmp4, $1  }
0x3b: {  	_ =	sdelay $0x3  }
.LBB2_6:
0x3c: {  	_ =	sfence.sel $0x180000  }
0x3d: {  	s2 =	simm.s32 $0x2;
	[bflag:$0x0] =	sbarrier.arrive $0xFFFF  }
0x3e: {  	s30 =	simm.s32 $0x3;
	[sflag:s2] =	ssyncpa.u1 $0x1  }
0x3f: {  	s31 =	simm.s32 $0x1;
	[sflag:s30] =	ssyncpa.u1 $0x1  }
0x40: {  	[sflag:s31] =	ssyncpa.u1 $0x1  }
0x41: {  	p0 =	sne.s32 s1, $0x0;
	_ =	strace $0x9000004A  }
0x42: {  	s0 =	sadd.s32 @!p0 $0x100000, s0;
	[bflag:$0x2] =	sbarrier.arrive $0xFFFF  }
0x43: {  	[sflag:s0] =	ssyncadd.tile.s32 @!p0 $0x1;
	_ =	shalt  }
.Lfunc_end2:
_tile_overlayer_lowered:
.L_overlay_start_2:
0x44: {  	(tag) =	ssettag $0x2  }
0x45: {  	s0 =	rddreg [dreg:$0x0];
	s2 =	stileid.u32  }
0x46: {  	s1 =	rddreg [dreg:$0x1];
	p0 =	sne.s32 s2, $0x0  }
0x47: {  	s3 =	rddreg [dreg:$0x2];
	[bflag:$0x3] =	sbarrier.arrive $0xFFFF;
	s2 =	simm.s32 @!p0 $0x1C01  }
0x48: {  	[timem:s3], [sflag:s2] =	dma.local @!p0 [hbm:s0], s1  }
0x49: {  	s0 =	simm.s32 @!p0 $0x1  }
0x4a: {  	_ =	swait.ge @!p0 [sflag:s0], s1  }
0x4b: {  	s1 =	ssub.s32 @!p0 $0x0, s1;
	[sflag:s0] =	ssyncset.done @!p0 $0x0  }
0x4c: {  	[sflag:s0] =	ssyncadd.s32 @!p0 s1  }
0x4d: {  	[bflag:$0x3] =	sbarrier.arrive $0xFFFF  }
0x4e: {  	_ =	shalt  }

// kernel: gather_offload_async_start.2
scs
__scs_entry_jumppad:
0x0: {  	(pc) =	sbr.rel $0x88, $3  }
0x1: {  	(tag) =	ssettag $0x0;
	lr =	simm.s32 $0x1  }
0x2: {  	[smem:$0x3F8C] =	sst lr;
	_ =	strace $0xD0000000  }
0x3: {  	_ = 	snop  }
0x4: {  	_ = 	snop  }
0x5: {  	_ = 	snop  }
0x6: {  	_ = 	snop  }
0x7: {  	_ = 	snop  }
__scs_overlays_trampoline_lowered:
0x8: {  	[smem:$0x3F9B] =	sst s0  }
0x9: {  	[smem:$0x3F9C] =	sst s1  }
0xa: {  	[smem:$0x3F9D] =	sst s2  }
0xb: {  	[smem:$0x3F9E] =	sst s3  }
0xc: {  	[smem:$0x3F9F] =	sst s4  }
0xd: {  	[smem:$0x3FA0] =	sst s5  }
0xe: {  	[smem:$0x3FA1] =	sst s6  }
0xf: {  	[smem:$0x3FA2] =	sst s7  }
0x10: {  	[smem:$0x3FA3] =	sst s8  }
0x11: {  	[smem:$0x3FA4] =	sst s9;
	s0 =	simm.s32 @!p0 $0x0  }
0x12: {  	s1 =	sld [smem:$0x3F8A];
	s0 =	simm.s32 @p0 $0x1  }
0x13: {  	[smem:$0x3FA5] =	sst s0;
	s0 =	simm.s32 @!p1 $0x0  }
0x14: {  	s2 =	sld [smem:$0x3F89];
	s0 =	simm.s32 @p1 $0x1  }
0x15: {  	[smem:$0x3FA6] =	sst s0;
	s0 =	simm.s32 @!p2 $0x0  }
0x16: {  	s3 =	sld [smem:$0x3FDB];
	s0 =	simm.s32 @p2 $0x1  }
0x17: {  	s4 =	simm.s32 $0x1BF5;
	[smem:$0x3FA8] =	sst s0  }
0x18: {  	s0 =	sld [smem:$0x3F8B];
	_ =	swait.ge [sflag:s4], $0x0  }
0x19: {  	s7 =	sld [smem:$0x3F8C]  }
0x1a: {  	s8 =	sadd.s32 $0xFFFFE003, lr  }
0x1b: {  	s9 =	sadd.s32 $0xFFFFFEF7, lr;
	s5 =	simm.s32 $0xFFFFFFFF;
	p2 =	slt.u32 s8, $0xFFFFF086  }
0x1c: {  	p1 =	slt.u32 s9, $0xF7A;
	s5 =	simm.s32 @!p2 $0x0  }
0x1d: {  	s5 =	simm.s32 @p1 $0x1;
	p0 =	seq.s32 s7, s2  }
0x1e: {  	s7 =	smul.u32 @!p0 $0xF7A, s2;
	p2 =	seq.s32 @!p0 s5, $0x0  }
0x1f: {  	s9 =	smul.u32 $0xF7A, s1;
	s8 =	simm.s32 @!p0 $0x1BF5;
	p2 =	por !p2, p0  }
0x20: {  	[sflag:s8] =	ssyncset.s32 @!p0 $0xFFFFF086;
	s6 =	sadd.s32 @!p0 s3, s7;
	s7 =	simm.s32 @!p0 $0x108  }
0x21: {  	s3 =	sadd.s32 s3, s9;
	s6 =	sadd.s32 @!p0 $0x88, s6;
	s7 =	simm.s32 @p2 $0x1082  }
0x22: {  	[simem:s7], [sflag:s8] =	dma.local @!p0 [hbm:s6], $0xF7A  }
0x23: {  	s9 =	sor.u32 $0xD0000000, s2;
	s6 =	simm.s32 $0x108;
	_ =	swait.ge @!p0 [sflag:s8], $0x0  }
0x24: {  	s3 =	sadd.s32 $0x88, s3;
	s6 =	simm.s32 @!p1 $0x1082;
	[sflag:s4] =	ssyncset.s32 $0xFFFFF086  }
0x25: {  	[simem:s6], [sflag:s4] =	dma.local [hbm:s3], $0xF7A  }
0x26: {  	[smem:$0x3F8C] =	sst s1;
	(tag) =	ssettag s2;
	_ =	strace s9  }
0x27: {  	s1 =	sld [smem:$0x3F9C]  }
0x28: {  	s2 =	sld [smem:$0x3F9D]  }
0x29: {  	s4 =	sld [smem:$0x3F9F]  }
0x2a: {  	p0 =	seq.s32 s5, $0x0;
	s5 =	sld [smem:$0x3FA0]  }
0x2b: {  	s6 =	sld [smem:$0x3FA1]  }
0x2c: {  	s7 =	sld [smem:$0x3FA2]  }
0x2d: {  	s3 =	simm.s32 $0x108;
	s8 =	sld [smem:$0x3FA3]  }
0x2e: {  	s3 =	simm.s32 @!p0 $0x1082;
	s9 =	sld [smem:$0x3FA4]  }
0x2f: {  	lr =	sadd.s32 s0, s3;
	s0 =	sld [smem:$0x3F9B]  }
0x30: {  	s3 =	sld [smem:$0x3F9E]  }
0x31: {  	[smem:$0x3FA7] =	sst s10  }
0x32: {  	s10 =	sld [smem:$0x3FA5];
	_ =	sdelay $0x3  }
0x33: {  	p0 =	seq.s32 s10, $0x1;
	s10 =	sld [smem:$0x3FA7];
	_ =	sdelay $0x3  }
0x34: {  	[smem:$0x3FA7] =	sst s10  }
0x35: {  	s10 =	sld [smem:$0x3FA6];
	_ =	sdelay $0x3  }
0x36: {  	p1 =	seq.s32 s10, $0x1;
	s10 =	sld [smem:$0x3FA7];
	_ =	sdelay $0x3  }
0x37: {  	[smem:$0x3FA7] =	sst s10  }
0x38: {  	s10 =	sld [smem:$0x3FA8]  }
0x39: {  	_ = 	snop;
	(pc) =	sbr.ind lr, $3  }
0x3a: {  	_ = 	snop  }
0x3b: {  	_ = 	snop  }
0x3c: {  	p2 =	seq.s32 s10, $0x1;
	s10 =	sld [smem:$0x3FA7]  }
0x3d: {  	_ =	shalt  }
0x3e: {  	_ =	shalt  }
0x3f: {  	_ =	shalt  }
0x40: {  	_ =	shalt  }
0x41: {  	_ =	shalt  }
0x42: {  	_ =	shalt  }
0x43: {  	_ =	shalt  }
0x44: {  	_ =	shalt  }
0x45: {  	_ =	shalt  }
0x46: {  	_ =	shalt  }
0x47: {  	_ =	shalt  }
0x48: {  	_ =	shalt  }
0x49: {  	_ =	shalt  }
0x4a: {  	_ =	shalt  }
0x4b: {  	_ =	shalt  }
0x4c: {  	_ =	shalt  }
0x4d: {  	_ =	shalt  }
0x4e: {  	_ =	shalt  }
0x4f: {  	_ =	shalt  }
0x50: {  	_ =	shalt  }
0x51: {  	_ =	shalt  }
0x52: {  	_ =	shalt  }
0x53: {  	_ =	shalt  }
0x54: {  	_ =	shalt  }
0x55: {  	_ =	shalt  }
0x56: {  	_ =	shalt  }
0x57: {  	_ =	shalt  }
0x58: {  	_ =	shalt  }
0x59: {  	_ =	shalt  }
0x5a: {  	_ =	shalt  }
0x5b: {  	_ =	shalt  }
0x5c: {  	_ =	shalt  }
0x5d: {  	_ =	shalt  }
0x5e: {  	_ =	shalt  }
0x5f: {  	_ =	shalt  }
0x60: {  	_ =	shalt  }
0x61: {  	_ =	shalt  }
0x62: {  	_ =	shalt  }
0x63: {  	_ =	shalt  }
0x64: {  	_ =	shalt  }
0x65: {  	_ =	shalt  }
0x66: {  	_ =	shalt  }
0x67: {  	_ =	shalt  }
0x68: {  	_ =	shalt  }
0x69: {  	_ =	shalt  }
0x6a: {  	_ =	shalt  }
0x6b: {  	_ =	shalt  }
0x6c: {  	_ =	shalt  }
0x6d: {  	_ =	shalt  }
0x6e: {  	_ =	shalt  }
0x6f: {  	_ =	shalt  }
0x70: {  	_ =	shalt  }
0x71: {  	_ =	shalt  }
0x72: {  	_ =	shalt  }
0x73: {  	_ =	shalt  }
0x74: {  	_ =	shalt  }
0x75: {  	_ =	shalt  }
0x76: {  	_ =	shalt  }
0x77: {  	_ =	shalt  }
0x78: {  	_ =	shalt  }
0x79: {  	_ =	shalt  }
0x7a: {  	_ =	shalt  }
0x7b: {  	_ =	shalt  }
0x7c: {  	_ =	shalt  }
0x7d: {  	_ =	shalt  }
0x7e: {  	_ =	shalt  }
0x7f: {  	_ =	shalt  }
0x80: {  	_ =	shalt  }
0x81: {  	_ =	shalt  }
0x82: {  	_ =	shalt  }
0x83: {  	_ =	shalt  }
0x84: {  	_ =	shalt  }
0x85: {  	_ =	shalt  }
0x86: {  	_ =	shalt  }
0x87: {  	_ =	shalt  }
.Lfunc_end0:
.L_simem_size_0:
called_computation.2_lowered:
.L_overlay_start_0:
0x88: {  	s2 =	sld [smem:$0x3FD9]  }
0x89: {  	s3 =	sld [smem:$0x3FFE];
	_ =	sdelay $0x1  }
0x8a: {  	s1 =	srdreg.scid  }
0x8b: {  	s0 =	sand.u32 $0x1, s1  }
0x8c: {  	s16 =	sshll.u32 s0, $0xA;
	s2 =	sadd.s32 s3, s2  }
0x8d: {  	s2 =	sadd.s32 s2, s16  }
0x8e: {  	[smem:$0x3FB3] =	sst s2  }
0x8f: {  	_ = 	snop  }
0x90: {  	(tm) =	ssettm $0x1  }
0x91: {  	s17 =	sld [smem:$0x3FFB];
	_ =	sdelay $0x3  }
0x92: {  	_ =	strace s17  }
0x93: {  	s2 =	sld [smem:$0x3FFC];
	_ =	sdelay $0x3  }
0x94: {  	_ =	strace s2  }
0x95: {  	s2 =	sld [smem:$0x3FFD];
	_ =	sdelay $0x3  }
0x96: {  	_ =	strace s2  }
0x97: {  	_ =	strace $0x8FFFFFFF  }
0x98: {  	s18 =	sld [smem:$0x3FDB];
	_ =	sdelay $0x1  }
0x99: {  	s19 =	simm.s32 $_scs_section_size  }
0x9a: {  	s4 =	simm.s32 $_size__tile_overlayer_lowered;
	s5 =	simm.s32 $_tile_overlayer_lowered  }
0x9b: {  	s22 =	simm.s32 $0x1BFF;
	s21 =	sshll.u32 s5, $0x1;
	s2 =	sadd.s32 s19, s18  }
0x9c: {  	s6 =	simm.s32 $0x0;
	s20 =	sshll.u32 s4, $0x1;
	s4 =	sadd.s32 s21, s2  }
0x9d: {  	[timem:s6], [sflag:s22] =	dma.local [hbm:s4], s20  }
0x9e: {  	_ =	swait.ge [sflag:s22], s20  }
0x9f: {  	s3 =	ssub.s32 $0x0, s20;
	[sflag:s22] =	ssyncset.done $0x0  }
0xa0: {  	[sflag:s22] =	ssyncadd.s32 s3;
	_ =	sdelay $0x1  }
0xa1: {  	s23 =	simm.s32 $0x1B8B  }
0xa2: {  	_ =	swait.ge [sflag:s23], $0x1  }
0xa3: {  	[sflag:s23] =	ssyncset.done $0x0  }
0xa4: {  	s25 =	simm.s32 $0x1B8E;
	s24 =	sld [smem:$0x3FFE];
	[sflag:s23] =	ssyncadd.s32 $0xFFFFFFFF  }
0xa5: {  	s26 =	simm.s32 $execute0_lowered;
	[smem:$0x3FD2] =	sst s25  }
0xa6: {  	s4 =	sshll.u32 s26, $0x1;
	_ =	strace $0x8000004C;
	[dreg:$0x1] =	wrdreg $0xFFFFFFFF  }
0xa7: {  	s28 =	simm.s32 $_size_execute0_lowered;
	s2 =	sadd.s32 s2, s4;
	[dreg:$0x0] =	wrdreg $0x0  }
0xa8: {  	s4 =	sshll.u32 s28, $0x1;
	[dreg:$0x2] =	wrdreg s2  }
0xa9: {  	[dreg:$0x3] =	wrdreg s4  }
0xaa: {  	[dreg:$0x4] =	wrdreg $0xC0  }
0xab: {  	_ =	task [dreg:s6], $0x5FFFF  }
0xac: {  	[dreg:$0x1] =	wrdreg $0xFFFFFFFF  }
0xad: {  	[dreg:$0x0] =	wrdreg $0x60  }
0xae: {  	[dreg:$0x2] =	wrdreg s24  }
0xaf: {  	[dreg:$0x3] =	wrdreg $0x9  }
0xb0: {  	_ =	task.clear_ibuf [dreg:s6], $0x4FFFF;
	_ =	strace $0x9000004C  }
0xb1: {  	s29 =	simm.s32 $0x9;
	_ =	strace $0x8000004E  }
0xb2: {  	_ =	swait.ge [sflag:s29], $0x1  }
0xb3: {  	[sflag:s29] =	ssyncadd.s32 $0xFFFFFFFF  }
0xb4: {  	_ =	strace $0x9000004E  }
0xb5: {  	_ =	sfence  }
0xb6: {  	s30 =	sld [smem:$0x0];
	_ =	sdelay $0x2  }
0xb7: {  	s31 =	sshll.u32 s1, $0xD;
	s1 =	sshrl.u32 s1, $0x2  }
0xb8: {  	s3 =	sand.u32 $0x4000, s31;
	s1 =	sadd.s32 s1, s30  }
0xb9: {  	s0 =	sor.u32 s3, s0;
	s1 =	sshll.u32 s1, $0x11  }
0xba: {  	s0 =	sor.u32 s1, s0  }
0xbb: {  	s0 =	sadd.s32 $0x8F2B, s0  }
0xbc: {  	[sflag:s0] =	ssyncadd.remote.s32 $0x1  }
0xbd: {  	_ =	sfence.sel $0xFFFF  }
0xbe: {  	[dreg:$0x0] =	wrdreg $0xFFFFFFFF;
	(pc) =	sbr.abs _section_cstart, $3  }
0xbf: {  	[dreg:$0x1] =	wrdreg $0xFFFFFFFF  }
0xc0: {  	_ =	task.clear_ibuf [dreg:s6], $0x2FFFF;
	_ =	strace $0x9FFFFFFF  }
0xc1: {  	(tm) =	ssettm $0x7FFFFFFF  }
tec
execute0_lowered:
.L_overlay_start_1:
0x0: {  	(tag) =	ssettag $0x1  }
0x1: {  	s0 =	srdreg.scid;
	s5 =	rddreg [dreg:$0x0]  }
0x2: {  	s1 =	stileid.u32;
	s6 =	simm.s32 $0x1;
	s9 =	simm.s32 $0x1  }
0x3: {  	s10 =	simm.s32 $0x3;
	s13 =	simm.s32 $0x0;
	s2 =	sshll.u32 s0, $0xC  }
0x4: {  	s12 =	simm.s32 $0x0;
	s3 =	sshll.u32 s1, $0xD;
	s2 =	sand.u32 $0x1000, s2  }
0x5: {  	s0 =	rddreg [dreg:$0x1];
	_ =	strace $0x8000004D;
	s2 =	sor.u32 s3, s2  }
0x6: {  	s4 =	sadd.s32 $0x9C00, s5;
	[sflag:s6] =	ssyncpa.u1 $0x0;
	s8 =	ssub.s32 $0x28000, s2  }
.Ltmp0:
0x7: {  	s3 =	sadd.s32 $0x19400, s5;
	s7 =	sand.u32 $0x1F000, s8;
	(pc) =	sbr.rel .LBB2_1-.Ltmp0, $4  }
0x8: {  	s5 =	sadd.s32 $0x10000, s5;
	s11 =	smov.u32 s2;
	p0 =	sne.s32 s7, $0x0  }
0x9: {  	s8 =	sshrl.u32 s8, $0x11;
	s7 =	simm.s32 $0x2;
	s9 =	simm.s32 @!p0 $0x0  }
0xa: {  	[sflag:s7] =	ssyncpa.u1 $0x0;
	p0 =	por $0x0, $0x0;
	s8 =	sadd.s32 s9, s8  }
0xb: {  	vm0 =	vmmov $0xffff;
	[sflag:s10] =	ssyncpa.u1 $0x0;
	s10 =	simm.s32 $0x0;
	s9 =	sadd.s32 $0x1, s8  }
.LBB2_4:
0xc: {  	v2 =	vnsel vm1, $0x0, v2  }
0xd: {  	vm1 =	vgt.s32 v0, $0x0;
	v2 =	vmin.u32 v2, $0x270FF  }
0xe: {  	v0 =	vnsel vm1, $0x0, v0  }
0xf: {  	v0 =	vmin.u32 v0, $0x270FF  }
0x10: {  	[tilespmem:s15], [sflag:$0x1] =	stream.indirect_vreg.gather [hbm4b:s3+s10], $0x1, v1, vm0, $0x4038;
	[tilespmem:$0x4000] =	vst v63  }
0x11: {  	(ifvalue) =	ssetifvalue $0x7FFFFFFF  }
0x12: {  	[tilespmem:s16], [sflag:$0x1] =	stream.indirect_vreg.gather [hbm4b:s3+s10], $0x1, v2, vm0, $0x4038;
	[tilespmem:$0x4000] =	vst v63  }
0x13: {  	s29 =	sadd.s32 $0x10, s16;
	(ifvalue) =	ssetifvalue $0x7FFFFFFF  }
0x14: {  	[tilespmem:s29], [sflag:$0x1] =	stream.indirect_vreg.gather [hbm4b:s3+s10], $0x1, v0, vm0, $0x4038;
	[tilespmem:$0x4000] =	vst v63  }
0x15: {  	_ =	swait.ge [sflag:s6], $0x1000  }
0x16: {  	s30 =	sshrl.u32 s13, $0x3;
	[sflag:s6] =	ssyncset.done $0x0  }
0x17: {  	s31 =	sand.u32 $0x7, s13;
	s15 =	sadd.s32 s5, s30;
	[sflag:s6] =	ssyncadd.s32 $0xFFFFF000  }
0x18: {  	[hbm4b:s15+s31] =	stream.linear.scatter [tilespmem:s14], [sflag:$0x3], $0x1000, $0x38;
	[tilespmem:$0x4000] =	vst v63  }
.LBB2_5:
0x19: {  	s15 =	sadd.s32 $0x20000, s11  }
0x1a: {  	p2 =	sgt.s32 s15, $0x27FFF  }
0x1b: {  	s15 =	smov.u32 @p2 s2;
	p2 =	sne.s32 s12, s9  }
.Ltmp1:
0x1c: {  	p1 =	slt.u32 s12, $0x2;
	(pc) =	sbr.rel @!p2 .LBB2_6-.Ltmp1, $4  }
0x1d: {  	s14 =	simm.s32 @!p1 $0x3  }
0x1e: {  	s16 =	sadd.s32 $0x1, s12;
	_ =	swait.ge @!p1 [sflag:s14], $0x1000  }
0x1f: {  	s13 =	smov.u32 s11;
	p0 =	por !p0, !p0;
	[sflag:s14] =	ssyncset.done @!p1 $0x0  }
0x20: {  	s12 =	smov.u32 s16;
	s11 =	smov.u32 s15;
	[sflag:s14] =	ssyncadd.s32 @!p1 $0xFFFFF000  }
.LBB2_1:
0x21: {  	p1 =	sge.u32 s12, s8  }
0x22: {  	s14 =	sxor.u32 @!p1 $0xFFFFFFFF, s12  }
0x23: {  	s31 =	sadd.s32 $0xFFFFFFFF, s12;
	s15 =	sshrl.u32 @!p1 s11, $0x3;
	s14 =	sshll.u32 @!p1 s14, $0xC  }
0x24: {  	s16 =	sand.u32 @!p1 $0x7, s11;
	s15 =	sadd.s32 @!p1 s4, s15;
	s14 =	sand.u32 @!p1 $0x1000, s14  }
0x25: {  	[tilespmem:s14], [sflag:$0x2] =	stream.linear.gather @!p1 [hbm4b:s15+s16], $0x1000, $0x38;
	[tilespmem:$0x4000] =	vst v63  }
0x26: {  	p1 =	sge.u32 s31, s8  }
.Ltmp2:
0x27: {  	_ = 	snop;
	(pc) =	sbr.rel @p1 .LBB2_5-.Ltmp2, $1  }
0x28: {  	_ =	sdelay $0x3  }
0x29: {  	s14 =	simm.s32 $0x1  }
0x2a: {  	_ =	swait.ge [sflag:s7], $0x1000;
	s14 =	simm.s32 @!p0 $0x0  }
0x2b: {  	[sflag:s7] =	ssyncset.done $0x0;
	s14 =	sshll.u32 s14, $0xC  }
0x2c: {  	[sflag:s7] =	ssyncadd.s32 $0xFFFFF000;
	(ifvalue) =	ssetifvalue $0x7FFFFFFF;
	v0 =	vld.msk [tilespmem:s14+$0x0 ss:$0x1], $0xffff;
	_ =	sdelay $0x4  }
0x2d: {  	s15 =	sadd.s32 $0x10, s14;
	vm1 =	vgt.s32 v0, $0x0  }
0x2e: {  	v2 =	vld.msk [tilespmem:s15+$0x0 ss:$0x1], $0xffff;
	v1 =	vnsel vm1, $0x0, v0  }
0x2f: {  	v1 =	vmin.u32 v1, $0x270FF;
	_ =	sdelay $0x1  }
0x30: {  	s16 =	sshll.u32 s12, $0xC;
	s18 =	simm.s32 $0x20  }
0x31: {  	s16 =	sand.u32 $0x1000, s16;
	s17 =	sadd.s32 $0x10, s15;
	s15 =	sor.u32 $0x2000, s14  }
0x32: {  	s14 =	sor.u32 $0x2000, s16;
	s16 =	sadd.s32 $0x10, s15;
	v0 =	vld.msk [tilespmem:s17+$0x0 ss:$0x1], $0xffff;
	vm1 =	vgt.s32 v2, $0x0;
	(ifvalue) =	ssetifvalue $0x7FFFFFFF  }
.LBB2_3:
0x33: {  	[tilespmem:s15], [sflag:$0x1] =	stream.indirect_vreg.gather [hbm4b:s3+s10], $0x1, v1, vm0, $0x4038;
	[tilespmem:$0x4000] =	vst v63  }
0x34: {  	s18 =	sadd.s32 $0x10, s18  }
0x35: {  	v2 =	vnsel vm1, $0x0, v2;
	p1 =	slt.u32 s18, $0xFF0  }
.Ltmp3:
0x36: {  	s15 =	smov.u32 s16;
	v1 =	vmin.u32 v2, $0x270FF;
	(pc) =	sbr.rel @p1 .LBB2_3-.Ltmp3, $3  }
0x37: {  	_ =	sdelay $0x1  }
0x38: {  	s17 =	sadd.s32 $0x10, s17  }
0x39: {  	vm1 =	vgt.s32 v0, $0x0;
	s16 =	sadd.s32 $0x10, s16;
	v2 =	vmov v0;
	(ifvalue) =	ssetifvalue $0x7FFFFFFF;
	v0 =	vld.msk [tilespmem:s17+$0x0 ss:$0x1], $0xffff  }
.Ltmp4:
0x3a: {  	_ = 	snop;
	(pc) =	sbr.rel .LBB2_4-.Ltmp4, $1  }
0x3b: {  	_ =	sdelay $0x3  }
.LBB2_6:
0x3c: {  	_ =	sfence.sel $0x180000  }
0x3d: {  	s2 =	simm.s32 $0x2;
	[bflag:$0x0] =	sbarrier.arrive $0xFFFF  }
0x3e: {  	s30 =	simm.s32 $0x3;
	[sflag:s2] =	ssyncpa.u1 $0x1  }
0x3f: {  	s31 =	simm.s32 $0x1;
	[sflag:s30] =	ssyncpa.u1 $0x1  }
0x40: {  	[sflag:s31] =	ssyncpa.u1 $0x1  }
0x41: {  	p0 =	sne.s32 s1, $0x0;
	_ =	strace $0x9000004D  }
0x42: {  	s0 =	sadd.s32 @!p0 $0x100000, s0;
	[bflag:$0x2] =	sbarrier.arrive $0xFFFF  }
0x43: {  	[sflag:s0] =	ssyncadd.tile.s32 @!p0 $0x1;
	_ =	shalt  }
.Lfunc_end2:
_tile_overlayer_lowered:
.L_overlay_start_2:
0x44: {  	(tag) =	ssettag $0x2  }
0x45: {  	s0 =	rddreg [dreg:$0x0];
	s2 =	stileid.u32  }
0x46: {  	s1 =	rddreg [dreg:$0x1];
	p0 =	sne.s32 s2, $0x0  }
0x47: {  	s3 =	rddreg [dreg:$0x2];
	[bflag:$0x3] =	sbarrier.arrive $0xFFFF;
	s2 =	simm.s32 @!p0 $0x1C01  }
0x48: {  	[timem:s3], [sflag:s2] =	dma.local @!p0 [hbm:s0], s1  }
0x49: {  	s0 =	simm.s32 @!p0 $0x1  }
0x4a: {  	_ =	swait.ge @!p0 [sflag:s0], s1  }
0x4b: {  	s1 =	ssub.s32 @!p0 $0x0, s1;
	[sflag:s0] =	ssyncset.done @!p0 $0x0  }
0x4c: {  	[sflag:s0] =	ssyncadd.s32 @!p0 s1  }
0x4d: {  	[bflag:$0x3] =	sbarrier.arrive $0xFFFF  }
0x4e: {  	_ =	shalt  }

// kernel: gather_offload_async_start.3
scs
__scs_entry_jumppad:
0x0: {  	(pc) =	sbr.rel $0x88, $3  }
0x1: {  	(tag) =	ssettag $0x0;
	lr =	simm.s32 $0x1  }
0x2: {  	[smem:$0x3F8C] =	sst lr;
	_ =	strace $0xD0000000  }
0x3: {  	_ = 	snop  }
0x4: {  	_ = 	snop  }
0x5: {  	_ = 	snop  }
0x6: {  	_ = 	snop  }
0x7: {  	_ = 	snop  }
__scs_overlays_trampoline_lowered:
0x8: {  	[smem:$0x3F9B] =	sst s0  }
0x9: {  	[smem:$0x3F9C] =	sst s1  }
0xa: {  	[smem:$0x3F9D] =	sst s2  }
0xb: {  	[smem:$0x3F9E] =	sst s3  }
0xc: {  	[smem:$0x3F9F] =	sst s4  }
0xd: {  	[smem:$0x3FA0] =	sst s5  }
0xe: {  	[smem:$0x3FA1] =	sst s6  }
0xf: {  	[smem:$0x3FA2] =	sst s7  }
0x10: {  	[smem:$0x3FA3] =	sst s8  }
0x11: {  	[smem:$0x3FA4] =	sst s9;
	s0 =	simm.s32 @!p0 $0x0  }
0x12: {  	s1 =	sld [smem:$0x3F8A];
	s0 =	simm.s32 @p0 $0x1  }
0x13: {  	[smem:$0x3FA5] =	sst s0;
	s0 =	simm.s32 @!p1 $0x0  }
0x14: {  	s2 =	sld [smem:$0x3F89];
	s0 =	simm.s32 @p1 $0x1  }
0x15: {  	[smem:$0x3FA6] =	sst s0;
	s0 =	simm.s32 @!p2 $0x0  }
0x16: {  	s3 =	sld [smem:$0x3FDB];
	s0 =	simm.s32 @p2 $0x1  }
0x17: {  	s4 =	simm.s32 $0x1BF5;
	[smem:$0x3FA8] =	sst s0  }
0x18: {  	s0 =	sld [smem:$0x3F8B];
	_ =	swait.ge [sflag:s4], $0x0  }
0x19: {  	s7 =	sld [smem:$0x3F8C]  }
0x1a: {  	s8 =	sadd.s32 $0xFFFFE003, lr  }
0x1b: {  	s9 =	sadd.s32 $0xFFFFFEF7, lr;
	s5 =	simm.s32 $0xFFFFFFFF;
	p2 =	slt.u32 s8, $0xFFFFF086  }
0x1c: {  	p1 =	slt.u32 s9, $0xF7A;
	s5 =	simm.s32 @!p2 $0x0  }
0x1d: {  	s5 =	simm.s32 @p1 $0x1;
	p0 =	seq.s32 s7, s2  }
0x1e: {  	s7 =	smul.u32 @!p0 $0xF7A, s2;
	p2 =	seq.s32 @!p0 s5, $0x0  }
0x1f: {  	s9 =	smul.u32 $0xF7A, s1;
	s8 =	simm.s32 @!p0 $0x1BF5;
	p2 =	por !p2, p0  }
0x20: {  	[sflag:s8] =	ssyncset.s32 @!p0 $0xFFFFF086;
	s6 =	sadd.s32 @!p0 s3, s7;
	s7 =	simm.s32 @!p0 $0x108  }
0x21: {  	s3 =	sadd.s32 s3, s9;
	s6 =	sadd.s32 @!p0 $0x88, s6;
	s7 =	simm.s32 @p2 $0x1082  }
0x22: {  	[simem:s7], [sflag:s8] =	dma.local @!p0 [hbm:s6], $0xF7A  }
0x23: {  	s9 =	sor.u32 $0xD0000000, s2;
	s6 =	simm.s32 $0x108;
	_ =	swait.ge @!p0 [sflag:s8], $0x0  }
0x24: {  	s3 =	sadd.s32 $0x88, s3;
	s6 =	simm.s32 @!p1 $0x1082;
	[sflag:s4] =	ssyncset.s32 $0xFFFFF086  }
0x25: {  	[simem:s6], [sflag:s4] =	dma.local [hbm:s3], $0xF7A  }
0x26: {  	[smem:$0x3F8C] =	sst s1;
	(tag) =	ssettag s2;
	_ =	strace s9  }
0x27: {  	s1 =	sld [smem:$0x3F9C]  }
0x28: {  	s2 =	sld [smem:$0x3F9D]  }
0x29: {  	s4 =	sld [smem:$0x3F9F]  }
0x2a: {  	p0 =	seq.s32 s5, $0x0;
	s5 =	sld [smem:$0x3FA0]  }
0x2b: {  	s6 =	sld [smem:$0x3FA1]  }
0x2c: {  	s7 =	sld [smem:$0x3FA2]  }
0x2d: {  	s3 =	simm.s32 $0x108;
	s8 =	sld [smem:$0x3FA3]  }
0x2e: {  	s3 =	simm.s32 @!p0 $0x1082;
	s9 =	sld [smem:$0x3FA4]  }
0x2f: {  	lr =	sadd.s32 s0, s3;
	s0 =	sld [smem:$0x3F9B]  }
0x30: {  	s3 =	sld [smem:$0x3F9E]  }
0x31: {  	[smem:$0x3FA7] =	sst s10  }
0x32: {  	s10 =	sld [smem:$0x3FA5];
	_ =	sdelay $0x3  }
0x33: {  	p0 =	seq.s32 s10, $0x1;
	s10 =	sld [smem:$0x3FA7];
	_ =	sdelay $0x3  }
0x34: {  	[smem:$0x3FA7] =	sst s10  }
0x35: {  	s10 =	sld [smem:$0x3FA6];
	_ =	sdelay $0x3  }
0x36: {  	p1 =	seq.s32 s10, $0x1;
	s10 =	sld [smem:$0x3FA7];
	_ =	sdelay $0x3  }
0x37: {  	[smem:$0x3FA7] =	sst s10  }
0x38: {  	s10 =	sld [smem:$0x3FA8]  }
0x39: {  	_ = 	snop;
	(pc) =	sbr.ind lr, $3  }
0x3a: {  	_ = 	snop  }
0x3b: {  	_ = 	snop  }
0x3c: {  	p2 =	seq.s32 s10, $0x1;
	s10 =	sld [smem:$0x3FA7]  }
0x3d: {  	_ =	shalt  }
0x3e: {  	_ =	shalt  }
0x3f: {  	_ =	shalt  }
0x40: {  	_ =	shalt  }
0x41: {  	_ =	shalt  }
0x42: {  	_ =	shalt  }
0x43: {  	_ =	shalt  }
0x44: {  	_ =	shalt  }
0x45: {  	_ =	shalt  }
0x46: {  	_ =	shalt  }
0x47: {  	_ =	shalt  }
0x48: {  	_ =	shalt  }
0x49: {  	_ =	shalt  }
0x4a: {  	_ =	shalt  }
0x4b: {  	_ =	shalt  }
0x4c: {  	_ =	shalt  }
0x4d: {  	_ =	shalt  }
0x4e: {  	_ =	shalt  }
0x4f: {  	_ =	shalt  }
0x50: {  	_ =	shalt  }
0x51: {  	_ =	shalt  }
0x52: {  	_ =	shalt  }
0x53: {  	_ =	shalt  }
0x54: {  	_ =	shalt  }
0x55: {  	_ =	shalt  }
0x56: {  	_ =	shalt  }
0x57: {  	_ =	shalt  }
0x58: {  	_ =	shalt  }
0x59: {  	_ =	shalt  }
0x5a: {  	_ =	shalt  }
0x5b: {  	_ =	shalt  }
0x5c: {  	_ =	shalt  }
0x5d: {  	_ =	shalt  }
0x5e: {  	_ =	shalt  }
0x5f: {  	_ =	shalt  }
0x60: {  	_ =	shalt  }
0x61: {  	_ =	shalt  }
0x62: {  	_ =	shalt  }
0x63: {  	_ =	shalt  }
0x64: {  	_ =	shalt  }
0x65: {  	_ =	shalt  }
0x66: {  	_ =	shalt  }
0x67: {  	_ =	shalt  }
0x68: {  	_ =	shalt  }
0x69: {  	_ =	shalt  }
0x6a: {  	_ =	shalt  }
0x6b: {  	_ =	shalt  }
0x6c: {  	_ =	shalt  }
0x6d: {  	_ =	shalt  }
0x6e: {  	_ =	shalt  }
0x6f: {  	_ =	shalt  }
0x70: {  	_ =	shalt  }
0x71: {  	_ =	shalt  }
0x72: {  	_ =	shalt  }
0x73: {  	_ =	shalt  }
0x74: {  	_ =	shalt  }
0x75: {  	_ =	shalt  }
0x76: {  	_ =	shalt  }
0x77: {  	_ =	shalt  }
0x78: {  	_ =	shalt  }
0x79: {  	_ =	shalt  }
0x7a: {  	_ =	shalt  }
0x7b: {  	_ =	shalt  }
0x7c: {  	_ =	shalt  }
0x7d: {  	_ =	shalt  }
0x7e: {  	_ =	shalt  }
0x7f: {  	_ =	shalt  }
0x80: {  	_ =	shalt  }
0x81: {  	_ =	shalt  }
0x82: {  	_ =	shalt  }
0x83: {  	_ =	shalt  }
0x84: {  	_ =	shalt  }
0x85: {  	_ =	shalt  }
0x86: {  	_ =	shalt  }
0x87: {  	_ =	shalt  }
.Lfunc_end0:
.L_simem_size_0:
called_computation.3_lowered:
.L_overlay_start_0:
0x88: {  	s2 =	sld [smem:$0x3FD9]  }
0x89: {  	s3 =	sld [smem:$0x3FFE];
	_ =	sdelay $0x1  }
0x8a: {  	s1 =	srdreg.scid  }
0x8b: {  	s0 =	sand.u32 $0x1, s1  }
0x8c: {  	s17 =	sshll.u32 s0, $0xA;
	s2 =	sadd.s32 s3, s2  }
0x8d: {  	s2 =	sadd.s32 s2, s17  }
0x8e: {  	[smem:$0x3FB3] =	sst s2  }
0x8f: {  	_ = 	snop  }
0x90: {  	(tm) =	ssettm $0x1  }
0x91: {  	s18 =	sld [smem:$0x3FFB];
	_ =	sdelay $0x3  }
0x92: {  	_ =	strace s18  }
0x93: {  	s2 =	sld [smem:$0x3FFC];
	_ =	sdelay $0x3  }
0x94: {  	_ =	strace s2  }
0x95: {  	s2 =	sld [smem:$0x3FFD];
	_ =	sdelay $0x3  }
0x96: {  	_ =	strace s2  }
0x97: {  	_ =	strace $0x8FFFFFFF  }
0x98: {  	s19 =	sld [smem:$0x3FDB];
	_ =	sdelay $0x1  }
0x99: {  	s20 =	simm.s32 $_scs_section_size  }
0x9a: {  	s4 =	simm.s32 $_size__tile_overlayer_lowered;
	s5 =	simm.s32 $_tile_overlayer_lowered  }
0x9b: {  	s6 =	simm.s32 $0x1BFF;
	s21 =	sshll.u32 s5, $0x1;
	s3 =	sadd.s32 s20, s19  }
0x9c: {  	s22 =	simm.s32 $0x0;
	s4 =	sshll.u32 s4, $0x1;
	s5 =	sadd.s32 s21, s3  }
0x9d: {  	[timem:s22], [sflag:s6] =	dma.local [hbm:s5], s4  }
0x9e: {  	_ =	swait.ge [sflag:s6], s4  }
0x9f: {  	s4 =	ssub.s32 $0x0, s4;
	[sflag:s6] =	ssyncset.done $0x0  }
0xa0: {  	[sflag:s6] =	ssyncadd.s32 s4;
	_ =	sdelay $0x1  }
0xa1: {  	s23 =	simm.s32 $0x1B8B  }
0xa2: {  	_ =	swait.ge [sflag:s23], $0x1  }
0xa3: {  	[sflag:s23] =	ssyncset.done $0x0  }
0xa4: {  	[sflag:s23] =	ssyncadd.s32 $0xFFFFFFFF  }
0xa5: {  	s4 =	sld [smem:$0x0]  }
0xa6: {  	s5 =	sand.u32 $0xFFFFFFFE, s1  }
0xa7: {  	p0 =	sne.s32 s1, s5  }
0xa8: {  	s5 =	sshll.u32 @p0 s5, $0xE  }
0xa9: {  	s5 =	sadd.s32 @p0 $0x11B8D, s5;
	s6 =	sshll.u32 @p0 s4, $0x11  }
0xaa: {  	s5 =	sor.u32 @p0 s6, s5  }
0xab: {  	[sflag:s5] =	ssyncadd.remote.s32 @p0 $0x1;
	_ =	sdelay $0x1  }
0xac: {  	s5 =	simm.s32 @p0 $0x1B8D  }
0xad: {  	_ =	swait.eq @p0 [sflag:s5], $0x1  }
0xae: {  	[sflag:s5] =	ssyncadd.s32 @p0 $0xFFFFFFFF  }
0xaf: {  	s6 =	sshll.u32 @!p0 s1, $0xE  }
0xb0: {  	s6 =	sor.u32 @!p0 $0x4000, s6;
	s5 =	simm.s32 @!p0 $0x1B8D  }
0xb1: {  	s4 =	sshll.u32 @!p0 s4, $0x11;
	s6 =	sadd.s32 @!p0 $0x11B8D, s6;
	_ =	swait.eq @!p0 [sflag:s5], $0x1  }
0xb2: {  	s4 =	sor.u32 @!p0 s4, s6;
	[sflag:s5] =	ssyncadd.s32 @!p0 $0xFFFFFFFF  }
0xb3: {  	s25 =	simm.s32 $0x1B8E;
	s24 =	sld [smem:$0x3FFE];
	[sflag:s4] =	ssyncadd.remote.s32 @!p0 $0x1  }
0xb4: {  	s26 =	simm.s32 $execute0_lowered;
	[smem:$0x3FD2] =	sst s25  }
0xb5: {  	s5 =	sshll.u32 s26, $0x1;
	_ =	strace $0x8000004F;
	[dreg:$0x1] =	wrdreg $0xFFFFFFFF  }
0xb6: {  	s28 =	simm.s32 $_size_execute0_lowered;
	s3 =	sadd.s32 s3, s5;
	[dreg:$0x0] =	wrdreg $0x0  }
0xb7: {  	s5 =	sshll.u32 s28, $0x1;
	[dreg:$0x2] =	wrdreg s3  }
0xb8: {  	[dreg:$0x3] =	wrdreg s5  }
0xb9: {  	[dreg:$0x4] =	wrdreg $0xC0  }
0xba: {  	_ =	task [dreg:s22], $0x5FFFF  }
0xbb: {  	[dreg:$0x1] =	wrdreg $0xFFFFFFFF  }
0xbc: {  	[dreg:$0x0] =	wrdreg $0x60  }
0xbd: {  	[dreg:$0x2] =	wrdreg s24  }
0xbe: {  	[dreg:$0x3] =	wrdreg $0xA  }
0xbf: {  	_ =	task.clear_ibuf [dreg:s22], $0x4FFFF;
	_ =	strace $0x9000004F  }
0xc0: {  	s29 =	simm.s32 $0xA;
	_ =	strace $0x80000051  }
0xc1: {  	_ =	swait.ge [sflag:s29], $0x1  }
0xc2: {  	[sflag:s29] =	ssyncadd.s32 $0xFFFFFFFF  }
0xc3: {  	_ =	strace $0x90000051  }
0xc4: {  	_ =	sfence  }
0xc5: {  	s30 =	sld [smem:$0x0];
	_ =	sdelay $0x2  }
0xc6: {  	s31 =	sshll.u32 s1, $0xD;
	s1 =	sshrl.u32 s1, $0x2  }
0xc7: {  	s4 =	sand.u32 $0x4000, s31;
	s1 =	sadd.s32 s1, s30  }
0xc8: {  	s0 =	sor.u32 s4, s0;
	s1 =	sshll.u32 s1, $0x11  }
0xc9: {  	s0 =	sor.u32 s1, s0  }
0xca: {  	s0 =	sadd.s32 $0x8F2B, s0  }
0xcb: {  	[sflag:s0] =	ssyncadd.remote.s32 $0x1  }
0xcc: {  	_ =	sfence.sel $0xFFFF  }
0xcd: {  	[dreg:$0x0] =	wrdreg $0xFFFFFFFF;
	(pc) =	sbr.abs _section_cstart, $3  }
0xce: {  	[dreg:$0x1] =	wrdreg $0xFFFFFFFF  }
0xcf: {  	_ =	task.clear_ibuf [dreg:s22], $0x2FFFF;
	_ =	strace $0x9FFFFFFF  }
0xd0: {  	(tm) =	ssettm $0x7FFFFFFF  }
0xd1: {  	_ =	shalt  }
tec
execute0_lowered:
.L_overlay_start_1:
0x0: {  	(tag) =	ssettag $0x1  }
0x1: {  	s0 =	srdreg.scid;
	s5 =	rddreg [dreg:$0x0]  }
0x2: {  	s1 =	stileid.u32;
	s6 =	simm.s32 $0x1;
	s9 =	simm.s32 $0x1  }
0x3: {  	s10 =	simm.s32 $0x3;
	s13 =	simm.s32 $0x0;
	s2 =	sshll.u32 s0, $0xC  }
0x4: {  	s12 =	simm.s32 $0x0;
	s3 =	sshll.u32 s1, $0xD;
	s2 =	sand.u32 $0x1000, s2  }
0x5: {  	s0 =	rddreg [dreg:$0x1];
	_ =	strace $0x80000050;
	s2 =	sor.u32 s3, s2  }
0x6: {  	s4 =	sadd.s32 $0x9C00, s5;
	[sflag:s6] =	ssyncpa.u1 $0x0;
	s8 =	ssub.s32 $0x28000, s2  }
.Ltmp0:
0x7: {  	s3 =	sadd.s32 $0x1E400, s5;
	s7 =	sand.u32 $0x1F000, s8;
	(pc) =	sbr.rel .LBB2_1-.Ltmp0, $4  }
0x8: {  	s5 =	sadd.s32 $0x98800, s5;
	s11 =	smov.u32 s2;
	p0 =	sne.s32 s7, $0x0  }
0x9: {  	s8 =	sshrl.u32 s8, $0x11;
	s7 =	simm.s32 $0x2;
	s9 =	simm.s32 @!p0 $0x0  }
0xa: {  	[sflag:s7] =	ssyncpa.u1 $0x0;
	p0 =	por $0x0, $0x0;
	s8 =	sadd.s32 s9, s8  }
0xb: {  	vm0 =	vmmov $0xffff;
	[sflag:s10] =	ssyncpa.u1 $0x0;
	s10 =	simm.s32 $0x0;
	s9 =	sadd.s32 $0x1, s8  }
.LBB2_4:
0xc: {  	v2 =	vnsel vm1, $0x0, v2  }
0xd: {  	vm1 =	vgt.s32 v0, $0x0;
	v2 =	vmin.u32 v2, $0x270FF  }
0xe: {  	v0 =	vnsel vm1, $0x0, v0  }
0xf: {  	v0 =	vmin.u32 v0, $0x270FF  }
0x10: {  	[tilespmem:s15], [sflag:$0x1] =	stream.indirect_vreg.gather [hbm4b:s3+s10], $0x1, v1, vm0, $0x4038;
	[tilespmem:$0x4000] =	vst v63  }
0x11: {  	(ifvalue) =	ssetifvalue $0x7FFFFFFF  }
0x12: {  	[tilespmem:s16], [sflag:$0x1] =	stream.indirect_vreg.gather [hbm4b:s3+s10], $0x1, v2, vm0, $0x4038;
	[tilespmem:$0x4000] =	vst v63  }
0x13: {  	s29 =	sadd.s32 $0x10, s16;
	(ifvalue) =	ssetifvalue $0x7FFFFFFF  }
0x14: {  	[tilespmem:s29], [sflag:$0x1] =	stream.indirect_vreg.gather [hbm4b:s3+s10], $0x1, v0, vm0, $0x4038;
	[tilespmem:$0x4000] =	vst v63  }
0x15: {  	_ =	swait.ge [sflag:s6], $0x1000  }
0x16: {  	s30 =	sshrl.u32 s13, $0x3;
	[sflag:s6] =	ssyncset.done $0x0  }
0x17: {  	s31 =	sand.u32 $0x7, s13;
	s15 =	sadd.s32 s5, s30;
	[sflag:s6] =	ssyncadd.s32 $0xFFFFF000  }
0x18: {  	[hbm4b:s15+s31] =	stream.linear.scatter [tilespmem:s14], [sflag:$0x3], $0x1000, $0x38;
	[tilespmem:$0x4000] =	vst v63  }
.LBB2_5:
0x19: {  	s15 =	sadd.s32 $0x20000, s11  }
0x1a: {  	p2 =	sgt.s32 s15, $0x27FFF  }
0x1b: {  	s15 =	smov.u32 @p2 s2;
	p2 =	sne.s32 s12, s9  }
.Ltmp1:
0x1c: {  	p1 =	slt.u32 s12, $0x2;
	(pc) =	sbr.rel @!p2 .LBB2_6-.Ltmp1, $4  }
0x1d: {  	s14 =	simm.s32 @!p1 $0x3  }
0x1e: {  	s16 =	sadd.s32 $0x1, s12;
	_ =	swait.ge @!p1 [sflag:s14], $0x1000  }
0x1f: {  	s13 =	smov.u32 s11;
	p0 =	por !p0, !p0;
	[sflag:s14] =	ssyncset.done @!p1 $0x0  }
0x20: {  	s12 =	smov.u32 s16;
	s11 =	smov.u32 s15;
	[sflag:s14] =	ssyncadd.s32 @!p1 $0xFFFFF000  }
.LBB2_1:
0x21: {  	p1 =	sge.u32 s12, s8  }
0x22: {  	s14 =	sxor.u32 @!p1 $0xFFFFFFFF, s12  }
0x23: {  	s31 =	sadd.s32 $0xFFFFFFFF, s12;
	s15 =	sshrl.u32 @!p1 s11, $0x3;
	s14 =	sshll.u32 @!p1 s14, $0xC  }
0x24: {  	s16 =	sand.u32 @!p1 $0x7, s11;
	s15 =	sadd.s32 @!p1 s4, s15;
	s14 =	sand.u32 @!p1 $0x1000, s14  }
0x25: {  	[tilespmem:s14], [sflag:$0x2] =	stream.linear.gather @!p1 [hbm4b:s15+s16], $0x1000, $0x38;
	[tilespmem:$0x4000] =	vst v63  }
0x26: {  	p1 =	sge.u32 s31, s8  }
.Ltmp2:
0x27: {  	_ = 	snop;
	(pc) =	sbr.rel @p1 .LBB2_5-.Ltmp2, $1  }
0x28: {  	_ =	sdelay $0x3  }
0x29: {  	s14 =	simm.s32 $0x1  }
0x2a: {  	_ =	swait.ge [sflag:s7], $0x1000;
	s14 =	simm.s32 @!p0 $0x0  }
0x2b: {  	[sflag:s7] =	ssyncset.done $0x0;
	s14 =	sshll.u32 s14, $0xC  }
0x2c: {  	[sflag:s7] =	ssyncadd.s32 $0xFFFFF000;
	(ifvalue) =	ssetifvalue $0x7FFFFFFF;
	v0 =	vld.msk [tilespmem:s14+$0x0 ss:$0x1], $0xffff;
	_ =	sdelay $0x4  }
0x2d: {  	s15 =	sadd.s32 $0x10, s14;
	vm1 =	vgt.s32 v0, $0x0  }
0x2e: {  	v2 =	vld.msk [tilespmem:s15+$0x0 ss:$0x1], $0xffff;
	v1 =	vnsel vm1, $0x0, v0  }
0x2f: {  	v1 =	vmin.u32 v1, $0x270FF;
	_ =	sdelay $0x1  }
0x30: {  	s16 =	sshll.u32 s12, $0xC;
	s18 =	simm.s32 $0x20  }
0x31: {  	s16 =	sand.u32 $0x1000, s16;
	s17 =	sadd.s32 $0x10, s15;
	s15 =	sor.u32 $0x2000, s14  }
0x32: {  	s14 =	sor.u32 $0x2000, s16;
	s16 =	sadd.s32 $0x10, s15;
	v0 =	vld.msk [tilespmem:s17+$0x0 ss:$0x1], $0xffff;
	vm1 =	vgt.s32 v2, $0x0;
	(ifvalue) =	ssetifvalue $0x7FFFFFFF  }
.LBB2_3:
0x33: {  	[tilespmem:s15], [sflag:$0x1] =	stream.indirect_vreg.gather [hbm4b:s3+s10], $0x1, v1, vm0, $0x4038;
	[tilespmem:$0x4000] =	vst v63  }
0x34: {  	s18 =	sadd.s32 $0x10, s18  }
0x35: {  	v2 =	vnsel vm1, $0x0, v2;
	p1 =	slt.u32 s18, $0xFF0  }
.Ltmp3:
0x36: {  	s15 =	smov.u32 s16;
	v1 =	vmin.u32 v2, $0x270FF;
	(pc) =	sbr.rel @p1 .LBB2_3-.Ltmp3, $3  }
0x37: {  	_ =	sdelay $0x1  }
0x38: {  	s17 =	sadd.s32 $0x10, s17  }
0x39: {  	vm1 =	vgt.s32 v0, $0x0;
	s16 =	sadd.s32 $0x10, s16;
	v2 =	vmov v0;
	(ifvalue) =	ssetifvalue $0x7FFFFFFF;
	v0 =	vld.msk [tilespmem:s17+$0x0 ss:$0x1], $0xffff  }
.Ltmp4:
0x3a: {  	_ = 	snop;
	(pc) =	sbr.rel .LBB2_4-.Ltmp4, $1  }
0x3b: {  	_ =	sdelay $0x3  }
.LBB2_6:
0x3c: {  	_ =	sfence.sel $0x180000  }
0x3d: {  	s2 =	simm.s32 $0x2;
	[bflag:$0x0] =	sbarrier.arrive $0xFFFF  }
0x3e: {  	s30 =	simm.s32 $0x3;
	[sflag:s2] =	ssyncpa.u1 $0x1  }
0x3f: {  	s31 =	simm.s32 $0x1;
	[sflag:s30] =	ssyncpa.u1 $0x1  }
0x40: {  	[sflag:s31] =	ssyncpa.u1 $0x1  }
0x41: {  	p0 =	sne.s32 s1, $0x0;
	_ =	strace $0x90000050  }
0x42: {  	s0 =	sadd.s32 @!p0 $0x100000, s0;
	[bflag:$0x2] =	sbarrier.arrive $0xFFFF  }
0x43: {  	[sflag:s0] =	ssyncadd.tile.s32 @!p0 $0x1;
	_ =	shalt  }
.Lfunc_end2:
_tile_overlayer_lowered:
.L_overlay_start_2:
0x44: {  	(tag) =	ssettag $0x2  }
0x45: {  	s0 =	rddreg [dreg:$0x0];
	s2 =	stileid.u32  }
0x46: {  	s1 =	rddreg [dreg:$0x1];
	p0 =	sne.s32 s2, $0x0  }
0x47: {  	s3 =	rddreg [dreg:$0x2];
	[bflag:$0x3] =	sbarrier.arrive $0xFFFF;
	s2 =	simm.s32 @!p0 $0x1C01  }
0x48: {  	[timem:s3], [sflag:s2] =	dma.local @!p0 [hbm:s0], s1  }
0x49: {  	s0 =	simm.s32 @!p0 $0x1  }
0x4a: {  	_ =	swait.ge @!p0 [sflag:s0], s1  }
0x4b: {  	s1 =	ssub.s32 @!p0 $0x0, s1;
	[sflag:s0] =	ssyncset.done @!p0 $0x0  }
0x4c: {  	[sflag:s0] =	ssyncadd.s32 @!p0 s1  }
0x4d: {  	[bflag:$0x3] =	sbarrier.arrive $0xFFFF  }
0x4e: {  	_ =	shalt  }

// kernel: gather_offload_async_start
scs
__scs_entry_jumppad:
0x0: {  	(pc) =	sbr.rel $0x88, $3  }
0x1: {  	(tag) =	ssettag $0x0;
	lr =	simm.s32 $0x1  }
0x2: {  	[smem:$0x3F8C] =	sst lr;
	_ =	strace $0xD0000000  }
0x3: {  	_ = 	snop  }
0x4: {  	_ = 	snop  }
0x5: {  	_ = 	snop  }
0x6: {  	_ = 	snop  }
0x7: {  	_ = 	snop  }
__scs_overlays_trampoline_lowered:
0x8: {  	[smem:$0x3F9B] =	sst s0  }
0x9: {  	[smem:$0x3F9C] =	sst s1  }
0xa: {  	[smem:$0x3F9D] =	sst s2  }
0xb: {  	[smem:$0x3F9E] =	sst s3  }
0xc: {  	[smem:$0x3F9F] =	sst s4  }
0xd: {  	[smem:$0x3FA0] =	sst s5  }
0xe: {  	[smem:$0x3FA1] =	sst s6  }
0xf: {  	[smem:$0x3FA2] =	sst s7  }
0x10: {  	[smem:$0x3FA3] =	sst s8  }
0x11: {  	[smem:$0x3FA4] =	sst s9;
	s0 =	simm.s32 @!p0 $0x0  }
0x12: {  	s1 =	sld [smem:$0x3F8A];
	s0 =	simm.s32 @p0 $0x1  }
0x13: {  	[smem:$0x3FA5] =	sst s0;
	s0 =	simm.s32 @!p1 $0x0  }
0x14: {  	s2 =	sld [smem:$0x3F89];
	s0 =	simm.s32 @p1 $0x1  }
0x15: {  	[smem:$0x3FA6] =	sst s0;
	s0 =	simm.s32 @!p2 $0x0  }
0x16: {  	s3 =	sld [smem:$0x3FDB];
	s0 =	simm.s32 @p2 $0x1  }
0x17: {  	s4 =	simm.s32 $0x1BF5;
	[smem:$0x3FA8] =	sst s0  }
0x18: {  	s0 =	sld [smem:$0x3F8B];
	_ =	swait.ge [sflag:s4], $0x0  }
0x19: {  	s7 =	sld [smem:$0x3F8C]  }
0x1a: {  	s8 =	sadd.s32 $0xFFFFE003, lr  }
0x1b: {  	s9 =	sadd.s32 $0xFFFFFEF7, lr;
	s5 =	simm.s32 $0xFFFFFFFF;
	p2 =	slt.u32 s8, $0xFFFFF086  }
0x1c: {  	p1 =	slt.u32 s9, $0xF7A;
	s5 =	simm.s32 @!p2 $0x0  }
0x1d: {  	s5 =	simm.s32 @p1 $0x1;
	p0 =	seq.s32 s7, s2  }
0x1e: {  	s7 =	smul.u32 @!p0 $0xF7A, s2;
	p2 =	seq.s32 @!p0 s5, $0x0  }
0x1f: {  	s9 =	smul.u32 $0xF7A, s1;
	s8 =	simm.s32 @!p0 $0x1BF5;
	p2 =	por !p2, p0  }
0x20: {  	[sflag:s8] =	ssyncset.s32 @!p0 $0xFFFFF086;
	s6 =	sadd.s32 @!p0 s3, s7;
	s7 =	simm.s32 @!p0 $0x108  }
0x21: {  	s3 =	sadd.s32 s3, s9;
	s6 =	sadd.s32 @!p0 $0x88, s6;
	s7 =	simm.s32 @p2 $0x1082  }
0x22: {  	[simem:s7], [sflag:s8] =	dma.local @!p0 [hbm:s6], $0xF7A  }
0x23: {  	s9 =	sor.u32 $0xD0000000, s2;
	s6 =	simm.s32 $0x108;
	_ =	swait.ge @!p0 [sflag:s8], $0x0  }
0x24: {  	s3 =	sadd.s32 $0x88, s3;
	s6 =	simm.s32 @!p1 $0x1082;
	[sflag:s4] =	ssyncset.s32 $0xFFFFF086  }
0x25: {  	[simem:s6], [sflag:s4] =	dma.local [hbm:s3], $0xF7A  }
0x26: {  	[smem:$0x3F8C] =	sst s1;
	(tag) =	ssettag s2;
	_ =	strace s9  }
0x27: {  	s1 =	sld [smem:$0x3F9C]  }
0x28: {  	s2 =	sld [smem:$0x3F9D]  }
0x29: {  	s4 =	sld [smem:$0x3F9F]  }
0x2a: {  	p0 =	seq.s32 s5, $0x0;
	s5 =	sld [smem:$0x3FA0]  }
0x2b: {  	s6 =	sld [smem:$0x3FA1]  }
0x2c: {  	s7 =	sld [smem:$0x3FA2]  }
0x2d: {  	s3 =	simm.s32 $0x108;
	s8 =	sld [smem:$0x3FA3]  }
0x2e: {  	s3 =	simm.s32 @!p0 $0x1082;
	s9 =	sld [smem:$0x3FA4]  }
0x2f: {  	lr =	sadd.s32 s0, s3;
	s0 =	sld [smem:$0x3F9B]  }
0x30: {  	s3 =	sld [smem:$0x3F9E]  }
0x31: {  	[smem:$0x3FA7] =	sst s10  }
0x32: {  	s10 =	sld [smem:$0x3FA5];
	_ =	sdelay $0x3  }
0x33: {  	p0 =	seq.s32 s10, $0x1;
	s10 =	sld [smem:$0x3FA7];
	_ =	sdelay $0x3  }
0x34: {  	[smem:$0x3FA7] =	sst s10  }
0x35: {  	s10 =	sld [smem:$0x3FA6];
	_ =	sdelay $0x3  }
0x36: {  	p1 =	seq.s32 s10, $0x1;
	s10 =	sld [smem:$0x3FA7];
	_ =	sdelay $0x3  }
0x37: {  	[smem:$0x3FA7] =	sst s10  }
0x38: {  	s10 =	sld [smem:$0x3FA8]  }
0x39: {  	_ = 	snop;
	(pc) =	sbr.ind lr, $3  }
0x3a: {  	_ = 	snop  }
0x3b: {  	_ = 	snop  }
0x3c: {  	p2 =	seq.s32 s10, $0x1;
	s10 =	sld [smem:$0x3FA7]  }
0x3d: {  	_ =	shalt  }
0x3e: {  	_ =	shalt  }
0x3f: {  	_ =	shalt  }
0x40: {  	_ =	shalt  }
0x41: {  	_ =	shalt  }
0x42: {  	_ =	shalt  }
0x43: {  	_ =	shalt  }
0x44: {  	_ =	shalt  }
0x45: {  	_ =	shalt  }
0x46: {  	_ =	shalt  }
0x47: {  	_ =	shalt  }
0x48: {  	_ =	shalt  }
0x49: {  	_ =	shalt  }
0x4a: {  	_ =	shalt  }
0x4b: {  	_ =	shalt  }
0x4c: {  	_ =	shalt  }
0x4d: {  	_ =	shalt  }
0x4e: {  	_ =	shalt  }
0x4f: {  	_ =	shalt  }
0x50: {  	_ =	shalt  }
0x51: {  	_ =	shalt  }
0x52: {  	_ =	shalt  }
0x53: {  	_ =	shalt  }
0x54: {  	_ =	shalt  }
0x55: {  	_ =	shalt  }
0x56: {  	_ =	shalt  }
0x57: {  	_ =	shalt  }
0x58: {  	_ =	shalt  }
0x59: {  	_ =	shalt  }
0x5a: {  	_ =	shalt  }
0x5b: {  	_ =	shalt  }
0x5c: {  	_ =	shalt  }
0x5d: {  	_ =	shalt  }
0x5e: {  	_ =	shalt  }
0x5f: {  	_ =	shalt  }
0x60: {  	_ =	shalt  }
0x61: {  	_ =	shalt  }
0x62: {  	_ =	shalt  }
0x63: {  	_ =	shalt  }
0x64: {  	_ =	shalt  }
0x65: {  	_ =	shalt  }
0x66: {  	_ =	shalt  }
0x67: {  	_ =	shalt  }
0x68: {  	_ =	shalt  }
0x69: {  	_ =	shalt  }
0x6a: {  	_ =	shalt  }
0x6b: {  	_ =	shalt  }
0x6c: {  	_ =	shalt  }
0x6d: {  	_ =	shalt  }
0x6e: {  	_ =	shalt  }
0x6f: {  	_ =	shalt  }
0x70: {  	_ =	shalt  }
0x71: {  	_ =	shalt  }
0x72: {  	_ =	shalt  }
0x73: {  	_ =	shalt  }
0x74: {  	_ =	shalt  }
0x75: {  	_ =	shalt  }
0x76: {  	_ =	shalt  }
0x77: {  	_ =	shalt  }
0x78: {  	_ =	shalt  }
0x79: {  	_ =	shalt  }
0x7a: {  	_ =	shalt  }
0x7b: {  	_ =	shalt  }
0x7c: {  	_ =	shalt  }
0x7d: {  	_ =	shalt  }
0x7e: {  	_ =	shalt  }
0x7f: {  	_ =	shalt  }
0x80: {  	_ =	shalt  }
0x81: {  	_ =	shalt  }
0x82: {  	_ =	shalt  }
0x83: {  	_ =	shalt  }
0x84: {  	_ =	shalt  }
0x85: {  	_ =	shalt  }
0x86: {  	_ =	shalt  }
0x87: {  	_ =	shalt  }
.Lfunc_end0:
.L_simem_size_0:
called_computation_lowered:
.L_overlay_start_0:
0x88: {  	s2 =	sld [smem:$0x3FD9]  }
0x89: {  	s3 =	sld [smem:$0x3FFE];
	_ =	sdelay $0x1  }
0x8a: {  	s1 =	srdreg.scid  }
0x8b: {  	s0 =	sand.u32 $0x1, s1  }
0x8c: {  	s16 =	sshll.u32 s0, $0xA;
	s2 =	sadd.s32 s3, s2  }
0x8d: {  	s2 =	sadd.s32 s2, s16  }
0x8e: {  	[smem:$0x3FB3] =	sst s2  }
0x8f: {  	_ = 	snop  }
0x90: {  	(tm) =	ssettm $0x1  }
0x91: {  	s17 =	sld [smem:$0x3FFB];
	_ =	sdelay $0x3  }
0x92: {  	_ =	strace s17  }
0x93: {  	s2 =	sld [smem:$0x3FFC];
	_ =	sdelay $0x3  }
0x94: {  	_ =	strace s2  }
0x95: {  	s2 =	sld [smem:$0x3FFD];
	_ =	sdelay $0x3  }
0x96: {  	_ =	strace s2  }
0x97: {  	_ =	strace $0x8FFFFFFF  }
0x98: {  	s18 =	sld [smem:$0x3FDB];
	_ =	sdelay $0x1  }
0x99: {  	s19 =	simm.s32 $_scs_section_size  }
0x9a: {  	s4 =	simm.s32 $_size__tile_overlayer_lowered;
	s5 =	simm.s32 $_tile_overlayer_lowered  }
0x9b: {  	s22 =	simm.s32 $0x1BFF;
	s21 =	sshll.u32 s5, $0x1;
	s2 =	sadd.s32 s19, s18  }
0x9c: {  	s6 =	simm.s32 $0x0;
	s20 =	sshll.u32 s4, $0x1;
	s4 =	sadd.s32 s21, s2  }
0x9d: {  	[timem:s6], [sflag:s22] =	dma.local [hbm:s4], s20  }
0x9e: {  	_ =	swait.ge [sflag:s22], s20  }
0x9f: {  	s3 =	ssub.s32 $0x0, s20;
	[sflag:s22] =	ssyncset.done $0x0  }
0xa0: {  	[sflag:s22] =	ssyncadd.s32 s3;
	_ =	sdelay $0x1  }
0xa1: {  	s23 =	simm.s32 $0x1B8B  }
0xa2: {  	_ =	swait.ge [sflag:s23], $0x1  }
0xa3: {  	[sflag:s23] =	ssyncset.done $0x0  }
0xa4: {  	s25 =	simm.s32 $0x1B8E;
	s24 =	sld [smem:$0x3FFE];
	[sflag:s23] =	ssyncadd.s32 $0xFFFFFFFF  }
0xa5: {  	s26 =	simm.s32 $execute0_lowered;
	[smem:$0x3FD2] =	sst s25  }
0xa6: {  	s4 =	sshll.u32 s26, $0x1;
	_ =	strace $0x80000046;
	[dreg:$0x1] =	wrdreg $0xFFFFFFFF  }
0xa7: {  	s28 =	simm.s32 $_size_execute0_lowered;
	s2 =	sadd.s32 s2, s4;
	[dreg:$0x0] =	wrdreg $0x0  }
0xa8: {  	s4 =	sshll.u32 s28, $0x1;
	[dreg:$0x2] =	wrdreg s2  }
0xa9: {  	[dreg:$0x3] =	wrdreg s4  }
0xaa: {  	[dreg:$0x4] =	wrdreg $0xC0  }
0xab: {  	_ =	task [dreg:s6], $0x5FFFF  }
0xac: {  	[dreg:$0x1] =	wrdreg $0xFFFFFFFF  }
0xad: {  	[dreg:$0x0] =	wrdreg $0x60  }
0xae: {  	[dreg:$0x2] =	wrdreg s24  }
0xaf: {  	[dreg:$0x3] =	wrdreg $0x9  }
0xb0: {  	_ =	task.clear_ibuf [dreg:s6], $0x4FFFF;
	_ =	strace $0x90000046  }
0xb1: {  	s29 =	simm.s32 $0x9;
	_ =	strace $0x80000048  }
0xb2: {  	_ =	swait.ge [sflag:s29], $0x1  }
0xb3: {  	[sflag:s29] =	ssyncadd.s32 $0xFFFFFFFF  }
0xb4: {  	_ =	strace $0x90000048  }
0xb5: {  	_ =	sfence  }
0xb6: {  	s30 =	sld [smem:$0x0];
	_ =	sdelay $0x2  }
0xb7: {  	s31 =	sshll.u32 s1, $0xD;
	s1 =	sshrl.u32 s1, $0x2  }
0xb8: {  	s3 =	sand.u32 $0x4000, s31;
	s1 =	sadd.s32 s1, s30  }
0xb9: {  	s0 =	sor.u32 s3, s0;
	s1 =	sshll.u32 s1, $0x11  }
0xba: {  	s0 =	sor.u32 s1, s0  }
0xbb: {  	s0 =	sadd.s32 $0x8F2B, s0  }
0xbc: {  	[sflag:s0] =	ssyncadd.remote.s32 $0x1  }
0xbd: {  	_ =	sfence.sel $0xFFFF  }
0xbe: {  	[dreg:$0x0] =	wrdreg $0xFFFFFFFF;
	(pc) =	sbr.abs _section_cstart, $3  }
0xbf: {  	[dreg:$0x1] =	wrdreg $0xFFFFFFFF  }
0xc0: {  	_ =	task.clear_ibuf [dreg:s6], $0x2FFFF;
	_ =	strace $0x9FFFFFFF  }
0xc1: {  	(tm) =	ssettm $0x7FFFFFFF  }
tec
execute0_lowered:
.L_overlay_start_1:
0x0: {  	(tag) =	ssettag $0x1  }
0x1: {  	s8 =	rddreg [dreg:$0x0]  }
0x2: {  	s0 =	rddreg [dreg:$0x1];
	_ =	strace $0x80000047;
	s1 =	stileid.u32  }
0x3: {  	s3 =	srdreg.scid;
	s4 =	simm.s32 $0x1;
	s7 =	simm.s32 $0x1  }
0x4: {  	s9 =	simm.s32 $0x1;
	s10 =	simm.s32 $0x3;
	s13 =	simm.s32 $0x0  }
0x5: {  	s12 =	simm.s32 $0x0;
	s5 =	sand.u32 $0x1, s3;
	s6 =	sshll.u32 s1, $0x1  }
0x6: {  	s2 =	sadd.s32 $0x8800, s8;
	s3 =	sadd.s32 $0x12800, s8;
	s5 =	sor.u32 s6, s5  }
.Ltmp0:
0x7: {  	[sflag:s4] =	ssyncpa.u1 $0x0;
	p0 =	slt.u32 s5, $0x9;
	(pc) =	sbr.rel .LBB2_1-.Ltmp0, $4  }
0x8: {  	s6 =	simm.s32 $0x2;
	s7 =	simm.s32 @!p0 $0x0;
	p0 =	sne.s32 s5, $0x8  }
0x9: {  	[sflag:s6] =	ssyncpa.u1 $0x0;
	s5 =	smul.u32 $0xFA0, s5;
	s9 =	simm.s32 @!p0 $0x0  }
0xa: {  	s8 =	sadd.s32 $0x1E400, s8;
	[sflag:s10] =	ssyncpa.u1 $0x0;
	s7 =	sadd.s32 s9, s7  }
0xb: {  	vm0 =	vmmov $0xffff;
	s10 =	simm.s32 $0x0;
	s11 =	smov.u32 s5;
	s9 =	sadd.s32 $0x1, s7  }
.LBB2_4:
0xc: {  	v2 =	vnsel vm1, $0x0, v2  }
0xd: {  	vm1 =	vgt.s32 v0, $0x0;
	v2 =	vmin.u32 v2, $0x270FF  }
0xe: {  	v0 =	vnsel vm1, $0x0, v0  }
0xf: {  	v0 =	vmin.u32 v0, $0x270FF  }
0x10: {  	[tilespmem:s18], [sflag:$0x1] =	stream.indirect_vreg.gather [hbm4b:s2+s10], $0x1, v1, vm0, $0x4038;
	[tilespmem:$0x3E80] =	vst v63  }
0x11: {  	(ifvalue) =	ssetifvalue $0x7FFFFFFF  }
0x12: {  	[tilespmem:s15], [sflag:$0x1] =	stream.indirect_vreg.gather [hbm4b:s2+s10], $0x1, v2, vm0, $0x4038;
	[tilespmem:$0x3E80] =	vst v63  }
0x13: {  	s29 =	sadd.s32 $0x10, s15;
	(ifvalue) =	ssetifvalue $0x7FFFFFFF  }
0x14: {  	[tilespmem:s29], [sflag:$0x1] =	stream.indirect_vreg.gather [hbm4b:s2+s10], $0x1, v0, vm0, $0x4038;
	[tilespmem:$0x3E80] =	vst v63  }
0x15: {  	_ =	swait.ge [sflag:s4], $0xFA0  }
0x16: {  	s30 =	sshrl.u32 s13, $0x3;
	[sflag:s4] =	ssyncset.done $0x0  }
0x17: {  	s31 =	sand.u32 $0x7, s13;
	s15 =	sadd.s32 s8, s30;
	[sflag:s4] =	ssyncadd.s32 $0xFFFFF060  }
0x18: {  	[hbm4b:s15+s31] =	stream.linear.scatter [tilespmem:s14], [sflag:$0x3], $0xFA0, $0x38;
	[tilespmem:$0x3E80] =	vst v63  }
.LBB2_5:
0x19: {  	s15 =	sadd.s32 $0x1F400, s11  }
0x1a: {  	p1 =	sgt.s32 s15, $0x270FF  }
0x1b: {  	s15 =	smov.u32 @p1 s5;
	p1 =	sne.s32 s12, s9  }
.Ltmp1:
0x1c: {  	p0 =	slt.u32 s12, $0x2;
	(pc) =	sbr.rel @!p1 .LBB2_6-.Ltmp1, $4  }
0x1d: {  	s14 =	simm.s32 @!p0 $0x3  }
0x1e: {  	_ =	swait.ge @!p0 [sflag:s14], $0xFA0  }
0x1f: {  	s16 =	sadd.s32 $0x1, s12;
	s13 =	smov.u32 s11;
	[sflag:s14] =	ssyncset.done @!p0 $0x0  }
0x20: {  	s12 =	smov.u32 s16;
	s11 =	smov.u32 s15;
	[sflag:s14] =	ssyncadd.s32 @!p0 $0xFFFFF060  }
.LBB2_1:
0x21: {  	p0 =	sge.u32 s12, s7  }
0x22: {  	s14 =	sxor.u32 @!p0 $0x1, s12  }
0x23: {  	s14 =	smul.u32 @!p0 $0x3E80, s14  }
0x24: {  	s31 =	sadd.s32 $0xFFFFFFFF, s12;
	s15 =	sshrl.u32 @!p0 s11, $0x3  }
0x25: {  	s16 =	sand.u32 @!p0 $0x7, s11;
	s15 =	sadd.s32 @!p0 s3, s15;
	s14 =	sshra.s32 @!p0 s14, $0x2  }
0x26: {  	[tilespmem:s14], [sflag:$0x2] =	stream.linear.gather @!p0 [hbm4b:s15+s16], $0xFA0, $0x38;
	[tilespmem:$0x3E80] =	vst v63  }
0x27: {  	p0 =	sge.u32 s31, s7  }
.Ltmp2:
0x28: {  	_ = 	snop;
	(pc) =	sbr.rel @p0 .LBB2_5-.Ltmp2, $1  }
0x29: {  	_ =	sdelay $0x3  }
0x2a: {  	s14 =	sand.u32 $0x1, s12  }
0x2b: {  	_ =	swait.ge [sflag:s6], $0xFA0;
	p0 =	seq.s32 s14, $0x1;
	s14 =	simm.s32 $0xFA0  }
0x2c: {  	[sflag:s6] =	ssyncset.done $0x0;
	s14 =	simm.s32 @!p0 $0x0  }
0x2d: {  	[sflag:s6] =	ssyncadd.s32 $0xFFFFF060;
	(ifvalue) =	ssetifvalue $0x7FFFFFFF;
	v0 =	vld.msk [tilespmem:s14+$0x0 ss:$0x1], $0xffff;
	_ =	sdelay $0x4  }
0x2e: {  	s15 =	sadd.s32 $0x10, s14;
	vm1 =	vgt.s32 v0, $0x0  }
0x2f: {  	v2 =	vld.msk [tilespmem:s15+$0x0 ss:$0x1], $0xffff;
	v1 =	vnsel vm1, $0x0, v0  }
0x30: {  	v1 =	vmin.u32 v1, $0x270FF;
	_ =	sdelay $0x2  }
0x31: {  	s17 =	simm.s32 $0x20;
	s14 =	sadd.s32 $0x1F40, s14;
	s16 =	sadd.s32 $0x10, s15  }
0x32: {  	s15 =	sadd.s32 $0x10, s14;
	s18 =	smov.u32 s14;
	v0 =	vld.msk [tilespmem:s16+$0x0 ss:$0x1], $0xffff;
	vm1 =	vgt.s32 v2, $0x0;
	(ifvalue) =	ssetifvalue $0x7FFFFFFF  }
.LBB2_3:
0x33: {  	[tilespmem:s18], [sflag:$0x1] =	stream.indirect_vreg.gather [hbm4b:s2+s10], $0x1, v1, vm0, $0x4038;
	[tilespmem:$0x3E80] =	vst v63  }
0x34: {  	s17 =	sadd.s32 $0x10, s17  }
0x35: {  	v2 =	vnsel vm1, $0x0, v2;
	p0 =	slt.u32 s17, $0xF90  }
.Ltmp3:
0x36: {  	s18 =	smov.u32 s15;
	v1 =	vmin.u32 v2, $0x270FF;
	(pc) =	sbr.rel @p0 .LBB2_3-.Ltmp3, $3  }
0x37: {  	_ =	sdelay $0x1  }
0x38: {  	s16 =	sadd.s32 $0x10, s16  }
0x39: {  	vm1 =	vgt.s32 v0, $0x0;
	s15 =	sadd.s32 $0x10, s15;
	v2 =	vmov v0;
	(ifvalue) =	ssetifvalue $0x7FFFFFFF;
	v0 =	vld.msk [tilespmem:s16+$0x0 ss:$0x1], $0xffff  }
.Ltmp4:
0x3a: {  	_ = 	snop;
	(pc) =	sbr.rel .LBB2_4-.Ltmp4, $1  }
0x3b: {  	_ =	sdelay $0x3  }
.LBB2_6:
0x3c: {  	_ =	sfence.sel $0x180000  }
0x3d: {  	s2 =	simm.s32 $0x2;
	[bflag:$0x0] =	sbarrier.arrive $0xFFFF  }
0x3e: {  	s30 =	simm.s32 $0x3;
	[sflag:s2] =	ssyncpa.u1 $0x1  }
0x3f: {  	s31 =	simm.s32 $0x1;
	[sflag:s30] =	ssyncpa.u1 $0x1  }
0x40: {  	[sflag:s31] =	ssyncpa.u1 $0x1  }
0x41: {  	p0 =	sne.s32 s1, $0x0;
	_ =	strace $0x90000047  }
0x42: {  	s0 =	sadd.s32 @!p0 $0x100000, s0;
	[bflag:$0x2] =	sbarrier.arrive $0xFFFF  }
0x43: {  	[sflag:s0] =	ssyncadd.tile.s32 @!p0 $0x1;
	_ =	shalt  }
.Lfunc_end2:
_tile_overlayer_lowered:
.L_overlay_start_2:
0x44: {  	(tag) =	ssettag $0x2  }
0x45: {  	s0 =	rddreg [dreg:$0x0];
	s2 =	stileid.u32  }
0x46: {  	s1 =	rddreg [dreg:$0x1];
	p0 =	sne.s32 s2, $0x0  }
0x47: {  	s3 =	rddreg [dreg:$0x2];
	[bflag:$0x3] =	sbarrier.arrive $0xFFFF;
	s2 =	simm.s32 @!p0 $0x1C01  }
0x48: {  	[timem:s3], [sflag:s2] =	dma.local @!p0 [hbm:s0], s1  }
0x49: {  	s0 =	simm.s32 @!p0 $0x1  }
0x4a: {  	_ =	swait.ge @!p0 [sflag:s0], s1  }
0x4b: {  	s1 =	ssub.s32 @!p0 $0x0, s1;
	[sflag:s0] =	ssyncset.done @!p0 $0x0  }
0x4c: {  	[sflag:s0] =	ssyncadd.s32 @!p0 s1  }
0x4d: {  	[bflag:$0x3] =	sbarrier.arrive $0xFFFF  }
0x4e: {  	_ =	shalt  }

// kernel: kernel.22.cloned.1.call-start
scs
__scs_entry_jumppad:
0x0: {  	(pc) =	sbr.rel $0x88, $3  }
0x1: {  	(tag) =	ssettag $0x0;
	lr =	simm.s32 $0x1  }
0x2: {  	[smem:$0x3F8C] =	sst lr;
	_ =	strace $0xD0000000  }
0x3: {  	_ = 	snop  }
0x4: {  	_ = 	snop  }
0x5: {  	_ = 	snop  }
0x6: {  	_ = 	snop  }
0x7: {  	_ = 	snop  }
__scs_overlays_trampoline_lowered:
0x8: {  	[smem:$0x3F9B] =	sst s0  }
0x9: {  	[smem:$0x3F9C] =	sst s1  }
0xa: {  	[smem:$0x3F9D] =	sst s2  }
0xb: {  	[smem:$0x3F9E] =	sst s3  }
0xc: {  	[smem:$0x3F9F] =	sst s4  }
0xd: {  	[smem:$0x3FA0] =	sst s5  }
0xe: {  	[smem:$0x3FA1] =	sst s6  }
0xf: {  	[smem:$0x3FA2] =	sst s7  }
0x10: {  	[smem:$0x3FA3] =	sst s8  }
0x11: {  	[smem:$0x3FA4] =	sst s9;
	s0 =	simm.s32 @!p0 $0x0  }
0x12: {  	s1 =	sld [smem:$0x3F8A];
	s0 =	simm.s32 @p0 $0x1  }
0x13: {  	[smem:$0x3FA5] =	sst s0;
	s0 =	simm.s32 @!p1 $0x0  }
0x14: {  	s2 =	sld [smem:$0x3F89];
	s0 =	simm.s32 @p1 $0x1  }
0x15: {  	[smem:$0x3FA6] =	sst s0;
	s0 =	simm.s32 @!p2 $0x0  }
0x16: {  	s3 =	sld [smem:$0x3FDB];
	s0 =	simm.s32 @p2 $0x1  }
0x17: {  	s4 =	simm.s32 $0x1BF5;
	[smem:$0x3FA8] =	sst s0  }
0x18: {  	s0 =	sld [smem:$0x3F8B];
	_ =	swait.ge [sflag:s4], $0x0  }
0x19: {  	s7 =	sld [smem:$0x3F8C]  }
0x1a: {  	s8 =	sadd.s32 $0xFFFFE003, lr  }
0x1b: {  	s9 =	sadd.s32 $0xFFFFFEF7, lr;
	s5 =	simm.s32 $0xFFFFFFFF;
	p2 =	slt.u32 s8, $0xFFFFF086  }
0x1c: {  	p1 =	slt.u32 s9, $0xF7A;
	s5 =	simm.s32 @!p2 $0x0  }
0x1d: {  	s5 =	simm.s32 @p1 $0x1;
	p0 =	seq.s32 s7, s2  }
0x1e: {  	s7 =	smul.u32 @!p0 $0xF7A, s2;
	p2 =	seq.s32 @!p0 s5, $0x0  }
0x1f: {  	s9 =	smul.u32 $0xF7A, s1;
	s8 =	simm.s32 @!p0 $0x1BF5;
	p2 =	por !p2, p0  }
0x20: {  	[sflag:s8] =	ssyncset.s32 @!p0 $0xFFFFF086;
	s6 =	sadd.s32 @!p0 s3, s7;
	s7 =	simm.s32 @!p0 $0x108  }
0x21: {  	s3 =	sadd.s32 s3, s9;
	s6 =	sadd.s32 @!p0 $0x88, s6;
	s7 =	simm.s32 @p2 $0x1082  }
0x22: {  	[simem:s7], [sflag:s8] =	dma.local @!p0 [hbm:s6], $0xF7A  }
0x23: {  	s9 =	sor.u32 $0xD0000000, s2;
	s6 =	simm.s32 $0x108;
	_ =	swait.ge @!p0 [sflag:s8], $0x0  }
0x24: {  	s3 =	sadd.s32 $0x88, s3;
	s6 =	simm.s32 @!p1 $0x1082;
	[sflag:s4] =	ssyncset.s32 $0xFFFFF086  }
0x25: {  	[simem:s6], [sflag:s4] =	dma.local [hbm:s3], $0xF7A  }
0x26: {  	[smem:$0x3F8C] =	sst s1;
	(tag) =	ssettag s2;
	_ =	strace s9  }
0x27: {  	s1 =	sld [smem:$0x3F9C]  }
0x28: {  	s2 =	sld [smem:$0x3F9D]  }
0x29: {  	s4 =	sld [smem:$0x3F9F]  }
0x2a: {  	p0 =	seq.s32 s5, $0x0;
	s5 =	sld [smem:$0x3FA0]  }
0x2b: {  	s6 =	sld [smem:$0x3FA1]  }
0x2c: {  	s7 =	sld [smem:$0x3FA2]  }
0x2d: {  	s3 =	simm.s32 $0x108;
	s8 =	sld [smem:$0x3FA3]  }
0x2e: {  	s3 =	simm.s32 @!p0 $0x1082;
	s9 =	sld [smem:$0x3FA4]  }
0x2f: {  	lr =	sadd.s32 s0, s3;
	s0 =	sld [smem:$0x3F9B]  }
0x30: {  	s3 =	sld [smem:$0x3F9E]  }
0x31: {  	[smem:$0x3FA7] =	sst s10  }
0x32: {  	s10 =	sld [smem:$0x3FA5];
	_ =	sdelay $0x3  }
0x33: {  	p0 =	seq.s32 s10, $0x1;
	s10 =	sld [smem:$0x3FA7];
	_ =	sdelay $0x3  }
0x34: {  	[smem:$0x3FA7] =	sst s10  }
0x35: {  	s10 =	sld [smem:$0x3FA6];
	_ =	sdelay $0x3  }
0x36: {  	p1 =	seq.s32 s10, $0x1;
	s10 =	sld [smem:$0x3FA7];
	_ =	sdelay $0x3  }
0x37: {  	[smem:$0x3FA7] =	sst s10  }
0x38: {  	s10 =	sld [smem:$0x3FA8]  }
0x39: {  	_ = 	snop;
	(pc) =	sbr.ind lr, $3  }
0x3a: {  	_ = 	snop  }
0x3b: {  	_ = 	snop  }
0x3c: {  	p2 =	seq.s32 s10, $0x1;
	s10 =	sld [smem:$0x3FA7]  }
0x3d: {  	_ =	shalt  }
0x3e: {  	_ =	shalt  }
0x3f: {  	_ =	shalt  }
0x40: {  	_ =	shalt  }
0x41: {  	_ =	shalt  }
0x42: {  	_ =	shalt  }
0x43: {  	_ =	shalt  }
0x44: {  	_ =	shalt  }
0x45: {  	_ =	shalt  }
0x46: {  	_ =	shalt  }
0x47: {  	_ =	shalt  }
0x48: {  	_ =	shalt  }
0x49: {  	_ =	shalt  }
0x4a: {  	_ =	shalt  }
0x4b: {  	_ =	shalt  }
0x4c: {  	_ =	shalt  }
0x4d: {  	_ =	shalt  }
0x4e: {  	_ =	shalt  }
0x4f: {  	_ =	shalt  }
0x50: {  	_ =	shalt  }
0x51: {  	_ =	shalt  }
0x52: {  	_ =	shalt  }
0x53: {  	_ =	shalt  }
0x54: {  	_ =	shalt  }
0x55: {  	_ =	shalt  }
0x56: {  	_ =	shalt  }
0x57: {  	_ =	shalt  }
0x58: {  	_ =	shalt  }
0x59: {  	_ =	shalt  }
0x5a: {  	_ =	shalt  }
0x5b: {  	_ =	shalt  }
0x5c: {  	_ =	shalt  }
0x5d: {  	_ =	shalt  }
0x5e: {  	_ =	shalt  }
0x5f: {  	_ =	shalt  }
0x60: {  	_ =	shalt  }
0x61: {  	_ =	shalt  }
0x62: {  	_ =	shalt  }
0x63: {  	_ =	shalt  }
0x64: {  	_ =	shalt  }
0x65: {  	_ =	shalt  }
0x66: {  	_ =	shalt  }
0x67: {  	_ =	shalt  }
0x68: {  	_ =	shalt  }
0x69: {  	_ =	shalt  }
0x6a: {  	_ =	shalt  }
0x6b: {  	_ =	shalt  }
0x6c: {  	_ =	shalt  }
0x6d: {  	_ =	shalt  }
0x6e: {  	_ =	shalt  }
0x6f: {  	_ =	shalt  }
0x70: {  	_ =	shalt  }
0x71: {  	_ =	shalt  }
0x72: {  	_ =	shalt  }
0x73: {  	_ =	shalt  }
0x74: {  	_ =	shalt  }
0x75: {  	_ =	shalt  }
0x76: {  	_ =	shalt  }
0x77: {  	_ =	shalt  }
0x78: {  	_ =	shalt  }
0x79: {  	_ =	shalt  }
0x7a: {  	_ =	shalt  }
0x7b: {  	_ =	shalt  }
0x7c: {  	_ =	shalt  }
0x7d: {  	_ =	shalt  }
0x7e: {  	_ =	shalt  }
0x7f: {  	_ =	shalt  }
0x80: {  	_ =	shalt  }
0x81: {  	_ =	shalt  }
0x82: {  	_ =	shalt  }
0x83: {  	_ =	shalt  }
0x84: {  	_ =	shalt  }
0x85: {  	_ =	shalt  }
0x86: {  	_ =	shalt  }
0x87: {  	_ =	shalt  }
.Lfunc_end0:
.L_simem_size_0:
called_computation.4_lowered:
.L_overlay_start_0:
0x88: {  	s2 =	sld [smem:$0x3FD9]  }
0x89: {  	s3 =	sld [smem:$0x3FFE];
	_ =	sdelay $0x1  }
0x8a: {  	s1 =	srdreg.scid  }
0x8b: {  	s0 =	sand.u32 $0x1, s1  }
0x8c: {  	s16 =	sshll.u32 s0, $0xA;
	s2 =	sadd.s32 s3, s2  }
0x8d: {  	s2 =	sadd.s32 s2, s16  }
0x8e: {  	[smem:$0x3FB3] =	sst s2  }
0x8f: {  	_ = 	snop  }
0x90: {  	(tm) =	ssettm $0x1  }
0x91: {  	s17 =	sld [smem:$0x3FFB];
	_ =	sdelay $0x3  }
0x92: {  	_ =	strace s17  }
0x93: {  	s2 =	sld [smem:$0x3FFC];
	_ =	sdelay $0x3  }
0x94: {  	_ =	strace s2  }
0x95: {  	s2 =	sld [smem:$0x3FFD];
	_ =	sdelay $0x3  }
0x96: {  	_ =	strace s2  }
0x97: {  	_ =	strace $0x8FFFFFFF  }
0x98: {  	s18 =	sld [smem:$0x3FDB];
	_ =	sdelay $0x1  }
0x99: {  	s19 =	simm.s32 $_scs_section_size  }
0x9a: {  	s4 =	simm.s32 $_size__tile_overlayer_lowered;
	s5 =	simm.s32 $_tile_overlayer_lowered  }
0x9b: {  	s22 =	simm.s32 $0x1BFF;
	s21 =	sshll.u32 s5, $0x1;
	s2 =	sadd.s32 s19, s18  }
0x9c: {  	s6 =	simm.s32 $0x0;
	s20 =	sshll.u32 s4, $0x1;
	s4 =	sadd.s32 s21, s2  }
0x9d: {  	[timem:s6], [sflag:s22] =	dma.local [hbm:s4], s20  }
0x9e: {  	_ =	swait.ge [sflag:s22], s20  }
0x9f: {  	s3 =	ssub.s32 $0x0, s20;
	[sflag:s22] =	ssyncset.done $0x0  }
0xa0: {  	[sflag:s22] =	ssyncadd.s32 s3;
	_ =	sdelay $0x1  }
0xa1: {  	s23 =	simm.s32 $0x1B8B  }
0xa2: {  	_ =	swait.ge [sflag:s23], $0x1  }
0xa3: {  	[sflag:s23] =	ssyncset.done $0x0  }
0xa4: {  	s25 =	simm.s32 $0x1B8E;
	s24 =	sld [smem:$0x3FFE];
	[sflag:s23] =	ssyncadd.s32 $0xFFFFFFFF  }
0xa5: {  	s26 =	simm.s32 $execute0_lowered;
	[smem:$0x3FD2] =	sst s25  }
0xa6: {  	s4 =	sshll.u32 s26, $0x1;
	_ =	strace $0x80000052;
	[dreg:$0x1] =	wrdreg $0xFFFFFFFF  }
0xa7: {  	s28 =	simm.s32 $_size_execute0_lowered;
	s2 =	sadd.s32 s2, s4;
	[dreg:$0x0] =	wrdreg $0x0  }
0xa8: {  	s4 =	sshll.u32 s28, $0x1;
	[dreg:$0x2] =	wrdreg s2  }
0xa9: {  	[dreg:$0x3] =	wrdreg s4  }
0xaa: {  	[dreg:$0x4] =	wrdreg $0xC0  }
0xab: {  	_ =	task [dreg:s6], $0x5FFFF  }
0xac: {  	[dreg:$0x1] =	wrdreg $0xFFFFFFFF  }
0xad: {  	[dreg:$0x0] =	wrdreg $0x60  }
0xae: {  	[dreg:$0x2] =	wrdreg s24  }
0xaf: {  	[dreg:$0x3] =	wrdreg $0xA8000  }
0xb0: {  	[dreg:$0x4] =	wrdreg $0x9  }
0xb1: {  	_ =	task.clear_ibuf [dreg:s6], $0x5FFFF;
	_ =	strace $0x90000052  }
0xb2: {  	s29 =	simm.s32 $0x9;
	_ =	strace $0x80000054  }
0xb3: {  	_ =	swait.ge [sflag:s29], $0x1  }
0xb4: {  	[sflag:s29] =	ssyncadd.s32 $0xFFFFFFFF  }
0xb5: {  	_ =	strace $0x90000054  }
0xb6: {  	_ =	sfence  }
0xb7: {  	s30 =	sld [smem:$0x0];
	_ =	sdelay $0x2  }
0xb8: {  	s31 =	sshll.u32 s1, $0xD;
	s1 =	sshrl.u32 s1, $0x2  }
0xb9: {  	s3 =	sand.u32 $0x4000, s31;
	s1 =	sadd.s32 s1, s30  }
0xba: {  	s0 =	sor.u32 s3, s0;
	s1 =	sshll.u32 s1, $0x11  }
0xbb: {  	s0 =	sor.u32 s1, s0  }
0xbc: {  	s0 =	sadd.s32 $0x8F2B, s0  }
0xbd: {  	[sflag:s0] =	ssyncadd.remote.s32 $0x1  }
0xbe: {  	_ =	sfence.sel $0xFFFF  }
0xbf: {  	[dreg:$0x0] =	wrdreg $0xFFFFFFFF;
	(pc) =	sbr.abs _section_cstart, $3  }
0xc0: {  	[dreg:$0x1] =	wrdreg $0xFFFFFFFF  }
0xc1: {  	_ =	task.clear_ibuf [dreg:s6], $0x2FFFF;
	_ =	strace $0x9FFFFFFF  }
0xc2: {  	(tm) =	ssettm $0x7FFFFFFF  }
0xc3: {  	_ =	shalt  }
tec
execute0_lowered:
.L_overlay_start_1:
0x0: {  	(tag) =	ssettag $0x1  }
0x1: {  	s7 =	rddreg [dreg:$0x0]  }
0x2: {  	s1 =	srdreg.scid;
	s0 =	stileid.u32  }
0x3: {  	s2 =	rddreg [dreg:$0x1];
	s3 =	simm.s32 $0x0;
	s14 =	simm.s32 $0x1400  }
0x4: {  	s15 =	simm.s32 $0x80;
	s16 =	simm.s32 $0x2800;
	s17 =	simm.s32 $0x6800  }
0x5: {  	s18 =	simm.s32 $0x1;
	s19 =	simm.s32 $0x2;
	s6 =	sand.u32 $0x1, s1  }
0x6: {  	s4 =	sshll.u32 s0, $0x1;
	s1 =	rddreg [dreg:$0x2];
	s12 =	smul.u32 $0x4E000, s0  }
0x7: {  	[smem:$0x7FF] =	sst s3;
	s31 =	sshll.u32 s0, $0x6;
	s21 =	smul.u32 $0x2700, s0  }
0x8: {  	s8 =	sor.u32 s6, s4;
	_ =	strace $0x80000053;
	s4 =	sadd.s32 $0x23400, s7  }
0x9: {  	s9 =	smul.u32 $0x27100, s6;
	s11 =	ssub.s32 $0x2, s6;
	s6 =	sadd.s32 $0x1E400, s7  }
0xa: {  	s5 =	smul.u32 $0x280, s8;
	s29 =	sshrl.u32 s11, $0x1;
	s30 =	sshrl.u32 s12, $0x2  }
0xb: {  	s8 =	smul.u32 $0x28, s8;
	s13 =	sadd.s32 s9, s7;
	s11 =	ssub.s32 s11, s29  }
0xc: {  	s12 =	sadd.s32 s30, s2;
	s10 =	sadd.s32 s5, s7;
	s5 =	sadd.s32 $0x98800, s7  }
0xd: {  	s7 =	sor.u32 $0x1C03, s31;
	s20 =	sadd.s32 $0x318800, s13;
	s11 =	smax.u32 s11, $0x1  }
0xe: {  	s12 =	sshrl.u32 s12, $0x3;
	s13 =	simm.s32 $0x3;
	s9 =	sadd.s32 $0x8600, s10  }
0xf: {  	s10 =	sadd.s32 $0x19400, s10;
	s20 =	sadd.s32 s21, s20;
	s21 =	simm.s32 $0x0  }
.LBB2_1:
0x10: {  	[spmem:s12], [sflag:s7] =	dma.local [hbm:s6], $0x2900  }
0x11: {  	_ =	swait.ge [sflag:s13], $0x2900  }
0x12: {  	[sflag:s13] =	ssyncset.done $0x0  }
0x13: {  	[sflag:s13] =	ssyncadd.s32 $0xFFFFD700  }
0x14: {  	[tilespmem:s3], [sflag:$0x3] =	stream.linear.gather [hbm4b:s9+s3], $0x1400, $0x38;
	[tilespmem:$0x1E500] =	vst v63  }
0x15: {  	_ =	swait.ge [sflag:s13], $0x1400  }
0x16: {  	[sflag:s13] =	ssyncset.done $0x0  }
0x17: {  	[sflag:s13] =	ssyncadd.s32 $0xFFFFEC00  }
0x18: {  	[tilespmem:s14], [sflag:$0x3] =	stream.linear.gather [hbm4b:s10+s3], $0x1400, $0x38;
	[tilespmem:$0x1E500] =	vst v63  }
0x19: {  	_ =	swait.ge [sflag:s13], $0x1400  }
0x1a: {  	v0 =	vimm.f32 $0.0e+00;
	v1 =	vimm.f32 $0.0e+00;
	[sflag:s13] =	ssyncset.done $0x0  }
0x1b: {  	v2 =	vimm.f32 $0.0e+00;
	v7 =	vimm.f32 $0.0e+00;
	v5 =	vimm.f32 $0.0e+00;
	[sflag:s13] =	ssyncadd.s32 $0xFFFFEC00  }
0x1c: {  	v6 =	vimm.f32 $0.0e+00;
	v10 =	vimm.f32 $0.0e+00;
	v3 =	vimm.f32 $0.0e+00;
	s22 =	simm.s32 $0x0;
	[bflag:$0x0] =	sbarrier.arrive $0xFFFF  }
.LBB2_2:
0x1d: {  	s23 =	sshll.u32 s22, $0x7;
	s24 =	sadd.s32 s8, s22  }
0x1e: {  	[tilespmem:s16], [sflag:$0x1] =	stream.indirect.gather [hbm4b:s4+s15], $0x80, s23, s15, $0xb8;
	[tilespmem:$0x1E500] =	vst v63  }
0x1f: {  	s24 =	sshll.u32 s24, $0xB  }
0x20: {  	s25 =	simm.s32 $0x0;
	s24 =	sadd.s32 s5, s24  }
0x21: {  	[tilespmem:s17], [sflag:$0x2] =	stream.linear.gather [hbm4b:s24+s25], $0x4000, $0x38;
	[tilespmem:$0x1E500] =	vst v63  }
0x22: {  	_ =	swait.ge [sflag:s18], $0x4000  }
0x23: {  	[sflag:s18] =	ssyncset.done $0x0  }
0x24: {  	[sflag:s18] =	ssyncadd.s32 $0xFFFFC000  }
0x25: {  	_ =	swait.ge [sflag:s19], $0x4000  }
0x26: {  	[sflag:s19] =	ssyncset.done $0x0  }
0x27: {  	s24 =	simm.s32 $0x0;
	[sflag:s19] =	ssyncadd.s32 $0xFFFFC000  }
0x28: {  	v4 =	vld [tilespmem:s24+$0x6800]  }
0x29: {  	v14 =	vld [tilespmem:s24+$0x2800]  }
0x2a: {  	v9 =	vld [tilespmem:s24+$0x2820]  }
0x2b: {  	v8 =	vld [tilespmem:s24+$0x2810]  }
0x2c: {  	v11 =	vld [tilespmem:s24+$0x2830]  }
0x2d: {  	v12 =	vld [tilespmem:s24+$0x2840];
	v3 =	vmul.f32 v4, v3  }
0x2e: {  	v13 =	vld [tilespmem:s24+$0x2850];
	v10 =	vmul.f32 v4, v10;
	v6 =	vmul.f32 v4, v6  }
0x2f: {  	s25 =	simm.s32 $0x200;
	v7 =	vmul.f32 v4, v7;
	v5 =	vmul.f32 v4, v5;
	v3 =	vadd.f32 v3, v14;
	v14 =	vld [tilespmem:s24+$0x2860]  }
.LBB2_3:
0x30: {  	s26 =	sshra.s32 s25, $0x2;
	p0 =	sne.s32 s25, $0xFE00;
	s25 =	sadd.s32 $0x200, s25;
	v6 =	vadd.f32 v9, v6;
	v15 =	vld [tilespmem:s24+$0x2870]  }
0x31: {  	v10 =	vadd.f32 v8, v10;
	v2 =	vmul.f32 v4, v2;
	v16 =	vld [tilespmem:s26+$0x6800];
	[tilespmem:s24+$0x2800] =	vst v3;
	v5 =	vadd.f32 v11, v5  }
0x32: {  	v1 =	vmul.f32 v4, v1;
	v17 =	vld [tilespmem:s26+$0x2800];
	[tilespmem:s24+$0x2820] =	vst v6;
	v7 =	vadd.f32 v12, v7  }
0x33: {  	v0 =	vmul.f32 v4, v0;
	v9 =	vld [tilespmem:s26+$0x2820];
	[tilespmem:s24+$0x2810] =	vst v10;
	v2 =	vadd.f32 v13, v2  }
.Ltmp0:
0x34: {  	v8 =	vld [tilespmem:s26+$0x2810];
	[tilespmem:s24+$0x2830] =	vst v5;
	v1 =	vadd.f32 v14, v1;
	(pc) =	sbr.rel @p0 .LBB2_3-.Ltmp0, $4  }
0x35: {  	v11 =	vld [tilespmem:s26+$0x2830];
	[tilespmem:s24+$0x2840] =	vst v7;
	v0 =	vadd.f32 v15, v0  }
0x36: {  	v3 =	vmul.f32 v16, v3;
	v10 =	vmul.f32 v16, v10;
	v12 =	vld [tilespmem:s26+$0x2840];
	[tilespmem:s24+$0x2850] =	vst v2;
	v4 =	vmov v16  }
0x37: {  	v6 =	vmul.f32 v4, v6;
	v7 =	vmul.f32 v4, v7;
	v13 =	vld [tilespmem:s26+$0x2850];
	[tilespmem:s24+$0x2860] =	vst v1  }
0x38: {  	v5 =	vmul.f32 v4, v5;
	v3 =	vadd.f32 v3, v17;
	v14 =	vld [tilespmem:s26+$0x2860];
	[tilespmem:s24+$0x2870] =	vst v0;
	s24 =	smov.u32 s26  }
0x39: {  	v6 =	vadd.f32 v9, v6  }
0x3a: {  	v9 =	vld [tilespmem:s24+$0x2870];
	v10 =	vadd.f32 v8, v10;
	[tilespmem:s24+$0x2800] =	vst v3  }
0x3b: {  	v2 =	vmul.f32 v4, v2;
	v5 =	vadd.f32 v11, v5;
	[tilespmem:s24+$0x2820] =	vst v6  }
0x3c: {  	v1 =	vmul.f32 v4, v1;
	v7 =	vadd.f32 v12, v7;
	[tilespmem:s24+$0x2810] =	vst v10  }
0x3d: {  	v0 =	vmul.f32 v4, v0;
	v2 =	vadd.f32 v13, v2;
	[tilespmem:s24+$0x2830] =	vst v5  }
0x3e: {  	v1 =	vadd.f32 v14, v1;
	[tilespmem:s24+$0x2840] =	vst v7  }
0x3f: {  	s22 =	sadd.s32 $0x1, s22;
	v0 =	vadd.f32 v9, v0;
	[tilespmem:s24+$0x2850] =	vst v2  }
0x40: {  	p0 =	sne.s32 s22, $0x28;
	[tilespmem:s24+$0x2860] =	vst v1  }
.Ltmp1:
0x41: {  	s23 =	sadd.s32 $0x1400, s23;
	[tilespmem:s24+$0x2870] =	vst v0;
	(pc) =	sbr.rel @p0 .LBB2_2-.Ltmp1, $4  }
0x42: {  	[spmem:s2] =	stream.indirect.scatter [tilespmem:s16], [sflag:$0x3], $0x80, s23, s15, $0xb8;
	[tilespmem:$0x1E500] =	vst v63  }
0x43: {  	_ =	swait.ge [sflag:s13], $0x4000  }
0x44: {  	[sflag:s13] =	ssyncset.done $0x0  }
0x45: {  	[sflag:s13] =	ssyncadd.s32 $0xFFFFC000  }
0x46: {  	s21 =	sadd.s32 $0x1, s21  }
0x47: {  	p0 =	sne.s32 s21, s11  }
.Ltmp2:
0x48: {  	[bflag:$0x0] =	sbarrier.arrive $0xFFFF;
	(pc) =	sbr.rel @p0 .LBB2_1-.Ltmp2, $4  }
0x49: {  	[hbm:s20], [sflag:s7] =	dma.local [spmem:s12], $0x2800  }
0x4a: {  	_ =	swait.ge [sflag:s13], $0x2800  }
0x4b: {  	[sflag:s13] =	ssyncset.done $0x0  }
0x4c: {  	[sflag:s13] =	ssyncadd.s32 $0xFFFFD800  }
0x4d: {  	_ =	sfence.sel $0x180000  }
0x4e: {  	[bflag:$0x0] =	sbarrier.arrive $0xFFFF  }
0x4f: {  	p0 =	sne.s32 s0, $0x0;
	_ =	strace $0x90000053  }
0x50: {  	s0 =	sadd.s32 @!p0 $0x100000, s1;
	[bflag:$0x2] =	sbarrier.arrive $0xFFFF  }
0x51: {  	[sflag:s0] =	ssyncadd.tile.s32 @!p0 $0x1;
	_ =	shalt  }
.Lfunc_end2:
_tile_overlayer_lowered:
.L_overlay_start_2:
0x52: {  	(tag) =	ssettag $0x2  }
0x53: {  	s0 =	rddreg [dreg:$0x0];
	s2 =	stileid.u32  }
0x54: {  	s1 =	rddreg [dreg:$0x1];
	p0 =	sne.s32 s2, $0x0  }
0x55: {  	s3 =	rddreg [dreg:$0x2];
	[bflag:$0x3] =	sbarrier.arrive $0xFFFF;
	s2 =	simm.s32 @!p0 $0x1C03  }
0x56: {  	[timem:s3], [sflag:s2] =	dma.local @!p0 [hbm:s0], s1  }
0x57: {  	s0 =	simm.s32 @!p0 $0x3  }
0x58: {  	_ =	swait.ge @!p0 [sflag:s0], s1  }
0x59: {  	s1 =	ssub.s32 @!p0 $0x0, s1;
	[sflag:s0] =	ssyncset.done @!p0 $0x0  }
0x5a: {  	[sflag:s0] =	ssyncadd.s32 @!p0 s1  }
0x5b: {  	[bflag:$0x3] =	sbarrier.arrive $0xFFFF  }
0x5c: {  	_ =	shalt  }

// kernel: kernel.25.cloned.1.call-start
scs
__scs_entry_jumppad:
0x0: {  	(pc) =	sbr.rel $0x88, $3  }
0x1: {  	(tag) =	ssettag $0x0;
	lr =	simm.s32 $0x1  }
0x2: {  	[smem:$0x3F8C] =	sst lr;
	_ =	strace $0xD0000000  }
0x3: {  	_ = 	snop  }
0x4: {  	_ = 	snop  }
0x5: {  	_ = 	snop  }
0x6: {  	_ = 	snop  }
0x7: {  	_ = 	snop  }
__scs_overlays_trampoline_lowered:
0x8: {  	[smem:$0x3F9B] =	sst s0  }
0x9: {  	[smem:$0x3F9C] =	sst s1  }
0xa: {  	[smem:$0x3F9D] =	sst s2  }
0xb: {  	[smem:$0x3F9E] =	sst s3  }
0xc: {  	[smem:$0x3F9F] =	sst s4  }
0xd: {  	[smem:$0x3FA0] =	sst s5  }
0xe: {  	[smem:$0x3FA1] =	sst s6  }
0xf: {  	[smem:$0x3FA2] =	sst s7  }
0x10: {  	[smem:$0x3FA3] =	sst s8  }
0x11: {  	[smem:$0x3FA4] =	sst s9;
	s0 =	simm.s32 @!p0 $0x0  }
0x12: {  	s1 =	sld [smem:$0x3F8A];
	s0 =	simm.s32 @p0 $0x1  }
0x13: {  	[smem:$0x3FA5] =	sst s0;
	s0 =	simm.s32 @!p1 $0x0  }
0x14: {  	s2 =	sld [smem:$0x3F89];
	s0 =	simm.s32 @p1 $0x1  }
0x15: {  	[smem:$0x3FA6] =	sst s0;
	s0 =	simm.s32 @!p2 $0x0  }
0x16: {  	s3 =	sld [smem:$0x3FDB];
	s0 =	simm.s32 @p2 $0x1  }
0x17: {  	s4 =	simm.s32 $0x1BF5;
	[smem:$0x3FA8] =	sst s0  }
0x18: {  	s0 =	sld [smem:$0x3F8B];
	_ =	swait.ge [sflag:s4], $0x0  }
0x19: {  	s7 =	sld [smem:$0x3F8C]  }
0x1a: {  	s8 =	sadd.s32 $0xFFFFE003, lr  }
0x1b: {  	s9 =	sadd.s32 $0xFFFFFEF7, lr;
	s5 =	simm.s32 $0xFFFFFFFF;
	p2 =	slt.u32 s8, $0xFFFFF086  }
0x1c: {  	p1 =	slt.u32 s9, $0xF7A;
	s5 =	simm.s32 @!p2 $0x0  }
0x1d: {  	s5 =	simm.s32 @p1 $0x1;
	p0 =	seq.s32 s7, s2  }
0x1e: {  	s7 =	smul.u32 @!p0 $0xF7A, s2;
	p2 =	seq.s32 @!p0 s5, $0x0  }
0x1f: {  	s9 =	smul.u32 $0xF7A, s1;
	s8 =	simm.s32 @!p0 $0x1BF5;
	p2 =	por !p2, p0  }
0x20: {  	[sflag:s8] =	ssyncset.s32 @!p0 $0xFFFFF086;
	s6 =	sadd.s32 @!p0 s3, s7;
	s7 =	simm.s32 @!p0 $0x108  }
0x21: {  	s3 =	sadd.s32 s3, s9;
	s6 =	sadd.s32 @!p0 $0x88, s6;
	s7 =	simm.s32 @p2 $0x1082  }
0x22: {  	[simem:s7], [sflag:s8] =	dma.local @!p0 [hbm:s6], $0xF7A  }
0x23: {  	s9 =	sor.u32 $0xD0000000, s2;
	s6 =	simm.s32 $0x108;
	_ =	swait.ge @!p0 [sflag:s8], $0x0  }
0x24: {  	s3 =	sadd.s32 $0x88, s3;
	s6 =	simm.s32 @!p1 $0x1082;
	[sflag:s4] =	ssyncset.s32 $0xFFFFF086  }
0x25: {  	[simem:s6], [sflag:s4] =	dma.local [hbm:s3], $0xF7A  }
0x26: {  	[smem:$0x3F8C] =	sst s1;
	(tag) =	ssettag s2;
	_ =	strace s9  }
0x27: {  	s1 =	sld [smem:$0x3F9C]  }
0x28: {  	s2 =	sld [smem:$0x3F9D]  }
0x29: {  	s4 =	sld [smem:$0x3F9F]  }
0x2a: {  	p0 =	seq.s32 s5, $0x0;
	s5 =	sld [smem:$0x3FA0]  }
0x2b: {  	s6 =	sld [smem:$0x3FA1]  }
0x2c: {  	s7 =	sld [smem:$0x3FA2]  }
0x2d: {  	s3 =	simm.s32 $0x108;
	s8 =	sld [smem:$0x3FA3]  }
0x2e: {  	s3 =	simm.s32 @!p0 $0x1082;
	s9 =	sld [smem:$0x3FA4]  }
0x2f: {  	lr =	sadd.s32 s0, s3;
	s0 =	sld [smem:$0x3F9B]  }
0x30: {  	s3 =	sld [smem:$0x3F9E]  }
0x31: {  	[smem:$0x3FA7] =	sst s10  }
0x32: {  	s10 =	sld [smem:$0x3FA5];
	_ =	sdelay $0x3  }
0x33: {  	p0 =	seq.s32 s10, $0x1;
	s10 =	sld [smem:$0x3FA7];
	_ =	sdelay $0x3  }
0x34: {  	[smem:$0x3FA7] =	sst s10  }
0x35: {  	s10 =	sld [smem:$0x3FA6];
	_ =	sdelay $0x3  }
0x36: {  	p1 =	seq.s32 s10, $0x1;
	s10 =	sld [smem:$0x3FA7];
	_ =	sdelay $0x3  }
0x37: {  	[smem:$0x3FA7] =	sst s10  }
0x38: {  	s10 =	sld [smem:$0x3FA8]  }
0x39: {  	_ = 	snop;
	(pc) =	sbr.ind lr, $3  }
0x3a: {  	_ = 	snop  }
0x3b: {  	_ = 	snop  }
0x3c: {  	p2 =	seq.s32 s10, $0x1;
	s10 =	sld [smem:$0x3FA7]  }
0x3d: {  	_ =	shalt  }
0x3e: {  	_ =	shalt  }
0x3f: {  	_ =	shalt  }
0x40: {  	_ =	shalt  }
0x41: {  	_ =	shalt  }
0x42: {  	_ =	shalt  }
0x43: {  	_ =	shalt  }
0x44: {  	_ =	shalt  }
0x45: {  	_ =	shalt  }
0x46: {  	_ =	shalt  }
0x47: {  	_ =	shalt  }
0x48: {  	_ =	shalt  }
0x49: {  	_ =	shalt  }
0x4a: {  	_ =	shalt  }
0x4b: {  	_ =	shalt  }
0x4c: {  	_ =	shalt  }
0x4d: {  	_ =	shalt  }
0x4e: {  	_ =	shalt  }
0x4f: {  	_ =	shalt  }
0x50: {  	_ =	shalt  }
0x51: {  	_ =	shalt  }
0x52: {  	_ =	shalt  }
0x53: {  	_ =	shalt  }
0x54: {  	_ =	shalt  }
0x55: {  	_ =	shalt  }
0x56: {  	_ =	shalt  }
0x57: {  	_ =	shalt  }
0x58: {  	_ =	shalt  }
0x59: {  	_ =	shalt  }
0x5a: {  	_ =	shalt  }
0x5b: {  	_ =	shalt  }
0x5c: {  	_ =	shalt  }
0x5d: {  	_ =	shalt  }
0x5e: {  	_ =	shalt  }
0x5f: {  	_ =	shalt  }
0x60: {  	_ =	shalt  }
0x61: {  	_ =	shalt  }
0x62: {  	_ =	shalt  }
0x63: {  	_ =	shalt  }
0x64: {  	_ =	shalt  }
0x65: {  	_ =	shalt  }
0x66: {  	_ =	shalt  }
0x67: {  	_ =	shalt  }
0x68: {  	_ =	shalt  }
0x69: {  	_ =	shalt  }
0x6a: {  	_ =	shalt  }
0x6b: {  	_ =	shalt  }
0x6c: {  	_ =	shalt  }
0x6d: {  	_ =	shalt  }
0x6e: {  	_ =	shalt  }
0x6f: {  	_ =	shalt  }
0x70: {  	_ =	shalt  }
0x71: {  	_ =	shalt  }
0x72: {  	_ =	shalt  }
0x73: {  	_ =	shalt  }
0x74: {  	_ =	shalt  }
0x75: {  	_ =	shalt  }
0x76: {  	_ =	shalt  }
0x77: {  	_ =	shalt  }
0x78: {  	_ =	shalt  }
0x79: {  	_ =	shalt  }
0x7a: {  	_ =	shalt  }
0x7b: {  	_ =	shalt  }
0x7c: {  	_ =	shalt  }
0x7d: {  	_ =	shalt  }
0x7e: {  	_ =	shalt  }
0x7f: {  	_ =	shalt  }
0x80: {  	_ =	shalt  }
0x81: {  	_ =	shalt  }
0x82: {  	_ =	shalt  }
0x83: {  	_ =	shalt  }
0x84: {  	_ =	shalt  }
0x85: {  	_ =	shalt  }
0x86: {  	_ =	shalt  }
0x87: {  	_ =	shalt  }
.Lfunc_end0:
.L_simem_size_0:
called_computation.5_lowered:
.L_overlay_start_0:
0x88: {  	s2 =	sld [smem:$0x3FD9]  }
0x89: {  	s3 =	sld [smem:$0x3FFE];
	_ =	sdelay $0x1  }
0x8a: {  	s1 =	srdreg.scid  }
0x8b: {  	s0 =	sand.u32 $0x1, s1  }
0x8c: {  	s16 =	sshll.u32 s0, $0xA;
	s2 =	sadd.s32 s3, s2  }
0x8d: {  	s2 =	sadd.s32 s2, s16  }
0x8e: {  	[smem:$0x3FB3] =	sst s2  }
0x8f: {  	_ = 	snop  }
0x90: {  	(tm) =	ssettm $0x1  }
0x91: {  	s17 =	sld [smem:$0x3FFB];
	_ =	sdelay $0x3  }
0x92: {  	_ =	strace s17  }
0x93: {  	s2 =	sld [smem:$0x3FFC];
	_ =	sdelay $0x3  }
0x94: {  	_ =	strace s2  }
0x95: {  	s2 =	sld [smem:$0x3FFD];
	_ =	sdelay $0x3  }
0x96: {  	_ =	strace s2  }
0x97: {  	_ =	strace $0x8FFFFFFF  }
0x98: {  	s18 =	sld [smem:$0x3FDB];
	_ =	sdelay $0x1  }
0x99: {  	s19 =	simm.s32 $_scs_section_size  }
0x9a: {  	s4 =	simm.s32 $_size__tile_overlayer_lowered;
	s5 =	simm.s32 $_tile_overlayer_lowered  }
0x9b: {  	s22 =	simm.s32 $0x1BFF;
	s21 =	sshll.u32 s5, $0x1;
	s2 =	sadd.s32 s19, s18  }
0x9c: {  	s6 =	simm.s32 $0x0;
	s20 =	sshll.u32 s4, $0x1;
	s4 =	sadd.s32 s21, s2  }
0x9d: {  	[timem:s6], [sflag:s22] =	dma.local [hbm:s4], s20  }
0x9e: {  	_ =	swait.ge [sflag:s22], s20  }
0x9f: {  	s3 =	ssub.s32 $0x0, s20;
	[sflag:s22] =	ssyncset.done $0x0  }
0xa0: {  	[sflag:s22] =	ssyncadd.s32 s3;
	_ =	sdelay $0x1  }
0xa1: {  	s23 =	simm.s32 $0x1B8B  }
0xa2: {  	_ =	swait.ge [sflag:s23], $0x1  }
0xa3: {  	[sflag:s23] =	ssyncset.done $0x0  }
0xa4: {  	s25 =	simm.s32 $0x1B8E;
	s24 =	sld [smem:$0x3FFE];
	[sflag:s23] =	ssyncadd.s32 $0xFFFFFFFF  }
0xa5: {  	s26 =	simm.s32 $execute0_lowered;
	[smem:$0x3FD2] =	sst s25  }
0xa6: {  	s4 =	sshll.u32 s26, $0x1;
	_ =	strace $0x80000055;
	[dreg:$0x1] =	wrdreg $0xFFFFFFFF  }
0xa7: {  	s28 =	simm.s32 $_size_execute0_lowered;
	s2 =	sadd.s32 s2, s4;
	[dreg:$0x0] =	wrdreg $0x0  }
0xa8: {  	s4 =	sshll.u32 s28, $0x1;
	[dreg:$0x2] =	wrdreg s2  }
0xa9: {  	[dreg:$0x3] =	wrdreg s4  }
0xaa: {  	[dreg:$0x4] =	wrdreg $0xC0  }
0xab: {  	_ =	task [dreg:s6], $0x5FFFF  }
0xac: {  	[dreg:$0x1] =	wrdreg $0xFFFFFFFF  }
0xad: {  	[dreg:$0x0] =	wrdreg $0x60  }
0xae: {  	[dreg:$0x2] =	wrdreg s24  }
0xaf: {  	[dreg:$0x3] =	wrdreg $0xA8000  }
0xb0: {  	[dreg:$0x4] =	wrdreg $0x9  }
0xb1: {  	_ =	task.clear_ibuf [dreg:s6], $0x5FFFF;
	_ =	strace $0x90000055  }
0xb2: {  	s29 =	simm.s32 $0x9;
	_ =	strace $0x80000057  }
0xb3: {  	_ =	swait.ge [sflag:s29], $0x1  }
0xb4: {  	[sflag:s29] =	ssyncadd.s32 $0xFFFFFFFF  }
0xb5: {  	_ =	strace $0x90000057  }
0xb6: {  	_ =	sfence  }
0xb7: {  	s30 =	sld [smem:$0x0];
	_ =	sdelay $0x2  }
0xb8: {  	s31 =	sshll.u32 s1, $0xD;
	s1 =	sshrl.u32 s1, $0x2  }
0xb9: {  	s3 =	sand.u32 $0x4000, s31;
	s1 =	sadd.s32 s1, s30  }
0xba: {  	s0 =	sor.u32 s3, s0;
	s1 =	sshll.u32 s1, $0x11  }
0xbb: {  	s0 =	sor.u32 s1, s0  }
0xbc: {  	s0 =	sadd.s32 $0x8F2B, s0  }
0xbd: {  	[sflag:s0] =	ssyncadd.remote.s32 $0x1  }
0xbe: {  	_ =	sfence.sel $0xFFFF  }
0xbf: {  	[dreg:$0x0] =	wrdreg $0xFFFFFFFF;
	(pc) =	sbr.abs _section_cstart, $3  }
0xc0: {  	[dreg:$0x1] =	wrdreg $0xFFFFFFFF  }
0xc1: {  	_ =	task.clear_ibuf [dreg:s6], $0x2FFFF;
	_ =	strace $0x9FFFFFFF  }
0xc2: {  	(tm) =	ssettm $0x7FFFFFFF  }
0xc3: {  	_ =	shalt  }
tec
execute0_lowered:
.L_overlay_start_1:
0x0: {  	(tag) =	ssettag $0x1  }
0x1: {  	s7 =	rddreg [dreg:$0x0]  }
0x2: {  	s1 =	srdreg.scid;
	s0 =	stileid.u32  }
0x3: {  	s2 =	rddreg [dreg:$0x1];
	s3 =	simm.s32 $0x0;
	s14 =	simm.s32 $0x1400  }
0x4: {  	s15 =	simm.s32 $0x80;
	s16 =	simm.s32 $0x2800;
	s17 =	simm.s32 $0x6800  }
0x5: {  	s18 =	simm.s32 $0x1;
	s19 =	simm.s32 $0x2;
	s6 =	sand.u32 $0x1, s1  }
0x6: {  	s4 =	sshll.u32 s0, $0x1;
	s1 =	rddreg [dreg:$0x2];
	s12 =	smul.u32 $0x4E000, s0  }
0x7: {  	[smem:$0x7FF] =	sst s3;
	s31 =	sshll.u32 s0, $0x6;
	s21 =	smul.u32 $0x2700, s0  }
0x8: {  	s8 =	sor.u32 s6, s4;
	_ =	strace $0x80000056;
	s4 =	sadd.s32 $0x20E00, s7  }
0x9: {  	s9 =	smul.u32 $0x27100, s6;
	s11 =	ssub.s32 $0x2, s6;
	s6 =	sadd.s32 $0x1E400, s7  }
0xa: {  	s5 =	smul.u32 $0x280, s8;
	s29 =	sshrl.u32 s11, $0x1;
	s30 =	sshrl.u32 s12, $0x2  }
0xb: {  	s8 =	smul.u32 $0x28, s8;
	s13 =	sadd.s32 s9, s7;
	s11 =	ssub.s32 s11, s29  }
0xc: {  	s12 =	sadd.s32 s30, s2;
	s10 =	sadd.s32 s5, s7;
	s5 =	sadd.s32 $0x98800, s7  }
0xd: {  	s7 =	sor.u32 $0x1C03, s31;
	s20 =	sadd.s32 $0x318800, s13;
	s11 =	smax.u32 s11, $0x1  }
0xe: {  	s12 =	sshrl.u32 s12, $0x3;
	s13 =	simm.s32 $0x3;
	s9 =	sadd.s32 $0x8600, s10  }
0xf: {  	s10 =	sadd.s32 $0x19400, s10;
	s20 =	sadd.s32 s21, s20;
	s21 =	simm.s32 $0x0  }
.LBB2_1:
0x10: {  	[spmem:s12], [sflag:s7] =	dma.local [hbm:s6], $0x2900  }
0x11: {  	_ =	swait.ge [sflag:s13], $0x2900  }
0x12: {  	[sflag:s13] =	ssyncset.done $0x0  }
0x13: {  	[sflag:s13] =	ssyncadd.s32 $0xFFFFD700  }
0x14: {  	[tilespmem:s3], [sflag:$0x3] =	stream.linear.gather [hbm4b:s9+s3], $0x1400, $0x38;
	[tilespmem:$0x1E500] =	vst v63  }
0x15: {  	_ =	swait.ge [sflag:s13], $0x1400  }
0x16: {  	[sflag:s13] =	ssyncset.done $0x0  }
0x17: {  	[sflag:s13] =	ssyncadd.s32 $0xFFFFEC00  }
0x18: {  	[tilespmem:s14], [sflag:$0x3] =	stream.linear.gather [hbm4b:s10+s3], $0x1400, $0x38;
	[tilespmem:$0x1E500] =	vst v63  }
0x19: {  	_ =	swait.ge [sflag:s13], $0x1400  }
0x1a: {  	v0 =	vimm.f32 $0.0e+00;
	v1 =	vimm.f32 $0.0e+00;
	[sflag:s13] =	ssyncset.done $0x0  }
0x1b: {  	v2 =	vimm.f32 $0.0e+00;
	v7 =	vimm.f32 $0.0e+00;
	v5 =	vimm.f32 $0.0e+00;
	[sflag:s13] =	ssyncadd.s32 $0xFFFFEC00  }
0x1c: {  	v6 =	vimm.f32 $0.0e+00;
	v10 =	vimm.f32 $0.0e+00;
	v3 =	vimm.f32 $0.0e+00;
	s22 =	simm.s32 $0x0;
	[bflag:$0x0] =	sbarrier.arrive $0xFFFF  }
.LBB2_2:
0x1d: {  	s23 =	sshll.u32 s22, $0x7;
	s24 =	sadd.s32 s8, s22  }
0x1e: {  	[tilespmem:s16], [sflag:$0x1] =	stream.indirect.gather [hbm4b:s4+s15], $0x80, s23, s15, $0xb8;
	[tilespmem:$0x1E500] =	vst v63  }
0x1f: {  	s24 =	sshll.u32 s24, $0xB  }
0x20: {  	s25 =	simm.s32 $0x0;
	s24 =	sadd.s32 s5, s24  }
0x21: {  	[tilespmem:s17], [sflag:$0x2] =	stream.linear.gather [hbm4b:s24+s25], $0x4000, $0x38;
	[tilespmem:$0x1E500] =	vst v63  }
0x22: {  	_ =	swait.ge [sflag:s18], $0x4000  }
0x23: {  	[sflag:s18] =	ssyncset.done $0x0  }
0x24: {  	[sflag:s18] =	ssyncadd.s32 $0xFFFFC000  }
0x25: {  	_ =	swait.ge [sflag:s19], $0x4000  }
0x26: {  	[sflag:s19] =	ssyncset.done $0x0  }
0x27: {  	s24 =	simm.s32 $0x0;
	[sflag:s19] =	ssyncadd.s32 $0xFFFFC000  }
0x28: {  	v4 =	vld [tilespmem:s24+$0x6800]  }
0x29: {  	v14 =	vld [tilespmem:s24+$0x2800]  }
0x2a: {  	v9 =	vld [tilespmem:s24+$0x2820]  }
0x2b: {  	v8 =	vld [tilespmem:s24+$0x2810]  }
0x2c: {  	v11 =	vld [tilespmem:s24+$0x2830]  }
0x2d: {  	v12 =	vld [tilespmem:s24+$0x2840];
	v3 =	vmul.f32 v4, v3  }
0x2e: {  	v13 =	vld [tilespmem:s24+$0x2850];
	v10 =	vmul.f32 v4, v10;
	v6 =	vmul.f32 v4, v6  }
0x2f: {  	s25 =	simm.s32 $0x200;
	v7 =	vmul.f32 v4, v7;
	v5 =	vmul.f32 v4, v5;
	v3 =	vadd.f32 v3, v14;
	v14 =	vld [tilespmem:s24+$0x2860]  }
.LBB2_3:
0x30: {  	s26 =	sshra.s32 s25, $0x2;
	p0 =	sne.s32 s25, $0xFE00;
	s25 =	sadd.s32 $0x200, s25;
	v6 =	vadd.f32 v9, v6;
	v15 =	vld [tilespmem:s24+$0x2870]  }
0x31: {  	v10 =	vadd.f32 v8, v10;
	v2 =	vmul.f32 v4, v2;
	v16 =	vld [tilespmem:s26+$0x6800];
	[tilespmem:s24+$0x2800] =	vst v3;
	v5 =	vadd.f32 v11, v5  }
0x32: {  	v1 =	vmul.f32 v4, v1;
	v17 =	vld [tilespmem:s26+$0x2800];
	[tilespmem:s24+$0x2820] =	vst v6;
	v7 =	vadd.f32 v12, v7  }
0x33: {  	v0 =	vmul.f32 v4, v0;
	v9 =	vld [tilespmem:s26+$0x2820];
	[tilespmem:s24+$0x2810] =	vst v10;
	v2 =	vadd.f32 v13, v2  }
.Ltmp0:
0x34: {  	v8 =	vld [tilespmem:s26+$0x2810];
	[tilespmem:s24+$0x2830] =	vst v5;
	v1 =	vadd.f32 v14, v1;
	(pc) =	sbr.rel @p0 .LBB2_3-.Ltmp0, $4  }
0x35: {  	v11 =	vld [tilespmem:s26+$0x2830];
	[tilespmem:s24+$0x2840] =	vst v7;
	v0 =	vadd.f32 v15, v0  }
0x36: {  	v3 =	vmul.f32 v16, v3;
	v10 =	vmul.f32 v16, v10;
	v12 =	vld [tilespmem:s26+$0x2840];
	[tilespmem:s24+$0x2850] =	vst v2;
	v4 =	vmov v16  }
0x37: {  	v6 =	vmul.f32 v4, v6;
	v7 =	vmul.f32 v4, v7;
	v13 =	vld [tilespmem:s26+$0x2850];
	[tilespmem:s24+$0x2860] =	vst v1  }
0x38: {  	v5 =	vmul.f32 v4, v5;
	v3 =	vadd.f32 v3, v17;
	v14 =	vld [tilespmem:s26+$0x2860];
	[tilespmem:s24+$0x2870] =	vst v0;
	s24 =	smov.u32 s26  }
0x39: {  	v6 =	vadd.f32 v9, v6  }
0x3a: {  	v9 =	vld [tilespmem:s24+$0x2870];
	v10 =	vadd.f32 v8, v10;
	[tilespmem:s24+$0x2800] =	vst v3  }
0x3b: {  	v2 =	vmul.f32 v4, v2;
	v5 =	vadd.f32 v11, v5;
	[tilespmem:s24+$0x2820] =	vst v6  }
0x3c: {  	v1 =	vmul.f32 v4, v1;
	v7 =	vadd.f32 v12, v7;
	[tilespmem:s24+$0x2810] =	vst v10  }
0x3d: {  	v0 =	vmul.f32 v4, v0;
	v2 =	vadd.f32 v13, v2;
	[tilespmem:s24+$0x2830] =	vst v5  }
0x3e: {  	v1 =	vadd.f32 v14, v1;
	[tilespmem:s24+$0x2840] =	vst v7  }
0x3f: {  	s22 =	sadd.s32 $0x1, s22;
	v0 =	vadd.f32 v9, v0;
	[tilespmem:s24+$0x2850] =	vst v2  }
0x40: {  	p0 =	sne.s32 s22, $0x28;
	[tilespmem:s24+$0x2860] =	vst v1  }
.Ltmp1:
0x41: {  	s23 =	sadd.s32 $0x1400, s23;
	[tilespmem:s24+$0x2870] =	vst v0;
	(pc) =	sbr.rel @p0 .LBB2_2-.Ltmp1, $4  }
0x42: {  	[spmem:s2] =	stream.indirect.scatter [tilespmem:s16], [sflag:$0x3], $0x80, s23, s15, $0xb8;
	[tilespmem:$0x1E500] =	vst v63  }
0x43: {  	_ =	swait.ge [sflag:s13], $0x4000  }
0x44: {  	[sflag:s13] =	ssyncset.done $0x0  }
0x45: {  	[sflag:s13] =	ssyncadd.s32 $0xFFFFC000  }
0x46: {  	s21 =	sadd.s32 $0x1, s21  }
0x47: {  	p0 =	sne.s32 s21, s11  }
.Ltmp2:
0x48: {  	[bflag:$0x0] =	sbarrier.arrive $0xFFFF;
	(pc) =	sbr.rel @p0 .LBB2_1-.Ltmp2, $4  }
0x49: {  	[hbm:s20], [sflag:s7] =	dma.local [spmem:s12], $0x2800  }
0x4a: {  	_ =	swait.ge [sflag:s13], $0x2800  }
0x4b: {  	[sflag:s13] =	ssyncset.done $0x0  }
0x4c: {  	[sflag:s13] =	ssyncadd.s32 $0xFFFFD800  }
0x4d: {  	_ =	sfence.sel $0x180000  }
0x4e: {  	[bflag:$0x0] =	sbarrier.arrive $0xFFFF  }
0x4f: {  	p0 =	sne.s32 s0, $0x0;
	_ =	strace $0x90000056  }
0x50: {  	s0 =	sadd.s32 @!p0 $0x100000, s1;
	[bflag:$0x2] =	sbarrier.arrive $0xFFFF  }
0x51: {  	[sflag:s0] =	ssyncadd.tile.s32 @!p0 $0x1;
	_ =	shalt  }
.Lfunc_end2:
_tile_overlayer_lowered:
.L_overlay_start_2:
0x52: {  	(tag) =	ssettag $0x2  }
0x53: {  	s0 =	rddreg [dreg:$0x0];
	s2 =	stileid.u32  }
0x54: {  	s1 =	rddreg [dreg:$0x1];
	p0 =	sne.s32 s2, $0x0  }
0x55: {  	s3 =	rddreg [dreg:$0x2];
	[bflag:$0x3] =	sbarrier.arrive $0xFFFF;
	s2 =	simm.s32 @!p0 $0x1C03  }
0x56: {  	[timem:s3], [sflag:s2] =	dma.local @!p0 [hbm:s0], s1  }
0x57: {  	s0 =	simm.s32 @!p0 $0x3  }
0x58: {  	_ =	swait.ge @!p0 [sflag:s0], s1  }
0x59: {  	s1 =	ssub.s32 @!p0 $0x0, s1;
	[sflag:s0] =	ssyncset.done @!p0 $0x0  }
0x5a: {  	[sflag:s0] =	ssyncadd.s32 @!p0 s1  }
0x5b: {  	[bflag:$0x3] =	sbarrier.arrive $0xFFFF  }
0x5c: {  	_ =	shalt  }

// kernel: kernel.28.cloned.1.call-start
scs
__scs_entry_jumppad:
0x0: {  	(pc) =	sbr.rel $0x88, $3  }
0x1: {  	(tag) =	ssettag $0x0;
	lr =	simm.s32 $0x1  }
0x2: {  	[smem:$0x3F8C] =	sst lr;
	_ =	strace $0xD0000000  }
0x3: {  	_ = 	snop  }
0x4: {  	_ = 	snop  }
0x5: {  	_ = 	snop  }
0x6: {  	_ = 	snop  }
0x7: {  	_ = 	snop  }
__scs_overlays_trampoline_lowered:
0x8: {  	[smem:$0x3F9B] =	sst s0  }
0x9: {  	[smem:$0x3F9C] =	sst s1  }
0xa: {  	[smem:$0x3F9D] =	sst s2  }
0xb: {  	[smem:$0x3F9E] =	sst s3  }
0xc: {  	[smem:$0x3F9F] =	sst s4  }
0xd: {  	[smem:$0x3FA0] =	sst s5  }
0xe: {  	[smem:$0x3FA1] =	sst s6  }
0xf: {  	[smem:$0x3FA2] =	sst s7  }
0x10: {  	[smem:$0x3FA3] =	sst s8  }
0x11: {  	[smem:$0x3FA4] =	sst s9;
	s0 =	simm.s32 @!p0 $0x0  }
0x12: {  	s1 =	sld [smem:$0x3F8A];
	s0 =	simm.s32 @p0 $0x1  }
0x13: {  	[smem:$0x3FA5] =	sst s0;
	s0 =	simm.s32 @!p1 $0x0  }
0x14: {  	s2 =	sld [smem:$0x3F89];
	s0 =	simm.s32 @p1 $0x1  }
0x15: {  	[smem:$0x3FA6] =	sst s0;
	s0 =	simm.s32 @!p2 $0x0  }
0x16: {  	s3 =	sld [smem:$0x3FDB];
	s0 =	simm.s32 @p2 $0x1  }
0x17: {  	s4 =	simm.s32 $0x1BF5;
	[smem:$0x3FA8] =	sst s0  }
0x18: {  	s0 =	sld [smem:$0x3F8B];
	_ =	swait.ge [sflag:s4], $0x0  }
0x19: {  	s7 =	sld [smem:$0x3F8C]  }
0x1a: {  	s8 =	sadd.s32 $0xFFFFE003, lr  }
0x1b: {  	s9 =	sadd.s32 $0xFFFFFEF7, lr;
	s5 =	simm.s32 $0xFFFFFFFF;
	p2 =	slt.u32 s8, $0xFFFFF086  }
0x1c: {  	p1 =	slt.u32 s9, $0xF7A;
	s5 =	simm.s32 @!p2 $0x0  }
0x1d: {  	s5 =	simm.s32 @p1 $0x1;
	p0 =	seq.s32 s7, s2  }
0x1e: {  	s7 =	smul.u32 @!p0 $0xF7A, s2;
	p2 =	seq.s32 @!p0 s5, $0x0  }
0x1f: {  	s9 =	smul.u32 $0xF7A, s1;
	s8 =	simm.s32 @!p0 $0x1BF5;
	p2 =	por !p2, p0  }
0x20: {  	[sflag:s8] =	ssyncset.s32 @!p0 $0xFFFFF086;
	s6 =	sadd.s32 @!p0 s3, s7;
	s7 =	simm.s32 @!p0 $0x108  }
0x21: {  	s3 =	sadd.s32 s3, s9;
	s6 =	sadd.s32 @!p0 $0x88, s6;
	s7 =	simm.s32 @p2 $0x1082  }
0x22: {  	[simem:s7], [sflag:s8] =	dma.local @!p0 [hbm:s6], $0xF7A  }
0x23: {  	s9 =	sor.u32 $0xD0000000, s2;
	s6 =	simm.s32 $0x108;
	_ =	swait.ge @!p0 [sflag:s8], $0x0  }
0x24: {  	s3 =	sadd.s32 $0x88, s3;
	s6 =	simm.s32 @!p1 $0x1082;
	[sflag:s4] =	ssyncset.s32 $0xFFFFF086  }
0x25: {  	[simem:s6], [sflag:s4] =	dma.local [hbm:s3], $0xF7A  }
0x26: {  	[smem:$0x3F8C] =	sst s1;
	(tag) =	ssettag s2;
	_ =	strace s9  }
0x27: {  	s1 =	sld [smem:$0x3F9C]  }
0x28: {  	s2 =	sld [smem:$0x3F9D]  }
0x29: {  	s4 =	sld [smem:$0x3F9F]  }
0x2a: {  	p0 =	seq.s32 s5, $0x0;
	s5 =	sld [smem:$0x3FA0]  }
0x2b: {  	s6 =	sld [smem:$0x3FA1]  }
0x2c: {  	s7 =	sld [smem:$0x3FA2]  }
0x2d: {  	s3 =	simm.s32 $0x108;
	s8 =	sld [smem:$0x3FA3]  }
0x2e: {  	s3 =	simm.s32 @!p0 $0x1082;
	s9 =	sld [smem:$0x3FA4]  }
0x2f: {  	lr =	sadd.s32 s0, s3;
	s0 =	sld [smem:$0x3F9B]  }
0x30: {  	s3 =	sld [smem:$0x3F9E]  }
0x31: {  	[smem:$0x3FA7] =	sst s10  }
0x32: {  	s10 =	sld [smem:$0x3FA5];
	_ =	sdelay $0x3  }
0x33: {  	p0 =	seq.s32 s10, $0x1;
	s10 =	sld [smem:$0x3FA7];
	_ =	sdelay $0x3  }
0x34: {  	[smem:$0x3FA7] =	sst s10  }
0x35: {  	s10 =	sld [smem:$0x3FA6];
	_ =	sdelay $0x3  }
0x36: {  	p1 =	seq.s32 s10, $0x1;
	s10 =	sld [smem:$0x3FA7];
	_ =	sdelay $0x3  }
0x37: {  	[smem:$0x3FA7] =	sst s10  }
0x38: {  	s10 =	sld [smem:$0x3FA8]  }
0x39: {  	_ = 	snop;
	(pc) =	sbr.ind lr, $3  }
0x3a: {  	_ = 	snop  }
0x3b: {  	_ = 	snop  }
0x3c: {  	p2 =	seq.s32 s10, $0x1;
	s10 =	sld [smem:$0x3FA7]  }
0x3d: {  	_ =	shalt  }
0x3e: {  	_ =	shalt  }
0x3f: {  	_ =	shalt  }
0x40: {  	_ =	shalt  }
0x41: {  	_ =	shalt  }
0x42: {  	_ =	shalt  }
0x43: {  	_ =	shalt  }
0x44: {  	_ =	shalt  }
0x45: {  	_ =	shalt  }
0x46: {  	_ =	shalt  }
0x47: {  	_ =	shalt  }
0x48: {  	_ =	shalt  }
0x49: {  	_ =	shalt  }
0x4a: {  	_ =	shalt  }
0x4b: {  	_ =	shalt  }
0x4c: {  	_ =	shalt  }
0x4d: {  	_ =	shalt  }
0x4e: {  	_ =	shalt  }
0x4f: {  	_ =	shalt  }
0x50: {  	_ =	shalt  }
0x51: {  	_ =	shalt  }
0x52: {  	_ =	shalt  }
0x53: {  	_ =	shalt  }
0x54: {  	_ =	shalt  }
0x55: {  	_ =	shalt  }
0x56: {  	_ =	shalt  }
0x57: {  	_ =	shalt  }
0x58: {  	_ =	shalt  }
0x59: {  	_ =	shalt  }
0x5a: {  	_ =	shalt  }
0x5b: {  	_ =	shalt  }
0x5c: {  	_ =	shalt  }
0x5d: {  	_ =	shalt  }
0x5e: {  	_ =	shalt  }
0x5f: {  	_ =	shalt  }
0x60: {  	_ =	shalt  }
0x61: {  	_ =	shalt  }
0x62: {  	_ =	shalt  }
0x63: {  	_ =	shalt  }
0x64: {  	_ =	shalt  }
0x65: {  	_ =	shalt  }
0x66: {  	_ =	shalt  }
0x67: {  	_ =	shalt  }
0x68: {  	_ =	shalt  }
0x69: {  	_ =	shalt  }
0x6a: {  	_ =	shalt  }
0x6b: {  	_ =	shalt  }
0x6c: {  	_ =	shalt  }
0x6d: {  	_ =	shalt  }
0x6e: {  	_ =	shalt  }
0x6f: {  	_ =	shalt  }
0x70: {  	_ =	shalt  }
0x71: {  	_ =	shalt  }
0x72: {  	_ =	shalt  }
0x73: {  	_ =	shalt  }
0x74: {  	_ =	shalt  }
0x75: {  	_ =	shalt  }
0x76: {  	_ =	shalt  }
0x77: {  	_ =	shalt  }
0x78: {  	_ =	shalt  }
0x79: {  	_ =	shalt  }
0x7a: {  	_ =	shalt  }
0x7b: {  	_ =	shalt  }
0x7c: {  	_ =	shalt  }
0x7d: {  	_ =	shalt  }
0x7e: {  	_ =	shalt  }
0x7f: {  	_ =	shalt  }
0x80: {  	_ =	shalt  }
0x81: {  	_ =	shalt  }
0x82: {  	_ =	shalt  }
0x83: {  	_ =	shalt  }
0x84: {  	_ =	shalt  }
0x85: {  	_ =	shalt  }
0x86: {  	_ =	shalt  }
0x87: {  	_ =	shalt  }
.Lfunc_end0:
.L_simem_size_0:
called_computation.6_lowered:
.L_overlay_start_0:
0x88: {  	s2 =	sld [smem:$0x3FD9]  }
0x89: {  	s3 =	sld [smem:$0x3FFE];
	_ =	sdelay $0x1  }
0x8a: {  	s1 =	srdreg.scid  }
0x8b: {  	s0 =	sand.u32 $0x1, s1  }
0x8c: {  	s16 =	sshll.u32 s0, $0xA;
	s2 =	sadd.s32 s3, s2  }
0x8d: {  	s2 =	sadd.s32 s2, s16  }
0x8e: {  	[smem:$0x3FB3] =	sst s2  }
0x8f: {  	_ = 	snop  }
0x90: {  	(tm) =	ssettm $0x1  }
0x91: {  	s17 =	sld [smem:$0x3FFB];
	_ =	sdelay $0x3  }
0x92: {  	_ =	strace s17  }
0x93: {  	s2 =	sld [smem:$0x3FFC];
	_ =	sdelay $0x3  }
0x94: {  	_ =	strace s2  }
0x95: {  	s2 =	sld [smem:$0x3FFD];
	_ =	sdelay $0x3  }
0x96: {  	_ =	strace s2  }
0x97: {  	_ =	strace $0x8FFFFFFF  }
0x98: {  	s18 =	sld [smem:$0x3FDB];
	_ =	sdelay $0x1  }
0x99: {  	s19 =	simm.s32 $_scs_section_size  }
0x9a: {  	s4 =	simm.s32 $_size__tile_overlayer_lowered;
	s5 =	simm.s32 $_tile_overlayer_lowered  }
0x9b: {  	s22 =	simm.s32 $0x1BFF;
	s21 =	sshll.u32 s5, $0x1;
	s2 =	sadd.s32 s19, s18  }
0x9c: {  	s6 =	simm.s32 $0x0;
	s20 =	sshll.u32 s4, $0x1;
	s4 =	sadd.s32 s21, s2  }
0x9d: {  	[timem:s6], [sflag:s22] =	dma.local [hbm:s4], s20  }
0x9e: {  	_ =	swait.ge [sflag:s22], s20  }
0x9f: {  	s3 =	ssub.s32 $0x0, s20;
	[sflag:s22] =	ssyncset.done $0x0  }
0xa0: {  	[sflag:s22] =	ssyncadd.s32 s3;
	_ =	sdelay $0x1  }
0xa1: {  	s23 =	simm.s32 $0x1B8B  }
0xa2: {  	_ =	swait.ge [sflag:s23], $0x1  }
0xa3: {  	[sflag:s23] =	ssyncset.done $0x0  }
0xa4: {  	s25 =	simm.s32 $0x1B8E;
	s24 =	sld [smem:$0x3FFE];
	[sflag:s23] =	ssyncadd.s32 $0xFFFFFFFF  }
0xa5: {  	s26 =	simm.s32 $execute0_lowered;
	[smem:$0x3FD2] =	sst s25  }
0xa6: {  	s4 =	sshll.u32 s26, $0x1;
	_ =	strace $0x80000058;
	[dreg:$0x1] =	wrdreg $0xFFFFFFFF  }
0xa7: {  	s28 =	simm.s32 $_size_execute0_lowered;
	s2 =	sadd.s32 s2, s4;
	[dreg:$0x0] =	wrdreg $0x0  }
0xa8: {  	s4 =	sshll.u32 s28, $0x1;
	[dreg:$0x2] =	wrdreg s2  }
0xa9: {  	[dreg:$0x3] =	wrdreg s4  }
0xaa: {  	[dreg:$0x4] =	wrdreg $0xC0  }
0xab: {  	_ =	task [dreg:s6], $0x5FFFF  }
0xac: {  	[dreg:$0x1] =	wrdreg $0xFFFFFFFF  }
0xad: {  	[dreg:$0x0] =	wrdreg $0x60  }
0xae: {  	[dreg:$0x2] =	wrdreg s24  }
0xaf: {  	[dreg:$0x3] =	wrdreg $0xA8000  }
0xb0: {  	[dreg:$0x4] =	wrdreg $0x9  }
0xb1: {  	_ =	task.clear_ibuf [dreg:s6], $0x5FFFF;
	_ =	strace $0x90000058  }
0xb2: {  	s29 =	simm.s32 $0x9;
	_ =	strace $0x8000005A  }
0xb3: {  	_ =	swait.ge [sflag:s29], $0x1  }
0xb4: {  	[sflag:s29] =	ssyncadd.s32 $0xFFFFFFFF  }
0xb5: {  	_ =	strace $0x9000005A  }
0xb6: {  	_ =	sfence  }
0xb7: {  	s30 =	sld [smem:$0x0];
	_ =	sdelay $0x2  }
0xb8: {  	s31 =	sshll.u32 s1, $0xD;
	s1 =	sshrl.u32 s1, $0x2  }
0xb9: {  	s3 =	sand.u32 $0x4000, s31;
	s1 =	sadd.s32 s1, s30  }
0xba: {  	s0 =	sor.u32 s3, s0;
	s1 =	sshll.u32 s1, $0x11  }
0xbb: {  	s0 =	sor.u32 s1, s0  }
0xbc: {  	s0 =	sadd.s32 $0x8F2B, s0  }
0xbd: {  	[sflag:s0] =	ssyncadd.remote.s32 $0x1  }
0xbe: {  	_ =	sfence.sel $0xFFFF  }
0xbf: {  	[dreg:$0x0] =	wrdreg $0xFFFFFFFF;
	(pc) =	sbr.abs _section_cstart, $3  }
0xc0: {  	[dreg:$0x1] =	wrdreg $0xFFFFFFFF  }
0xc1: {  	_ =	task.clear_ibuf [dreg:s6], $0x2FFFF;
	_ =	strace $0x9FFFFFFF  }
0xc2: {  	(tm) =	ssettm $0x7FFFFFFF  }
0xc3: {  	_ =	shalt  }
tec
execute0_lowered:
.L_overlay_start_1:
0x0: {  	(tag) =	ssettag $0x1  }
0x1: {  	s7 =	rddreg [dreg:$0x0]  }
0x2: {  	s1 =	srdreg.scid;
	s0 =	stileid.u32  }
0x3: {  	s2 =	rddreg [dreg:$0x1];
	s3 =	simm.s32 $0x0;
	s14 =	simm.s32 $0x1400  }
0x4: {  	s15 =	simm.s32 $0x80;
	s16 =	simm.s32 $0x2800;
	s17 =	simm.s32 $0x6800  }
0x5: {  	s18 =	simm.s32 $0x1;
	s19 =	simm.s32 $0x2;
	s6 =	sand.u32 $0x1, s1  }
0x6: {  	s4 =	sshll.u32 s0, $0x1;
	s1 =	rddreg [dreg:$0x2];
	s12 =	smul.u32 $0x4E000, s0  }
0x7: {  	[smem:$0x7FF] =	sst s3;
	s31 =	sshll.u32 s0, $0x6;
	s21 =	smul.u32 $0x2700, s0  }
0x8: {  	s8 =	sor.u32 s6, s4;
	_ =	strace $0x80000059;
	s4 =	sadd.s32 $0x20E00, s7  }
0x9: {  	s9 =	smul.u32 $0x27100, s6;
	s11 =	ssub.s32 $0x2, s6;
	s6 =	sadd.s32 $0x1E400, s7  }
0xa: {  	s5 =	smul.u32 $0x280, s8;
	s29 =	sshrl.u32 s11, $0x1;
	s30 =	sshrl.u32 s12, $0x2  }
0xb: {  	s8 =	smul.u32 $0x28, s8;
	s13 =	sadd.s32 s9, s7;
	s11 =	ssub.s32 s11, s29  }
0xc: {  	s12 =	sadd.s32 s30, s2;
	s10 =	sadd.s32 s5, s7;
	s5 =	sadd.s32 $0x98800, s7  }
0xd: {  	s7 =	sor.u32 $0x1C03, s31;
	s20 =	sadd.s32 $0x318800, s13;
	s11 =	smax.u32 s11, $0x1  }
0xe: {  	s12 =	sshrl.u32 s12, $0x3;
	s13 =	simm.s32 $0x3;
	s9 =	sadd.s32 $0x8600, s10  }
0xf: {  	s10 =	sadd.s32 $0x19400, s10;
	s20 =	sadd.s32 s21, s20;
	s21 =	simm.s32 $0x0  }
.LBB2_1:
0x10: {  	[spmem:s12], [sflag:s7] =	dma.local [hbm:s6], $0x2900  }
0x11: {  	_ =	swait.ge [sflag:s13], $0x2900  }
0x12: {  	[sflag:s13] =	ssyncset.done $0x0  }
0x13: {  	[sflag:s13] =	ssyncadd.s32 $0xFFFFD700  }
0x14: {  	[tilespmem:s3], [sflag:$0x3] =	stream.linear.gather [hbm4b:s9+s3], $0x1400, $0x38;
	[tilespmem:$0x1E500] =	vst v63  }
0x15: {  	_ =	swait.ge [sflag:s13], $0x1400  }
0x16: {  	[sflag:s13] =	ssyncset.done $0x0  }
0x17: {  	[sflag:s13] =	ssyncadd.s32 $0xFFFFEC00  }
0x18: {  	[tilespmem:s14], [sflag:$0x3] =	stream.linear.gather [hbm4b:s10+s3], $0x1400, $0x38;
	[tilespmem:$0x1E500] =	vst v63  }
0x19: {  	_ =	swait.ge [sflag:s13], $0x1400  }
0x1a: {  	v0 =	vimm.f32 $0.0e+00;
	v1 =	vimm.f32 $0.0e+00;
	[sflag:s13] =	ssyncset.done $0x0  }
0x1b: {  	v2 =	vimm.f32 $0.0e+00;
	v7 =	vimm.f32 $0.0e+00;
	v5 =	vimm.f32 $0.0e+00;
	[sflag:s13] =	ssyncadd.s32 $0xFFFFEC00  }
0x1c: {  	v6 =	vimm.f32 $0.0e+00;
	v10 =	vimm.f32 $0.0e+00;
	v3 =	vimm.f32 $0.0e+00;
	s22 =	simm.s32 $0x0;
	[bflag:$0x0] =	sbarrier.arrive $0xFFFF  }
.LBB2_2:
0x1d: {  	s23 =	sshll.u32 s22, $0x7;
	s24 =	sadd.s32 s8, s22  }
0x1e: {  	[tilespmem:s16], [sflag:$0x1] =	stream.indirect.gather [hbm4b:s4+s15], $0x80, s23, s15, $0xb8;
	[tilespmem:$0x1E500] =	vst v63  }
0x1f: {  	s24 =	sshll.u32 s24, $0xB  }
0x20: {  	s25 =	simm.s32 $0x0;
	s24 =	sadd.s32 s5, s24  }
0x21: {  	[tilespmem:s17], [sflag:$0x2] =	stream.linear.gather [hbm4b:s24+s25], $0x4000, $0x38;
	[tilespmem:$0x1E500] =	vst v63  }
0x22: {  	_ =	swait.ge [sflag:s18], $0x4000  }
0x23: {  	[sflag:s18] =	ssyncset.done $0x0  }
0x24: {  	[sflag:s18] =	ssyncadd.s32 $0xFFFFC000  }
0x25: {  	_ =	swait.ge [sflag:s19], $0x4000  }
0x26: {  	[sflag:s19] =	ssyncset.done $0x0  }
0x27: {  	s24 =	simm.s32 $0x0;
	[sflag:s19] =	ssyncadd.s32 $0xFFFFC000  }
0x28: {  	v4 =	vld [tilespmem:s24+$0x6800]  }
0x29: {  	v14 =	vld [tilespmem:s24+$0x2800]  }
0x2a: {  	v9 =	vld [tilespmem:s24+$0x2820]  }
0x2b: {  	v8 =	vld [tilespmem:s24+$0x2810]  }
0x2c: {  	v11 =	vld [tilespmem:s24+$0x2830]  }
0x2d: {  	v12 =	vld [tilespmem:s24+$0x2840];
	v3 =	vmul.f32 v4, v3  }
0x2e: {  	v13 =	vld [tilespmem:s24+$0x2850];
	v10 =	vmul.f32 v4, v10;
	v6 =	vmul.f32 v4, v6  }
0x2f: {  	s25 =	simm.s32 $0x200;
	v7 =	vmul.f32 v4, v7;
	v5 =	vmul.f32 v4, v5;
	v3 =	vadd.f32 v3, v14;
	v14 =	vld [tilespmem:s24+$0x2860]  }
.LBB2_3:
0x30: {  	s26 =	sshra.s32 s25, $0x2;
	p0 =	sne.s32 s25, $0xFE00;
	s25 =	sadd.s32 $0x200, s25;
	v6 =	vadd.f32 v9, v6;
	v15 =	vld [tilespmem:s24+$0x2870]  }
0x31: {  	v10 =	vadd.f32 v8, v10;
	v2 =	vmul.f32 v4, v2;
	v16 =	vld [tilespmem:s26+$0x6800];
	[tilespmem:s24+$0x2800] =	vst v3;
	v5 =	vadd.f32 v11, v5  }
0x32: {  	v1 =	vmul.f32 v4, v1;
	v17 =	vld [tilespmem:s26+$0x2800];
	[tilespmem:s24+$0x2820] =	vst v6;
	v7 =	vadd.f32 v12, v7  }
0x33: {  	v0 =	vmul.f32 v4, v0;
	v9 =	vld [tilespmem:s26+$0x2820];
	[tilespmem:s24+$0x2810] =	vst v10;
	v2 =	vadd.f32 v13, v2  }
.Ltmp0:
0x34: {  	v8 =	vld [tilespmem:s26+$0x2810];
	[tilespmem:s24+$0x2830] =	vst v5;
	v1 =	vadd.f32 v14, v1;
	(pc) =	sbr.rel @p0 .LBB2_3-.Ltmp0, $4  }
0x35: {  	v11 =	vld [tilespmem:s26+$0x2830];
	[tilespmem:s24+$0x2840] =	vst v7;
	v0 =	vadd.f32 v15, v0  }
0x36: {  	v3 =	vmul.f32 v16, v3;
	v10 =	vmul.f32 v16, v10;
	v12 =	vld [tilespmem:s26+$0x2840];
	[tilespmem:s24+$0x2850] =	vst v2;
	v4 =	vmov v16  }
0x37: {  	v6 =	vmul.f32 v4, v6;
	v7 =	vmul.f32 v4, v7;
	v13 =	vld [tilespmem:s26+$0x2850];
	[tilespmem:s24+$0x2860] =	vst v1  }
0x38: {  	v5 =	vmul.f32 v4, v5;
	v3 =	vadd.f32 v3, v17;
	v14 =	vld [tilespmem:s26+$0x2860];
	[tilespmem:s24+$0x2870] =	vst v0;
	s24 =	smov.u32 s26  }
0x39: {  	v6 =	vadd.f32 v9, v6  }
0x3a: {  	v9 =	vld [tilespmem:s24+$0x2870];
	v10 =	vadd.f32 v8, v10;
	[tilespmem:s24+$0x2800] =	vst v3  }
0x3b: {  	v2 =	vmul.f32 v4, v2;
	v5 =	vadd.f32 v11, v5;
	[tilespmem:s24+$0x2820] =	vst v6  }
0x3c: {  	v1 =	vmul.f32 v4, v1;
	v7 =	vadd.f32 v12, v7;
	[tilespmem:s24+$0x2810] =	vst v10  }
0x3d: {  	v0 =	vmul.f32 v4, v0;
	v2 =	vadd.f32 v13, v2;
	[tilespmem:s24+$0x2830] =	vst v5  }
0x3e: {  	v1 =	vadd.f32 v14, v1;
	[tilespmem:s24+$0x2840] =	vst v7  }
0x3f: {  	s22 =	sadd.s32 $0x1, s22;
	v0 =	vadd.f32 v9, v0;
	[tilespmem:s24+$0x2850] =	vst v2  }
0x40: {  	p0 =	sne.s32 s22, $0x28;
	[tilespmem:s24+$0x2860] =	vst v1  }
.Ltmp1:
0x41: {  	s23 =	sadd.s32 $0x1400, s23;
	[tilespmem:s24+$0x2870] =	vst v0;
	(pc) =	sbr.rel @p0 .LBB2_2-.Ltmp1, $4  }
0x42: {  	[spmem:s2] =	stream.indirect.scatter [tilespmem:s16], [sflag:$0x3], $0x80, s23, s15, $0xb8;
	[tilespmem:$0x1E500] =	vst v63  }
0x43: {  	_ =	swait.ge [sflag:s13], $0x4000  }
0x44: {  	[sflag:s13] =	ssyncset.done $0x0  }
0x45: {  	[sflag:s13] =	ssyncadd.s32 $0xFFFFC000  }
0x46: {  	s21 =	sadd.s32 $0x1, s21  }
0x47: {  	p0 =	sne.s32 s21, s11  }
.Ltmp2:
0x48: {  	[bflag:$0x0] =	sbarrier.arrive $0xFFFF;
	(pc) =	sbr.rel @p0 .LBB2_1-.Ltmp2, $4  }
0x49: {  	[hbm:s20], [sflag:s7] =	dma.local [spmem:s12], $0x2800  }
0x4a: {  	_ =	swait.ge [sflag:s13], $0x2800  }
0x4b: {  	[sflag:s13] =	ssyncset.done $0x0  }
0x4c: {  	[sflag:s13] =	ssyncadd.s32 $0xFFFFD800  }
0x4d: {  	_ =	sfence.sel $0x180000  }
0x4e: {  	[bflag:$0x0] =	sbarrier.arrive $0xFFFF  }
0x4f: {  	p0 =	sne.s32 s0, $0x0;
	_ =	strace $0x90000059  }
0x50: {  	s0 =	sadd.s32 @!p0 $0x100000, s1;
	[bflag:$0x2] =	sbarrier.arrive $0xFFFF  }
0x51: {  	[sflag:s0] =	ssyncadd.tile.s32 @!p0 $0x1;
	_ =	shalt  }
.Lfunc_end2:
_tile_overlayer_lowered:
.L_overlay_start_2:
0x52: {  	(tag) =	ssettag $0x2  }
0x53: {  	s0 =	rddreg [dreg:$0x0];
	s2 =	stileid.u32  }
0x54: {  	s1 =	rddreg [dreg:$0x1];
	p0 =	sne.s32 s2, $0x0  }
0x55: {  	s3 =	rddreg [dreg:$0x2];
	[bflag:$0x3] =	sbarrier.arrive $0xFFFF;
	s2 =	simm.s32 @!p0 $0x1C03  }
0x56: {  	[timem:s3], [sflag:s2] =	dma.local @!p0 [hbm:s0], s1  }
0x57: {  	s0 =	simm.s32 @!p0 $0x3  }
0x58: {  	_ =	swait.ge @!p0 [sflag:s0], s1  }
0x59: {  	s1 =	ssub.s32 @!p0 $0x0, s1;
	[sflag:s0] =	ssyncset.done @!p0 $0x0  }
0x5a: {  	[sflag:s0] =	ssyncadd.s32 @!p0 s1  }
0x5b: {  	[bflag:$0x3] =	sbarrier.arrive $0xFFFF  }
0x5c: {  	_ =	shalt  }

// kernel: kernel.31.cloned.1.call-start
scs
__scs_entry_jumppad:
0x0: {  	(pc) =	sbr.rel $0x88, $3  }
0x1: {  	(tag) =	ssettag $0x0;
	lr =	simm.s32 $0x1  }
0x2: {  	[smem:$0x3F8C] =	sst lr;
	_ =	strace $0xD0000000  }
0x3: {  	_ = 	snop  }
0x4: {  	_ = 	snop  }
0x5: {  	_ = 	snop  }
0x6: {  	_ = 	snop  }
0x7: {  	_ = 	snop  }
__scs_overlays_trampoline_lowered:
0x8: {  	[smem:$0x3F9B] =	sst s0  }
0x9: {  	[smem:$0x3F9C] =	sst s1  }
0xa: {  	[smem:$0x3F9D] =	sst s2  }
0xb: {  	[smem:$0x3F9E] =	sst s3  }
0xc: {  	[smem:$0x3F9F] =	sst s4  }
0xd: {  	[smem:$0x3FA0] =	sst s5  }
0xe: {  	[smem:$0x3FA1] =	sst s6  }
0xf: {  	[smem:$0x3FA2] =	sst s7  }
0x10: {  	[smem:$0x3FA3] =	sst s8  }
0x11: {  	[smem:$0x3FA4] =	sst s9;
	s0 =	simm.s32 @!p0 $0x0  }
0x12: {  	s1 =	sld [smem:$0x3F8A];
	s0 =	simm.s32 @p0 $0x1  }
0x13: {  	[smem:$0x3FA5] =	sst s0;
	s0 =	simm.s32 @!p1 $0x0  }
0x14: {  	s2 =	sld [smem:$0x3F89];
	s0 =	simm.s32 @p1 $0x1  }
0x15: {  	[smem:$0x3FA6] =	sst s0;
	s0 =	simm.s32 @!p2 $0x0  }
0x16: {  	s3 =	sld [smem:$0x3FDB];
	s0 =	simm.s32 @p2 $0x1  }
0x17: {  	s4 =	simm.s32 $0x1BF5;
	[smem:$0x3FA8] =	sst s0  }
0x18: {  	s0 =	sld [smem:$0x3F8B];
	_ =	swait.ge [sflag:s4], $0x0  }
0x19: {  	s7 =	sld [smem:$0x3F8C]  }
0x1a: {  	s8 =	sadd.s32 $0xFFFFE003, lr  }
0x1b: {  	s9 =	sadd.s32 $0xFFFFFEF7, lr;
	s5 =	simm.s32 $0xFFFFFFFF;
	p2 =	slt.u32 s8, $0xFFFFF086  }
0x1c: {  	p1 =	slt.u32 s9, $0xF7A;
	s5 =	simm.s32 @!p2 $0x0  }
0x1d: {  	s5 =	simm.s32 @p1 $0x1;
	p0 =	seq.s32 s7, s2  }
0x1e: {  	s7 =	smul.u32 @!p0 $0xF7A, s2;
	p2 =	seq.s32 @!p0 s5, $0x0  }
0x1f: {  	s9 =	smul.u32 $0xF7A, s1;
	s8 =	simm.s32 @!p0 $0x1BF5;
	p2 =	por !p2, p0  }
0x20: {  	[sflag:s8] =	ssyncset.s32 @!p0 $0xFFFFF086;
	s6 =	sadd.s32 @!p0 s3, s7;
	s7 =	simm.s32 @!p0 $0x108  }
0x21: {  	s3 =	sadd.s32 s3, s9;
	s6 =	sadd.s32 @!p0 $0x88, s6;
	s7 =	simm.s32 @p2 $0x1082  }
0x22: {  	[simem:s7], [sflag:s8] =	dma.local @!p0 [hbm:s6], $0xF7A  }
0x23: {  	s9 =	sor.u32 $0xD0000000, s2;
	s6 =	simm.s32 $0x108;
	_ =	swait.ge @!p0 [sflag:s8], $0x0  }
0x24: {  	s3 =	sadd.s32 $0x88, s3;
	s6 =	simm.s32 @!p1 $0x1082;
	[sflag:s4] =	ssyncset.s32 $0xFFFFF086  }
0x25: {  	[simem:s6], [sflag:s4] =	dma.local [hbm:s3], $0xF7A  }
0x26: {  	[smem:$0x3F8C] =	sst s1;
	(tag) =	ssettag s2;
	_ =	strace s9  }
0x27: {  	s1 =	sld [smem:$0x3F9C]  }
0x28: {  	s2 =	sld [smem:$0x3F9D]  }
0x29: {  	s4 =	sld [smem:$0x3F9F]  }
0x2a: {  	p0 =	seq.s32 s5, $0x0;
	s5 =	sld [smem:$0x3FA0]  }
0x2b: {  	s6 =	sld [smem:$0x3FA1]  }
0x2c: {  	s7 =	sld [smem:$0x3FA2]  }
0x2d: {  	s3 =	simm.s32 $0x108;
	s8 =	sld [smem:$0x3FA3]  }
0x2e: {  	s3 =	simm.s32 @!p0 $0x1082;
	s9 =	sld [smem:$0x3FA4]  }
0x2f: {  	lr =	sadd.s32 s0, s3;
	s0 =	sld [smem:$0x3F9B]  }
0x30: {  	s3 =	sld [smem:$0x3F9E]  }
0x31: {  	[smem:$0x3FA7] =	sst s10  }
0x32: {  	s10 =	sld [smem:$0x3FA5];
	_ =	sdelay $0x3  }
0x33: {  	p0 =	seq.s32 s10, $0x1;
	s10 =	sld [smem:$0x3FA7];
	_ =	sdelay $0x3  }
0x34: {  	[smem:$0x3FA7] =	sst s10  }
0x35: {  	s10 =	sld [smem:$0x3FA6];
	_ =	sdelay $0x3  }
0x36: {  	p1 =	seq.s32 s10, $0x1;
	s10 =	sld [smem:$0x3FA7];
	_ =	sdelay $0x3  }
0x37: {  	[smem:$0x3FA7] =	sst s10  }
0x38: {  	s10 =	sld [smem:$0x3FA8]  }
0x39: {  	_ = 	snop;
	(pc) =	sbr.ind lr, $3  }
0x3a: {  	_ = 	snop  }
0x3b: {  	_ = 	snop  }
0x3c: {  	p2 =	seq.s32 s10, $0x1;
	s10 =	sld [smem:$0x3FA7]  }
0x3d: {  	_ =	shalt  }
0x3e: {  	_ =	shalt  }
0x3f: {  	_ =	shalt  }
0x40: {  	_ =	shalt  }
0x41: {  	_ =	shalt  }
0x42: {  	_ =	shalt  }
0x43: {  	_ =	shalt  }
0x44: {  	_ =	shalt  }
0x45: {  	_ =	shalt  }
0x46: {  	_ =	shalt  }
0x47: {  	_ =	shalt  }
0x48: {  	_ =	shalt  }
0x49: {  	_ =	shalt  }
0x4a: {  	_ =	shalt  }
0x4b: {  	_ =	shalt  }
0x4c: {  	_ =	shalt  }
0x4d: {  	_ =	shalt  }
0x4e: {  	_ =	shalt  }
0x4f: {  	_ =	shalt  }
0x50: {  	_ =	shalt  }
0x51: {  	_ =	shalt  }
0x52: {  	_ =	shalt  }
0x53: {  	_ =	shalt  }
0x54: {  	_ =	shalt  }
0x55: {  	_ =	shalt  }
0x56: {  	_ =	shalt  }
0x57: {  	_ =	shalt  }
0x58: {  	_ =	shalt  }
0x59: {  	_ =	shalt  }
0x5a: {  	_ =	shalt  }
0x5b: {  	_ =	shalt  }
0x5c: {  	_ =	shalt  }
0x5d: {  	_ =	shalt  }
0x5e: {  	_ =	shalt  }
0x5f: {  	_ =	shalt  }
0x60: {  	_ =	shalt  }
0x61: {  	_ =	shalt  }
0x62: {  	_ =	shalt  }
0x63: {  	_ =	shalt  }
0x64: {  	_ =	shalt  }
0x65: {  	_ =	shalt  }
0x66: {  	_ =	shalt  }
0x67: {  	_ =	shalt  }
0x68: {  	_ =	shalt  }
0x69: {  	_ =	shalt  }
0x6a: {  	_ =	shalt  }
0x6b: {  	_ =	shalt  }
0x6c: {  	_ =	shalt  }
0x6d: {  	_ =	shalt  }
0x6e: {  	_ =	shalt  }
0x6f: {  	_ =	shalt  }
0x70: {  	_ =	shalt  }
0x71: {  	_ =	shalt  }
0x72: {  	_ =	shalt  }
0x73: {  	_ =	shalt  }
0x74: {  	_ =	shalt  }
0x75: {  	_ =	shalt  }
0x76: {  	_ =	shalt  }
0x77: {  	_ =	shalt  }
0x78: {  	_ =	shalt  }
0x79: {  	_ =	shalt  }
0x7a: {  	_ =	shalt  }
0x7b: {  	_ =	shalt  }
0x7c: {  	_ =	shalt  }
0x7d: {  	_ =	shalt  }
0x7e: {  	_ =	shalt  }
0x7f: {  	_ =	shalt  }
0x80: {  	_ =	shalt  }
0x81: {  	_ =	shalt  }
0x82: {  	_ =	shalt  }
0x83: {  	_ =	shalt  }
0x84: {  	_ =	shalt  }
0x85: {  	_ =	shalt  }
0x86: {  	_ =	shalt  }
0x87: {  	_ =	shalt  }
.Lfunc_end0:
.L_simem_size_0:
called_computation.7_lowered:
.L_overlay_start_0:
0x88: {  	s2 =	sld [smem:$0x3FD9]  }
0x89: {  	s3 =	sld [smem:$0x3FFE];
	_ =	sdelay $0x1  }
0x8a: {  	s1 =	srdreg.scid  }
0x8b: {  	s0 =	sand.u32 $0x1, s1  }
0x8c: {  	s16 =	sshll.u32 s0, $0xA;
	s2 =	sadd.s32 s3, s2  }
0x8d: {  	s2 =	sadd.s32 s2, s16  }
0x8e: {  	[smem:$0x3FB3] =	sst s2  }
0x8f: {  	_ = 	snop  }
0x90: {  	(tm) =	ssettm $0x1  }
0x91: {  	s17 =	sld [smem:$0x3FFB];
	_ =	sdelay $0x3  }
0x92: {  	_ =	strace s17  }
0x93: {  	s2 =	sld [smem:$0x3FFC];
	_ =	sdelay $0x3  }
0x94: {  	_ =	strace s2  }
0x95: {  	s2 =	sld [smem:$0x3FFD];
	_ =	sdelay $0x3  }
0x96: {  	_ =	strace s2  }
0x97: {  	_ =	strace $0x8FFFFFFF  }
0x98: {  	s18 =	sld [smem:$0x3FDB];
	_ =	sdelay $0x1  }
0x99: {  	s19 =	simm.s32 $_scs_section_size  }
0x9a: {  	s4 =	simm.s32 $_size__tile_overlayer_lowered;
	s5 =	simm.s32 $_tile_overlayer_lowered  }
0x9b: {  	s22 =	simm.s32 $0x1BFF;
	s21 =	sshll.u32 s5, $0x1;
	s2 =	sadd.s32 s19, s18  }
0x9c: {  	s6 =	simm.s32 $0x0;
	s20 =	sshll.u32 s4, $0x1;
	s4 =	sadd.s32 s21, s2  }
0x9d: {  	[timem:s6], [sflag:s22] =	dma.local [hbm:s4], s20  }
0x9e: {  	_ =	swait.ge [sflag:s22], s20  }
0x9f: {  	s3 =	ssub.s32 $0x0, s20;
	[sflag:s22] =	ssyncset.done $0x0  }
0xa0: {  	[sflag:s22] =	ssyncadd.s32 s3;
	_ =	sdelay $0x1  }
0xa1: {  	s23 =	simm.s32 $0x1B8B  }
0xa2: {  	_ =	swait.ge [sflag:s23], $0x1  }
0xa3: {  	[sflag:s23] =	ssyncset.done $0x0  }
0xa4: {  	s25 =	simm.s32 $0x1B8E;
	s24 =	sld [smem:$0x3FFE];
	[sflag:s23] =	ssyncadd.s32 $0xFFFFFFFF  }
0xa5: {  	s26 =	simm.s32 $execute0_lowered;
	[smem:$0x3FD2] =	sst s25  }
0xa6: {  	s4 =	sshll.u32 s26, $0x1;
	_ =	strace $0x8000005B;
	[dreg:$0x1] =	wrdreg $0xFFFFFFFF  }
0xa7: {  	s28 =	simm.s32 $_size_execute0_lowered;
	s2 =	sadd.s32 s2, s4;
	[dreg:$0x0] =	wrdreg $0x0  }
0xa8: {  	s4 =	sshll.u32 s28, $0x1;
	[dreg:$0x2] =	wrdreg s2  }
0xa9: {  	[dreg:$0x3] =	wrdreg s4  }
0xaa: {  	[dreg:$0x4] =	wrdreg $0xC0  }
0xab: {  	_ =	task [dreg:s6], $0x5FFFF  }
0xac: {  	[dreg:$0x1] =	wrdreg $0xFFFFFFFF  }
0xad: {  	[dreg:$0x0] =	wrdreg $0x60  }
0xae: {  	[dreg:$0x2] =	wrdreg s24  }
0xaf: {  	[dreg:$0x3] =	wrdreg $0xA8000  }
0xb0: {  	[dreg:$0x4] =	wrdreg $0x9  }
0xb1: {  	_ =	task.clear_ibuf [dreg:s6], $0x5FFFF;
	_ =	strace $0x9000005B  }
0xb2: {  	s29 =	simm.s32 $0x9;
	_ =	strace $0x8000005D  }
0xb3: {  	_ =	swait.ge [sflag:s29], $0x1  }
0xb4: {  	[sflag:s29] =	ssyncadd.s32 $0xFFFFFFFF  }
0xb5: {  	_ =	strace $0x9000005D  }
0xb6: {  	_ =	sfence  }
0xb7: {  	s30 =	sld [smem:$0x0];
	_ =	sdelay $0x2  }
0xb8: {  	s31 =	sshll.u32 s1, $0xD;
	s1 =	sshrl.u32 s1, $0x2  }
0xb9: {  	s3 =	sand.u32 $0x4000, s31;
	s1 =	sadd.s32 s1, s30  }
0xba: {  	s0 =	sor.u32 s3, s0;
	s1 =	sshll.u32 s1, $0x11  }
0xbb: {  	s0 =	sor.u32 s1, s0  }
0xbc: {  	s0 =	sadd.s32 $0x8F2B, s0  }
0xbd: {  	[sflag:s0] =	ssyncadd.remote.s32 $0x1  }
0xbe: {  	_ =	sfence.sel $0xFFFF  }
0xbf: {  	[dreg:$0x0] =	wrdreg $0xFFFFFFFF;
	(pc) =	sbr.abs _section_cstart, $3  }
0xc0: {  	[dreg:$0x1] =	wrdreg $0xFFFFFFFF  }
0xc1: {  	_ =	task.clear_ibuf [dreg:s6], $0x2FFFF;
	_ =	strace $0x9FFFFFFF  }
0xc2: {  	(tm) =	ssettm $0x7FFFFFFF  }
0xc3: {  	_ =	shalt  }
tec
execute0_lowered:
.L_overlay_start_1:
0x0: {  	(tag) =	ssettag $0x1  }
0x1: {  	s7 =	rddreg [dreg:$0x0]  }
0x2: {  	s1 =	srdreg.scid;
	s0 =	stileid.u32  }
0x3: {  	s2 =	rddreg [dreg:$0x1];
	s3 =	simm.s32 $0x0;
	s14 =	simm.s32 $0x1400  }
0x4: {  	s15 =	simm.s32 $0x80;
	s16 =	simm.s32 $0x2800;
	s17 =	simm.s32 $0x6800  }
0x5: {  	s18 =	simm.s32 $0x1;
	s19 =	simm.s32 $0x2;
	s6 =	sand.u32 $0x1, s1  }
0x6: {  	s4 =	sshll.u32 s0, $0x1;
	s1 =	rddreg [dreg:$0x2];
	s12 =	smul.u32 $0x4E000, s0  }
0x7: {  	[smem:$0x7FF] =	sst s3;
	s31 =	sshll.u32 s0, $0x6;
	s21 =	smul.u32 $0x2700, s0  }
0x8: {  	s8 =	sor.u32 s6, s4;
	_ =	strace $0x8000005C;
	s4 =	sadd.s32 $0x20E00, s7  }
0x9: {  	s9 =	smul.u32 $0x27100, s6;
	s11 =	ssub.s32 $0x2, s6;
	s6 =	sadd.s32 $0x1E400, s7  }
0xa: {  	s5 =	smul.u32 $0x280, s8;
	s29 =	sshrl.u32 s11, $0x1;
	s30 =	sshrl.u32 s12, $0x2  }
0xb: {  	s8 =	smul.u32 $0x28, s8;
	s13 =	sadd.s32 s9, s7;
	s11 =	ssub.s32 s11, s29  }
0xc: {  	s12 =	sadd.s32 s30, s2;
	s10 =	sadd.s32 s5, s7;
	s5 =	sadd.s32 $0x98800, s7  }
0xd: {  	s7 =	sor.u32 $0x1C03, s31;
	s20 =	sadd.s32 $0x318800, s13;
	s11 =	smax.u32 s11, $0x1  }
0xe: {  	s12 =	sshrl.u32 s12, $0x3;
	s13 =	simm.s32 $0x3;
	s9 =	sadd.s32 $0x8600, s10  }
0xf: {  	s10 =	sadd.s32 $0x19400, s10;
	s20 =	sadd.s32 s21, s20;
	s21 =	simm.s32 $0x0  }
.LBB2_1:
0x10: {  	[spmem:s12], [sflag:s7] =	dma.local [hbm:s6], $0x2900  }
0x11: {  	_ =	swait.ge [sflag:s13], $0x2900  }
0x12: {  	[sflag:s13] =	ssyncset.done $0x0  }
0x13: {  	[sflag:s13] =	ssyncadd.s32 $0xFFFFD700  }
0x14: {  	[tilespmem:s3], [sflag:$0x3] =	stream.linear.gather [hbm4b:s9+s3], $0x1400, $0x38;
	[tilespmem:$0x1E500] =	vst v63  }
0x15: {  	_ =	swait.ge [sflag:s13], $0x1400  }
0x16: {  	[sflag:s13] =	ssyncset.done $0x0  }
0x17: {  	[sflag:s13] =	ssyncadd.s32 $0xFFFFEC00  }
0x18: {  	[tilespmem:s14], [sflag:$0x3] =	stream.linear.gather [hbm4b:s10+s3], $0x1400, $0x38;
	[tilespmem:$0x1E500] =	vst v63  }
0x19: {  	_ =	swait.ge [sflag:s13], $0x1400  }
0x1a: {  	v0 =	vimm.f32 $0.0e+00;
	v1 =	vimm.f32 $0.0e+00;
	[sflag:s13] =	ssyncset.done $0x0  }
0x1b: {  	v2 =	vimm.f32 $0.0e+00;
	v7 =	vimm.f32 $0.0e+00;
	v5 =	vimm.f32 $0.0e+00;
	[sflag:s13] =	ssyncadd.s32 $0xFFFFEC00  }
0x1c: {  	v6 =	vimm.f32 $0.0e+00;
	v10 =	vimm.f32 $0.0e+00;
	v3 =	vimm.f32 $0.0e+00;
	s22 =	simm.s32 $0x0;
	[bflag:$0x0] =	sbarrier.arrive $0xFFFF  }
.LBB2_2:
0x1d: {  	s23 =	sshll.u32 s22, $0x7;
	s24 =	sadd.s32 s8, s22  }
0x1e: {  	[tilespmem:s16], [sflag:$0x1] =	stream.indirect.gather [hbm4b:s4+s15], $0x80, s23, s15, $0xb8;
	[tilespmem:$0x1E500] =	vst v63  }
0x1f: {  	s24 =	sshll.u32 s24, $0xB  }
0x20: {  	s25 =	simm.s32 $0x0;
	s24 =	sadd.s32 s5, s24  }
0x21: {  	[tilespmem:s17], [sflag:$0x2] =	stream.linear.gather [hbm4b:s24+s25], $0x4000, $0x38;
	[tilespmem:$0x1E500] =	vst v63  }
0x22: {  	_ =	swait.ge [sflag:s18], $0x4000  }
0x23: {  	[sflag:s18] =	ssyncset.done $0x0  }
0x24: {  	[sflag:s18] =	ssyncadd.s32 $0xFFFFC000  }
0x25: {  	_ =	swait.ge [sflag:s19], $0x4000  }
0x26: {  	[sflag:s19] =	ssyncset.done $0x0  }
0x27: {  	s24 =	simm.s32 $0x0;
	[sflag:s19] =	ssyncadd.s32 $0xFFFFC000  }
0x28: {  	v4 =	vld [tilespmem:s24+$0x6800]  }
0x29: {  	v14 =	vld [tilespmem:s24+$0x2800]  }
0x2a: {  	v9 =	vld [tilespmem:s24+$0x2820]  }
0x2b: {  	v8 =	vld [tilespmem:s24+$0x2810]  }
0x2c: {  	v11 =	vld [tilespmem:s24+$0x2830]  }
0x2d: {  	v12 =	vld [tilespmem:s24+$0x2840];
	v3 =	vmul.f32 v4, v3  }
0x2e: {  	v13 =	vld [tilespmem:s24+$0x2850];
	v10 =	vmul.f32 v4, v10;
	v6 =	vmul.f32 v4, v6  }
0x2f: {  	s25 =	simm.s32 $0x200;
	v7 =	vmul.f32 v4, v7;
	v5 =	vmul.f32 v4, v5;
	v3 =	vadd.f32 v3, v14;
	v14 =	vld [tilespmem:s24+$0x2860]  }
.LBB2_3:
0x30: {  	s26 =	sshra.s32 s25, $0x2;
	p0 =	sne.s32 s25, $0xFE00;
	s25 =	sadd.s32 $0x200, s25;
	v6 =	vadd.f32 v9, v6;
	v15 =	vld [tilespmem:s24+$0x2870]  }
0x31: {  	v10 =	vadd.f32 v8, v10;
	v2 =	vmul.f32 v4, v2;
	v16 =	vld [tilespmem:s26+$0x6800];
	[tilespmem:s24+$0x2800] =	vst v3;
	v5 =	vadd.f32 v11, v5  }
0x32: {  	v1 =	vmul.f32 v4, v1;
	v17 =	vld [tilespmem:s26+$0x2800];
	[tilespmem:s24+$0x2820] =	vst v6;
	v7 =	vadd.f32 v12, v7  }
0x33: {  	v0 =	vmul.f32 v4, v0;
	v9 =	vld [tilespmem:s26+$0x2820];
	[tilespmem:s24+$0x2810] =	vst v10;
	v2 =	vadd.f32 v13, v2  }
.Ltmp0:
0x34: {  	v8 =	vld [tilespmem:s26+$0x2810];
	[tilespmem:s24+$0x2830] =	vst v5;
	v1 =	vadd.f32 v14, v1;
	(pc) =	sbr.rel @p0 .LBB2_3-.Ltmp0, $4  }
0x35: {  	v11 =	vld [tilespmem:s26+$0x2830];
	[tilespmem:s24+$0x2840] =	vst v7;
	v0 =	vadd.f32 v15, v0  }
0x36: {  	v3 =	vmul.f32 v16, v3;
	v10 =	vmul.f32 v16, v10;
	v12 =	vld [tilespmem:s26+$0x2840];
	[tilespmem:s24+$0x2850] =	vst v2;
	v4 =	vmov v16  }
0x37: {  	v6 =	vmul.f32 v4, v6;
	v7 =	vmul.f32 v4, v7;
	v13 =	vld [tilespmem:s26+$0x2850];
	[tilespmem:s24+$0x2860] =	vst v1  }
0x38: {  	v5 =	vmul.f32 v4, v5;
	v3 =	vadd.f32 v3, v17;
	v14 =	vld [tilespmem:s26+$0x2860];
	[tilespmem:s24+$0x2870] =	vst v0;
	s24 =	smov.u32 s26  }
0x39: {  	v6 =	vadd.f32 v9, v6  }
0x3a: {  	v9 =	vld [tilespmem:s24+$0x2870];
	v10 =	vadd.f32 v8, v10;
	[tilespmem:s24+$0x2800] =	vst v3  }
0x3b: {  	v2 =	vmul.f32 v4, v2;
	v5 =	vadd.f32 v11, v5;
	[tilespmem:s24+$0x2820] =	vst v6  }
0x3c: {  	v1 =	vmul.f32 v4, v1;
	v7 =	vadd.f32 v12, v7;
	[tilespmem:s24+$0x2810] =	vst v10  }
0x3d: {  	v0 =	vmul.f32 v4, v0;
	v2 =	vadd.f32 v13, v2;
	[tilespmem:s24+$0x2830] =	vst v5  }
0x3e: {  	v1 =	vadd.f32 v14, v1;
	[tilespmem:s24+$0x2840] =	vst v7  }
0x3f: {  	s22 =	sadd.s32 $0x1, s22;
	v0 =	vadd.f32 v9, v0;
	[tilespmem:s24+$0x2850] =	vst v2  }
0x40: {  	p0 =	sne.s32 s22, $0x28;
	[tilespmem:s24+$0x2860] =	vst v1  }
.Ltmp1:
0x41: {  	s23 =	sadd.s32 $0x1400, s23;
	[tilespmem:s24+$0x2870] =	vst v0;
	(pc) =	sbr.rel @p0 .LBB2_2-.Ltmp1, $4  }
0x42: {  	[spmem:s2] =	stream.indirect.scatter [tilespmem:s16], [sflag:$0x3], $0x80, s23, s15, $0xb8;
	[tilespmem:$0x1E500] =	vst v63  }
0x43: {  	_ =	swait.ge [sflag:s13], $0x4000  }
0x44: {  	[sflag:s13] =	ssyncset.done $0x0  }
0x45: {  	[sflag:s13] =	ssyncadd.s32 $0xFFFFC000  }
0x46: {  	s21 =	sadd.s32 $0x1, s21  }
0x47: {  	p0 =	sne.s32 s21, s11  }
.Ltmp2:
0x48: {  	[bflag:$0x0] =	sbarrier.arrive $0xFFFF;
	(pc) =	sbr.rel @p0 .LBB2_1-.Ltmp2, $4  }
0x49: {  	[hbm:s20], [sflag:s7] =	dma.local [spmem:s12], $0x2800  }
0x4a: {  	_ =	swait.ge [sflag:s13], $0x2800  }
0x4b: {  	[sflag:s13] =	ssyncset.done $0x0  }
0x4c: {  	[sflag:s13] =	ssyncadd.s32 $0xFFFFD800  }
0x4d: {  	_ =	sfence.sel $0x180000  }
0x4e: {  	[bflag:$0x0] =	sbarrier.arrive $0xFFFF  }
0x4f: {  	p0 =	sne.s32 s0, $0x0;
	_ =	strace $0x9000005C  }
0x50: {  	s0 =	sadd.s32 @!p0 $0x100000, s1;
	[bflag:$0x2] =	sbarrier.arrive $0xFFFF  }
0x51: {  	[sflag:s0] =	ssyncadd.tile.s32 @!p0 $0x1;
	_ =	shalt  }
.Lfunc_end2:
_tile_overlayer_lowered:
.L_overlay_start_2:
0x52: {  	(tag) =	ssettag $0x2  }
0x53: {  	s0 =	rddreg [dreg:$0x0];
	s2 =	stileid.u32  }
0x54: {  	s1 =	rddreg [dreg:$0x1];
	p0 =	sne.s32 s2, $0x0  }
0x55: {  	s3 =	rddreg [dreg:$0x2];
	[bflag:$0x3] =	sbarrier.arrive $0xFFFF;
	s2 =	simm.s32 @!p0 $0x1C03  }
0x56: {  	[timem:s3], [sflag:s2] =	dma.local @!p0 [hbm:s0], s1  }
0x57: {  	s0 =	simm.s32 @!p0 $0x3  }
0x58: {  	_ =	swait.ge @!p0 [sflag:s0], s1  }
0x59: {  	s1 =	ssub.s32 @!p0 $0x0, s1;
	[sflag:s0] =	ssyncset.done @!p0 $0x0  }
0x5a: {  	[sflag:s0] =	ssyncadd.s32 @!p0 s1  }
0x5b: {  	[bflag:$0x3] =	sbarrier.arrive $0xFFFF  }
0x5c: {  	_ =	shalt  }

// kernel: kernel.34.cloned.1.call-start
scs
__scs_entry_jumppad:
0x0: {  	(pc) =	sbr.rel $0x88, $3  }
0x1: {  	(tag) =	ssettag $0x0;
	lr =	simm.s32 $0x1  }
0x2: {  	[smem:$0x3F8C] =	sst lr;
	_ =	strace $0xD0000000  }
0x3: {  	_ = 	snop  }
0x4: {  	_ = 	snop  }
0x5: {  	_ = 	snop  }
0x6: {  	_ = 	snop  }
0x7: {  	_ = 	snop  }
__scs_overlays_trampoline_lowered:
0x8: {  	[smem:$0x3F9B] =	sst s0  }
0x9: {  	[smem:$0x3F9C] =	sst s1  }
0xa: {  	[smem:$0x3F9D] =	sst s2  }
0xb: {  	[smem:$0x3F9E] =	sst s3  }
0xc: {  	[smem:$0x3F9F] =	sst s4  }
0xd: {  	[smem:$0x3FA0] =	sst s5  }
0xe: {  	[smem:$0x3FA1] =	sst s6  }
0xf: {  	[smem:$0x3FA2] =	sst s7  }
0x10: {  	[smem:$0x3FA3] =	sst s8  }
0x11: {  	[smem:$0x3FA4] =	sst s9;
	s0 =	simm.s32 @!p0 $0x0  }
0x12: {  	s1 =	sld [smem:$0x3F8A];
	s0 =	simm.s32 @p0 $0x1  }
0x13: {  	[smem:$0x3FA5] =	sst s0;
	s0 =	simm.s32 @!p1 $0x0  }
0x14: {  	s2 =	sld [smem:$0x3F89];
	s0 =	simm.s32 @p1 $0x1  }
0x15: {  	[smem:$0x3FA6] =	sst s0;
	s0 =	simm.s32 @!p2 $0x0  }
0x16: {  	s3 =	sld [smem:$0x3FDB];
	s0 =	simm.s32 @p2 $0x1  }
0x17: {  	s4 =	simm.s32 $0x1BF5;
	[smem:$0x3FA8] =	sst s0  }
0x18: {  	s0 =	sld [smem:$0x3F8B];
	_ =	swait.ge [sflag:s4], $0x0  }
0x19: {  	s7 =	sld [smem:$0x3F8C]  }
0x1a: {  	s8 =	sadd.s32 $0xFFFFE003, lr  }
0x1b: {  	s9 =	sadd.s32 $0xFFFFFEF7, lr;
	s5 =	simm.s32 $0xFFFFFFFF;
	p2 =	slt.u32 s8, $0xFFFFF086  }
0x1c: {  	p1 =	slt.u32 s9, $0xF7A;
	s5 =	simm.s32 @!p2 $0x0  }
0x1d: {  	s5 =	simm.s32 @p1 $0x1;
	p0 =	seq.s32 s7, s2  }
0x1e: {  	s7 =	smul.u32 @!p0 $0xF7A, s2;
	p2 =	seq.s32 @!p0 s5, $0x0  }
0x1f: {  	s9 =	smul.u32 $0xF7A, s1;
	s8 =	simm.s32 @!p0 $0x1BF5;
	p2 =	por !p2, p0  }
0x20: {  	[sflag:s8] =	ssyncset.s32 @!p0 $0xFFFFF086;
	s6 =	sadd.s32 @!p0 s3, s7;
	s7 =	simm.s32 @!p0 $0x108  }
0x21: {  	s3 =	sadd.s32 s3, s9;
	s6 =	sadd.s32 @!p0 $0x88, s6;
	s7 =	simm.s32 @p2 $0x1082  }
0x22: {  	[simem:s7], [sflag:s8] =	dma.local @!p0 [hbm:s6], $0xF7A  }
0x23: {  	s9 =	sor.u32 $0xD0000000, s2;
	s6 =	simm.s32 $0x108;
	_ =	swait.ge @!p0 [sflag:s8], $0x0  }
0x24: {  	s3 =	sadd.s32 $0x88, s3;
	s6 =	simm.s32 @!p1 $0x1082;
	[sflag:s4] =	ssyncset.s32 $0xFFFFF086  }
0x25: {  	[simem:s6], [sflag:s4] =	dma.local [hbm:s3], $0xF7A  }
0x26: {  	[smem:$0x3F8C] =	sst s1;
	(tag) =	ssettag s2;
	_ =	strace s9  }
0x27: {  	s1 =	sld [smem:$0x3F9C]  }
0x28: {  	s2 =	sld [smem:$0x3F9D]  }
0x29: {  	s4 =	sld [smem:$0x3F9F]  }
0x2a: {  	p0 =	seq.s32 s5, $0x0;
	s5 =	sld [smem:$0x3FA0]  }
0x2b: {  	s6 =	sld [smem:$0x3FA1]  }
0x2c: {  	s7 =	sld [smem:$0x3FA2]  }
0x2d: {  	s3 =	simm.s32 $0x108;
	s8 =	sld [smem:$0x3FA3]  }
0x2e: {  	s3 =	simm.s32 @!p0 $0x1082;
	s9 =	sld [smem:$0x3FA4]  }
0x2f: {  	lr =	sadd.s32 s0, s3;
	s0 =	sld [smem:$0x3F9B]  }
0x30: {  	s3 =	sld [smem:$0x3F9E]  }
0x31: {  	[smem:$0x3FA7] =	sst s10  }
0x32: {  	s10 =	sld [smem:$0x3FA5];
	_ =	sdelay $0x3  }
0x33: {  	p0 =	seq.s32 s10, $0x1;
	s10 =	sld [smem:$0x3FA7];
	_ =	sdelay $0x3  }
0x34: {  	[smem:$0x3FA7] =	sst s10  }
0x35: {  	s10 =	sld [smem:$0x3FA6];
	_ =	sdelay $0x3  }
0x36: {  	p1 =	seq.s32 s10, $0x1;
	s10 =	sld [smem:$0x3FA7];
	_ =	sdelay $0x3  }
0x37: {  	[smem:$0x3FA7] =	sst s10  }
0x38: {  	s10 =	sld [smem:$0x3FA8]  }
0x39: {  	_ = 	snop;
	(pc) =	sbr.ind lr, $3  }
0x3a: {  	_ = 	snop  }
0x3b: {  	_ = 	snop  }
0x3c: {  	p2 =	seq.s32 s10, $0x1;
	s10 =	sld [smem:$0x3FA7]  }
0x3d: {  	_ =	shalt  }
0x3e: {  	_ =	shalt  }
0x3f: {  	_ =	shalt  }
0x40: {  	_ =	shalt  }
0x41: {  	_ =	shalt  }
0x42: {  	_ =	shalt  }
0x43: {  	_ =	shalt  }
0x44: {  	_ =	shalt  }
0x45: {  	_ =	shalt  }
0x46: {  	_ =	shalt  }
0x47: {  	_ =	shalt  }
0x48: {  	_ =	shalt  }
0x49: {  	_ =	shalt  }
0x4a: {  	_ =	shalt  }
0x4b: {  	_ =	shalt  }
0x4c: {  	_ =	shalt  }
0x4d: {  	_ =	shalt  }
0x4e: {  	_ =	shalt  }
0x4f: {  	_ =	shalt  }
0x50: {  	_ =	shalt  }
0x51: {  	_ =	shalt  }
0x52: {  	_ =	shalt  }
0x53: {  	_ =	shalt  }
0x54: {  	_ =	shalt  }
0x55: {  	_ =	shalt  }
0x56: {  	_ =	shalt  }
0x57: {  	_ =	shalt  }
0x58: {  	_ =	shalt  }
0x59: {  	_ =	shalt  }
0x5a: {  	_ =	shalt  }
0x5b: {  	_ =	shalt  }
0x5c: {  	_ =	shalt  }
0x5d: {  	_ =	shalt  }
0x5e: {  	_ =	shalt  }
0x5f: {  	_ =	shalt  }
0x60: {  	_ =	shalt  }
0x61: {  	_ =	shalt  }
0x62: {  	_ =	shalt  }
0x63: {  	_ =	shalt  }
0x64: {  	_ =	shalt  }
0x65: {  	_ =	shalt  }
0x66: {  	_ =	shalt  }
0x67: {  	_ =	shalt  }
0x68: {  	_ =	shalt  }
0x69: {  	_ =	shalt  }
0x6a: {  	_ =	shalt  }
0x6b: {  	_ =	shalt  }
0x6c: {  	_ =	shalt  }
0x6d: {  	_ =	shalt  }
0x6e: {  	_ =	shalt  }
0x6f: {  	_ =	shalt  }
0x70: {  	_ =	shalt  }
0x71: {  	_ =	shalt  }
0x72: {  	_ =	shalt  }
0x73: {  	_ =	shalt  }
0x74: {  	_ =	shalt  }
0x75: {  	_ =	shalt  }
0x76: {  	_ =	shalt  }
0x77: {  	_ =	shalt  }
0x78: {  	_ =	shalt  }
0x79: {  	_ =	shalt  }
0x7a: {  	_ =	shalt  }
0x7b: {  	_ =	shalt  }
0x7c: {  	_ =	shalt  }
0x7d: {  	_ =	shalt  }
0x7e: {  	_ =	shalt  }
0x7f: {  	_ =	shalt  }
0x80: {  	_ =	shalt  }
0x81: {  	_ =	shalt  }
0x82: {  	_ =	shalt  }
0x83: {  	_ =	shalt  }
0x84: {  	_ =	shalt  }
0x85: {  	_ =	shalt  }
0x86: {  	_ =	shalt  }
0x87: {  	_ =	shalt  }
.Lfunc_end0:
.L_simem_size_0:
called_computation.8_lowered:
.L_overlay_start_0:
0x88: {  	s2 =	sld [smem:$0x3FD9]  }
0x89: {  	s3 =	sld [smem:$0x3FFE];
	_ =	sdelay $0x1  }
0x8a: {  	s1 =	srdreg.scid  }
0x8b: {  	s0 =	sand.u32 $0x1, s1  }
0x8c: {  	s16 =	sshll.u32 s0, $0xA;
	s2 =	sadd.s32 s3, s2  }
0x8d: {  	s2 =	sadd.s32 s2, s16  }
0x8e: {  	[smem:$0x3FB3] =	sst s2  }
0x8f: {  	_ = 	snop  }
0x90: {  	(tm) =	ssettm $0x1  }
0x91: {  	s17 =	sld [smem:$0x3FFB];
	_ =	sdelay $0x3  }
0x92: {  	_ =	strace s17  }
0x93: {  	s2 =	sld [smem:$0x3FFC];
	_ =	sdelay $0x3  }
0x94: {  	_ =	strace s2  }
0x95: {  	s2 =	sld [smem:$0x3FFD];
	_ =	sdelay $0x3  }
0x96: {  	_ =	strace s2  }
0x97: {  	_ =	strace $0x8FFFFFFF  }
0x98: {  	s18 =	sld [smem:$0x3FDB];
	_ =	sdelay $0x1  }
0x99: {  	s19 =	simm.s32 $_scs_section_size  }
0x9a: {  	s4 =	simm.s32 $_size__tile_overlayer_lowered;
	s5 =	simm.s32 $_tile_overlayer_lowered  }
0x9b: {  	s22 =	simm.s32 $0x1BFF;
	s21 =	sshll.u32 s5, $0x1;
	s2 =	sadd.s32 s19, s18  }
0x9c: {  	s6 =	simm.s32 $0x0;
	s20 =	sshll.u32 s4, $0x1;
	s4 =	sadd.s32 s21, s2  }
0x9d: {  	[timem:s6], [sflag:s22] =	dma.local [hbm:s4], s20  }
0x9e: {  	_ =	swait.ge [sflag:s22], s20  }
0x9f: {  	s3 =	ssub.s32 $0x0, s20;
	[sflag:s22] =	ssyncset.done $0x0  }
0xa0: {  	[sflag:s22] =	ssyncadd.s32 s3;
	_ =	sdelay $0x1  }
0xa1: {  	s23 =	simm.s32 $0x1B8B  }
0xa2: {  	_ =	swait.ge [sflag:s23], $0x1  }
0xa3: {  	[sflag:s23] =	ssyncset.done $0x0  }
0xa4: {  	s25 =	simm.s32 $0x1B8E;
	s24 =	sld [smem:$0x3FFE];
	[sflag:s23] =	ssyncadd.s32 $0xFFFFFFFF  }
0xa5: {  	s26 =	simm.s32 $execute0_lowered;
	[smem:$0x3FD2] =	sst s25  }
0xa6: {  	s4 =	sshll.u32 s26, $0x1;
	_ =	strace $0x8000005E;
	[dreg:$0x1] =	wrdreg $0xFFFFFFFF  }
0xa7: {  	s28 =	simm.s32 $_size_execute0_lowered;
	s2 =	sadd.s32 s2, s4;
	[dreg:$0x0] =	wrdreg $0x0  }
0xa8: {  	s4 =	sshll.u32 s28, $0x1;
	[dreg:$0x2] =	wrdreg s2  }
0xa9: {  	[dreg:$0x3] =	wrdreg s4  }
0xaa: {  	[dreg:$0x4] =	wrdreg $0xC0  }
0xab: {  	_ =	task [dreg:s6], $0x5FFFF  }
0xac: {  	[dreg:$0x1] =	wrdreg $0xFFFFFFFF  }
0xad: {  	[dreg:$0x0] =	wrdreg $0x60  }
0xae: {  	[dreg:$0x2] =	wrdreg s24  }
0xaf: {  	[dreg:$0x3] =	wrdreg $0xA8000  }
0xb0: {  	[dreg:$0x4] =	wrdreg $0x9  }
0xb1: {  	_ =	task.clear_ibuf [dreg:s6], $0x5FFFF;
	_ =	strace $0x9000005E  }
0xb2: {  	s29 =	simm.s32 $0x9;
	_ =	strace $0x80000060  }
0xb3: {  	_ =	swait.ge [sflag:s29], $0x1  }
0xb4: {  	[sflag:s29] =	ssyncadd.s32 $0xFFFFFFFF  }
0xb5: {  	_ =	strace $0x90000060  }
0xb6: {  	_ =	sfence  }
0xb7: {  	s30 =	sld [smem:$0x0];
	_ =	sdelay $0x2  }
0xb8: {  	s31 =	sshll.u32 s1, $0xD;
	s1 =	sshrl.u32 s1, $0x2  }
0xb9: {  	s3 =	sand.u32 $0x4000, s31;
	s1 =	sadd.s32 s1, s30  }
0xba: {  	s0 =	sor.u32 s3, s0;
	s1 =	sshll.u32 s1, $0x11  }
0xbb: {  	s0 =	sor.u32 s1, s0  }
0xbc: {  	s0 =	sadd.s32 $0x8F2B, s0  }
0xbd: {  	[sflag:s0] =	ssyncadd.remote.s32 $0x1  }
0xbe: {  	_ =	sfence.sel $0xFFFF  }
0xbf: {  	[dreg:$0x0] =	wrdreg $0xFFFFFFFF;
	(pc) =	sbr.abs _section_cstart, $3  }
0xc0: {  	[dreg:$0x1] =	wrdreg $0xFFFFFFFF  }
0xc1: {  	_ =	task.clear_ibuf [dreg:s6], $0x2FFFF;
	_ =	strace $0x9FFFFFFF  }
0xc2: {  	(tm) =	ssettm $0x7FFFFFFF  }
0xc3: {  	_ =	shalt  }
tec
execute0_lowered:
.L_overlay_start_1:
0x0: {  	(tag) =	ssettag $0x1  }
0x1: {  	s7 =	rddreg [dreg:$0x0]  }
0x2: {  	s1 =	srdreg.scid;
	s0 =	stileid.u32  }
0x3: {  	s2 =	rddreg [dreg:$0x1];
	s3 =	simm.s32 $0x0;
	s14 =	simm.s32 $0x1400  }
0x4: {  	s15 =	simm.s32 $0x80;
	s16 =	simm.s32 $0x2800;
	s17 =	simm.s32 $0x6800  }
0x5: {  	s18 =	simm.s32 $0x1;
	s19 =	simm.s32 $0x2;
	s6 =	sand.u32 $0x1, s1  }
0x6: {  	s4 =	sshll.u32 s0, $0x1;
	s1 =	rddreg [dreg:$0x2];
	s12 =	smul.u32 $0x4E000, s0  }
0x7: {  	[smem:$0x7FF] =	sst s3;
	s31 =	sshll.u32 s0, $0x6;
	s21 =	smul.u32 $0x2700, s0  }
0x8: {  	s8 =	sor.u32 s6, s4;
	_ =	strace $0x8000005F;
	s4 =	sadd.s32 $0x20E00, s7  }
0x9: {  	s9 =	smul.u32 $0x27100, s6;
	s11 =	ssub.s32 $0x2, s6;
	s6 =	sadd.s32 $0x1E400, s7  }
0xa: {  	s5 =	smul.u32 $0x280, s8;
	s29 =	sshrl.u32 s11, $0x1;
	s30 =	sshrl.u32 s12, $0x2  }
0xb: {  	s8 =	smul.u32 $0x28, s8;
	s13 =	sadd.s32 s9, s7;
	s11 =	ssub.s32 s11, s29  }
0xc: {  	s12 =	sadd.s32 s30, s2;
	s10 =	sadd.s32 s5, s7;
	s5 =	sadd.s32 $0x98800, s7  }
0xd: {  	s7 =	sor.u32 $0x1C03, s31;
	s20 =	sadd.s32 $0x318800, s13;
	s11 =	smax.u32 s11, $0x1  }
0xe: {  	s12 =	sshrl.u32 s12, $0x3;
	s13 =	simm.s32 $0x3;
	s9 =	sadd.s32 $0x8600, s10  }
0xf: {  	s10 =	sadd.s32 $0x19400, s10;
	s20 =	sadd.s32 s21, s20;
	s21 =	simm.s32 $0x0  }
.LBB2_1:
0x10: {  	[spmem:s12], [sflag:s7] =	dma.local [hbm:s6], $0x2900  }
0x11: {  	_ =	swait.ge [sflag:s13], $0x2900  }
0x12: {  	[sflag:s13] =	ssyncset.done $0x0  }
0x13: {  	[sflag:s13] =	ssyncadd.s32 $0xFFFFD700  }
0x14: {  	[tilespmem:s3], [sflag:$0x3] =	stream.linear.gather [hbm4b:s9+s3], $0x1400, $0x38;
	[tilespmem:$0x1E500] =	vst v63  }
0x15: {  	_ =	swait.ge [sflag:s13], $0x1400  }
0x16: {  	[sflag:s13] =	ssyncset.done $0x0  }
0x17: {  	[sflag:s13] =	ssyncadd.s32 $0xFFFFEC00  }
0x18: {  	[tilespmem:s14], [sflag:$0x3] =	stream.linear.gather [hbm4b:s10+s3], $0x1400, $0x38;
	[tilespmem:$0x1E500] =	vst v63  }
0x19: {  	_ =	swait.ge [sflag:s13], $0x1400  }
0x1a: {  	v0 =	vimm.f32 $0.0e+00;
	v1 =	vimm.f32 $0.0e+00;
	[sflag:s13] =	ssyncset.done $0x0  }
0x1b: {  	v2 =	vimm.f32 $0.0e+00;
	v7 =	vimm.f32 $0.0e+00;
	v5 =	vimm.f32 $0.0e+00;
	[sflag:s13] =	ssyncadd.s32 $0xFFFFEC00  }
0x1c: {  	v6 =	vimm.f32 $0.0e+00;
	v10 =	vimm.f32 $0.0e+00;
	v3 =	vimm.f32 $0.0e+00;
	s22 =	simm.s32 $0x0;
	[bflag:$0x0] =	sbarrier.arrive $0xFFFF  }
.LBB2_2:
0x1d: {  	s23 =	sshll.u32 s22, $0x7;
	s24 =	sadd.s32 s8, s22  }
0x1e: {  	[tilespmem:s16], [sflag:$0x1] =	stream.indirect.gather [hbm4b:s4+s15], $0x80, s23, s15, $0xb8;
	[tilespmem:$0x1E500] =	vst v63  }
0x1f: {  	s24 =	sshll.u32 s24, $0xB  }
0x20: {  	s25 =	simm.s32 $0x0;
	s24 =	sadd.s32 s5, s24  }
0x21: {  	[tilespmem:s17], [sflag:$0x2] =	stream.linear.gather [hbm4b:s24+s25], $0x4000, $0x38;
	[tilespmem:$0x1E500] =	vst v63  }
0x22: {  	_ =	swait.ge [sflag:s18], $0x4000  }
0x23: {  	[sflag:s18] =	ssyncset.done $0x0  }
0x24: {  	[sflag:s18] =	ssyncadd.s32 $0xFFFFC000  }
0x25: {  	_ =	swait.ge [sflag:s19], $0x4000  }
0x26: {  	[sflag:s19] =	ssyncset.done $0x0  }
0x27: {  	s24 =	simm.s32 $0x0;
	[sflag:s19] =	ssyncadd.s32 $0xFFFFC000  }
0x28: {  	v4 =	vld [tilespmem:s24+$0x6800]  }
0x29: {  	v14 =	vld [tilespmem:s24+$0x2800]  }
0x2a: {  	v9 =	vld [tilespmem:s24+$0x2820]  }
0x2b: {  	v8 =	vld [tilespmem:s24+$0x2810]  }
0x2c: {  	v11 =	vld [tilespmem:s24+$0x2830]  }
0x2d: {  	v12 =	vld [tilespmem:s24+$0x2840];
	v3 =	vmul.f32 v4, v3  }
0x2e: {  	v13 =	vld [tilespmem:s24+$0x2850];
	v10 =	vmul.f32 v4, v10;
	v6 =	vmul.f32 v4, v6  }
0x2f: {  	s25 =	simm.s32 $0x200;
	v7 =	vmul.f32 v4, v7;
	v5 =	vmul.f32 v4, v5;
	v3 =	vadd.f32 v3, v14;
	v14 =	vld [tilespmem:s24+$0x2860]  }
.LBB2_3:
0x30: {  	s26 =	sshra.s32 s25, $0x2;
	p0 =	sne.s32 s25, $0xFE00;
	s25 =	sadd.s32 $0x200, s25;
	v6 =	vadd.f32 v9, v6;
	v15 =	vld [tilespmem:s24+$0x2870]  }
0x31: {  	v10 =	vadd.f32 v8, v10;
	v2 =	vmul.f32 v4, v2;
	v16 =	vld [tilespmem:s26+$0x6800];
	[tilespmem:s24+$0x2800] =	vst v3;
	v5 =	vadd.f32 v11, v5  }
0x32: {  	v1 =	vmul.f32 v4, v1;
	v17 =	vld [tilespmem:s26+$0x2800];
	[tilespmem:s24+$0x2820] =	vst v6;
	v7 =	vadd.f32 v12, v7  }
0x33: {  	v0 =	vmul.f32 v4, v0;
	v9 =	vld [tilespmem:s26+$0x2820];
	[tilespmem:s24+$0x2810] =	vst v10;
	v2 =	vadd.f32 v13, v2  }
.Ltmp0:
0x34: {  	v8 =	vld [tilespmem:s26+$0x2810];
	[tilespmem:s24+$0x2830] =	vst v5;
	v1 =	vadd.f32 v14, v1;
	(pc) =	sbr.rel @p0 .LBB2_3-.Ltmp0, $4  }
0x35: {  	v11 =	vld [tilespmem:s26+$0x2830];
	[tilespmem:s24+$0x2840] =	vst v7;
	v0 =	vadd.f32 v15, v0  }
0x36: {  	v3 =	vmul.f32 v16, v3;
	v10 =	vmul.f32 v16, v10;
	v12 =	vld [tilespmem:s26+$0x2840];
	[tilespmem:s24+$0x2850] =	vst v2;
	v4 =	vmov v16  }
0x37: {  	v6 =	vmul.f32 v4, v6;
	v7 =	vmul.f32 v4, v7;
	v13 =	vld [tilespmem:s26+$0x2850];
	[tilespmem:s24+$0x2860] =	vst v1  }
0x38: {  	v5 =	vmul.f32 v4, v5;
	v3 =	vadd.f32 v3, v17;
	v14 =	vld [tilespmem:s26+$0x2860];
	[tilespmem:s24+$0x2870] =	vst v0;
	s24 =	smov.u32 s26  }
0x39: {  	v6 =	vadd.f32 v9, v6  }
0x3a: {  	v9 =	vld [tilespmem:s24+$0x2870];
	v10 =	vadd.f32 v8, v10;
	[tilespmem:s24+$0x2800] =	vst v3  }
0x3b: {  	v2 =	vmul.f32 v4, v2;
	v5 =	vadd.f32 v11, v5;
	[tilespmem:s24+$0x2820] =	vst v6  }
0x3c: {  	v1 =	vmul.f32 v4, v1;
	v7 =	vadd.f32 v12, v7;
	[tilespmem:s24+$0x2810] =	vst v10  }
0x3d: {  	v0 =	vmul.f32 v4, v0;
	v2 =	vadd.f32 v13, v2;
	[tilespmem:s24+$0x2830] =	vst v5  }
0x3e: {  	v1 =	vadd.f32 v14, v1;
	[tilespmem:s24+$0x2840] =	vst v7  }
0x3f: {  	s22 =	sadd.s32 $0x1, s22;
	v0 =	vadd.f32 v9, v0;
	[tilespmem:s24+$0x2850] =	vst v2  }
0x40: {  	p0 =	sne.s32 s22, $0x28;
	[tilespmem:s24+$0x2860] =	vst v1  }
.Ltmp1:
0x41: {  	s23 =	sadd.s32 $0x1400, s23;
	[tilespmem:s24+$0x2870] =	vst v0;
	(pc) =	sbr.rel @p0 .LBB2_2-.Ltmp1, $4  }
0x42: {  	[spmem:s2] =	stream.indirect.scatter [tilespmem:s16], [sflag:$0x3], $0x80, s23, s15, $0xb8;
	[tilespmem:$0x1E500] =	vst v63  }
0x43: {  	_ =	swait.ge [sflag:s13], $0x4000  }
0x44: {  	[sflag:s13] =	ssyncset.done $0x0  }
0x45: {  	[sflag:s13] =	ssyncadd.s32 $0xFFFFC000  }
0x46: {  	s21 =	sadd.s32 $0x1, s21  }
0x47: {  	p0 =	sne.s32 s21, s11  }
.Ltmp2:
0x48: {  	[bflag:$0x0] =	sbarrier.arrive $0xFFFF;
	(pc) =	sbr.rel @p0 .LBB2_1-.Ltmp2, $4  }
0x49: {  	[hbm:s20], [sflag:s7] =	dma.local [spmem:s12], $0x2800  }
0x4a: {  	_ =	swait.ge [sflag:s13], $0x2800  }
0x4b: {  	[sflag:s13] =	ssyncset.done $0x0  }
0x4c: {  	[sflag:s13] =	ssyncadd.s32 $0xFFFFD800  }
0x4d: {  	_ =	sfence.sel $0x180000  }
0x4e: {  	[bflag:$0x0] =	sbarrier.arrive $0xFFFF  }
0x4f: {  	p0 =	sne.s32 s0, $0x0;
	_ =	strace $0x9000005F  }
0x50: {  	s0 =	sadd.s32 @!p0 $0x100000, s1;
	[bflag:$0x2] =	sbarrier.arrive $0xFFFF  }
0x51: {  	[sflag:s0] =	ssyncadd.tile.s32 @!p0 $0x1;
	_ =	shalt  }
.Lfunc_end2:
_tile_overlayer_lowered:
.L_overlay_start_2:
0x52: {  	(tag) =	ssettag $0x2  }
0x53: {  	s0 =	rddreg [dreg:$0x0];
	s2 =	stileid.u32  }
0x54: {  	s1 =	rddreg [dreg:$0x1];
	p0 =	sne.s32 s2, $0x0  }
0x55: {  	s3 =	rddreg [dreg:$0x2];
	[bflag:$0x3] =	sbarrier.arrive $0xFFFF;
	s2 =	simm.s32 @!p0 $0x1C03  }
0x56: {  	[timem:s3], [sflag:s2] =	dma.local @!p0 [hbm:s0], s1  }
0x57: {  	s0 =	simm.s32 @!p0 $0x3  }
0x58: {  	_ =	swait.ge @!p0 [sflag:s0], s1  }
0x59: {  	s1 =	ssub.s32 @!p0 $0x0, s1;
	[sflag:s0] =	ssyncset.done @!p0 $0x0  }
0x5a: {  	[sflag:s0] =	ssyncadd.s32 @!p0 s1  }
0x5b: {  	[bflag:$0x3] =	sbarrier.arrive $0xFFFF  }
0x5c: {  	_ =	shalt  }

// kernel: kernel.37.cloned.1.call-start
scs
__scs_entry_jumppad:
0x0: {  	(pc) =	sbr.rel $0x88, $3  }
0x1: {  	(tag) =	ssettag $0x0;
	lr =	simm.s32 $0x1  }
0x2: {  	[smem:$0x3F8C] =	sst lr;
	_ =	strace $0xD0000000  }
0x3: {  	_ = 	snop  }
0x4: {  	_ = 	snop  }
0x5: {  	_ = 	snop  }
0x6: {  	_ = 	snop  }
0x7: {  	_ = 	snop  }
__scs_overlays_trampoline_lowered:
0x8: {  	[smem:$0x3F9B] =	sst s0  }
0x9: {  	[smem:$0x3F9C] =	sst s1  }
0xa: {  	[smem:$0x3F9D] =	sst s2  }
0xb: {  	[smem:$0x3F9E] =	sst s3  }
0xc: {  	[smem:$0x3F9F] =	sst s4  }
0xd: {  	[smem:$0x3FA0] =	sst s5  }
0xe: {  	[smem:$0x3FA1] =	sst s6  }
0xf: {  	[smem:$0x3FA2] =	sst s7  }
0x10: {  	[smem:$0x3FA3] =	sst s8  }
0x11: {  	[smem:$0x3FA4] =	sst s9;
	s0 =	simm.s32 @!p0 $0x0  }
0x12: {  	s1 =	sld [smem:$0x3F8A];
	s0 =	simm.s32 @p0 $0x1  }
0x13: {  	[smem:$0x3FA5] =	sst s0;
	s0 =	simm.s32 @!p1 $0x0  }
0x14: {  	s2 =	sld [smem:$0x3F89];
	s0 =	simm.s32 @p1 $0x1  }
0x15: {  	[smem:$0x3FA6] =	sst s0;
	s0 =	simm.s32 @!p2 $0x0  }
0x16: {  	s3 =	sld [smem:$0x3FDB];
	s0 =	simm.s32 @p2 $0x1  }
0x17: {  	s4 =	simm.s32 $0x1BF5;
	[smem:$0x3FA8] =	sst s0  }
0x18: {  	s0 =	sld [smem:$0x3F8B];
	_ =	swait.ge [sflag:s4], $0x0  }
0x19: {  	s7 =	sld [smem:$0x3F8C]  }
0x1a: {  	s8 =	sadd.s32 $0xFFFFE003, lr  }
0x1b: {  	s9 =	sadd.s32 $0xFFFFFEF7, lr;
	s5 =	simm.s32 $0xFFFFFFFF;
	p2 =	slt.u32 s8, $0xFFFFF086  }
0x1c: {  	p1 =	slt.u32 s9, $0xF7A;
	s5 =	simm.s32 @!p2 $0x0  }
0x1d: {  	s5 =	simm.s32 @p1 $0x1;
	p0 =	seq.s32 s7, s2  }
0x1e: {  	s7 =	smul.u32 @!p0 $0xF7A, s2;
	p2 =	seq.s32 @!p0 s5, $0x0  }
0x1f: {  	s9 =	smul.u32 $0xF7A, s1;
	s8 =	simm.s32 @!p0 $0x1BF5;
	p2 =	por !p2, p0  }
0x20: {  	[sflag:s8] =	ssyncset.s32 @!p0 $0xFFFFF086;
	s6 =	sadd.s32 @!p0 s3, s7;
	s7 =	simm.s32 @!p0 $0x108  }
0x21: {  	s3 =	sadd.s32 s3, s9;
	s6 =	sadd.s32 @!p0 $0x88, s6;
	s7 =	simm.s32 @p2 $0x1082  }
0x22: {  	[simem:s7], [sflag:s8] =	dma.local @!p0 [hbm:s6], $0xF7A  }
0x23: {  	s9 =	sor.u32 $0xD0000000, s2;
	s6 =	simm.s32 $0x108;
	_ =	swait.ge @!p0 [sflag:s8], $0x0  }
0x24: {  	s3 =	sadd.s32 $0x88, s3;
	s6 =	simm.s32 @!p1 $0x1082;
	[sflag:s4] =	ssyncset.s32 $0xFFFFF086  }
0x25: {  	[simem:s6], [sflag:s4] =	dma.local [hbm:s3], $0xF7A  }
0x26: {  	[smem:$0x3F8C] =	sst s1;
	(tag) =	ssettag s2;
	_ =	strace s9  }
0x27: {  	s1 =	sld [smem:$0x3F9C]  }
0x28: {  	s2 =	sld [smem:$0x3F9D]  }
0x29: {  	s4 =	sld [smem:$0x3F9F]  }
0x2a: {  	p0 =	seq.s32 s5, $0x0;
	s5 =	sld [smem:$0x3FA0]  }
0x2b: {  	s6 =	sld [smem:$0x3FA1]  }
0x2c: {  	s7 =	sld [smem:$0x3FA2]  }
0x2d: {  	s3 =	simm.s32 $0x108;
	s8 =	sld [smem:$0x3FA3]  }
0x2e: {  	s3 =	simm.s32 @!p0 $0x1082;
	s9 =	sld [smem:$0x3FA4]  }
0x2f: {  	lr =	sadd.s32 s0, s3;
	s0 =	sld [smem:$0x3F9B]  }
0x30: {  	s3 =	sld [smem:$0x3F9E]  }
0x31: {  	[smem:$0x3FA7] =	sst s10  }
0x32: {  	s10 =	sld [smem:$0x3FA5];
	_ =	sdelay $0x3  }
0x33: {  	p0 =	seq.s32 s10, $0x1;
	s10 =	sld [smem:$0x3FA7];
	_ =	sdelay $0x3  }
0x34: {  	[smem:$0x3FA7] =	sst s10  }
0x35: {  	s10 =	sld [smem:$0x3FA6];
	_ =	sdelay $0x3  }
0x36: {  	p1 =	seq.s32 s10, $0x1;
	s10 =	sld [smem:$0x3FA7];
	_ =	sdelay $0x3  }
0x37: {  	[smem:$0x3FA7] =	sst s10  }
0x38: {  	s10 =	sld [smem:$0x3FA8]  }
0x39: {  	_ = 	snop;
	(pc) =	sbr.ind lr, $3  }
0x3a: {  	_ = 	snop  }
0x3b: {  	_ = 	snop  }
0x3c: {  	p2 =	seq.s32 s10, $0x1;
	s10 =	sld [smem:$0x3FA7]  }
0x3d: {  	_ =	shalt  }
0x3e: {  	_ =	shalt  }
0x3f: {  	_ =	shalt  }
0x40: {  	_ =	shalt  }
0x41: {  	_ =	shalt  }
0x42: {  	_ =	shalt  }
0x43: {  	_ =	shalt  }
0x44: {  	_ =	shalt  }
0x45: {  	_ =	shalt  }
0x46: {  	_ =	shalt  }
0x47: {  	_ =	shalt  }
0x48: {  	_ =	shalt  }
0x49: {  	_ =	shalt  }
0x4a: {  	_ =	shalt  }
0x4b: {  	_ =	shalt  }
0x4c: {  	_ =	shalt  }
0x4d: {  	_ =	shalt  }
0x4e: {  	_ =	shalt  }
0x4f: {  	_ =	shalt  }
0x50: {  	_ =	shalt  }
0x51: {  	_ =	shalt  }
0x52: {  	_ =	shalt  }
0x53: {  	_ =	shalt  }
0x54: {  	_ =	shalt  }
0x55: {  	_ =	shalt  }
0x56: {  	_ =	shalt  }
0x57: {  	_ =	shalt  }
0x58: {  	_ =	shalt  }
0x59: {  	_ =	shalt  }
0x5a: {  	_ =	shalt  }
0x5b: {  	_ =	shalt  }
0x5c: {  	_ =	shalt  }
0x5d: {  	_ =	shalt  }
0x5e: {  	_ =	shalt  }
0x5f: {  	_ =	shalt  }
0x60: {  	_ =	shalt  }
0x61: {  	_ =	shalt  }
0x62: {  	_ =	shalt  }
0x63: {  	_ =	shalt  }
0x64: {  	_ =	shalt  }
0x65: {  	_ =	shalt  }
0x66: {  	_ =	shalt  }
0x67: {  	_ =	shalt  }
0x68: {  	_ =	shalt  }
0x69: {  	_ =	shalt  }
0x6a: {  	_ =	shalt  }
0x6b: {  	_ =	shalt  }
0x6c: {  	_ =	shalt  }
0x6d: {  	_ =	shalt  }
0x6e: {  	_ =	shalt  }
0x6f: {  	_ =	shalt  }
0x70: {  	_ =	shalt  }
0x71: {  	_ =	shalt  }
0x72: {  	_ =	shalt  }
0x73: {  	_ =	shalt  }
0x74: {  	_ =	shalt  }
0x75: {  	_ =	shalt  }
0x76: {  	_ =	shalt  }
0x77: {  	_ =	shalt  }
0x78: {  	_ =	shalt  }
0x79: {  	_ =	shalt  }
0x7a: {  	_ =	shalt  }
0x7b: {  	_ =	shalt  }
0x7c: {  	_ =	shalt  }
0x7d: {  	_ =	shalt  }
0x7e: {  	_ =	shalt  }
0x7f: {  	_ =	shalt  }
0x80: {  	_ =	shalt  }
0x81: {  	_ =	shalt  }
0x82: {  	_ =	shalt  }
0x83: {  	_ =	shalt  }
0x84: {  	_ =	shalt  }
0x85: {  	_ =	shalt  }
0x86: {  	_ =	shalt  }
0x87: {  	_ =	shalt  }
.Lfunc_end0:
.L_simem_size_0:
called_computation.9_lowered:
.L_overlay_start_0:
0x88: {  	s2 =	sld [smem:$0x3FD9]  }
0x89: {  	s3 =	sld [smem:$0x3FFE];
	_ =	sdelay $0x1  }
0x8a: {  	s1 =	srdreg.scid  }
0x8b: {  	s0 =	sand.u32 $0x1, s1  }
0x8c: {  	s16 =	sshll.u32 s0, $0xA;
	s2 =	sadd.s32 s3, s2  }
0x8d: {  	s2 =	sadd.s32 s2, s16  }
0x8e: {  	[smem:$0x3FB3] =	sst s2  }
0x8f: {  	_ = 	snop  }
0x90: {  	(tm) =	ssettm $0x1  }
0x91: {  	s17 =	sld [smem:$0x3FFB];
	_ =	sdelay $0x3  }
0x92: {  	_ =	strace s17  }
0x93: {  	s2 =	sld [smem:$0x3FFC];
	_ =	sdelay $0x3  }
0x94: {  	_ =	strace s2  }
0x95: {  	s2 =	sld [smem:$0x3FFD];
	_ =	sdelay $0x3  }
0x96: {  	_ =	strace s2  }
0x97: {  	_ =	strace $0x8FFFFFFF  }
0x98: {  	s18 =	sld [smem:$0x3FDB];
	_ =	sdelay $0x1  }
0x99: {  	s19 =	simm.s32 $_scs_section_size  }
0x9a: {  	s4 =	simm.s32 $_size__tile_overlayer_lowered;
	s5 =	simm.s32 $_tile_overlayer_lowered  }
0x9b: {  	s22 =	simm.s32 $0x1BFF;
	s21 =	sshll.u32 s5, $0x1;
	s2 =	sadd.s32 s19, s18  }
0x9c: {  	s6 =	simm.s32 $0x0;
	s20 =	sshll.u32 s4, $0x1;
	s4 =	sadd.s32 s21, s2  }
0x9d: {  	[timem:s6], [sflag:s22] =	dma.local [hbm:s4], s20  }
0x9e: {  	_ =	swait.ge [sflag:s22], s20  }
0x9f: {  	s3 =	ssub.s32 $0x0, s20;
	[sflag:s22] =	ssyncset.done $0x0  }
0xa0: {  	[sflag:s22] =	ssyncadd.s32 s3;
	_ =	sdelay $0x1  }
0xa1: {  	s23 =	simm.s32 $0x1B8B  }
0xa2: {  	_ =	swait.ge [sflag:s23], $0x1  }
0xa3: {  	[sflag:s23] =	ssyncset.done $0x0  }
0xa4: {  	s25 =	simm.s32 $0x1B8E;
	s24 =	sld [smem:$0x3FFE];
	[sflag:s23] =	ssyncadd.s32 $0xFFFFFFFF  }
0xa5: {  	s26 =	simm.s32 $execute0_lowered;
	[smem:$0x3FD2] =	sst s25  }
0xa6: {  	s4 =	sshll.u32 s26, $0x1;
	_ =	strace $0x80000061;
	[dreg:$0x1] =	wrdreg $0xFFFFFFFF  }
0xa7: {  	s28 =	simm.s32 $_size_execute0_lowered;
	s2 =	sadd.s32 s2, s4;
	[dreg:$0x0] =	wrdreg $0x0  }
0xa8: {  	s4 =	sshll.u32 s28, $0x1;
	[dreg:$0x2] =	wrdreg s2  }
0xa9: {  	[dreg:$0x3] =	wrdreg s4  }
0xaa: {  	[dreg:$0x4] =	wrdreg $0xC0  }
0xab: {  	_ =	task [dreg:s6], $0x5FFFF  }
0xac: {  	[dreg:$0x1] =	wrdreg $0xFFFFFFFF  }
0xad: {  	[dreg:$0x0] =	wrdreg $0x60  }
0xae: {  	[dreg:$0x2] =	wrdreg s24  }
0xaf: {  	[dreg:$0x3] =	wrdreg $0xA8000  }
0xb0: {  	[dreg:$0x4] =	wrdreg $0x9  }
0xb1: {  	_ =	task.clear_ibuf [dreg:s6], $0x5FFFF;
	_ =	strace $0x90000061  }
0xb2: {  	s29 =	simm.s32 $0x9;
	_ =	strace $0x80000063  }
0xb3: {  	_ =	swait.ge [sflag:s29], $0x1  }
0xb4: {  	[sflag:s29] =	ssyncadd.s32 $0xFFFFFFFF  }
0xb5: {  	_ =	strace $0x90000063  }
0xb6: {  	_ =	sfence  }
0xb7: {  	s30 =	sld [smem:$0x0];
	_ =	sdelay $0x2  }
0xb8: {  	s31 =	sshll.u32 s1, $0xD;
	s1 =	sshrl.u32 s1, $0x2  }
0xb9: {  	s3 =	sand.u32 $0x4000, s31;
	s1 =	sadd.s32 s1, s30  }
0xba: {  	s0 =	sor.u32 s3, s0;
	s1 =	sshll.u32 s1, $0x11  }
0xbb: {  	s0 =	sor.u32 s1, s0  }
0xbc: {  	s0 =	sadd.s32 $0x8F2B, s0  }
0xbd: {  	[sflag:s0] =	ssyncadd.remote.s32 $0x1  }
0xbe: {  	_ =	sfence.sel $0xFFFF  }
0xbf: {  	[dreg:$0x0] =	wrdreg $0xFFFFFFFF;
	(pc) =	sbr.abs _section_cstart, $3  }
0xc0: {  	[dreg:$0x1] =	wrdreg $0xFFFFFFFF  }
0xc1: {  	_ =	task.clear_ibuf [dreg:s6], $0x2FFFF;
	_ =	strace $0x9FFFFFFF  }
0xc2: {  	(tm) =	ssettm $0x7FFFFFFF  }
0xc3: {  	_ =	shalt  }
tec
execute0_lowered:
.L_overlay_start_1:
0x0: {  	(tag) =	ssettag $0x1  }
0x1: {  	s7 =	rddreg [dreg:$0x0]  }
0x2: {  	s1 =	srdreg.scid;
	s0 =	stileid.u32  }
0x3: {  	s2 =	rddreg [dreg:$0x1];
	s3 =	simm.s32 $0x0;
	s14 =	simm.s32 $0x1400  }
0x4: {  	s15 =	simm.s32 $0x80;
	s16 =	simm.s32 $0x2800;
	s17 =	simm.s32 $0x6800  }
0x5: {  	s18 =	simm.s32 $0x1;
	s19 =	simm.s32 $0x2;
	s6 =	sand.u32 $0x1, s1  }
0x6: {  	s4 =	sshll.u32 s0, $0x1;
	s1 =	rddreg [dreg:$0x2];
	s12 =	smul.u32 $0x4E000, s0  }
0x7: {  	[smem:$0x7FF] =	sst s3;
	s31 =	sshll.u32 s0, $0x6;
	s21 =	smul.u32 $0x2700, s0  }
0x8: {  	s8 =	sor.u32 s6, s4;
	_ =	strace $0x80000062;
	s4 =	sadd.s32 $0x20E00, s7  }
0x9: {  	s9 =	smul.u32 $0x27100, s6;
	s11 =	ssub.s32 $0x2, s6;
	s6 =	sadd.s32 $0x1E400, s7  }
0xa: {  	s5 =	smul.u32 $0x280, s8;
	s29 =	sshrl.u32 s11, $0x1;
	s30 =	sshrl.u32 s12, $0x2  }
0xb: {  	s8 =	smul.u32 $0x28, s8;
	s13 =	sadd.s32 s9, s7;
	s11 =	ssub.s32 s11, s29  }
0xc: {  	s12 =	sadd.s32 s30, s2;
	s10 =	sadd.s32 s5, s7;
	s5 =	sadd.s32 $0x98800, s7  }
0xd: {  	s7 =	sor.u32 $0x1C03, s31;
	s20 =	sadd.s32 $0x318800, s13;
	s11 =	smax.u32 s11, $0x1  }
0xe: {  	s12 =	sshrl.u32 s12, $0x3;
	s13 =	simm.s32 $0x3;
	s9 =	sadd.s32 $0x8600, s10  }
0xf: {  	s10 =	sadd.s32 $0x19400, s10;
	s20 =	sadd.s32 s21, s20;
	s21 =	simm.s32 $0x0  }
.LBB2_1:
0x10: {  	[spmem:s12], [sflag:s7] =	dma.local [hbm:s6], $0x2900  }
0x11: {  	_ =	swait.ge [sflag:s13], $0x2900  }
0x12: {  	[sflag:s13] =	ssyncset.done $0x0  }
0x13: {  	[sflag:s13] =	ssyncadd.s32 $0xFFFFD700  }
0x14: {  	[tilespmem:s3], [sflag:$0x3] =	stream.linear.gather [hbm4b:s9+s3], $0x1400, $0x38;
	[tilespmem:$0x1E500] =	vst v63  }
0x15: {  	_ =	swait.ge [sflag:s13], $0x1400  }
0x16: {  	[sflag:s13] =	ssyncset.done $0x0  }
0x17: {  	[sflag:s13] =	ssyncadd.s32 $0xFFFFEC00  }
0x18: {  	[tilespmem:s14], [sflag:$0x3] =	stream.linear.gather [hbm4b:s10+s3], $0x1400, $0x38;
	[tilespmem:$0x1E500] =	vst v63  }
0x19: {  	_ =	swait.ge [sflag:s13], $0x1400  }
0x1a: {  	v0 =	vimm.f32 $0.0e+00;
	v1 =	vimm.f32 $0.0e+00;
	[sflag:s13] =	ssyncset.done $0x0  }
0x1b: {  	v2 =	vimm.f32 $0.0e+00;
	v7 =	vimm.f32 $0.0e+00;
	v5 =	vimm.f32 $0.0e+00;
	[sflag:s13] =	ssyncadd.s32 $0xFFFFEC00  }
0x1c: {  	v6 =	vimm.f32 $0.0e+00;
	v10 =	vimm.f32 $0.0e+00;
	v3 =	vimm.f32 $0.0e+00;
	s22 =	simm.s32 $0x0;
	[bflag:$0x0] =	sbarrier.arrive $0xFFFF  }
.LBB2_2:
0x1d: {  	s23 =	sshll.u32 s22, $0x7;
	s24 =	sadd.s32 s8, s22  }
0x1e: {  	[tilespmem:s16], [sflag:$0x1] =	stream.indirect.gather [hbm4b:s4+s15], $0x80, s23, s15, $0xb8;
	[tilespmem:$0x1E500] =	vst v63  }
0x1f: {  	s24 =	sshll.u32 s24, $0xB  }
0x20: {  	s25 =	simm.s32 $0x0;
	s24 =	sadd.s32 s5, s24  }
0x21: {  	[tilespmem:s17], [sflag:$0x2] =	stream.linear.gather [hbm4b:s24+s25], $0x4000, $0x38;
	[tilespmem:$0x1E500] =	vst v63  }
0x22: {  	_ =	swait.ge [sflag:s18], $0x4000  }
0x23: {  	[sflag:s18] =	ssyncset.done $0x0  }
0x24: {  	[sflag:s18] =	ssyncadd.s32 $0xFFFFC000  }
0x25: {  	_ =	swait.ge [sflag:s19], $0x4000  }
0x26: {  	[sflag:s19] =	ssyncset.done $0x0  }
0x27: {  	s24 =	simm.s32 $0x0;
	[sflag:s19] =	ssyncadd.s32 $0xFFFFC000  }
0x28: {  	v4 =	vld [tilespmem:s24+$0x6800]  }
0x29: {  	v14 =	vld [tilespmem:s24+$0x2800]  }
0x2a: {  	v9 =	vld [tilespmem:s24+$0x2820]  }
0x2b: {  	v8 =	vld [tilespmem:s24+$0x2810]  }
0x2c: {  	v11 =	vld [tilespmem:s24+$0x2830]  }
0x2d: {  	v12 =	vld [tilespmem:s24+$0x2840];
	v3 =	vmul.f32 v4, v3  }
0x2e: {  	v13 =	vld [tilespmem:s24+$0x2850];
	v10 =	vmul.f32 v4, v10;
	v6 =	vmul.f32 v4, v6  }
0x2f: {  	s25 =	simm.s32 $0x200;
	v7 =	vmul.f32 v4, v7;
	v5 =	vmul.f32 v4, v5;
	v3 =	vadd.f32 v3, v14;
	v14 =	vld [tilespmem:s24+$0x2860]  }
.LBB2_3:
0x30: {  	s26 =	sshra.s32 s25, $0x2;
	p0 =	sne.s32 s25, $0xFE00;
	s25 =	sadd.s32 $0x200, s25;
	v6 =	vadd.f32 v9, v6;
	v15 =	vld [tilespmem:s24+$0x2870]  }
0x31: {  	v10 =	vadd.f32 v8, v10;
	v2 =	vmul.f32 v4, v2;
	v16 =	vld [tilespmem:s26+$0x6800];
	[tilespmem:s24+$0x2800] =	vst v3;
	v5 =	vadd.f32 v11, v5  }
0x32: {  	v1 =	vmul.f32 v4, v1;
	v17 =	vld [tilespmem:s26+$0x2800];
	[tilespmem:s24+$0x2820] =	vst v6;
	v7 =	vadd.f32 v12, v7  }
0x33: {  	v0 =	vmul.f32 v4, v0;
	v9 =	vld [tilespmem:s26+$0x2820];
	[tilespmem:s24+$0x2810] =	vst v10;
	v2 =	vadd.f32 v13, v2  }
.Ltmp0:
0x34: {  	v8 =	vld [tilespmem:s26+$0x2810];
	[tilespmem:s24+$0x2830] =	vst v5;
	v1 =	vadd.f32 v14, v1;
	(pc) =	sbr.rel @p0 .LBB2_3-.Ltmp0, $4  }
0x35: {  	v11 =	vld [tilespmem:s26+$0x2830];
	[tilespmem:s24+$0x2840] =	vst v7;
	v0 =	vadd.f32 v15, v0  }
0x36: {  	v3 =	vmul.f32 v16, v3;
	v10 =	vmul.f32 v16, v10;
	v12 =	vld [tilespmem:s26+$0x2840];
	[tilespmem:s24+$0x2850] =	vst v2;
	v4 =	vmov v16  }
0x37: {  	v6 =	vmul.f32 v4, v6;
	v7 =	vmul.f32 v4, v7;
	v13 =	vld [tilespmem:s26+$0x2850];
	[tilespmem:s24+$0x2860] =	vst v1  }
0x38: {  	v5 =	vmul.f32 v4, v5;
	v3 =	vadd.f32 v3, v17;
	v14 =	vld [tilespmem:s26+$0x2860];
	[tilespmem:s24+$0x2870] =	vst v0;
	s24 =	smov.u32 s26  }
0x39: {  	v6 =	vadd.f32 v9, v6  }
0x3a: {  	v9 =	vld [tilespmem:s24+$0x2870];
	v10 =	vadd.f32 v8, v10;
	[tilespmem:s24+$0x2800] =	vst v3  }
0x3b: {  	v2 =	vmul.f32 v4, v2;
	v5 =	vadd.f32 v11, v5;
	[tilespmem:s24+$0x2820] =	vst v6  }
0x3c: {  	v1 =	vmul.f32 v4, v1;
	v7 =	vadd.f32 v12, v7;
	[tilespmem:s24+$0x2810] =	vst v10  }
0x3d: {  	v0 =	vmul.f32 v4, v0;
	v2 =	vadd.f32 v13, v2;
	[tilespmem:s24+$0x2830] =	vst v5  }
0x3e: {  	v1 =	vadd.f32 v14, v1;
	[tilespmem:s24+$0x2840] =	vst v7  }
0x3f: {  	s22 =	sadd.s32 $0x1, s22;
	v0 =	vadd.f32 v9, v0;
	[tilespmem:s24+$0x2850] =	vst v2  }
0x40: {  	p0 =	sne.s32 s22, $0x28;
	[tilespmem:s24+$0x2860] =	vst v1  }
.Ltmp1:
0x41: {  	s23 =	sadd.s32 $0x1400, s23;
	[tilespmem:s24+$0x2870] =	vst v0;
	(pc) =	sbr.rel @p0 .LBB2_2-.Ltmp1, $4  }
0x42: {  	[spmem:s2] =	stream.indirect.scatter [tilespmem:s16], [sflag:$0x3], $0x80, s23, s15, $0xb8;
	[tilespmem:$0x1E500] =	vst v63  }
0x43: {  	_ =	swait.ge [sflag:s13], $0x4000  }
0x44: {  	[sflag:s13] =	ssyncset.done $0x0  }
0x45: {  	[sflag:s13] =	ssyncadd.s32 $0xFFFFC000  }
0x46: {  	s21 =	sadd.s32 $0x1, s21  }
0x47: {  	p0 =	sne.s32 s21, s11  }
.Ltmp2:
0x48: {  	[bflag:$0x0] =	sbarrier.arrive $0xFFFF;
	(pc) =	sbr.rel @p0 .LBB2_1-.Ltmp2, $4  }
0x49: {  	[hbm:s20], [sflag:s7] =	dma.local [spmem:s12], $0x2800  }
0x4a: {  	_ =	swait.ge [sflag:s13], $0x2800  }
0x4b: {  	[sflag:s13] =	ssyncset.done $0x0  }
0x4c: {  	[sflag:s13] =	ssyncadd.s32 $0xFFFFD800  }
0x4d: {  	_ =	sfence.sel $0x180000  }
0x4e: {  	[bflag:$0x0] =	sbarrier.arrive $0xFFFF  }
0x4f: {  	p0 =	sne.s32 s0, $0x0;
	_ =	strace $0x90000062  }
0x50: {  	s0 =	sadd.s32 @!p0 $0x100000, s1;
	[bflag:$0x2] =	sbarrier.arrive $0xFFFF  }
0x51: {  	[sflag:s0] =	ssyncadd.tile.s32 @!p0 $0x1;
	_ =	shalt  }
.Lfunc_end2:
_tile_overlayer_lowered:
.L_overlay_start_2:
0x52: {  	(tag) =	ssettag $0x2  }
0x53: {  	s0 =	rddreg [dreg:$0x0];
	s2 =	stileid.u32  }
0x54: {  	s1 =	rddreg [dreg:$0x1];
	p0 =	sne.s32 s2, $0x0  }
0x55: {  	s3 =	rddreg [dreg:$0x2];
	[bflag:$0x3] =	sbarrier.arrive $0xFFFF;
	s2 =	simm.s32 @!p0 $0x1C03  }
0x56: {  	[timem:s3], [sflag:s2] =	dma.local @!p0 [hbm:s0], s1  }
0x57: {  	s0 =	simm.s32 @!p0 $0x3  }
0x58: {  	_ =	swait.ge @!p0 [sflag:s0], s1  }
0x59: {  	s1 =	ssub.s32 @!p0 $0x0, s1;
	[sflag:s0] =	ssyncset.done @!p0 $0x0  }
0x5a: {  	[sflag:s0] =	ssyncadd.s32 @!p0 s1  }
0x5b: {  	[bflag:$0x3] =	sbarrier.arrive $0xFFFF  }
0x5c: {  	_ =	shalt  }

</sc_bundles>
